<compile_context>
chip_gen: v7x
topology: tpu7x:2x2x1
jax: 0.10.2.dev20260603
libtpu: 0.0.44.dev20260713+nightly
codegen_flags: <defaults>
</compile_context>

<pallas_src>
import functools
import math

import jax
import jax.numpy as jnp
from jax import lax
from jax.experimental import pallas as pl
from jax.experimental.pallas import tpu as pltpu
from jax.experimental.pallas import tpu_sc as plsc

N_NODES = 100000
N_EDGES = 1600000
HEADS = 4
D_HEAD = 8
INV_SQRT_D = 1.0 / math.sqrt(D_HEAD)

NC = 2
NS = 16
NW = NC * NS

CHUNK = 80
E_PER_W = N_EDGES // NW
P1_CHUNKS = E_PER_W // CHUNK
E_PER_S = N_EDGES // NS
P2_CHUNKS = E_PER_S // CHUNK

ROWS_PER_S = 6256
N_PAD = ROWS_PER_S * NS

_mesh = plsc.VectorSubcoreMesh(core_axis_name="c", subcore_axis_name="s")


def _iota16():
    return lax.iota(jnp.int32, 16)


def _bc(x):
    return jnp.full((16,), x, jnp.int32)


@functools.partial(
    pl.kernel,
    out_type=(
        jax.ShapeDtypeStruct((N_EDGES, HEADS), jnp.float32),
        jax.ShapeDtypeStruct((NC * N_PAD, HEADS), jnp.float32),
    ),
    mesh=_mesh,
    compiler_params=pltpu.CompilerParams(needs_layout_passes=False, use_tc_tiling_on_sc=False),
    scratch_types=[
        pltpu.VMEM((CHUNK,), jnp.int32),
        pltpu.VMEM((CHUNK, 32), jnp.float32),
        pltpu.VMEM((CHUNK, 24), jnp.float32),
        pltpu.VMEM((CHUNK, 8), jnp.float32),
        pltpu.VMEM((CHUNK, HEADS), jnp.float32),
        pltpu.VMEM_SHARED((N_PAD, HEADS), jnp.float32),
        pltpu.SemaphoreType.DMA,
    ],
)
def _phase1(kv, ks, qall, dsts, z4, s_out, dpart,
            idx_v, qrows, key24, ks8, sbuf, den_sh, sem):
    c = lax.axis_index("c")
    sid = lax.axis_index("s")
    wid = sid * NC + c
    r0 = sid * ROWS_PER_S

    pltpu.sync_copy(z4.at[pl.ds(r0, ROWS_PER_S)],
                    den_sh.at[pl.ds(r0, ROWS_PER_S)])
    plsc.subcore_barrier()

    def chunk_body(i, carry):
        e0 = wid * E_PER_W + i * CHUNK
        pltpu.sync_copy(dsts.at[pl.ds(e0, CHUNK)], idx_v)
        gq = pltpu.async_copy(qall.at[idx_v], qrows, sem)
        pltpu.sync_copy(kv.at[pl.ds(e0, CHUNK)], key24)
        pltpu.sync_copy(ks.at[pl.ds(e0, CHUNK)], ks8)
        gq.wait()
        for g in range(CHUNK // 16):
            rows = _iota16() + g * 16
            for h in range(HEADS):
                acc = jnp.zeros((16,), jnp.float32)
                for j in range(6):
                    kc = plsc.load_gather(key24, [rows, _bc(6 * h + j)])
                    qc = plsc.load_gather(qrows, [rows, _bc(8 * h + j)])
                    acc = acc + kc * qc
                for j in range(2):
                    kc = plsc.load_gather(ks8, [rows, _bc(2 * h + j)])
                    qc = plsc.load_gather(qrows, [rows, _bc(8 * h + 6 + j)])
                    acc = acc + kc * qc
                s = jnp.exp(acc * INV_SQRT_D)
                plsc.store_scatter(sbuf, [rows, _bc(h)], s)
        pltpu.sync_copy(sbuf, s_out.at[pl.ds(e0, CHUNK)])
        pltpu.sync_copy(sbuf, den_sh.at[idx_v], add=True)
        return carry

    lax.fori_loop(0, P1_CHUNKS, chunk_body, 0)

    plsc.subcore_barrier()
    pltpu.sync_copy(den_sh.at[pl.ds(r0, ROWS_PER_S)],
                    dpart.at[pl.ds(c * N_PAD + r0, ROWS_PER_S)])


@functools.partial(
    pl.kernel,
    out_type=jax.ShapeDtypeStruct((NC * N_PAD, 16), jnp.float32),
    mesh=_mesh,
    compiler_params=pltpu.CompilerParams(needs_layout_passes=False, use_tc_tiling_on_sc=False),
    scratch_types=[
        pltpu.VMEM((CHUNK,), jnp.int32),
        pltpu.VMEM((CHUNK, HEADS), jnp.float32),
        pltpu.VMEM((CHUNK, HEADS), jnp.float32),
        pltpu.VMEM((CHUNK, HEADS), jnp.float32),
        pltpu.VMEM((CHUNK, 24), jnp.float32),
        pltpu.VMEM((CHUNK, 8), jnp.float32),
        pltpu.VMEM((CHUNK, 16), jnp.float32),
        pltpu.VMEM_SHARED((N_PAD, 16), jnp.float32),
        pltpu.SemaphoreType.DMA,
    ],
)
def _phase2(s_hbm, d0h, d1h, dsts, vv, vs, z16, accout,
            idx_v, schunk, d0b, d1b, vvbuf, vsbuf, msg, acc_sh, sem):
    c = lax.axis_index("c")
    sid = lax.axis_index("s")
    r0 = sid * ROWS_PER_S

    pltpu.sync_copy(z16.at[pl.ds(r0, ROWS_PER_S)],
                    acc_sh.at[pl.ds(r0, ROWS_PER_S)])
    plsc.subcore_barrier()

    def chunk_body(i, carry):
        e0 = sid * E_PER_S + i * CHUNK
        pltpu.sync_copy(dsts.at[pl.ds(e0, CHUNK)], idx_v)
        g0 = pltpu.async_copy(d0h.at[idx_v], d0b, sem)
        g1 = pltpu.async_copy(d1h.at[idx_v], d1b, sem)
        pltpu.sync_copy(s_hbm.at[pl.ds(e0, CHUNK)], schunk)
        pltpu.sync_copy(vv.at[pl.ds(e0, CHUNK)], vvbuf)
        pltpu.sync_copy(vs.at[pl.ds(e0, CHUNK)], vsbuf)
        g0.wait()
        g1.wait()
        for g in range(CHUNK // 16):
            rows = _iota16() + g * 16
            for l in range(2):
                h = 2 * c + l
                sv = plsc.load_gather(schunk, [rows, _bc(h)])
                den = (plsc.load_gather(d0b, [rows, _bc(h)])
                       + plsc.load_gather(d1b, [rows, _bc(h)]))
                w = sv / den
                for j in range(6):
                    vc = plsc.load_gather(vvbuf, [rows, _bc(6 * h + j)])
                    plsc.store_scatter(msg, [rows, _bc(6 * l + j)], vc * w)
                for j in range(2):
                    vc = plsc.load_gather(vsbuf, [rows, _bc(2 * h + j)])
                    plsc.store_scatter(msg, [rows, _bc(12 + 2 * l + j)], vc * w)
        pltpu.sync_copy(msg, acc_sh.at[idx_v], add=True)
        return carry

    lax.fori_loop(0, P2_CHUNKS, chunk_body, 0)

    plsc.subcore_barrier()
    pltpu.sync_copy(acc_sh.at[pl.ds(r0, ROWS_PER_S)],
                    accout.at[pl.ds(c * N_PAD + r0, ROWS_PER_S)])


def kernel(q_vec, q_scalar, k_vec, k_scalar, v_vec, v_scalar, edge_index):
    N, E, H = N_NODES, N_EDGES, HEADS

    qall = jnp.concatenate(
        [q_vec.reshape(N, H, 6), q_scalar.reshape(N, H, 2)], axis=-1
    ).reshape(N, H * 8)
    kv = k_vec.reshape(E, 24)
    ks = k_scalar.reshape(E, 8)
    vv = v_vec.reshape(E, 24)
    vs = v_scalar.reshape(E, 8)
    dsts = edge_index[1].astype(jnp.int32)

    z4 = jnp.zeros((N_PAD, H), jnp.float32)
    z16 = jnp.zeros((N_PAD, 16), jnp.float32)

    s, dpart = _phase1(kv, ks, qall, dsts, z4)
    d0h = dpart[:N_PAD]
    d1h = dpart[N_PAD:]

    acc = _phase2(s, d0h, d1h, dsts, vv, vs, z16)
    a0 = acc[:N]
    a1 = acc[N_PAD:N_PAD + N]

    out_vec = jnp.concatenate([a0[:, :12], a1[:, :12]], axis=1).reshape(N, 8, 3)
    out_scalar = jnp.concatenate([a0[:, 12:16], a1[:, 12:16]], axis=1).reshape(N, 8, 1)
    return (out_vec, out_scalar)

# --- scband reference (transcript-rebuilt; emitter-appended) ---
"""Pipeline reference for scband-attention-module-9088150798574 (READ-ONLY COPY).

The authoritative reference and input builder live on the scoring server;
editing this copy changes nothing except your own understanding.
"""

import jax, jax.numpy as jnp
import numpy as np
import math

HEADS = 4
N_NODES = 100000
N_EDGES = 1600000


def setup_inputs(seed: int = 0) -> dict:
    key = jax.random.key(seed)
    ks = jax.random.split(key, 7)
    N, E = N_NODES, N_EDGES
    return {
        "q_vec": jax.random.normal(ks[0], (N, 8, 3), dtype=jnp.float32),
        "q_scalar": jax.random.normal(ks[1], (N, 8, 1), dtype=jnp.float32),
        "k_vec": jax.random.normal(ks[2], (E, 8, 3), dtype=jnp.float32),
        "k_scalar": jax.random.normal(ks[3], (E, 8, 1), dtype=jnp.float32),
        "v_vec": jax.random.normal(ks[4], (E, 8, 3), dtype=jnp.float32),
        "v_scalar": jax.random.normal(ks[5], (E, 8, 1), dtype=jnp.float32),
        "edge_index": jax.random.randint(ks[6], (2, E), 0, N).astype(jnp.int64),
    }


def reference(q_vec, q_scalar, k_vec, k_scalar, v_vec, v_scalar, edge_index):
    heads = HEADS
    N = q_vec.shape[0]
    E = k_vec.shape[0]
    dst = edge_index[1]

    # vectorize_dict: reshape each entry to (B, heads, -1) and concat on last dim
    query = jnp.concatenate(
        [q_vec.reshape(N, heads, -1), q_scalar.reshape(N, heads, -1)], axis=-1
    )  # [N, heads, d]
    key_e = jnp.concatenate(
        [k_vec.reshape(E, heads, -1), k_scalar.reshape(E, heads, -1)], axis=-1
    )  # [E, heads, d]

    div_term = math.sqrt(query.shape[-1])

    # fn.e_dot_v('key', 'query', 'attn'): per-edge dot of edge key with dst-node query
    attn = jnp.sum(key_e * query[dst], axis=-1, keepdims=True) / div_term  # [E, heads, 1]

    # edge_softmax over incoming edges of each dst node (per head)
    amax = jax.ops.segment_max(attn, dst, num_segments=N)
    ex = jnp.exp(attn - amax[dst])
    denom = jax.ops.segment_sum(ex, dst, num_segments=N)
    attn = ex / denom[dst]  # [E, heads, 1]

    # dropout p=0.0 is identity
    outs = []
    for val in (v_vec, v_scalar):
        m_in, dim = val.shape[1], val.shape[2]
        msg = val.reshape(E, heads, -1, dim) * attn[..., None]  # [E, heads, m/h, dim]
        agg = jax.ops.segment_sum(msg, dst, num_segments=N)  # [N, heads, m/h, dim]
        outs.append(agg.reshape(N, m_in, dim))
    return (outs[0], outs[1])

if __name__ == "__main__":
    import jax
    _d = setup_inputs()
    print(jax.jit(kernel)(*tuple(_d.values())))

</pallas_src>

<mosaic_0001>
#map = affine_map<(d0, d1) -> (0, 0)>
#map1 = affine_map<(d0, d1) -> (0)>
module attributes {stable_mosaic.version = 14 : i64} {
  func.func @_phase1(%arg0: i32, %arg1: i32, %arg2: memref<1600000x24xf32, #tpu.memory_space<hbm>>, %arg3: memref<1600000x8xf32, #tpu.memory_space<hbm>>, %arg4: memref<100000x32xf32, #tpu.memory_space<hbm>>, %arg5: memref<1600000xi32, #tpu.memory_space<hbm>>, %arg6: memref<100096x4xf32, #tpu.memory_space<hbm>>, %arg7: memref<1600000x4xf32, #tpu.memory_space<hbm>>, %arg8: memref<200192x4xf32, #tpu.memory_space<hbm>>, %arg9: memref<80xi32, #tpu.memory_space<vmem>>, %arg10: memref<80x32xf32, #tpu.memory_space<vmem>>, %arg11: memref<80x24xf32, #tpu.memory_space<vmem>>, %arg12: memref<80x8xf32, #tpu.memory_space<vmem>>, %arg13: memref<80x4xf32, #tpu.memory_space<vmem>>, %arg14: memref<100096x4xf32, #tpu.memory_space<vmem_shared>>, %arg15: memref<!tpu.dma_semaphore, #tpu.memory_space<semaphore_mem>>) attributes {dimension_semantics = [#tpu.dimension_semantics<core_parallel>, #tpu.dimension_semantics<subcore_parallel>], iteration_bounds = array<i64: 2, 16>, scalar_prefetch = 0 : i64, scratch_operands = 7 : i64, tpu.core_type = #tpu.core_type<sc_vector_subcore>, window_params = [{transform_indices = #map}, {transform_indices = #map}, {transform_indices = #map}, {transform_indices = #map1}, {transform_indices = #map}, {transform_indices = #map}, {transform_indices = #map}]} {
    %mul3A = arith.constant 2 : i32
    %mul3A_0 = arith.muli %arg1, %mul3A : i32
    %add3A = arith.addi %mul3A_0, %arg0 : i32
    %mul3A_1 = arith.constant 6256 : i32
    %mul3A_2 = arith.muli %arg1, %mul3A_1 : i32
    "tpu.region"() ({
      %run_scoped3A = tpu.sem_alloc : memref<!tpu.dma_semaphore, #tpu.memory_space<semaphore_mem>>
      %dma_start3A = arith.constant 0 : i32
      %dma_start3A_12 = tpu.memref_slice %arg14[%mul3A_2, %dma_start3A] : memref<100096x4xf32, #tpu.memory_space<vmem_shared>> -> memref<6256x4xf32, #tpu.memory_space<vmem_shared>>
      %dma_start3A_13 = arith.constant 0 : i32
      %dma_start3A_14 = tpu.memref_slice %arg6[%mul3A_2, %dma_start3A_13] : memref<100096x4xf32, #tpu.memory_space<hbm>> -> memref<6256x4xf32, #tpu.memory_space<hbm>>
      tpu.enqueue_dma source(%dma_start3A_14 : memref<6256x4xf32, #tpu.memory_space<hbm>>) target(%dma_start3A_12 : memref<6256x4xf32, #tpu.memory_space<vmem_shared>>) target_semaphore(%run_scoped3A : memref<!tpu.dma_semaphore, #tpu.memory_space<semaphore_mem>>)
      %dma_wait3A = arith.constant 0 : i32
      %dma_wait3A_15 = tpu.memref_slice %arg14[%mul3A_2, %dma_wait3A] : memref<100096x4xf32, #tpu.memory_space<vmem_shared>> -> memref<6256x4xf32, #tpu.memory_space<vmem_shared>>
      %dma_wait3A_16 = arith.constant 0 : i32
      %dma_wait3A_17 = tpu.memref_slice %arg6[%mul3A_2, %dma_wait3A_16] : memref<100096x4xf32, #tpu.memory_space<hbm>> -> memref<6256x4xf32, #tpu.memory_space<hbm>>
      tpu.wait_dma2 semaphore(%run_scoped3A : memref<!tpu.dma_semaphore, #tpu.memory_space<semaphore_mem>>) src(%dma_wait3A_17 : memref<6256x4xf32, #tpu.memory_space<hbm>>) dst(%dma_wait3A_15 : memref<6256x4xf32, #tpu.memory_space<vmem_shared>>)
      tpu.yield
    }) : () -> ()
    %barrier3A = arith.constant 0 : index
    tpu.barrier barrier_id(%barrier3A)
    %scan3A = arith.constant 0 : i32
    %scan3A_3 = arith.constant 0 : i32
    %scan3A_4 = arith.constant 625 : i32
    %scan3A_5 = arith.addi %scan3A_3, %scan3A_4 : i32
    %scan3A_6 = arith.constant 1 : i32
    scf.for %scan3A_12 = %scan3A_3 to %scan3A_5 step %scan3A_6  : i32 {
      %mul3A_13 = arith.constant 50000 : i32
      %mul3A_14 = arith.muli %add3A, %mul3A_13 : i32
      %mul3A_15 = arith.constant 80 : i32
      %mul3A_16 = arith.muli %scan3A_12, %mul3A_15 : i32
      %add3A_17 = arith.addi %mul3A_14, %mul3A_16 : i32
      "tpu.region"() ({
        %run_scoped3A = tpu.sem_alloc : memref<!tpu.dma_semaphore, #tpu.memory_space<semaphore_mem>>
        %dma_start3A_1478 = tpu.memref_slice %arg5[%add3A_17] : memref<1600000xi32, #tpu.memory_space<hbm>> -> memref<80xi32, #tpu.memory_space<hbm>>
        %dma_start3A_1479 = tpu.memref_slice %arg5[%add3A_17] : memref<1600000xi32, #tpu.memory_space<hbm>> -> memref<80xi32, #tpu.memory_space<hbm>>
        tpu.enqueue_dma source(%dma_start3A_1479 : memref<80xi32, #tpu.memory_space<hbm>>) target(%arg9 : memref<80xi32, #tpu.memory_space<vmem>>) target_semaphore(%run_scoped3A : memref<!tpu.dma_semaphore, #tpu.memory_space<semaphore_mem>>)
        %dma_wait3A_1480 = tpu.memref_slice %arg5[%add3A_17] : memref<1600000xi32, #tpu.memory_space<hbm>> -> memref<80xi32, #tpu.memory_space<hbm>>
        %dma_wait3A_1481 = tpu.memref_slice %arg5[%add3A_17] : memref<1600000xi32, #tpu.memory_space<hbm>> -> memref<80xi32, #tpu.memory_space<hbm>>
        tpu.wait_dma2 semaphore(%run_scoped3A : memref<!tpu.dma_semaphore, #tpu.memory_space<semaphore_mem>>) src(%dma_wait3A_1481 : memref<80xi32, #tpu.memory_space<hbm>>) dst(%arg9 : memref<80xi32, #tpu.memory_space<vmem>>)
        tpu.yield
      }) : () -> ()
      %dma_start3A = arith.constant 0 : i32
      %dma_start3A_18 = arith.constant 0 : i32
      %dma_start3A_19 = tpu.memref_slice %arg4[%dma_start3A, %dma_start3A_18] : memref<100000x32xf32, #tpu.memory_space<hbm>> -> memref<100000x32xf32, #tpu.memory_space<hbm>>
      tpu.enqueue_indirect_dma source(%dma_start3A_19 : memref<100000x32xf32, #tpu.memory_space<hbm>>) target(%arg10 : memref<80x32xf32, #tpu.memory_space<vmem>>) offsets(%arg9 : memref<80xi32, #tpu.memory_space<vmem>>) semaphore(%arg15 : memref<!tpu.dma_semaphore, #tpu.memory_space<semaphore_mem>>)
      "tpu.region"() ({
        %run_scoped3A = tpu.sem_alloc : memref<!tpu.dma_semaphore, #tpu.memory_space<semaphore_mem>>
        %dma_start3A_1478 = arith.constant 0 : i32
        %dma_start3A_1479 = tpu.memref_slice %arg2[%add3A_17, %dma_start3A_1478] : memref<1600000x24xf32, #tpu.memory_space<hbm>> -> memref<80x24xf32, #tpu.memory_space<hbm>>
        %dma_start3A_1480 = arith.constant 0 : i32
        %dma_start3A_1481 = tpu.memref_slice %arg2[%add3A_17, %dma_start3A_1480] : memref<1600000x24xf32, #tpu.memory_space<hbm>> -> memref<80x24xf32, #tpu.memory_space<hbm>>
        tpu.enqueue_dma source(%dma_start3A_1481 : memref<80x24xf32, #tpu.memory_space<hbm>>) target(%arg11 : memref<80x24xf32, #tpu.memory_space<vmem>>) target_semaphore(%run_scoped3A : memref<!tpu.dma_semaphore, #tpu.memory_space<semaphore_mem>>)
        %dma_wait3A_1482 = arith.constant 0 : i32
        %dma_wait3A_1483 = tpu.memref_slice %arg2[%add3A_17, %dma_wait3A_1482] : memref<1600000x24xf32, #tpu.memory_space<hbm>> -> memref<80x24xf32, #tpu.memory_space<hbm>>
        %dma_wait3A_1484 = arith.constant 0 : i32
        %dma_wait3A_1485 = tpu.memref_slice %arg2[%add3A_17, %dma_wait3A_1484] : memref<1600000x24xf32, #tpu.memory_space<hbm>> -> memref<80x24xf32, #tpu.memory_space<hbm>>
        tpu.wait_dma2 semaphore(%run_scoped3A : memref<!tpu.dma_semaphore, #tpu.memory_space<semaphore_mem>>) src(%dma_wait3A_1485 : memref<80x24xf32, #tpu.memory_space<hbm>>) dst(%arg11 : memref<80x24xf32, #tpu.memory_space<vmem>>)
        tpu.yield
      }) : () -> ()
      "tpu.region"() ({
        %run_scoped3A = tpu.sem_alloc : memref<!tpu.dma_semaphore, #tpu.memory_space<semaphore_mem>>
        %dma_start3A_1478 = arith.constant 0 : i32
        %dma_start3A_1479 = tpu.memref_slice %arg3[%add3A_17, %dma_start3A_1478] : memref<1600000x8xf32, #tpu.memory_space<hbm>> -> memref<80x8xf32, #tpu.memory_space<hbm>>
        %dma_start3A_1480 = arith.constant 0 : i32
        %dma_start3A_1481 = tpu.memref_slice %arg3[%add3A_17, %dma_start3A_1480] : memref<1600000x8xf32, #tpu.memory_space<hbm>> -> memref<80x8xf32, #tpu.memory_space<hbm>>
        tpu.enqueue_dma source(%dma_start3A_1481 : memref<80x8xf32, #tpu.memory_space<hbm>>) target(%arg12 : memref<80x8xf32, #tpu.memory_space<vmem>>) target_semaphore(%run_scoped3A : memref<!tpu.dma_semaphore, #tpu.memory_space<semaphore_mem>>)
        %dma_wait3A_1482 = arith.constant 0 : i32
        %dma_wait3A_1483 = tpu.memref_slice %arg3[%add3A_17, %dma_wait3A_1482] : memref<1600000x8xf32, #tpu.memory_space<hbm>> -> memref<80x8xf32, #tpu.memory_space<hbm>>
        %dma_wait3A_1484 = arith.constant 0 : i32
        %dma_wait3A_1485 = tpu.memref_slice %arg3[%add3A_17, %dma_wait3A_1484] : memref<1600000x8xf32, #tpu.memory_space<hbm>> -> memref<80x8xf32, #tpu.memory_space<hbm>>
        tpu.wait_dma2 semaphore(%run_scoped3A : memref<!tpu.dma_semaphore, #tpu.memory_space<semaphore_mem>>) src(%dma_wait3A_1485 : memref<80x8xf32, #tpu.memory_space<hbm>>) dst(%arg12 : memref<80x8xf32, #tpu.memory_space<vmem>>)
        tpu.yield
      }) : () -> ()
      %dma_wait3A = arith.constant 0 : i32
      %dma_wait3A_20 = arith.constant 0 : i32
      %dma_wait3A_21 = tpu.memref_slice %arg4[%dma_wait3A, %dma_wait3A_20] : memref<100000x32xf32, #tpu.memory_space<hbm>> -> memref<100000x32xf32, #tpu.memory_space<hbm>>
      tpu.wait_indirect_dma semaphore(%arg15 : memref<!tpu.dma_semaphore, #tpu.memory_space<semaphore_mem>>) src(%dma_wait3A_21 : memref<100000x32xf32, #tpu.memory_space<hbm>>) dst(%arg10 : memref<80x32xf32, #tpu.memory_space<vmem>>)
      %iota3A = tpu.iota {dimensions = array<i32: 0>} : vector<16xi32>
      %add3A_22 = arith.constant 0 : i32
      %add3A_23 = vector.broadcast %add3A_22 : i32 to vector<16xi32>
      %add3A_24 = arith.addi %iota3A, %add3A_23 : vector<16xi32>
      %broadcast_in_dim3A = arith.constant 0.000000e+00 : f32
      %broadcast_in_dim3A_25 = vector.broadcast %broadcast_in_dim3A : f32 to vector<16xf32>
      %broadcast_in_dim3A_26 = arith.constant 0 : i32
      %broadcast_in_dim3A_27 = vector.broadcast %broadcast_in_dim3A_26 : i32 to vector<16xi32>
      %gather3A = tpu.vector_load_idx %arg11[%add3A_24, %broadcast_in_dim3A_27] : memref<80x24xf32, #tpu.memory_space<vmem>>[vector<16xi32>, vector<16xi32>], vector<16xf32>,
      %broadcast_in_dim3A_28 = arith.constant 0 : i32
      %broadcast_in_dim3A_29 = vector.broadcast %broadcast_in_dim3A_28 : i32 to vector<16xi32>
      %gather3A_30 = tpu.vector_load_idx %arg10[%add3A_24, %broadcast_in_dim3A_29] : memref<80x32xf32, #tpu.memory_space<vmem>>[vector<16xi32>, vector<16xi32>], vector<16xf32>,
      %mul3A_31 = arith.mulf %gather3A, %gather3A_30 : vector<16xf32>
      %add3A_32 = arith.addf %broadcast_in_dim3A_25, %mul3A_31 : vector<16xf32>
      %broadcast_in_dim3A_33 = arith.constant 1 : i32
      %broadcast_in_dim3A_34 = vector.broadcast %broadcast_in_dim3A_33 : i32 to vector<16xi32>
      %gather3A_35 = tpu.vector_load_idx %arg11[%add3A_24, %broadcast_in_dim3A_34] : memref<80x24xf32, #tpu.memory_space<vmem>>[vector<16xi32>, vector<16xi32>], vector<16xf32>,
      %broadcast_in_dim3A_36 = arith.constant 1 : i32
      %broadcast_in_dim3A_37 = vector.broadcast %broadcast_in_dim3A_36 : i32 to vector<16xi32>
      %gather3A_38 = tpu.vector_load_idx %arg10[%add3A_24, %broadcast_in_dim3A_37] : memref<80x32xf32, #tpu.memory_space<vmem>>[vector<16xi32>, vector<16xi32>], vector<16xf32>,
      %mul3A_39 = arith.mulf %gather3A_35, %gather3A_38 : vector<16xf32>
      %add3A_40 = arith.addf %add3A_32, %mul3A_39 : vector<16xf32>
      %broadcast_in_dim3A_41 = arith.constant 2 : i32
      %broadcast_in_dim3A_42 = vector.broadcast %broadcast_in_dim3A_41 : i32 to vector<16xi32>
      %gather3A_43 = tpu.vector_load_idx %arg11[%add3A_24, %broadcast_in_dim3A_42] : memref<80x24xf32, #tpu.memory_space<vmem>>[vector<16xi32>, vector<16xi32>], vector<16xf32>,
      %broadcast_in_dim3A_44 = arith.constant 2 : i32
      %broadcast_in_dim3A_45 = vector.broadcast %broadcast_in_dim3A_44 : i32 to vector<16xi32>
      %gather3A_46 = tpu.vector_load_idx %arg10[%add3A_24, %broadcast_in_dim3A_45] : memref<80x32xf32, #tpu.memory_space<vmem>>[vector<16xi32>, vector<16xi32>], vector<16xf32>,
      %mul3A_47 = arith.mulf %gather3A_43, %gather3A_46 : vector<16xf32>
      %add3A_48 = arith.addf %add3A_40, %mul3A_47 : vector<16xf32>
      %broadcast_in_dim3A_49 = arith.constant 3 : i32
      %broadcast_in_dim3A_50 = vector.broadcast %broadcast_in_dim3A_49 : i32 to vector<16xi32>
      %gather3A_51 = tpu.vector_load_idx %arg11[%add3A_24, %broadcast_in_dim3A_50] : memref<80x24xf32, #tpu.memory_space<vmem>>[vector<16xi32>, vector<16xi32>], vector<16xf32>,
      %broadcast_in_dim3A_52 = arith.constant 3 : i32
      %broadcast_in_dim3A_53 = vector.broadcast %broadcast_in_dim3A_52 : i32 to vector<16xi32>
      %gather3A_54 = tpu.vector_load_idx %arg10[%add3A_24, %broadcast_in_dim3A_53] : memref<80x32xf32, #tpu.memory_space<vmem>>[vector<16xi32>, vector<16xi32>], vector<16xf32>,
      %mul3A_55 = arith.mulf %gather3A_51, %gather3A_54 : vector<16xf32>
      %add3A_56 = arith.addf %add3A_48, %mul3A_55 : vector<16xf32>
      %broadcast_in_dim3A_57 = arith.constant 4 : i32
      %broadcast_in_dim3A_58 = vector.broadcast %broadcast_in_dim3A_57 : i32 to vector<16xi32>
      %gather3A_59 = tpu.vector_load_idx %arg11[%add3A_24, %broadcast_in_dim3A_58] : memref<80x24xf32, #tpu.memory_space<vmem>>[vector<16xi32>, vector<16xi32>], vector<16xf32>,
      %broadcast_in_dim3A_60 = arith.constant 4 : i32
      %broadcast_in_dim3A_61 = vector.broadcast %broadcast_in_dim3A_60 : i32 to vector<16xi32>
      %gather3A_62 = tpu.vector_load_idx %arg10[%add3A_24, %broadcast_in_dim3A_61] : memref<80x32xf32, #tpu.memory_space<vmem>>[vector<16xi32>, vector<16xi32>], vector<16xf32>,
      %mul3A_63 = arith.mulf %gather3A_59, %gather3A_62 : vector<16xf32>
      %add3A_64 = arith.addf %add3A_56, %mul3A_63 : vector<16xf32>
      %broadcast_in_dim3A_65 = arith.constant 5 : i32
      %broadcast_in_dim3A_66 = vector.broadcast %broadcast_in_dim3A_65 : i32 to vector<16xi32>
      %gather3A_67 = tpu.vector_load_idx %arg11[%add3A_24, %broadcast_in_dim3A_66] : memref<80x24xf32, #tpu.memory_space<vmem>>[vector<16xi32>, vector<16xi32>], vector<16xf32>,
      %broadcast_in_dim3A_68 = arith.constant 5 : i32
      %broadcast_in_dim3A_69 = vector.broadcast %broadcast_in_dim3A_68 : i32 to vector<16xi32>
      %gather3A_70 = tpu.vector_load_idx %arg10[%add3A_24, %broadcast_in_dim3A_69] : memref<80x32xf32, #tpu.memory_space<vmem>>[vector<16xi32>, vector<16xi32>], vector<16xf32>,
      %mul3A_71 = arith.mulf %gather3A_67, %gather3A_70 : vector<16xf32>
      %add3A_72 = arith.addf %add3A_64, %mul3A_71 : vector<16xf32>
      %broadcast_in_dim3A_73 = arith.constant 0 : i32
      %broadcast_in_dim3A_74 = vector.broadcast %broadcast_in_dim3A_73 : i32 to vector<16xi32>
      %gather3A_75 = tpu.vector_load_idx %arg12[%add3A_24, %broadcast_in_dim3A_74] : memref<80x8xf32, #tpu.memory_space<vmem>>[vector<16xi32>, vector<16xi32>], vector<16xf32>,
      %broadcast_in_dim3A_76 = arith.constant 6 : i32
      %broadcast_in_dim3A_77 = vector.broadcast %broadcast_in_dim3A_76 : i32 to vector<16xi32>
      %gather3A_78 = tpu.vector_load_idx %arg10[%add3A_24, %broadcast_in_dim3A_77] : memref<80x32xf32, #tpu.memory_space<vmem>>[vector<16xi32>, vector<16xi32>], vector<16xf32>,
      %mul3A_79 = arith.mulf %gather3A_75, %gather3A_78 : vector<16xf32>
      %add3A_80 = arith.addf %add3A_72, %mul3A_79 : vector<16xf32>
      %broadcast_in_dim3A_81 = arith.constant 1 : i32
      %broadcast_in_dim3A_82 = vector.broadcast %broadcast_in_dim3A_81 : i32 to vector<16xi32>
      %gather3A_83 = tpu.vector_load_idx %arg12[%add3A_24, %broadcast_in_dim3A_82] : memref<80x8xf32, #tpu.memory_space<vmem>>[vector<16xi32>, vector<16xi32>], vector<16xf32>,
      %broadcast_in_dim3A_84 = arith.constant 7 : i32
      %broadcast_in_dim3A_85 = vector.broadcast %broadcast_in_dim3A_84 : i32 to vector<16xi32>
      %gather3A_86 = tpu.vector_load_idx %arg10[%add3A_24, %broadcast_in_dim3A_85] : memref<80x32xf32, #tpu.memory_space<vmem>>[vector<16xi32>, vector<16xi32>], vector<16xf32>,
      %mul3A_87 = arith.mulf %gather3A_83, %gather3A_86 : vector<16xf32>
      %add3A_88 = arith.addf %add3A_80, %mul3A_87 : vector<16xf32>
      %mul3A_89 = arith.constant 0.353553385 : f32
      %mul3A_90 = vector.broadcast %mul3A_89 : f32 to vector<16xf32>
      %mul3A_91 = arith.mulf %add3A_88, %mul3A_90 : vector<16xf32>
      %exp3A = math.exp %mul3A_91 : vector<16xf32>
      %broadcast_in_dim3A_92 = arith.constant 0 : i32
      %broadcast_in_dim3A_93 = vector.broadcast %broadcast_in_dim3A_92 : i32 to vector<16xi32>
      tpu.vector_store_idx %arg13[%add3A_24, %broadcast_in_dim3A_93], %exp3A : memref<80x4xf32, #tpu.memory_space<vmem>>[vector<16xi32>, vector<16xi32>], vector<16xf32>,
      %broadcast_in_dim3A_94 = arith.constant 0.000000e+00 : f32
      %broadcast_in_dim3A_95 = vector.broadcast %broadcast_in_dim3A_94 : f32 to vector<16xf32>
      %broadcast_in_dim3A_96 = arith.constant 6 : i32
      %broadcast_in_dim3A_97 = vector.broadcast %broadcast_in_dim3A_96 : i32 to vector<16xi32>
      %gather3A_98 = tpu.vector_load_idx %arg11[%add3A_24, %broadcast_in_dim3A_97] : memref<80x24xf32, #tpu.memory_space<vmem>>[vector<16xi32>, vector<16xi32>], vector<16xf32>,
      %broadcast_in_dim3A_99 = arith.constant 8 : i32
      %broadcast_in_dim3A_100 = vector.broadcast %broadcast_in_dim3A_99 : i32 to vector<16xi32>
      %gather3A_101 = tpu.vector_load_idx %arg10[%add3A_24, %broadcast_in_dim3A_100] : memref<80x32xf32, #tpu.memory_space<vmem>>[vector<16xi32>, vector<16xi32>], vector<16xf32>,
      %mul3A_102 = arith.mulf %gather3A_98, %gather3A_101 : vector<16xf32>
      %add3A_103 = arith.addf %broadcast_in_dim3A_95, %mul3A_102 : vector<16xf32>
      %broadcast_in_dim3A_104 = arith.constant 7 : i32
      %broadcast_in_dim3A_105 = vector.broadcast %broadcast_in_dim3A_104 : i32 to vector<16xi32>
      %gather3A_106 = tpu.vector_load_idx %arg11[%add3A_24, %broadcast_in_dim3A_105] : memref<80x24xf32, #tpu.memory_space<vmem>>[vector<16xi32>, vector<16xi32>], vector<16xf32>,
      %broadcast_in_dim3A_107 = arith.constant 9 : i32
      %broadcast_in_dim3A_108 = vector.broadcast %broadcast_in_dim3A_107 : i32 to vector<16xi32>
      %gather3A_109 = tpu.vector_load_idx %arg10[%add3A_24, %broadcast_in_dim3A_108] : memref<80x32xf32, #tpu.memory_space<vmem>>[vector<16xi32>, vector<16xi32>], vector<16xf32>,
      %mul3A_110 = arith.mulf %gather3A_106, %gather3A_109 : vector<16xf32>
      %add3A_111 = arith.addf %add3A_103, %mul3A_110 : vector<16xf32>
      %broadcast_in_dim3A_112 = arith.constant 8 : i32
      %broadcast_in_dim3A_113 = vector.broadcast %broadcast_in_dim3A_112 : i32 to vector<16xi32>
      %gather3A_114 = tpu.vector_load_idx %arg11[%add3A_24, %broadcast_in_dim3A_113] : memref<80x24xf32, #tpu.memory_space<vmem>>[vector<16xi32>, vector<16xi32>], vector<16xf32>,
      %broadcast_in_dim3A_115 = arith.constant 10 : i32
      %broadcast_in_dim3A_116 = vector.broadcast %broadcast_in_dim3A_115 : i32 to vector<16xi32>
      %gather3A_117 = tpu.vector_load_idx %arg10[%add3A_24, %broadcast_in_dim3A_116] : memref<80x32xf32, #tpu.memory_space<vmem>>[vector<16xi32>, vector<16xi32>], vector<16xf32>,
      %mul3A_118 = arith.mulf %gather3A_114, %gather3A_117 : vector<16xf32>
      %add3A_119 = arith.addf %add3A_111, %mul3A_118 : vector<16xf32>
      %broadcast_in_dim3A_120 = arith.constant 9 : i32
      %broadcast_in_dim3A_121 = vector.broadcast %broadcast_in_dim3A_120 : i32 to vector<16xi32>
      %gather3A_122 = tpu.vector_load_idx %arg11[%add3A_24, %broadcast_in_dim3A_121] : memref<80x24xf32, #tpu.memory_space<vmem>>[vector<16xi32>, vector<16xi32>], vector<16xf32>,
      %broadcast_in_dim3A_123 = arith.constant 11 : i32
      %broadcast_in_dim3A_124 = vector.broadcast %broadcast_in_dim3A_123 : i32 to vector<16xi32>
      %gather3A_125 = tpu.vector_load_idx %arg10[%add3A_24, %broadcast_in_dim3A_124] : memref<80x32xf32, #tpu.memory_space<vmem>>[vector<16xi32>, vector<16xi32>], vector<16xf32>,
      %mul3A_126 = arith.mulf %gather3A_122, %gather3A_125 : vector<16xf32>
      %add3A_127 = arith.addf %add3A_119, %mul3A_126 : vector<16xf32>
      %broadcast_in_dim3A_128 = arith.constant 10 : i32
      %broadcast_in_dim3A_129 = vector.broadcast %broadcast_in_dim3A_128 : i32 to vector<16xi32>
      %gather3A_130 = tpu.vector_load_idx %arg11[%add3A_24, %broadcast_in_dim3A_129] : memref<80x24xf32, #tpu.memory_space<vmem>>[vector<16xi32>, vector<16xi32>], vector<16xf32>,
      %broadcast_in_dim3A_131 = arith.constant 12 : i32
      %broadcast_in_dim3A_132 = vector.broadcast %broadcast_in_dim3A_131 : i32 to vector<16xi32>
      %gather3A_133 = tpu.vector_load_idx %arg10[%add3A_24, %broadcast_in_dim3A_132] : memref<80x32xf32, #tpu.memory_space<vmem>>[vector<16xi32>, vector<16xi32>], vector<16xf32>,
      %mul3A_134 = arith.mulf %gather3A_130, %gather3A_133 : vector<16xf32>
      %add3A_135 = arith.addf %add3A_127, %mul3A_134 : vector<16xf32>
      %broadcast_in_dim3A_136 = arith.constant 11 : i32
      %broadcast_in_dim3A_137 = vector.broadcast %broadcast_in_dim3A_136 : i32 to vector<16xi32>
      %gather3A_138 = tpu.vector_load_idx %arg11[%add3A_24, %broadcast_in_dim3A_137] : memref<80x24xf32, #tpu.memory_space<vmem>>[vector<16xi32>, vector<16xi32>], vector<16xf32>,
      %broadcast_in_dim3A_139 = arith.constant 13 : i32
      %broadcast_in_dim3A_140 = vector.broadcast %broadcast_in_dim3A_139 : i32 to vector<16xi32>
      %gather3A_141 = tpu.vector_load_idx %arg10[%add3A_24, %broadcast_in_dim3A_140] : memref<80x32xf32, #tpu.memory_space<vmem>>[vector<16xi32>, vector<16xi32>], vector<16xf32>,
      %mul3A_142 = arith.mulf %gather3A_138, %gather3A_141 : vector<16xf32>
      %add3A_143 = arith.addf %add3A_135, %mul3A_142 : vector<16xf32>
      %broadcast_in_dim3A_144 = arith.constant 2 : i32
      %broadcast_in_dim3A_145 = vector.broadcast %broadcast_in_dim3A_144 : i32 to vector<16xi32>
      %gather3A_146 = tpu.vector_load_idx %arg12[%add3A_24, %broadcast_in_dim3A_145] : memref<80x8xf32, #tpu.memory_space<vmem>>[vector<16xi32>, vector<16xi32>], vector<16xf32>,
      %broadcast_in_dim3A_147 = arith.constant 14 : i32
      %broadcast_in_dim3A_148 = vector.broadcast %broadcast_in_dim3A_147 : i32 to vector<16xi32>
      %gather3A_149 = tpu.vector_load_idx %arg10[%add3A_24, %broadcast_in_dim3A_148] : memref<80x32xf32, #tpu.memory_space<vmem>>[vector<16xi32>, vector<16xi32>], vector<16xf32>,
      %mul3A_150 = arith.mulf %gather3A_146, %gather3A_149 : vector<16xf32>
      %add3A_151 = arith.addf %add3A_143, %mul3A_150 : vector<16xf32>
      %broadcast_in_dim3A_152 = arith.constant 3 : i32
      %broadcast_in_dim3A_153 = vector.broadcast %broadcast_in_dim3A_152 : i32 to vector<16xi32>
      %gather3A_154 = tpu.vector_load_idx %arg12[%add3A_24, %broadcast_in_dim3A_153] : memref<80x8xf32, #tpu.memory_space<vmem>>[vector<16xi32>, vector<16xi32>], vector<16xf32>,
      %broadcast_in_dim3A_155 = arith.constant 15 : i32
      %broadcast_in_dim3A_156 = vector.broadcast %broadcast_in_dim3A_155 : i32 to vector<16xi32>
      %gather3A_157 = tpu.vector_load_idx %arg10[%add3A_24, %broadcast_in_dim3A_156] : memref<80x32xf32, #tpu.memory_space<vmem>>[vector<16xi32>, vector<16xi32>], vector<16xf32>,
      %mul3A_158 = arith.mulf %gather3A_154, %gather3A_157 : vector<16xf32>
      %add3A_159 = arith.addf %add3A_151, %mul3A_158 : vector<16xf32>
      %mul3A_160 = arith.constant 0.353553385 : f32
      %mul3A_161 = vector.broadcast %mul3A_160 : f32 to vector<16xf32>
      %mul3A_162 = arith.mulf %add3A_159, %mul3A_161 : vector<16xf32>
      %exp3A_163 = math.exp %mul3A_162 : vector<16xf32>
      %broadcast_in_dim3A_164 = arith.constant 1 : i32
      %broadcast_in_dim3A_165 = vector.broadcast %broadcast_in_dim3A_164 : i32 to vector<16xi32>
      tpu.vector_store_idx %arg13[%add3A_24, %broadcast_in_dim3A_165], %exp3A_163 : memref<80x4xf32, #tpu.memory_space<vmem>>[vector<16xi32>, vector<16xi32>], vector<16xf32>,
      %broadcast_in_dim3A_166 = arith.constant 0.000000e+00 : f32
      %broadcast_in_dim3A_167 = vector.broadcast %broadcast_in_dim3A_166 : f32 to vector<16xf32>
      %broadcast_in_dim3A_168 = arith.constant 12 : i32
      %broadcast_in_dim3A_169 = vector.broadcast %broadcast_in_dim3A_168 : i32 to vector<16xi32>
      %gather3A_170 = tpu.vector_load_idx %arg11[%add3A_24, %broadcast_in_dim3A_169] : memref<80x24xf32, #tpu.memory_space<vmem>>[vector<16xi32>, vector<16xi32>], vector<16xf32>,
      %broadcast_in_dim3A_171 = arith.constant 16 : i32
      %broadcast_in_dim3A_172 = vector.broadcast %broadcast_in_dim3A_171 : i32 to vector<16xi32>
      %gather3A_173 = tpu.vector_load_idx %arg10[%add3A_24, %broadcast_in_dim3A_172] : memref<80x32xf32, #tpu.memory_space<vmem>>[vector<16xi32>, vector<16xi32>], vector<16xf32>,
      %mul3A_174 = arith.mulf %gather3A_170, %gather3A_173 : vector<16xf32>
      %add3A_175 = arith.addf %broadcast_in_dim3A_167, %mul3A_174 : vector<16xf32>
      %broadcast_in_dim3A_176 = arith.constant 13 : i32
      %broadcast_in_dim3A_177 = vector.broadcast %broadcast_in_dim3A_176 : i32 to vector<16xi32>
      %gather3A_178 = tpu.vector_load_idx %arg11[%add3A_24, %broadcast_in_dim3A_177] : memref<80x24xf32, #tpu.memory_space<vmem>>[vector<16xi32>, vector<16xi32>], vector<16xf32>,
      %broadcast_in_dim3A_179 = arith.constant 17 : i32
      %broadcast_in_dim3A_180 = vector.broadcast %broadcast_in_dim3A_179 : i32 to vector<16xi32>
      %gather3A_181 = tpu.vector_load_idx %arg10[%add3A_24, %broadcast_in_dim3A_180] : memref<80x32xf32, #tpu.memory_space<vmem>>[vector<16xi32>, vector<16xi32>], vector<16xf32>,
      %mul3A_182 = arith.mulf %gather3A_178, %gather3A_181 : vector<16xf32>
      %add3A_183 = arith.addf %add3A_175, %mul3A_182 : vector<16xf32>
      %broadcast_in_dim3A_184 = arith.constant 14 : i32
      %broadcast_in_dim3A_185 = vector.broadcast %broadcast_in_dim3A_184 : i32 to vector<16xi32>
      %gather3A_186 = tpu.vector_load_idx %arg11[%add3A_24, %broadcast_in_dim3A_185] : memref<80x24xf32, #tpu.memory_space<vmem>>[vector<16xi32>, vector<16xi32>], vector<16xf32>,
      %broadcast_in_dim3A_187 = arith.constant 18 : i32
      %broadcast_in_dim3A_188 = vector.broadcast %broadcast_in_dim3A_187 : i32 to vector<16xi32>
      %gather3A_189 = tpu.vector_load_idx %arg10[%add3A_24, %broadcast_in_dim3A_188] : memref<80x32xf32, #tpu.memory_space<vmem>>[vector<16xi32>, vector<16xi32>], vector<16xf32>,
      %mul3A_190 = arith.mulf %gather3A_186, %gather3A_189 : vector<16xf32>
      %add3A_191 = arith.addf %add3A_183, %mul3A_190 : vector<16xf32>
      %broadcast_in_dim3A_192 = arith.constant 15 : i32
      %broadcast_in_dim3A_193 = vector.broadcast %broadcast_in_dim3A_192 : i32 to vector<16xi32>
      %gather3A_194 = tpu.vector_load_idx %arg11[%add3A_24, %broadcast_in_dim3A_193] : memref<80x24xf32, #tpu.memory_space<vmem>>[vector<16xi32>, vector<16xi32>], vector<16xf32>,
      %broadcast_in_dim3A_195 = arith.constant 19 : i32
      %broadcast_in_dim3A_196 = vector.broadcast %broadcast_in_dim3A_195 : i32 to vector<16xi32>
      %gather3A_197 = tpu.vector_load_idx %arg10[%add3A_24, %broadcast_in_dim3A_196] : memref<80x32xf32, #tpu.memory_space<vmem>>[vector<16xi32>, vector<16xi32>], vector<16xf32>,
      %mul3A_198 = arith.mulf %gather3A_194, %gather3A_197 : vector<16xf32>
      %add3A_199 = arith.addf %add3A_191, %mul3A_198 : vector<16xf32>
      %broadcast_in_dim3A_200 = arith.constant 16 : i32
      %broadcast_in_dim3A_201 = vector.broadcast %broadcast_in_dim3A_200 : i32 to vector<16xi32>
      %gather3A_202 = tpu.vector_load_idx %arg11[%add3A_24, %broadcast_in_dim3A_201] : memref<80x24xf32, #tpu.memory_space<vmem>>[vector<16xi32>, vector<16xi32>], vector<16xf32>,
      %broadcast_in_dim3A_203 = arith.constant 20 : i32
      %broadcast_in_dim3A_204 = vector.broadcast %broadcast_in_dim3A_203 : i32 to vector<16xi32>
      %gather3A_205 = tpu.vector_load_idx %arg10[%add3A_24, %broadcast_in_dim3A_204] : memref<80x32xf32, #tpu.memory_space<vmem>>[vector<16xi32>, vector<16xi32>], vector<16xf32>,
      %mul3A_206 = arith.mulf %gather3A_202, %gather3A_205 : vector<16xf32>
      %add3A_207 = arith.addf %add3A_199, %mul3A_206 : vector<16xf32>
      %broadcast_in_dim3A_208 = arith.constant 17 : i32
      %broadcast_in_dim3A_209 = vector.broadcast %broadcast_in_dim3A_208 : i32 to vector<16xi32>
      %gather3A_210 = tpu.vector_load_idx %arg11[%add3A_24, %broadcast_in_dim3A_209] : memref<80x24xf32, #tpu.memory_space<vmem>>[vector<16xi32>, vector<16xi32>], vector<16xf32>,
      %broadcast_in_dim3A_211 = arith.constant 21 : i32
      %broadcast_in_dim3A_212 = vector.broadcast %broadcast_in_dim3A_211 : i32 to vector<16xi32>
      %gather3A_213 = tpu.vector_load_idx %arg10[%add3A_24, %broadcast_in_dim3A_212] : memref<80x32xf32, #tpu.memory_space<vmem>>[vector<16xi32>, vector<16xi32>], vector<16xf32>,
      %mul3A_214 = arith.mulf %gather3A_210, %gather3A_213 : vector<16xf32>
      %add3A_215 = arith.addf %add3A_207, %mul3A_214 : vector<16xf32>
      %broadcast_in_dim3A_216 = arith.constant 4 : i32
      %broadcast_in_dim3A_217 = vector.broadcast %broadcast_in_dim3A_216 : i32 to vector<16xi32>
      %gather3A_218 = tpu.vector_load_idx %arg12[%add3A_24, %broadcast_in_dim3A_217] : memref<80x8xf32, #tpu.memory_space<vmem>>[vector<16xi32>, vector<16xi32>], vector<16xf32>,
      %broadcast_in_dim3A_219 = arith.constant 22 : i32
      %broadcast_in_dim3A_220 = vector.broadcast %broadcast_in_dim3A_219 : i32 to vector<16xi32>
      %gather3A_221 = tpu.vector_load_idx %arg10[%add3A_24, %broadcast_in_dim3A_220] : memref<80x32xf32, #tpu.memory_space<vmem>>[vector<16xi32>, vector<16xi32>], vector<16xf32>,
      %mul3A_222 = arith.mulf %gather3A_218, %gather3A_221 : vector<16xf32>
      %add3A_223 = arith.addf %add3A_215, %mul3A_222 : vector<16xf32>
      %broadcast_in_dim3A_224 = arith.constant 5 : i32
      %broadcast_in_dim3A_225 = vector.broadcast %broadcast_in_dim3A_224 : i32 to vector<16xi32>
      %gather3A_226 = tpu.vector_load_idx %arg12[%add3A_24, %broadcast_in_dim3A_225] : memref<80x8xf32, #tpu.memory_space<vmem>>[vector<16xi32>, vector<16xi32>], vector<16xf32>,
      %broadcast_in_dim3A_227 = arith.constant 23 : i32
      %broadcast_in_dim3A_228 = vector.broadcast %broadcast_in_dim3A_227 : i32 to vector<16xi32>
      %gather3A_229 = tpu.vector_load_idx %arg10[%add3A_24, %broadcast_in_dim3A_228] : memref<80x32xf32, #tpu.memory_space<vmem>>[vector<16xi32>, vector<16xi32>], vector<16xf32>,
      %mul3A_230 = arith.mulf %gather3A_226, %gather3A_229 : vector<16xf32>
      %add3A_231 = arith.addf %add3A_223, %mul3A_230 : vector<16xf32>
      %mul3A_232 = arith.constant 0.353553385 : f32
      %mul3A_233 = vector.broadcast %mul3A_232 : f32 to vector<16xf32>
      %mul3A_234 = arith.mulf %add3A_231, %mul3A_233 : vector<16xf32>
      %exp3A_235 = math.exp %mul3A_234 : vector<16xf32>
      %broadcast_in_dim3A_236 = arith.constant 2 : i32
      %broadcast_in_dim3A_237 = vector.broadcast %broadcast_in_dim3A_236 : i32 to vector<16xi32>
      tpu.vector_store_idx %arg13[%add3A_24, %broadcast_in_dim3A_237], %exp3A_235 : memref<80x4xf32, #tpu.memory_space<vmem>>[vector<16xi32>, vector<16xi32>], vector<16xf32>,
      %broadcast_in_dim3A_238 = arith.constant 0.000000e+00 : f32
      %broadcast_in_dim3A_239 = vector.broadcast %broadcast_in_dim3A_238 : f32 to vector<16xf32>
      %broadcast_in_dim3A_240 = arith.constant 18 : i32
      %broadcast_in_dim3A_241 = vector.broadcast %broadcast_in_dim3A_240 : i32 to vector<16xi32>
      %gather3A_242 = tpu.vector_load_idx %arg11[%add3A_24, %broadcast_in_dim3A_241] : memref<80x24xf32, #tpu.memory_space<vmem>>[vector<16xi32>, vector<16xi32>], vector<16xf32>,
      %broadcast_in_dim3A_243 = arith.constant 24 : i32
      %broadcast_in_dim3A_244 = vector.broadcast %broadcast_in_dim3A_243 : i32 to vector<16xi32>
      %gather3A_245 = tpu.vector_load_idx %arg10[%add3A_24, %broadcast_in_dim3A_244] : memref<80x32xf32, #tpu.memory_space<vmem>>[vector<16xi32>, vector<16xi32>], vector<16xf32>,
      %mul3A_246 = arith.mulf %gather3A_242, %gather3A_245 : vector<16xf32>
      %add3A_247 = arith.addf %broadcast_in_dim3A_239, %mul3A_246 : vector<16xf32>
      %broadcast_in_dim3A_248 = arith.constant 19 : i32
      %broadcast_in_dim3A_249 = vector.broadcast %broadcast_in_dim3A_248 : i32 to vector<16xi32>
      %gather3A_250 = tpu.vector_load_idx %arg11[%add3A_24, %broadcast_in_dim3A_249] : memref<80x24xf32, #tpu.memory_space<vmem>>[vector<16xi32>, vector<16xi32>], vector<16xf32>,
      %broadcast_in_dim3A_251 = arith.constant 25 : i32
      %broadcast_in_dim3A_252 = vector.broadcast %broadcast_in_dim3A_251 : i32 to vector<16xi32>
      %gather3A_253 = tpu.vector_load_idx %arg10[%add3A_24, %broadcast_in_dim3A_252] : memref<80x32xf32, #tpu.memory_space<vmem>>[vector<16xi32>, vector<16xi32>], vector<16xf32>,
      %mul3A_254 = arith.mulf %gather3A_250, %gather3A_253 : vector<16xf32>
      %add3A_255 = arith.addf %add3A_247, %mul3A_254 : vector<16xf32>
      %broadcast_in_dim3A_256 = arith.constant 20 : i32
      %broadcast_in_dim3A_257 = vector.broadcast %broadcast_in_dim3A_256 : i32 to vector<16xi32>
      %gather3A_258 = tpu.vector_load_idx %arg11[%add3A_24, %broadcast_in_dim3A_257] : memref<80x24xf32, #tpu.memory_space<vmem>>[vector<16xi32>, vector<16xi32>], vector<16xf32>,
      %broadcast_in_dim3A_259 = arith.constant 26 : i32
      %broadcast_in_dim3A_260 = vector.broadcast %broadcast_in_dim3A_259 : i32 to vector<16xi32>
      %gather3A_261 = tpu.vector_load_idx %arg10[%add3A_24, %broadcast_in_dim3A_260] : memref<80x32xf32, #tpu.memory_space<vmem>>[vector<16xi32>, vector<16xi32>], vector<16xf32>,
      %mul3A_262 = arith.mulf %gather3A_258, %gather3A_261 : vector<16xf32>
      %add3A_263 = arith.addf %add3A_255, %mul3A_262 : vector<16xf32>
      %broadcast_in_dim3A_264 = arith.constant 21 : i32
      %broadcast_in_dim3A_265 = vector.broadcast %broadcast_in_dim3A_264 : i32 to vector<16xi32>
      %gather3A_266 = tpu.vector_load_idx %arg11[%add3A_24, %broadcast_in_dim3A_265] : memref<80x24xf32, #tpu.memory_space<vmem>>[vector<16xi32>, vector<16xi32>], vector<16xf32>,
      %broadcast_in_dim3A_267 = arith.constant 27 : i32
      %broadcast_in_dim3A_268 = vector.broadcast %broadcast_in_dim3A_267 : i32 to vector<16xi32>
      %gather3A_269 = tpu.vector_load_idx %arg10[%add3A_24, %broadcast_in_dim3A_268] : memref<80x32xf32, #tpu.memory_space<vmem>>[vector<16xi32>, vector<16xi32>], vector<16xf32>,
      %mul3A_270 = arith.mulf %gather3A_266, %gather3A_269 : vector<16xf32>
      %add3A_271 = arith.addf %add3A_263, %mul3A_270 : vector<16xf32>
      %broadcast_in_dim3A_272 = arith.constant 22 : i32
      %broadcast_in_dim3A_273 = vector.broadcast %broadcast_in_dim3A_272 : i32 to vector<16xi32>
      %gather3A_274 = tpu.vector_load_idx %arg11[%add3A_24, %broadcast_in_dim3A_273] : memref<80x24xf32, #tpu.memory_space<vmem>>[vector<16xi32>, vector<16xi32>], vector<16xf32>,
      %broadcast_in_dim3A_275 = arith.constant 28 : i32
      %broadcast_in_dim3A_276 = vector.broadcast %broadcast_in_dim3A_275 : i32 to vector<16xi32>
      %gather3A_277 = tpu.vector_load_idx %arg10[%add3A_24, %broadcast_in_dim3A_276] : memref<80x32xf32, #tpu.memory_space<vmem>>[vector<16xi32>, vector<16xi32>], vector<16xf32>,
      %mul3A_278 = arith.mulf %gather3A_274, %gather3A_277 : vector<16xf32>
      %add3A_279 = arith.addf %add3A_271, %mul3A_278 : vector<16xf32>
      %broadcast_in_dim3A_280 = arith.constant 23 : i32
      %broadcast_in_dim3A_281 = vector.broadcast %broadcast_in_dim3A_280 : i32 to vector<16xi32>
      %gather3A_282 = tpu.vector_load_idx %arg11[%add3A_24, %broadcast_in_dim3A_281] : memref<80x24xf32, #tpu.memory_space<vmem>>[vector<16xi32>, vector<16xi32>], vector<16xf32>,
      %broadcast_in_dim3A_283 = arith.constant 29 : i32
      %broadcast_in_dim3A_284 = vector.broadcast %broadcast_in_dim3A_283 : i32 to vector<16xi32>
      %gather3A_285 = tpu.vector_load_idx %arg10[%add3A_24, %broadcast_in_dim3A_284] : memref<80x32xf32, #tpu.memory_space<vmem>>[vector<16xi32>, vector<16xi32>], vector<16xf32>,
      %mul3A_286 = arith.mulf %gather3A_282, %gather3A_285 : vector<16xf32>
      %add3A_287 = arith.addf %add3A_279, %mul3A_286 : vector<16xf32>
      %broadcast_in_dim3A_288 = arith.constant 6 : i32
      %broadcast_in_dim3A_289 = vector.broadcast %broadcast_in_dim3A_288 : i32 to vector<16xi32>
      %gather3A_290 = tpu.vector_load_idx %arg12[%add3A_24, %broadcast_in_dim3A_289] : memref<80x8xf32, #tpu.memory_space<vmem>>[vector<16xi32>, vector<16xi32>], vector<16xf32>,
      %broadcast_in_dim3A_291 = arith.constant 30 : i32
      %broadcast_in_dim3A_292 = vector.broadcast %broadcast_in_dim3A_291 : i32 to vector<16xi32>
      %gather3A_293 = tpu.vector_load_idx %arg10[%add3A_24, %broadcast_in_dim3A_292] : memref<80x32xf32, #tpu.memory_space<vmem>>[vector<16xi32>, vector<16xi32>], vector<16xf32>,
      %mul3A_294 = arith.mulf %gather3A_290, %gather3A_293 : vector<16xf32>
      %add3A_295 = arith.addf %add3A_287, %mul3A_294 : vector<16xf32>
      %broadcast_in_dim3A_296 = arith.constant 7 : i32
      %broadcast_in_dim3A_297 = vector.broadcast %broadcast_in_dim3A_296 : i32 to vector<16xi32>
      %gather3A_298 = tpu.vector_load_idx %arg12[%add3A_24, %broadcast_in_dim3A_297] : memref<80x8xf32, #tpu.memory_space<vmem>>[vector<16xi32>, vector<16xi32>], vector<16xf32>,
      %broadcast_in_dim3A_299 = arith.constant 31 : i32
      %broadcast_in_dim3A_300 = vector.broadcast %broadcast_in_dim3A_299 : i32 to vector<16xi32>
      %gather3A_301 = tpu.vector_load_idx %arg10[%add3A_24, %broadcast_in_dim3A_300] : memref<80x32xf32, #tpu.memory_space<vmem>>[vector<16xi32>, vector<16xi32>], vector<16xf32>,
      %mul3A_302 = arith.mulf %gather3A_298, %gather3A_301 : vector<16xf32>
      %add3A_303 = arith.addf %add3A_295, %mul3A_302 : vector<16xf32>
      %mul3A_304 = arith.constant 0.353553385 : f32
      %mul3A_305 = vector.broadcast %mul3A_304 : f32 to vector<16xf32>
      %mul3A_306 = arith.mulf %add3A_303, %mul3A_305 : vector<16xf32>
      %exp3A_307 = math.exp %mul3A_306 : vector<16xf32>
      %broadcast_in_dim3A_308 = arith.constant 3 : i32
      %broadcast_in_dim3A_309 = vector.broadcast %broadcast_in_dim3A_308 : i32 to vector<16xi32>
      tpu.vector_store_idx %arg13[%add3A_24, %broadcast_in_dim3A_309], %exp3A_307 : memref<80x4xf32, #tpu.memory_space<vmem>>[vector<16xi32>, vector<16xi32>], vector<16xf32>,
      %iota3A_310 = tpu.iota {dimensions = array<i32: 0>} : vector<16xi32>
      %add3A_311 = arith.constant 16 : i32
      %add3A_312 = vector.broadcast %add3A_311 : i32 to vector<16xi32>
      %add3A_313 = arith.addi %iota3A_310, %add3A_312 : vector<16xi32>
      %broadcast_in_dim3A_314 = arith.constant 0.000000e+00 : f32
      %broadcast_in_dim3A_315 = vector.broadcast %broadcast_in_dim3A_314 : f32 to vector<16xf32>
      %broadcast_in_dim3A_316 = arith.constant 0 : i32
      %broadcast_in_dim3A_317 = vector.broadcast %broadcast_in_dim3A_316 : i32 to vector<16xi32>
      %gather3A_318 = tpu.vector_load_idx %arg11[%add3A_313, %broadcast_in_dim3A_317] : memref<80x24xf32, #tpu.memory_space<vmem>>[vector<16xi32>, vector<16xi32>], vector<16xf32>,
      %broadcast_in_dim3A_319 = arith.constant 0 : i32
      %broadcast_in_dim3A_320 = vector.broadcast %broadcast_in_dim3A_319 : i32 to vector<16xi32>
      %gather3A_321 = tpu.vector_load_idx %arg10[%add3A_313, %broadcast_in_dim3A_320] : memref<80x32xf32, #tpu.memory_space<vmem>>[vector<16xi32>, vector<16xi32>], vector<16xf32>,
      %mul3A_322 = arith.mulf %gather3A_318, %gather3A_321 : vector<16xf32>
      %add3A_323 = arith.addf %broadcast_in_dim3A_315, %mul3A_322 : vector<16xf32>
      %broadcast_in_dim3A_324 = arith.constant 1 : i32
      %broadcast_in_dim3A_325 = vector.broadcast %broadcast_in_dim3A_324 : i32 to vector<16xi32>
      %gather3A_326 = tpu.vector_load_idx %arg11[%add3A_313, %broadcast_in_dim3A_325] : memref<80x24xf32, #tpu.memory_space<vmem>>[vector<16xi32>, vector<16xi32>], vector<16xf32>,
      %broadcast_in_dim3A_327 = arith.constant 1 : i32
      %broadcast_in_dim3A_328 = vector.broadcast %broadcast_in_dim3A_327 : i32 to vector<16xi32>
      %gather3A_329 = tpu.vector_load_idx %arg10[%add3A_313, %broadcast_in_dim3A_328] : memref<80x32xf32, #tpu.memory_space<vmem>>[vector<16xi32>, vector<16xi32>], vector<16xf32>,
      %mul3A_330 = arith.mulf %gather3A_326, %gather3A_329 : vector<16xf32>
      %add3A_331 = arith.addf %add3A_323, %mul3A_330 : vector<16xf32>
      %broadcast_in_dim3A_332 = arith.constant 2 : i32
      %broadcast_in_dim3A_333 = vector.broadcast %broadcast_in_dim3A_332 : i32 to vector<16xi32>
      %gather3A_334 = tpu.vector_load_idx %arg11[%add3A_313, %broadcast_in_dim3A_333] : memref<80x24xf32, #tpu.memory_space<vmem>>[vector<16xi32>, vector<16xi32>], vector<16xf32>,
      %broadcast_in_dim3A_335 = arith.constant 2 : i32
      %broadcast_in_dim3A_336 = vector.broadcast %broadcast_in_dim3A_335 : i32 to vector<16xi32>
      %gather3A_337 = tpu.vector_load_idx %arg10[%add3A_313, %broadcast_in_dim3A_336] : memref<80x32xf32, #tpu.memory_space<vmem>>[vector<16xi32>, vector<16xi32>], vector<16xf32>,
      %mul3A_338 = arith.mulf %gather3A_334, %gather3A_337 : vector<16xf32>
      %add3A_339 = arith.addf %add3A_331, %mul3A_338 : vector<16xf32>
      %broadcast_in_dim3A_340 = arith.constant 3 : i32
      %broadcast_in_dim3A_341 = vector.broadcast %broadcast_in_dim3A_340 : i32 to vector<16xi32>
      %gather3A_342 = tpu.vector_load_idx %arg11[%add3A_313, %broadcast_in_dim3A_341] : memref<80x24xf32, #tpu.memory_space<vmem>>[vector<16xi32>, vector<16xi32>], vector<16xf32>,
      %broadcast_in_dim3A_343 = arith.constant 3 : i32
      %broadcast_in_dim3A_344 = vector.broadcast %broadcast_in_dim3A_343 : i32 to vector<16xi32>
      %gather3A_345 = tpu.vector_load_idx %arg10[%add3A_313, %broadcast_in_dim3A_344] : memref<80x32xf32, #tpu.memory_space<vmem>>[vector<16xi32>, vector<16xi32>], vector<16xf32>,
      %mul3A_346 = arith.mulf %gather3A_342, %gather3A_345 : vector<16xf32>
      %add3A_347 = arith.addf %add3A_339, %mul3A_346 : vector<16xf32>
      %broadcast_in_dim3A_348 = arith.constant 4 : i32
      %broadcast_in_dim3A_349 = vector.broadcast %broadcast_in_dim3A_348 : i32 to vector<16xi32>
      %gather3A_350 = tpu.vector_load_idx %arg11[%add3A_313, %broadcast_in_dim3A_349] : memref<80x24xf32, #tpu.memory_space<vmem>>[vector<16xi32>, vector<16xi32>], vector<16xf32>,
      %broadcast_in_dim3A_351 = arith.constant 4 : i32
      %broadcast_in_dim3A_352 = vector.broadcast %broadcast_in_dim3A_351 : i32 to vector<16xi32>
      %gather3A_353 = tpu.vector_load_idx %arg10[%add3A_313, %broadcast_in_dim3A_352] : memref<80x32xf32, #tpu.memory_space<vmem>>[vector<16xi32>, vector<16xi32>], vector<16xf32>,
      %mul3A_354 = arith.mulf %gather3A_350, %gather3A_353 : vector<16xf32>
      %add3A_355 = arith.addf %add3A_347, %mul3A_354 : vector<16xf32>
      %broadcast_in_dim3A_356 = arith.constant 5 : i32
      %broadcast_in_dim3A_357 = vector.broadcast %broadcast_in_dim3A_356 : i32 to vector<16xi32>
      %gather3A_358 = tpu.vector_load_idx %arg11[%add3A_313, %broadcast_in_dim3A_357] : memref<80x24xf32, #tpu.memory_space<vmem>>[vector<16xi32>, vector<16xi32>], vector<16xf32>,
      %broadcast_in_dim3A_359 = arith.constant 5 : i32
      %broadcast_in_dim3A_360 = vector.broadcast %broadcast_in_dim3A_359 : i32 to vector<16xi32>
      %gather3A_361 = tpu.vector_load_idx %arg10[%add3A_313, %broadcast_in_dim3A_360] : memref<80x32xf32, #tpu.memory_space<vmem>>[vector<16xi32>, vector<16xi32>], vector<16xf32>,
      %mul3A_362 = arith.mulf %gather3A_358, %gather3A_361 : vector<16xf32>
      %add3A_363 = arith.addf %add3A_355, %mul3A_362 : vector<16xf32>
      %broadcast_in_dim3A_364 = arith.constant 0 : i32
      %broadcast_in_dim3A_365 = vector.broadcast %broadcast_in_dim3A_364 : i32 to vector<16xi32>
      %gather3A_366 = tpu.vector_load_idx %arg12[%add3A_313, %broadcast_in_dim3A_365] : memref<80x8xf32, #tpu.memory_space<vmem>>[vector<16xi32>, vector<16xi32>], vector<16xf32>,
      %broadcast_in_dim3A_367 = arith.constant 6 : i32
      %broadcast_in_dim3A_368 = vector.broadcast %broadcast_in_dim3A_367 : i32 to vector<16xi32>
      %gather3A_369 = tpu.vector_load_idx %arg10[%add3A_313, %broadcast_in_dim3A_368] : memref<80x32xf32, #tpu.memory_space<vmem>>[vector<16xi32>, vector<16xi32>], vector<16xf32>,
      %mul3A_370 = arith.mulf %gather3A_366, %gather3A_369 : vector<16xf32>
      %add3A_371 = arith.addf %add3A_363, %mul3A_370 : vector<16xf32>
      %broadcast_in_dim3A_372 = arith.constant 1 : i32
      %broadcast_in_dim3A_373 = vector.broadcast %broadcast_in_dim3A_372 : i32 to vector<16xi32>
      %gather3A_374 = tpu.vector_load_idx %arg12[%add3A_313, %broadcast_in_dim3A_373] : memref<80x8xf32, #tpu.memory_space<vmem>>[vector<16xi32>, vector<16xi32>], vector<16xf32>,
      %broadcast_in_dim3A_375 = arith.constant 7 : i32
      %broadcast_in_dim3A_376 = vector.broadcast %broadcast_in_dim3A_375 : i32 to vector<16xi32>
      %gather3A_377 = tpu.vector_load_idx %arg10[%add3A_313, %broadcast_in_dim3A_376] : memref<80x32xf32, #tpu.memory_space<vmem>>[vector<16xi32>, vector<16xi32>], vector<16xf32>,
      %mul3A_378 = arith.mulf %gather3A_374, %gather3A_377 : vector<16xf32>
      %add3A_379 = arith.addf %add3A_371, %mul3A_378 : vector<16xf32>
      %mul3A_380 = arith.constant 0.353553385 : f32
      %mul3A_381 = vector.broadcast %mul3A_380 : f32 to vector<16xf32>
      %mul3A_382 = arith.mulf %add3A_379, %mul3A_381 : vector<16xf32>
      %exp3A_383 = math.exp %mul3A_382 : vector<16xf32>
      %broadcast_in_dim3A_384 = arith.constant 0 : i32
      %broadcast_in_dim3A_385 = vector.broadcast %broadcast_in_dim3A_384 : i32 to vector<16xi32>
      tpu.vector_store_idx %arg13[%add3A_313, %broadcast_in_dim3A_385], %exp3A_383 : memref<80x4xf32, #tpu.memory_space<vmem>>[vector<16xi32>, vector<16xi32>], vector<16xf32>,
      %broadcast_in_dim3A_386 = arith.constant 0.000000e+00 : f32
      %broadcast_in_dim3A_387 = vector.broadcast %broadcast_in_dim3A_386 : f32 to vector<16xf32>
      %broadcast_in_dim3A_388 = arith.constant 6 : i32
      %broadcast_in_dim3A_389 = vector.broadcast %broadcast_in_dim3A_388 : i32 to vector<16xi32>
      %gather3A_390 = tpu.vector_load_idx %arg11[%add3A_313, %broadcast_in_dim3A_389] : memref<80x24xf32, #tpu.memory_space<vmem>>[vector<16xi32>, vector<16xi32>], vector<16xf32>,
      %broadcast_in_dim3A_391 = arith.constant 8 : i32
      %broadcast_in_dim3A_392 = vector.broadcast %broadcast_in_dim3A_391 : i32 to vector<16xi32>
      %gather3A_393 = tpu.vector_load_idx %arg10[%add3A_313, %broadcast_in_dim3A_392] : memref<80x32xf32, #tpu.memory_space<vmem>>[vector<16xi32>, vector<16xi32>], vector<16xf32>,
      %mul3A_394 = arith.mulf %gather3A_390, %gather3A_393 : vector<16xf32>
      %add3A_395 = arith.addf %broadcast_in_dim3A_387, %mul3A_394 : vector<16xf32>
      %broadcast_in_dim3A_396 = arith.constant 7 : i32
      %broadcast_in_dim3A_397 = vector.broadcast %broadcast_in_dim3A_396 : i32 to vector<16xi32>
      %gather3A_398 = tpu.vector_load_idx %arg11[%add3A_313, %broadcast_in_dim3A_397] : memref<80x24xf32, #tpu.memory_space<vmem>>[vector<16xi32>, vector<16xi32>], vector<16xf32>,
      %broadcast_in_dim3A_399 = arith.constant 9 : i32
      %broadcast_in_dim3A_400 = vector.broadcast %broadcast_in_dim3A_399 : i32 to vector<16xi32>
      %gather3A_401 = tpu.vector_load_idx %arg10[%add3A_313, %broadcast_in_dim3A_400] : memref<80x32xf32, #tpu.memory_space<vmem>>[vector<16xi32>, vector<16xi32>], vector<16xf32>,
      %mul3A_402 = arith.mulf %gather3A_398, %gather3A_401 : vector<16xf32>
      %add3A_403 = arith.addf %add3A_395, %mul3A_402 : vector<16xf32>
      %broadcast_in_dim3A_404 = arith.constant 8 : i32
      %broadcast_in_dim3A_405 = vector.broadcast %broadcast_in_dim3A_404 : i32 to vector<16xi32>
      %gather3A_406 = tpu.vector_load_idx %arg11[%add3A_313, %broadcast_in_dim3A_405] : memref<80x24xf32, #tpu.memory_space<vmem>>[vector<16xi32>, vector<16xi32>], vector<16xf32>,
      %broadcast_in_dim3A_407 = arith.constant 10 : i32
      %broadcast_in_dim3A_408 = vector.broadcast %broadcast_in_dim3A_407 : i32 to vector<16xi32>
      %gather3A_409 = tpu.vector_load_idx %arg10[%add3A_313, %broadcast_in_dim3A_408] : memref<80x32xf32, #tpu.memory_space<vmem>>[vector<16xi32>, vector<16xi32>], vector<16xf32>,
      %mul3A_410 = arith.mulf %gather3A_406, %gather3A_409 : vector<16xf32>
      %add3A_411 = arith.addf %add3A_403, %mul3A_410 : vector<16xf32>
      %broadcast_in_dim3A_412 = arith.constant 9 : i32
      %broadcast_in_dim3A_413 = vector.broadcast %broadcast_in_dim3A_412 : i32 to vector<16xi32>
      %gather3A_414 = tpu.vector_load_idx %arg11[%add3A_313, %broadcast_in_dim3A_413] : memref<80x24xf32, #tpu.memory_space<vmem>>[vector<16xi32>, vector<16xi32>], vector<16xf32>,
      %broadcast_in_dim3A_415 = arith.constant 11 : i32
      %broadcast_in_dim3A_416 = vector.broadcast %broadcast_in_dim3A_415 : i32 to vector<16xi32>
      %gather3A_417 = tpu.vector_load_idx %arg10[%add3A_313, %broadcast_in_dim3A_416] : memref<80x32xf32, #tpu.memory_space<vmem>>[vector<16xi32>, vector<16xi32>], vector<16xf32>,
      %mul3A_418 = arith.mulf %gather3A_414, %gather3A_417 : vector<16xf32>
      %add3A_419 = arith.addf %add3A_411, %mul3A_418 : vector<16xf32>
      %broadcast_in_dim3A_420 = arith.constant 10 : i32
      %broadcast_in_dim3A_421 = vector.broadcast %broadcast_in_dim3A_420 : i32 to vector<16xi32>
      %gather3A_422 = tpu.vector_load_idx %arg11[%add3A_313, %broadcast_in_dim3A_421] : memref<80x24xf32, #tpu.memory_space<vmem>>[vector<16xi32>, vector<16xi32>], vector<16xf32>,
      %broadcast_in_dim3A_423 = arith.constant 12 : i32
      %broadcast_in_dim3A_424 = vector.broadcast %broadcast_in_dim3A_423 : i32 to vector<16xi32>
      %gather3A_425 = tpu.vector_load_idx %arg10[%add3A_313, %broadcast_in_dim3A_424] : memref<80x32xf32, #tpu.memory_space<vmem>>[vector<16xi32>, vector<16xi32>], vector<16xf32>,
      %mul3A_426 = arith.mulf %gather3A_422, %gather3A_425 : vector<16xf32>
      %add3A_427 = arith.addf %add3A_419, %mul3A_426 : vector<16xf32>
      %broadcast_in_dim3A_428 = arith.constant 11 : i32
      %broadcast_in_dim3A_429 = vector.broadcast %broadcast_in_dim3A_428 : i32 to vector<16xi32>
      %gather3A_430 = tpu.vector_load_idx %arg11[%add3A_313, %broadcast_in_dim3A_429] : memref<80x24xf32, #tpu.memory_space<vmem>>[vector<16xi32>, vector<16xi32>], vector<16xf32>,
      %broadcast_in_dim3A_431 = arith.constant 13 : i32
      %broadcast_in_dim3A_432 = vector.broadcast %broadcast_in_dim3A_431 : i32 to vector<16xi32>
      %gather3A_433 = tpu.vector_load_idx %arg10[%add3A_313, %broadcast_in_dim3A_432] : memref<80x32xf32, #tpu.memory_space<vmem>>[vector<16xi32>, vector<16xi32>], vector<16xf32>,
      %mul3A_434 = arith.mulf %gather3A_430, %gather3A_433 : vector<16xf32>
      %add3A_435 = arith.addf %add3A_427, %mul3A_434 : vector<16xf32>
      %broadcast_in_dim3A_436 = arith.constant 2 : i32
      %broadcast_in_dim3A_437 = vector.broadcast %broadcast_in_dim3A_436 : i32 to vector<16xi32>
      %gather3A_438 = tpu.vector_load_idx %arg12[%add3A_313, %broadcast_in_dim3A_437] : memref<80x8xf32, #tpu.memory_space<vmem>>[vector<16xi32>, vector<16xi32>], vector<16xf32>,
      %broadcast_in_dim3A_439 = arith.constant 14 : i32
      %broadcast_in_dim3A_440 = vector.broadcast %broadcast_in_dim3A_439 : i32 to vector<16xi32>
      %gather3A_441 = tpu.vector_load_idx %arg10[%add3A_313, %broadcast_in_dim3A_440] : memref<80x32xf32, #tpu.memory_space<vmem>>[vector<16xi32>, vector<16xi32>], vector<16xf32>,
      %mul3A_442 = arith.mulf %gather3A_438, %gather3A_441 : vector<16xf32>
      %add3A_443 = arith.addf %add3A_435, %mul3A_442 : vector<16xf32>
      %broadcast_in_dim3A_444 = arith.constant 3 : i32
      %broadcast_in_dim3A_445 = vector.broadcast %broadcast_in_dim3A_444 : i32 to vector<16xi32>
      %gather3A_446 = tpu.vector_load_idx %arg12[%add3A_313, %broadcast_in_dim3A_445] : memref<80x8xf32, #tpu.memory_space<vmem>>[vector<16xi32>, vector<16xi32>], vector<16xf32>,
      %broadcast_in_dim3A_447 = arith.constant 15 : i32
      %broadcast_in_dim3A_448 = vector.broadcast %broadcast_in_dim3A_447 : i32 to vector<16xi32>
      %gather3A_449 = tpu.vector_load_idx %arg10[%add3A_313, %broadcast_in_dim3A_448] : memref<80x32xf32, #tpu.memory_space<vmem>>[vector<16xi32>, vector<16xi32>], vector<16xf32>,
      %mul3A_450 = arith.mulf %gather3A_446, %gather3A_449 : vector<16xf32>
      %add3A_451 = arith.addf %add3A_443, %mul3A_450 : vector<16xf32>
      %mul3A_452 = arith.constant 0.353553385 : f32
      %mul3A_453 = vector.broadcast %mul3A_452 : f32 to vector<16xf32>
      %mul3A_454 = arith.mulf %add3A_451, %mul3A_453 : vector<16xf32>
      %exp3A_455 = math.exp %mul3A_454 : vector<16xf32>
      %broadcast_in_dim3A_456 = arith.constant 1 : i32
      %broadcast_in_dim3A_457 = vector.broadcast %broadcast_in_dim3A_456 : i32 to vector<16xi32>
      tpu.vector_store_idx %arg13[%add3A_313, %broadcast_in_dim3A_457], %exp3A_455 : memref<80x4xf32, #tpu.memory_space<vmem>>[vector<16xi32>, vector<16xi32>], vector<16xf32>,
      %broadcast_in_dim3A_458 = arith.constant 0.000000e+00 : f32
      %broadcast_in_dim3A_459 = vector.broadcast %broadcast_in_dim3A_458 : f32 to vector<16xf32>
      %broadcast_in_dim3A_460 = arith.constant 12 : i32
      %broadcast_in_dim3A_461 = vector.broadcast %broadcast_in_dim3A_460 : i32 to vector<16xi32>
      %gather3A_462 = tpu.vector_load_idx %arg11[%add3A_313, %broadcast_in_dim3A_461] : memref<80x24xf32, #tpu.memory_space<vmem>>[vector<16xi32>, vector<16xi32>], vector<16xf32>,
      %broadcast_in_dim3A_463 = arith.constant 16 : i32
      %broadcast_in_dim3A_464 = vector.broadcast %broadcast_in_dim3A_463 : i32 to vector<16xi32>
      %gather3A_465 = tpu.vector_load_idx %arg10[%add3A_313, %broadcast_in_dim3A_464] : memref<80x32xf32, #tpu.memory_space<vmem>>[vector<16xi32>, vector<16xi32>], vector<16xf32>,
      %mul3A_466 = arith.mulf %gather3A_462, %gather3A_465 : vector<16xf32>
      %add3A_467 = arith.addf %broadcast_in_dim3A_459, %mul3A_466 : vector<16xf32>
      %broadcast_in_dim3A_468 = arith.constant 13 : i32
      %broadcast_in_dim3A_469 = vector.broadcast %broadcast_in_dim3A_468 : i32 to vector<16xi32>
      %gather3A_470 = tpu.vector_load_idx %arg11[%add3A_313, %broadcast_in_dim3A_469] : memref<80x24xf32, #tpu.memory_space<vmem>>[vector<16xi32>, vector<16xi32>], vector<16xf32>,
      %broadcast_in_dim3A_471 = arith.constant 17 : i32
      %broadcast_in_dim3A_472 = vector.broadcast %broadcast_in_dim3A_471 : i32 to vector<16xi32>
      %gather3A_473 = tpu.vector_load_idx %arg10[%add3A_313, %broadcast_in_dim3A_472] : memref<80x32xf32, #tpu.memory_space<vmem>>[vector<16xi32>, vector<16xi32>], vector<16xf32>,
      %mul3A_474 = arith.mulf %gather3A_470, %gather3A_473 : vector<16xf32>
      %add3A_475 = arith.addf %add3A_467, %mul3A_474 : vector<16xf32>
      %broadcast_in_dim3A_476 = arith.constant 14 : i32
      %broadcast_in_dim3A_477 = vector.broadcast %broadcast_in_dim3A_476 : i32 to vector<16xi32>
      %gather3A_478 = tpu.vector_load_idx %arg11[%add3A_313, %broadcast_in_dim3A_477] : memref<80x24xf32, #tpu.memory_space<vmem>>[vector<16xi32>, vector<16xi32>], vector<16xf32>,
      %broadcast_in_dim3A_479 = arith.constant 18 : i32
      %broadcast_in_dim3A_480 = vector.broadcast %broadcast_in_dim3A_479 : i32 to vector<16xi32>
      %gather3A_481 = tpu.vector_load_idx %arg10[%add3A_313, %broadcast_in_dim3A_480] : memref<80x32xf32, #tpu.memory_space<vmem>>[vector<16xi32>, vector<16xi32>], vector<16xf32>,
      %mul3A_482 = arith.mulf %gather3A_478, %gather3A_481 : vector<16xf32>
      %add3A_483 = arith.addf %add3A_475, %mul3A_482 : vector<16xf32>
      %broadcast_in_dim3A_484 = arith.constant 15 : i32
      %broadcast_in_dim3A_485 = vector.broadcast %broadcast_in_dim3A_484 : i32 to vector<16xi32>
      %gather3A_486 = tpu.vector_load_idx %arg11[%add3A_313, %broadcast_in_dim3A_485] : memref<80x24xf32, #tpu.memory_space<vmem>>[vector<16xi32>, vector<16xi32>], vector<16xf32>,
      %broadcast_in_dim3A_487 = arith.constant 19 : i32
      %broadcast_in_dim3A_488 = vector.broadcast %broadcast_in_dim3A_487 : i32 to vector<16xi32>
      %gather3A_489 = tpu.vector_load_idx %arg10[%add3A_313, %broadcast_in_dim3A_488] : memref<80x32xf32, #tpu.memory_space<vmem>>[vector<16xi32>, vector<16xi32>], vector<16xf32>,
      %mul3A_490 = arith.mulf %gather3A_486, %gather3A_489 : vector<16xf32>
      %add3A_491 = arith.addf %add3A_483, %mul3A_490 : vector<16xf32>
      %broadcast_in_dim3A_492 = arith.constant 16 : i32
      %broadcast_in_dim3A_493 = vector.broadcast %broadcast_in_dim3A_492 : i32 to vector<16xi32>
      %gather3A_494 = tpu.vector_load_idx %arg11[%add3A_313, %broadcast_in_dim3A_493] : memref<80x24xf32, #tpu.memory_space<vmem>>[vector<16xi32>, vector<16xi32>], vector<16xf32>,
      %broadcast_in_dim3A_495 = arith.constant 20 : i32
      %broadcast_in_dim3A_496 = vector.broadcast %broadcast_in_dim3A_495 : i32 to vector<16xi32>
      %gather3A_497 = tpu.vector_load_idx %arg10[%add3A_313, %broadcast_in_dim3A_496] : memref<80x32xf32, #tpu.memory_space<vmem>>[vector<16xi32>, vector<16xi32>], vector<16xf32>,
      %mul3A_498 = arith.mulf %gather3A_494, %gather3A_497 : vector<16xf32>
      %add3A_499 = arith.addf %add3A_491, %mul3A_498 : vector<16xf32>
      %broadcast_in_dim3A_500 = arith.constant 17 : i32
      %broadcast_in_dim3A_501 = vector.broadcast %broadcast_in_dim3A_500 : i32 to vector<16xi32>
      %gather3A_502 = tpu.vector_load_idx %arg11[%add3A_313, %broadcast_in_dim3A_501] : memref<80x24xf32, #tpu.memory_space<vmem>>[vector<16xi32>, vector<16xi32>], vector<16xf32>,
      %broadcast_in_dim3A_503 = arith.constant 21 : i32
      %broadcast_in_dim3A_504 = vector.broadcast %broadcast_in_dim3A_503 : i32 to vector<16xi32>
      %gather3A_505 = tpu.vector_load_idx %arg10[%add3A_313, %broadcast_in_dim3A_504] : memref<80x32xf32, #tpu.memory_space<vmem>>[vector<16xi32>, vector<16xi32>], vector<16xf32>,
      %mul3A_506 = arith.mulf %gather3A_502, %gather3A_505 : vector<16xf32>
      %add3A_507 = arith.addf %add3A_499, %mul3A_506 : vector<16xf32>
      %broadcast_in_dim3A_508 = arith.constant 4 : i32
      %broadcast_in_dim3A_509 = vector.broadcast %broadcast_in_dim3A_508 : i32 to vector<16xi32>
      %gather3A_510 = tpu.vector_load_idx %arg12[%add3A_313, %broadcast_in_dim3A_509] : memref<80x8xf32, #tpu.memory_space<vmem>>[vector<16xi32>, vector<16xi32>], vector<16xf32>,
      %broadcast_in_dim3A_511 = arith.constant 22 : i32
      %broadcast_in_dim3A_512 = vector.broadcast %broadcast_in_dim3A_511 : i32 to vector<16xi32>
      %gather3A_513 = tpu.vector_load_idx %arg10[%add3A_313, %broadcast_in_dim3A_512] : memref<80x32xf32, #tpu.memory_space<vmem>>[vector<16xi32>, vector<16xi32>], vector<16xf32>,
      %mul3A_514 = arith.mulf %gather3A_510, %gather3A_513 : vector<16xf32>
      %add3A_515 = arith.addf %add3A_507, %mul3A_514 : vector<16xf32>
      %broadcast_in_dim3A_516 = arith.constant 5 : i32
      %broadcast_in_dim3A_517 = vector.broadcast %broadcast_in_dim3A_516 : i32 to vector<16xi32>
      %gather3A_518 = tpu.vector_load_idx %arg12[%add3A_313, %broadcast_in_dim3A_517] : memref<80x8xf32, #tpu.memory_space<vmem>>[vector<16xi32>, vector<16xi32>], vector<16xf32>,
      %broadcast_in_dim3A_519 = arith.constant 23 : i32
      %broadcast_in_dim3A_520 = vector.broadcast %broadcast_in_dim3A_519 : i32 to vector<16xi32>
      %gather3A_521 = tpu.vector_load_idx %arg10[%add3A_313, %broadcast_in_dim3A_520] : memref<80x32xf32, #tpu.memory_space<vmem>>[vector<16xi32>, vector<16xi32>], vector<16xf32>,
      %mul3A_522 = arith.mulf %gather3A_518, %gather3A_521 : vector<16xf32>
      %add3A_523 = arith.addf %add3A_515, %mul3A_522 : vector<16xf32>
      %mul3A_524 = arith.constant 0.353553385 : f32
      %mul3A_525 = vector.broadcast %mul3A_524 : f32 to vector<16xf32>
      %mul3A_526 = arith.mulf %add3A_523, %mul3A_525 : vector<16xf32>
      %exp3A_527 = math.exp %mul3A_526 : vector<16xf32>
      %broadcast_in_dim3A_528 = arith.constant 2 : i32
      %broadcast_in_dim3A_529 = vector.broadcast %broadcast_in_dim3A_528 : i32 to vector<16xi32>
      tpu.vector_store_idx %arg13[%add3A_313, %broadcast_in_dim3A_529], %exp3A_527 : memref<80x4xf32, #tpu.memory_space<vmem>>[vector<16xi32>, vector<16xi32>], vector<16xf32>,
      %broadcast_in_dim3A_530 = arith.constant 0.000000e+00 : f32
      %broadcast_in_dim3A_531 = vector.broadcast %broadcast_in_dim3A_530 : f32 to vector<16xf32>
      %broadcast_in_dim3A_532 = arith.constant 18 : i32
      %broadcast_in_dim3A_533 = vector.broadcast %broadcast_in_dim3A_532 : i32 to vector<16xi32>
      %gather3A_534 = tpu.vector_load_idx %arg11[%add3A_313, %broadcast_in_dim3A_533] : memref<80x24xf32, #tpu.memory_space<vmem>>[vector<16xi32>, vector<16xi32>], vector<16xf32>,
      %broadcast_in_dim3A_535 = arith.constant 24 : i32
      %broadcast_in_dim3A_536 = vector.broadcast %broadcast_in_dim3A_535 : i32 to vector<16xi32>
      %gather3A_537 = tpu.vector_load_idx %arg10[%add3A_313, %broadcast_in_dim3A_536] : memref<80x32xf32, #tpu.memory_space<vmem>>[vector<16xi32>, vector<16xi32>], vector<16xf32>,
      %mul3A_538 = arith.mulf %gather3A_534, %gather3A_537 : vector<16xf32>
      %add3A_539 = arith.addf %broadcast_in_dim3A_531, %mul3A_538 : vector<16xf32>
      %broadcast_in_dim3A_540 = arith.constant 19 : i32
      %broadcast_in_dim3A_541 = vector.broadcast %broadcast_in_dim3A_540 : i32 to vector<16xi32>
      %gather3A_542 = tpu.vector_load_idx %arg11[%add3A_313, %broadcast_in_dim3A_541] : memref<80x24xf32, #tpu.memory_space<vmem>>[vector<16xi32>, vector<16xi32>], vector<16xf32>,
      %broadcast_in_dim3A_543 = arith.constant 25 : i32
      %broadcast_in_dim3A_544 = vector.broadcast %broadcast_in_dim3A_543 : i32 to vector<16xi32>
      %gather3A_545 = tpu.vector_load_idx %arg10[%add3A_313, %broadcast_in_dim3A_544] : memref<80x32xf32, #tpu.memory_space<vmem>>[vector<16xi32>, vector<16xi32>], vector<16xf32>,
      %mul3A_546 = arith.mulf %gather3A_542, %gather3A_545 : vector<16xf32>
      %add3A_547 = arith.addf %add3A_539, %mul3A_546 : vector<16xf32>
      %broadcast_in_dim3A_548 = arith.constant 20 : i32
      %broadcast_in_dim3A_549 = vector.broadcast %broadcast_in_dim3A_548 : i32 to vector<16xi32>
      %gather3A_550 = tpu.vector_load_idx %arg11[%add3A_313, %broadcast_in_dim3A_549] : memref<80x24xf32, #tpu.memory_space<vmem>>[vector<16xi32>, vector<16xi32>], vector<16xf32>,
      %broadcast_in_dim3A_551 = arith.constant 26 : i32
      %broadcast_in_dim3A_552 = vector.broadcast %broadcast_in_dim3A_551 : i32 to vector<16xi32>
      %gather3A_553 = tpu.vector_load_idx %arg10[%add3A_313, %broadcast_in_dim3A_552] : memref<80x32xf32, #tpu.memory_space<vmem>>[vector<16xi32>, vector<16xi32>], vector<16xf32>,
      %mul3A_554 = arith.mulf %gather3A_550, %gather3A_553 : vector<16xf32>
      %add3A_555 = arith.addf %add3A_547, %mul3A_554 : vector<16xf32>
      %broadcast_in_dim3A_556 = arith.constant 21 : i32
      %broadcast_in_dim3A_557 = vector.broadcast %broadcast_in_dim3A_556 : i32 to vector<16xi32>
      %gather3A_558 = tpu.vector_load_idx %arg11[%add3A_313, %broadcast_in_dim3A_557] : memref<80x24xf32, #tpu.memory_space<vmem>>[vector<16xi32>, vector<16xi32>], vector<16xf32>,
      %broadcast_in_dim3A_559 = arith.constant 27 : i32
      %broadcast_in_dim3A_560 = vector.broadcast %broadcast_in_dim3A_559 : i32 to vector<16xi32>
      %gather3A_561 = tpu.vector_load_idx %arg10[%add3A_313, %broadcast_in_dim3A_560] : memref<80x32xf32, #tpu.memory_space<vmem>>[vector<16xi32>, vector<16xi32>], vector<16xf32>,
      %mul3A_562 = arith.mulf %gather3A_558, %gather3A_561 : vector<16xf32>
      %add3A_563 = arith.addf %add3A_555, %mul3A_562 : vector<16xf32>
      %broadcast_in_dim3A_564 = arith.constant 22 : i32
      %broadcast_in_dim3A_565 = vector.broadcast %broadcast_in_dim3A_564 : i32 to vector<16xi32>
      %gather3A_566 = tpu.vector_load_idx %arg11[%add3A_313, %broadcast_in_dim3A_565] : memref<80x24xf32, #tpu.memory_space<vmem>>[vector<16xi32>, vector<16xi32>], vector<16xf32>,
      %broadcast_in_dim3A_567 = arith.constant 28 : i32
      %broadcast_in_dim3A_568 = vector.broadcast %broadcast_in_dim3A_567 : i32 to vector<16xi32>
      %gather3A_569 = tpu.vector_load_idx %arg10[%add3A_313, %broadcast_in_dim3A_568] : memref<80x32xf32, #tpu.memory_space<vmem>>[vector<16xi32>, vector<16xi32>], vector<16xf32>,
      %mul3A_570 = arith.mulf %gather3A_566, %gather3A_569 : vector<16xf32>
      %add3A_571 = arith.addf %add3A_563, %mul3A_570 : vector<16xf32>
      %broadcast_in_dim3A_572 = arith.constant 23 : i32
      %broadcast_in_dim3A_573 = vector.broadcast %broadcast_in_dim3A_572 : i32 to vector<16xi32>
      %gather3A_574 = tpu.vector_load_idx %arg11[%add3A_313, %broadcast_in_dim3A_573] : memref<80x24xf32, #tpu.memory_space<vmem>>[vector<16xi32>, vector<16xi32>], vector<16xf32>,
      %broadcast_in_dim3A_575 = arith.constant 29 : i32
      %broadcast_in_dim3A_576 = vector.broadcast %broadcast_in_dim3A_575 : i32 to vector<16xi32>
      %gather3A_577 = tpu.vector_load_idx %arg10[%add3A_313, %broadcast_in_dim3A_576] : memref<80x32xf32, #tpu.memory_space<vmem>>[vector<16xi32>, vector<16xi32>], vector<16xf32>,
      %mul3A_578 = arith.mulf %gather3A_574, %gather3A_577 : vector<16xf32>
      %add3A_579 = arith.addf %add3A_571, %mul3A_578 : vector<16xf32>
      %broadcast_in_dim3A_580 = arith.constant 6 : i32
      %broadcast_in_dim3A_581 = vector.broadcast %broadcast_in_dim3A_580 : i32 to vector<16xi32>
      %gather3A_582 = tpu.vector_load_idx %arg12[%add3A_313, %broadcast_in_dim3A_581] : memref<80x8xf32, #tpu.memory_space<vmem>>[vector<16xi32>, vector<16xi32>], vector<16xf32>,
      %broadcast_in_dim3A_583 = arith.constant 30 : i32
      %broadcast_in_dim3A_584 = vector.broadcast %broadcast_in_dim3A_583 : i32 to vector<16xi32>
      %gather3A_585 = tpu.vector_load_idx %arg10[%add3A_313, %broadcast_in_dim3A_584] : memref<80x32xf32, #tpu.memory_space<vmem>>[vector<16xi32>, vector<16xi32>], vector<16xf32>,
      %mul3A_586 = arith.mulf %gather3A_582, %gather3A_585 : vector<16xf32>
      %add3A_587 = arith.addf %add3A_579, %mul3A_586 : vector<16xf32>
      %broadcast_in_dim3A_588 = arith.constant 7 : i32
      %broadcast_in_dim3A_589 = vector.broadcast %broadcast_in_dim3A_588 : i32 to vector<16xi32>
      %gather3A_590 = tpu.vector_load_idx %arg12[%add3A_313, %broadcast_in_dim3A_589] : memref<80x8xf32, #tpu.memory_space<vmem>>[vector<16xi32>, vector<16xi32>], vector<16xf32>,
      %broadcast_in_dim3A_591 = arith.constant 31 : i32
      %broadcast_in_dim3A_592 = vector.broadcast %broadcast_in_dim3A_591 : i32 to vector<16xi32>
      %gather3A_593 = tpu.vector_load_idx %arg10[%add3A_313, %broadcast_in_dim3A_592] : memref<80x32xf32, #tpu.memory_space<vmem>>[vector<16xi32>, vector<16xi32>], vector<16xf32>,
      %mul3A_594 = arith.mulf %gather3A_590, %gather3A_593 : vector<16xf32>
      %add3A_595 = arith.addf %add3A_587, %mul3A_594 : vector<16xf32>
      %mul3A_596 = arith.constant 0.353553385 : f32
      %mul3A_597 = vector.broadcast %mul3A_596 : f32 to vector<16xf32>
      %mul3A_598 = arith.mulf %add3A_595, %mul3A_597 : vector<16xf32>
      %exp3A_599 = math.exp %mul3A_598 : vector<16xf32>
      %broadcast_in_dim3A_600 = arith.constant 3 : i32
      %broadcast_in_dim3A_601 = vector.broadcast %broadcast_in_dim3A_600 : i32 to vector<16xi32>
      tpu.vector_store_idx %arg13[%add3A_313, %broadcast_in_dim3A_601], %exp3A_599 : memref<80x4xf32, #tpu.memory_space<vmem>>[vector<16xi32>, vector<16xi32>], vector<16xf32>,
      %iota3A_602 = tpu.iota {dimensions = array<i32: 0>} : vector<16xi32>
      %add3A_603 = arith.constant 32 : i32
      %add3A_604 = vector.broadcast %add3A_603 : i32 to vector<16xi32>
      %add3A_605 = arith.addi %iota3A_602, %add3A_604 : vector<16xi32>
      %broadcast_in_dim3A_606 = arith.constant 0.000000e+00 : f32
      %broadcast_in_dim3A_607 = vector.broadcast %broadcast_in_dim3A_606 : f32 to vector<16xf32>
      %broadcast_in_dim3A_608 = arith.constant 0 : i32
      %broadcast_in_dim3A_609 = vector.broadcast %broadcast_in_dim3A_608 : i32 to vector<16xi32>
      %gather3A_610 = tpu.vector_load_idx %arg11[%add3A_605, %broadcast_in_dim3A_609] : memref<80x24xf32, #tpu.memory_space<vmem>>[vector<16xi32>, vector<16xi32>], vector<16xf32>,
      %broadcast_in_dim3A_611 = arith.constant 0 : i32
      %broadcast_in_dim3A_612 = vector.broadcast %broadcast_in_dim3A_611 : i32 to vector<16xi32>
      %gather3A_613 = tpu.vector_load_idx %arg10[%add3A_605, %broadcast_in_dim3A_612] : memref<80x32xf32, #tpu.memory_space<vmem>>[vector<16xi32>, vector<16xi32>], vector<16xf32>,
      %mul3A_614 = arith.mulf %gather3A_610, %gather3A_613 : vector<16xf32>
      %add3A_615 = arith.addf %broadcast_in_dim3A_607, %mul3A_614 : vector<16xf32>
      %broadcast_in_dim3A_616 = arith.constant 1 : i32
      %broadcast_in_dim3A_617 = vector.broadcast %broadcast_in_dim3A_616 : i32 to vector<16xi32>
      %gather3A_618 = tpu.vector_load_idx %arg11[%add3A_605, %broadcast_in_dim3A_617] : memref<80x24xf32, #tpu.memory_space<vmem>>[vector<16xi32>, vector<16xi32>], vector<16xf32>,
      %broadcast_in_dim3A_619 = arith.constant 1 : i32
      %broadcast_in_dim3A_620 = vector.broadcast %broadcast_in_dim3A_619 : i32 to vector<16xi32>
      %gather3A_621 = tpu.vector_load_idx %arg10[%add3A_605, %broadcast_in_dim3A_620] : memref<80x32xf32, #tpu.memory_space<vmem>>[vector<16xi32>, vector<16xi32>], vector<16xf32>,
      %mul3A_622 = arith.mulf %gather3A_618, %gather3A_621 : vector<16xf32>
      %add3A_623 = arith.addf %add3A_615, %mul3A_622 : vector<16xf32>
      %broadcast_in_dim3A_624 = arith.constant 2 : i32
      %broadcast_in_dim3A_625 = vector.broadcast %broadcast_in_dim3A_624 : i32 to vector<16xi32>
      %gather3A_626 = tpu.vector_load_idx %arg11[%add3A_605, %broadcast_in_dim3A_625] : memref<80x24xf32, #tpu.memory_space<vmem>>[vector<16xi32>, vector<16xi32>], vector<16xf32>,
      %broadcast_in_dim3A_627 = arith.constant 2 : i32
      %broadcast_in_dim3A_628 = vector.broadcast %broadcast_in_dim3A_627 : i32 to vector<16xi32>
      %gather3A_629 = tpu.vector_load_idx %arg10[%add3A_605, %broadcast_in_dim3A_628] : memref<80x32xf32, #tpu.memory_space<vmem>>[vector<16xi32>, vector<16xi32>], vector<16xf32>,
      %mul3A_630 = arith.mulf %gather3A_626, %gather3A_629 : vector<16xf32>
      %add3A_631 = arith.addf %add3A_623, %mul3A_630 : vector<16xf32>
      %broadcast_in_dim3A_632 = arith.constant 3 : i32
      %broadcast_in_dim3A_633 = vector.broadcast %broadcast_in_dim3A_632 : i32 to vector<16xi32>
      %gather3A_634 = tpu.vector_load_idx %arg11[%add3A_605, %broadcast_in_dim3A_633] : memref<80x24xf32, #tpu.memory_space<vmem>>[vector<16xi32>, vector<16xi32>], vector<16xf32>,
      %broadcast_in_dim3A_635 = arith.constant 3 : i32
      %broadcast_in_dim3A_636 = vector.broadcast %broadcast_in_dim3A_635 : i32 to vector<16xi32>
      %gather3A_637 = tpu.vector_load_idx %arg10[%add3A_605, %broadcast_in_dim3A_636] : memref<80x32xf32, #tpu.memory_space<vmem>>[vector<16xi32>, vector<16xi32>], vector<16xf32>,
      %mul3A_638 = arith.mulf %gather3A_634, %gather3A_637 : vector<16xf32>
      %add3A_639 = arith.addf %add3A_631, %mul3A_638 : vector<16xf32>
      %broadcast_in_dim3A_640 = arith.constant 4 : i32
      %broadcast_in_dim3A_641 = vector.broadcast %broadcast_in_dim3A_640 : i32 to vector<16xi32>
      %gather3A_642 = tpu.vector_load_idx %arg11[%add3A_605, %broadcast_in_dim3A_641] : memref<80x24xf32, #tpu.memory_space<vmem>>[vector<16xi32>, vector<16xi32>], vector<16xf32>,
      %broadcast_in_dim3A_643 = arith.constant 4 : i32
      %broadcast_in_dim3A_644 = vector.broadcast %broadcast_in_dim3A_643 : i32 to vector<16xi32>
      %gather3A_645 = tpu.vector_load_idx %arg10[%add3A_605, %broadcast_in_dim3A_644] : memref<80x32xf32, #tpu.memory_space<vmem>>[vector<16xi32>, vector<16xi32>], vector<16xf32>,
      %mul3A_646 = arith.mulf %gather3A_642, %gather3A_645 : vector<16xf32>
      %add3A_647 = arith.addf %add3A_639, %mul3A_646 : vector<16xf32>
      %broadcast_in_dim3A_648 = arith.constant 5 : i32
      %broadcast_in_dim3A_649 = vector.broadcast %broadcast_in_dim3A_648 : i32 to vector<16xi32>
      %gather3A_650 = tpu.vector_load_idx %arg11[%add3A_605, %broadcast_in_dim3A_649] : memref<80x24xf32, #tpu.memory_space<vmem>>[vector<16xi32>, vector<16xi32>], vector<16xf32>,
      %broadcast_in_dim3A_651 = arith.constant 5 : i32
      %broadcast_in_dim3A_652 = vector.broadcast %broadcast_in_dim3A_651 : i32 to vector<16xi32>
      %gather3A_653 = tpu.vector_load_idx %arg10[%add3A_605, %broadcast_in_dim3A_652] : memref<80x32xf32, #tpu.memory_space<vmem>>[vector<16xi32>, vector<16xi32>], vector<16xf32>,
      %mul3A_654 = arith.mulf %gather3A_650, %gather3A_653 : vector<16xf32>
      %add3A_655 = arith.addf %add3A_647, %mul3A_654 : vector<16xf32>
      %broadcast_in_dim3A_656 = arith.constant 0 : i32
      %broadcast_in_dim3A_657 = vector.broadcast %broadcast_in_dim3A_656 : i32 to vector<16xi32>
      %gather3A_658 = tpu.vector_load_idx %arg12[%add3A_605, %broadcast_in_dim3A_657] : memref<80x8xf32, #tpu.memory_space<vmem>>[vector<16xi32>, vector<16xi32>], vector<16xf32>,
      %broadcast_in_dim3A_659 = arith.constant 6 : i32
      %broadcast_in_dim3A_660 = vector.broadcast %broadcast_in_dim3A_659 : i32 to vector<16xi32>
      %gather3A_661 = tpu.vector_load_idx %arg10[%add3A_605, %broadcast_in_dim3A_660] : memref<80x32xf32, #tpu.memory_space<vmem>>[vector<16xi32>, vector<16xi32>], vector<16xf32>,
      %mul3A_662 = arith.mulf %gather3A_658, %gather3A_661 : vector<16xf32>
      %add3A_663 = arith.addf %add3A_655, %mul3A_662 : vector<16xf32>
      %broadcast_in_dim3A_664 = arith.constant 1 : i32
      %broadcast_in_dim3A_665 = vector.broadcast %broadcast_in_dim3A_664 : i32 to vector<16xi32>
      %gather3A_666 = tpu.vector_load_idx %arg12[%add3A_605, %broadcast_in_dim3A_665] : memref<80x8xf32, #tpu.memory_space<vmem>>[vector<16xi32>, vector<16xi32>], vector<16xf32>,
      %broadcast_in_dim3A_667 = arith.constant 7 : i32
      %broadcast_in_dim3A_668 = vector.broadcast %broadcast_in_dim3A_667 : i32 to vector<16xi32>
      %gather3A_669 = tpu.vector_load_idx %arg10[%add3A_605, %broadcast_in_dim3A_668] : memref<80x32xf32, #tpu.memory_space<vmem>>[vector<16xi32>, vector<16xi32>], vector<16xf32>,
      %mul3A_670 = arith.mulf %gather3A_666, %gather3A_669 : vector<16xf32>
      %add3A_671 = arith.addf %add3A_663, %mul3A_670 : vector<16xf32>
      %mul3A_672 = arith.constant 0.353553385 : f32
      %mul3A_673 = vector.broadcast %mul3A_672 : f32 to vector<16xf32>
      %mul3A_674 = arith.mulf %add3A_671, %mul3A_673 : vector<16xf32>
      %exp3A_675 = math.exp %mul3A_674 : vector<16xf32>
      %broadcast_in_dim3A_676 = arith.constant 0 : i32
      %broadcast_in_dim3A_677 = vector.broadcast %broadcast_in_dim3A_676 : i32 to vector<16xi32>
      tpu.vector_store_idx %arg13[%add3A_605, %broadcast_in_dim3A_677], %exp3A_675 : memref<80x4xf32, #tpu.memory_space<vmem>>[vector<16xi32>, vector<16xi32>], vector<16xf32>,
      %broadcast_in_dim3A_678 = arith.constant 0.000000e+00 : f32
      %broadcast_in_dim3A_679 = vector.broadcast %broadcast_in_dim3A_678 : f32 to vector<16xf32>
      %broadcast_in_dim3A_680 = arith.constant 6 : i32
      %broadcast_in_dim3A_681 = vector.broadcast %broadcast_in_dim3A_680 : i32 to vector<16xi32>
      %gather3A_682 = tpu.vector_load_idx %arg11[%add3A_605, %broadcast_in_dim3A_681] : memref<80x24xf32, #tpu.memory_space<vmem>>[vector<16xi32>, vector<16xi32>], vector<16xf32>,
      %broadcast_in_dim3A_683 = arith.constant 8 : i32
      %broadcast_in_dim3A_684 = vector.broadcast %broadcast_in_dim3A_683 : i32 to vector<16xi32>
      %gather3A_685 = tpu.vector_load_idx %arg10[%add3A_605, %broadcast_in_dim3A_684] : memref<80x32xf32, #tpu.memory_space<vmem>>[vector<16xi32>, vector<16xi32>], vector<16xf32>,
      %mul3A_686 = arith.mulf %gather3A_682, %gather3A_685 : vector<16xf32>
      %add3A_687 = arith.addf %broadcast_in_dim3A_679, %mul3A_686 : vector<16xf32>
      %broadcast_in_dim3A_688 = arith.constant 7 : i32
      %broadcast_in_dim3A_689 = vector.broadcast %broadcast_in_dim3A_688 : i32 to vector<16xi32>
      %gather3A_690 = tpu.vector_load_idx %arg11[%add3A_605, %broadcast_in_dim3A_689] : memref<80x24xf32, #tpu.memory_space<vmem>>[vector<16xi32>, vector<16xi32>], vector<16xf32>,
      %broadcast_in_dim3A_691 = arith.constant 9 : i32
      %broadcast_in_dim3A_692 = vector.broadcast %broadcast_in_dim3A_691 : i32 to vector<16xi32>
      %gather3A_693 = tpu.vector_load_idx %arg10[%add3A_605, %broadcast_in_dim3A_692] : memref<80x32xf32, #tpu.memory_space<vmem>>[vector<16xi32>, vector<16xi32>], vector<16xf32>,
      %mul3A_694 = arith.mulf %gather3A_690, %gather3A_693 : vector<16xf32>
      %add3A_695 = arith.addf %add3A_687, %mul3A_694 : vector<16xf32>
      %broadcast_in_dim3A_696 = arith.constant 8 : i32
      %broadcast_in_dim3A_697 = vector.broadcast %broadcast_in_dim3A_696 : i32 to vector<16xi32>
      %gather3A_698 = tpu.vector_load_idx %arg11[%add3A_605, %broadcast_in_dim3A_697] : memref<80x24xf32, #tpu.memory_space<vmem>>[vector<16xi32>, vector<16xi32>], vector<16xf32>,
      %broadcast_in_dim3A_699 = arith.constant 10 : i32
      %broadcast_in_dim3A_700 = vector.broadcast %broadcast_in_dim3A_699 : i32 to vector<16xi32>
      %gather3A_701 = tpu.vector_load_idx %arg10[%add3A_605, %broadcast_in_dim3A_700] : memref<80x32xf32, #tpu.memory_space<vmem>>[vector<16xi32>, vector<16xi32>], vector<16xf32>,
      %mul3A_702 = arith.mulf %gather3A_698, %gather3A_701 : vector<16xf32>
      %add3A_703 = arith.addf %add3A_695, %mul3A_702 : vector<16xf32>
      %broadcast_in_dim3A_704 = arith.constant 9 : i32
      %broadcast_in_dim3A_705 = vector.broadcast %broadcast_in_dim3A_704 : i32 to vector<16xi32>
      %gather3A_706 = tpu.vector_load_idx %arg11[%add3A_605, %broadcast_in_dim3A_705] : memref<80x24xf32, #tpu.memory_space<vmem>>[vector<16xi32>, vector<16xi32>], vector<16xf32>,
      %broadcast_in_dim3A_707 = arith.constant 11 : i32
      %broadcast_in_dim3A_708 = vector.broadcast %broadcast_in_dim3A_707 : i32 to vector<16xi32>
      %gather3A_709 = tpu.vector_load_idx %arg10[%add3A_605, %broadcast_in_dim3A_708] : memref<80x32xf32, #tpu.memory_space<vmem>>[vector<16xi32>, vector<16xi32>], vector<16xf32>,
      %mul3A_710 = arith.mulf %gather3A_706, %gather3A_709 : vector<16xf32>
      %add3A_711 = arith.addf %add3A_703, %mul3A_710 : vector<16xf32>
      %broadcast_in_dim3A_712 = arith.constant 10 : i32
      %broadcast_in_dim3A_713 = vector.broadcast %broadcast_in_dim3A_712 : i32 to vector<16xi32>
      %gather3A_714 = tpu.vector_load_idx %arg11[%add3A_605, %broadcast_in_dim3A_713] : memref<80x24xf32, #tpu.memory_space<vmem>>[vector<16xi32>, vector<16xi32>], vector<16xf32>,
      %broadcast_in_dim3A_715 = arith.constant 12 : i32
      %broadcast_in_dim3A_716 = vector.broadcast %broadcast_in_dim3A_715 : i32 to vector<16xi32>
      %gather3A_717 = tpu.vector_load_idx %arg10[%add3A_605, %broadcast_in_dim3A_716] : memref<80x32xf32, #tpu.memory_space<vmem>>[vector<16xi32>, vector<16xi32>], vector<16xf32>,
      %mul3A_718 = arith.mulf %gather3A_714, %gather3A_717 : vector<16xf32>
      %add3A_719 = arith.addf %add3A_711, %mul3A_718 : vector<16xf32>
      %broadcast_in_dim3A_720 = arith.constant 11 : i32
      %broadcast_in_dim3A_721 = vector.broadcast %broadcast_in_dim3A_720 : i32 to vector<16xi32>
      %gather3A_722 = tpu.vector_load_idx %arg11[%add3A_605, %broadcast_in_dim3A_721] : memref<80x24xf32, #tpu.memory_space<vmem>>[vector<16xi32>, vector<16xi32>], vector<16xf32>,
      %broadcast_in_dim3A_723 = arith.constant 13 : i32
      %broadcast_in_dim3A_724 = vector.broadcast %broadcast_in_dim3A_723 : i32 to vector<16xi32>
      %gather3A_725 = tpu.vector_load_idx %arg10[%add3A_605, %broadcast_in_dim3A_724] : memref<80x32xf32, #tpu.memory_space<vmem>>[vector<16xi32>, vector<16xi32>], vector<16xf32>,
      %mul3A_726 = arith.mulf %gather3A_722, %gather3A_725 : vector<16xf32>
      %add3A_727 = arith.addf %add3A_719, %mul3A_726 : vector<16xf32>
      %broadcast_in_dim3A_728 = arith.constant 2 : i32
      %broadcast_in_dim3A_729 = vector.broadcast %broadcast_in_dim3A_728 : i32 to vector<16xi32>
      %gather3A_730 = tpu.vector_load_idx %arg12[%add3A_605, %broadcast_in_dim3A_729] : memref<80x8xf32, #tpu.memory_space<vmem>>[vector<16xi32>, vector<16xi32>], vector<16xf32>,
      %broadcast_in_dim3A_731 = arith.constant 14 : i32
      %broadcast_in_dim3A_732 = vector.broadcast %broadcast_in_dim3A_731 : i32 to vector<16xi32>
      %gather3A_733 = tpu.vector_load_idx %arg10[%add3A_605, %broadcast_in_dim3A_732] : memref<80x32xf32, #tpu.memory_space<vmem>>[vector<16xi32>, vector<16xi32>], vector<16xf32>,
      %mul3A_734 = arith.mulf %gather3A_730, %gather3A_733 : vector<16xf32>
      %add3A_735 = arith.addf %add3A_727, %mul3A_734 : vector<16xf32>
      %broadcast_in_dim3A_736 = arith.constant 3 : i32
      %broadcast_in_dim3A_737 = vector.broadcast %broadcast_in_dim3A_736 : i32 to vector<16xi32>
      %gather3A_738 = tpu.vector_load_idx %arg12[%add3A_605, %broadcast_in_dim3A_737] : memref<80x8xf32, #tpu.memory_space<vmem>>[vector<16xi32>, vector<16xi32>], vector<16xf32>,
      %broadcast_in_dim3A_739 = arith.constant 15 : i32
      %broadcast_in_dim3A_740 = vector.broadcast %broadcast_in_dim3A_739 : i32 to vector<16xi32>
      %gather3A_741 = tpu.vector_load_idx %arg10[%add3A_605, %broadcast_in_dim3A_740] : memref<80x32xf32, #tpu.memory_space<vmem>>[vector<16xi32>, vector<16xi32>], vector<16xf32>,
      %mul3A_742 = arith.mulf %gather3A_738, %gather3A_741 : vector<16xf32>
      %add3A_743 = arith.addf %add3A_735, %mul3A_742 : vector<16xf32>
      %mul3A_744 = arith.constant 0.353553385 : f32
      %mul3A_745 = vector.broadcast %mul3A_744 : f32 to vector<16xf32>
      %mul3A_746 = arith.mulf %add3A_743, %mul3A_745 : vector<16xf32>
      %exp3A_747 = math.exp %mul3A_746 : vector<16xf32>
      %broadcast_in_dim3A_748 = arith.constant 1 : i32
      %broadcast_in_dim3A_749 = vector.broadcast %broadcast_in_dim3A_748 : i32 to vector<16xi32>
      tpu.vector_store_idx %arg13[%add3A_605, %broadcast_in_dim3A_749], %exp3A_747 : memref<80x4xf32, #tpu.memory_space<vmem>>[vector<16xi32>, vector<16xi32>], vector<16xf32>,
      %broadcast_in_dim3A_750 = arith.constant 0.000000e+00 : f32
      %broadcast_in_dim3A_751 = vector.broadcast %broadcast_in_dim3A_750 : f32 to vector<16xf32>
      %broadcast_in_dim3A_752 = arith.constant 12 : i32
      %broadcast_in_dim3A_753 = vector.broadcast %broadcast_in_dim3A_752 : i32 to vector<16xi32>
      %gather3A_754 = tpu.vector_load_idx %arg11[%add3A_605, %broadcast_in_dim3A_753] : memref<80x24xf32, #tpu.memory_space<vmem>>[vector<16xi32>, vector<16xi32>], vector<16xf32>,
      %broadcast_in_dim3A_755 = arith.constant 16 : i32
      %broadcast_in_dim3A_756 = vector.broadcast %broadcast_in_dim3A_755 : i32 to vector<16xi32>
      %gather3A_757 = tpu.vector_load_idx %arg10[%add3A_605, %broadcast_in_dim3A_756] : memref<80x32xf32, #tpu.memory_space<vmem>>[vector<16xi32>, vector<16xi32>], vector<16xf32>,
      %mul3A_758 = arith.mulf %gather3A_754, %gather3A_757 : vector<16xf32>
      %add3A_759 = arith.addf %broadcast_in_dim3A_751, %mul3A_758 : vector<16xf32>
      %broadcast_in_dim3A_760 = arith.constant 13 : i32
      %broadcast_in_dim3A_761 = vector.broadcast %broadcast_in_dim3A_760 : i32 to vector<16xi32>
      %gather3A_762 = tpu.vector_load_idx %arg11[%add3A_605, %broadcast_in_dim3A_761] : memref<80x24xf32, #tpu.memory_space<vmem>>[vector<16xi32>, vector<16xi32>], vector<16xf32>,
      %broadcast_in_dim3A_763 = arith.constant 17 : i32
      %broadcast_in_dim3A_764 = vector.broadcast %broadcast_in_dim3A_763 : i32 to vector<16xi32>
      %gather3A_765 = tpu.vector_load_idx %arg10[%add3A_605, %broadcast_in_dim3A_764] : memref<80x32xf32, #tpu.memory_space<vmem>>[vector<16xi32>, vector<16xi32>], vector<16xf32>,
      %mul3A_766 = arith.mulf %gather3A_762, %gather3A_765 : vector<16xf32>
      %add3A_767 = arith.addf %add3A_759, %mul3A_766 : vector<16xf32>
      %broadcast_in_dim3A_768 = arith.constant 14 : i32
      %broadcast_in_dim3A_769 = vector.broadcast %broadcast_in_dim3A_768 : i32 to vector<16xi32>
      %gather3A_770 = tpu.vector_load_idx %arg11[%add3A_605, %broadcast_in_dim3A_769] : memref<80x24xf32, #tpu.memory_space<vmem>>[vector<16xi32>, vector<16xi32>], vector<16xf32>,
      %broadcast_in_dim3A_771 = arith.constant 18 : i32
      %broadcast_in_dim3A_772 = vector.broadcast %broadcast_in_dim3A_771 : i32 to vector<16xi32>
      %gather3A_773 = tpu.vector_load_idx %arg10[%add3A_605, %broadcast_in_dim3A_772] : memref<80x32xf32, #tpu.memory_space<vmem>>[vector<16xi32>, vector<16xi32>], vector<16xf32>,
      %mul3A_774 = arith.mulf %gather3A_770, %gather3A_773 : vector<16xf32>
      %add3A_775 = arith.addf %add3A_767, %mul3A_774 : vector<16xf32>
      %broadcast_in_dim3A_776 = arith.constant 15 : i32
      %broadcast_in_dim3A_777 = vector.broadcast %broadcast_in_dim3A_776 : i32 to vector<16xi32>
      %gather3A_778 = tpu.vector_load_idx %arg11[%add3A_605, %broadcast_in_dim3A_777] : memref<80x24xf32, #tpu.memory_space<vmem>>[vector<16xi32>, vector<16xi32>], vector<16xf32>,
      %broadcast_in_dim3A_779 = arith.constant 19 : i32
      %broadcast_in_dim3A_780 = vector.broadcast %broadcast_in_dim3A_779 : i32 to vector<16xi32>
      %gather3A_781 = tpu.vector_load_idx %arg10[%add3A_605, %broadcast_in_dim3A_780] : memref<80x32xf32, #tpu.memory_space<vmem>>[vector<16xi32>, vector<16xi32>], vector<16xf32>,
      %mul3A_782 = arith.mulf %gather3A_778, %gather3A_781 : vector<16xf32>
      %add3A_783 = arith.addf %add3A_775, %mul3A_782 : vector<16xf32>
      %broadcast_in_dim3A_784 = arith.constant 16 : i32
      %broadcast_in_dim3A_785 = vector.broadcast %broadcast_in_dim3A_784 : i32 to vector<16xi32>
      %gather3A_786 = tpu.vector_load_idx %arg11[%add3A_605, %broadcast_in_dim3A_785] : memref<80x24xf32, #tpu.memory_space<vmem>>[vector<16xi32>, vector<16xi32>], vector<16xf32>,
      %broadcast_in_dim3A_787 = arith.constant 20 : i32
      %broadcast_in_dim3A_788 = vector.broadcast %broadcast_in_dim3A_787 : i32 to vector<16xi32>
      %gather3A_789 = tpu.vector_load_idx %arg10[%add3A_605, %broadcast_in_dim3A_788] : memref<80x32xf32, #tpu.memory_space<vmem>>[vector<16xi32>, vector<16xi32>], vector<16xf32>,
      %mul3A_790 = arith.mulf %gather3A_786, %gather3A_789 : vector<16xf32>
      %add3A_791 = arith.addf %add3A_783, %mul3A_790 : vector<16xf32>
      %broadcast_in_dim3A_792 = arith.constant 17 : i32
      %broadcast_in_dim3A_793 = vector.broadcast %broadcast_in_dim3A_792 : i32 to vector<16xi32>
      %gather3A_794 = tpu.vector_load_idx %arg11[%add3A_605, %broadcast_in_dim3A_793] : memref<80x24xf32, #tpu.memory_space<vmem>>[vector<16xi32>, vector<16xi32>], vector<16xf32>,
      %broadcast_in_dim3A_795 = arith.constant 21 : i32
      %broadcast_in_dim3A_796 = vector.broadcast %broadcast_in_dim3A_795 : i32 to vector<16xi32>
      %gather3A_797 = tpu.vector_load_idx %arg10[%add3A_605, %broadcast_in_dim3A_796] : memref<80x32xf32, #tpu.memory_space<vmem>>[vector<16xi32>, vector<16xi32>], vector<16xf32>,
      %mul3A_798 = arith.mulf %gather3A_794, %gather3A_797 : vector<16xf32>
      %add3A_799 = arith.addf %add3A_791, %mul3A_798 : vector<16xf32>
      %broadcast_in_dim3A_800 = arith.constant 4 : i32
      %broadcast_in_dim3A_801 = vector.broadcast %broadcast_in_dim3A_800 : i32 to vector<16xi32>
      %gather3A_802 = tpu.vector_load_idx %arg12[%add3A_605, %broadcast_in_dim3A_801] : memref<80x8xf32, #tpu.memory_space<vmem>>[vector<16xi32>, vector<16xi32>], vector<16xf32>,
      %broadcast_in_dim3A_803 = arith.constant 22 : i32
      %broadcast_in_dim3A_804 = vector.broadcast %broadcast_in_dim3A_803 : i32 to vector<16xi32>
      %gather3A_805 = tpu.vector_load_idx %arg10[%add3A_605, %broadcast_in_dim3A_804] : memref<80x32xf32, #tpu.memory_space<vmem>>[vector<16xi32>, vector<16xi32>], vector<16xf32>,
      %mul3A_806 = arith.mulf %gather3A_802, %gather3A_805 : vector<16xf32>
      %add3A_807 = arith.addf %add3A_799, %mul3A_806 : vector<16xf32>
      %broadcast_in_dim3A_808 = arith.constant 5 : i32
      %broadcast_in_dim3A_809 = vector.broadcast %broadcast_in_dim3A_808 : i32 to vector<16xi32>
      %gather3A_810 = tpu.vector_load_idx %arg12[%add3A_605, %broadcast_in_dim3A_809] : memref<80x8xf32, #tpu.memory_space<vmem>>[vector<16xi32>, vector<16xi32>], vector<16xf32>,
      %broadcast_in_dim3A_811 = arith.constant 23 : i32
      %broadcast_in_dim3A_812 = vector.broadcast %broadcast_in_dim3A_811 : i32 to vector<16xi32>
      %gather3A_813 = tpu.vector_load_idx %arg10[%add3A_605, %broadcast_in_dim3A_812] : memref<80x32xf32, #tpu.memory_space<vmem>>[vector<16xi32>, vector<16xi32>], vector<16xf32>,
      %mul3A_814 = arith.mulf %gather3A_810, %gather3A_813 : vector<16xf32>
      %add3A_815 = arith.addf %add3A_807, %mul3A_814 : vector<16xf32>
      %mul3A_816 = arith.constant 0.353553385 : f32
      %mul3A_817 = vector.broadcast %mul3A_816 : f32 to vector<16xf32>
      %mul3A_818 = arith.mulf %add3A_815, %mul3A_817 : vector<16xf32>
      %exp3A_819 = math.exp %mul3A_818 : vector<16xf32>
      %broadcast_in_dim3A_820 = arith.constant 2 : i32
      %broadcast_in_dim3A_821 = vector.broadcast %broadcast_in_dim3A_820 : i32 to vector<16xi32>
      tpu.vector_store_idx %arg13[%add3A_605, %broadcast_in_dim3A_821], %exp3A_819 : memref<80x4xf32, #tpu.memory_space<vmem>>[vector<16xi32>, vector<16xi32>], vector<16xf32>,
      %broadcast_in_dim3A_822 = arith.constant 0.000000e+00 : f32
      %broadcast_in_dim3A_823 = vector.broadcast %broadcast_in_dim3A_822 : f32 to vector<16xf32>
      %broadcast_in_dim3A_824 = arith.constant 18 : i32
      %broadcast_in_dim3A_825 = vector.broadcast %broadcast_in_dim3A_824 : i32 to vector<16xi32>
      %gather3A_826 = tpu.vector_load_idx %arg11[%add3A_605, %broadcast_in_dim3A_825] : memref<80x24xf32, #tpu.memory_space<vmem>>[vector<16xi32>, vector<16xi32>], vector<16xf32>,
      %broadcast_in_dim3A_827 = arith.constant 24 : i32
      %broadcast_in_dim3A_828 = vector.broadcast %broadcast_in_dim3A_827 : i32 to vector<16xi32>
      %gather3A_829 = tpu.vector_load_idx %arg10[%add3A_605, %broadcast_in_dim3A_828] : memref<80x32xf32, #tpu.memory_space<vmem>>[vector<16xi32>, vector<16xi32>], vector<16xf32>,
      %mul3A_830 = arith.mulf %gather3A_826, %gather3A_829 : vector<16xf32>
      %add3A_831 = arith.addf %broadcast_in_dim3A_823, %mul3A_830 : vector<16xf32>
      %broadcast_in_dim3A_832 = arith.constant 19 : i32
      %broadcast_in_dim3A_833 = vector.broadcast %broadcast_in_dim3A_832 : i32 to vector<16xi32>
      %gather3A_834 = tpu.vector_load_idx %arg11[%add3A_605, %broadcast_in_dim3A_833] : memref<80x24xf32, #tpu.memory_space<vmem>>[vector<16xi32>, vector<16xi32>], vector<16xf32>,
      %broadcast_in_dim3A_835 = arith.constant 25 : i32
      %broadcast_in_dim3A_836 = vector.broadcast %broadcast_in_dim3A_835 : i32 to vector<16xi32>
      %gather3A_837 = tpu.vector_load_idx %arg10[%add3A_605, %broadcast_in_dim3A_836] : memref<80x32xf32, #tpu.memory_space<vmem>>[vector<16xi32>, vector<16xi32>], vector<16xf32>,
      %mul3A_838 = arith.mulf %gather3A_834, %gather3A_837 : vector<16xf32>
      %add3A_839 = arith.addf %add3A_831, %mul3A_838 : vector<16xf32>
      %broadcast_in_dim3A_840 = arith.constant 20 : i32
      %broadcast_in_dim3A_841 = vector.broadcast %broadcast_in_dim3A_840 : i32 to vector<16xi32>
      %gather3A_842 = tpu.vector_load_idx %arg11[%add3A_605, %broadcast_in_dim3A_841] : memref<80x24xf32, #tpu.memory_space<vmem>>[vector<16xi32>, vector<16xi32>], vector<16xf32>,
      %broadcast_in_dim3A_843 = arith.constant 26 : i32
      %broadcast_in_dim3A_844 = vector.broadcast %broadcast_in_dim3A_843 : i32 to vector<16xi32>
      %gather3A_845 = tpu.vector_load_idx %arg10[%add3A_605, %broadcast_in_dim3A_844] : memref<80x32xf32, #tpu.memory_space<vmem>>[vector<16xi32>, vector<16xi32>], vector<16xf32>,
      %mul3A_846 = arith.mulf %gather3A_842, %gather3A_845 : vector<16xf32>
      %add3A_847 = arith.addf %add3A_839, %mul3A_846 : vector<16xf32>
      %broadcast_in_dim3A_848 = arith.constant 21 : i32
      %broadcast_in_dim3A_849 = vector.broadcast %broadcast_in_dim3A_848 : i32 to vector<16xi32>
      %gather3A_850 = tpu.vector_load_idx %arg11[%add3A_605, %broadcast_in_dim3A_849] : memref<80x24xf32, #tpu.memory_space<vmem>>[vector<16xi32>, vector<16xi32>], vector<16xf32>,
      %broadcast_in_dim3A_851 = arith.constant 27 : i32
      %broadcast_in_dim3A_852 = vector.broadcast %broadcast_in_dim3A_851 : i32 to vector<16xi32>
      %gather3A_853 = tpu.vector_load_idx %arg10[%add3A_605, %broadcast_in_dim3A_852] : memref<80x32xf32, #tpu.memory_space<vmem>>[vector<16xi32>, vector<16xi32>], vector<16xf32>,
      %mul3A_854 = arith.mulf %gather3A_850, %gather3A_853 : vector<16xf32>
      %add3A_855 = arith.addf %add3A_847, %mul3A_854 : vector<16xf32>
      %broadcast_in_dim3A_856 = arith.constant 22 : i32
      %broadcast_in_dim3A_857 = vector.broadcast %broadcast_in_dim3A_856 : i32 to vector<16xi32>
      %gather3A_858 = tpu.vector_load_idx %arg11[%add3A_605, %broadcast_in_dim3A_857] : memref<80x24xf32, #tpu.memory_space<vmem>>[vector<16xi32>, vector<16xi32>], vector<16xf32>,
      %broadcast_in_dim3A_859 = arith.constant 28 : i32
      %broadcast_in_dim3A_860 = vector.broadcast %broadcast_in_dim3A_859 : i32 to vector<16xi32>
      %gather3A_861 = tpu.vector_load_idx %arg10[%add3A_605, %broadcast_in_dim3A_860] : memref<80x32xf32, #tpu.memory_space<vmem>>[vector<16xi32>, vector<16xi32>], vector<16xf32>,
      %mul3A_862 = arith.mulf %gather3A_858, %gather3A_861 : vector<16xf32>
      %add3A_863 = arith.addf %add3A_855, %mul3A_862 : vector<16xf32>
      %broadcast_in_dim3A_864 = arith.constant 23 : i32
      %broadcast_in_dim3A_865 = vector.broadcast %broadcast_in_dim3A_864 : i32 to vector<16xi32>
      %gather3A_866 = tpu.vector_load_idx %arg11[%add3A_605, %broadcast_in_dim3A_865] : memref<80x24xf32, #tpu.memory_space<vmem>>[vector<16xi32>, vector<16xi32>], vector<16xf32>,
      %broadcast_in_dim3A_867 = arith.constant 29 : i32
      %broadcast_in_dim3A_868 = vector.broadcast %broadcast_in_dim3A_867 : i32 to vector<16xi32>
      %gather3A_869 = tpu.vector_load_idx %arg10[%add3A_605, %broadcast_in_dim3A_868] : memref<80x32xf32, #tpu.memory_space<vmem>>[vector<16xi32>, vector<16xi32>], vector<16xf32>,
      %mul3A_870 = arith.mulf %gather3A_866, %gather3A_869 : vector<16xf32>
      %add3A_871 = arith.addf %add3A_863, %mul3A_870 : vector<16xf32>
      %broadcast_in_dim3A_872 = arith.constant 6 : i32
      %broadcast_in_dim3A_873 = vector.broadcast %broadcast_in_dim3A_872 : i32 to vector<16xi32>
      %gather3A_874 = tpu.vector_load_idx %arg12[%add3A_605, %broadcast_in_dim3A_873] : memref<80x8xf32, #tpu.memory_space<vmem>>[vector<16xi32>, vector<16xi32>], vector<16xf32>,
      %broadcast_in_dim3A_875 = arith.constant 30 : i32
      %broadcast_in_dim3A_876 = vector.broadcast %broadcast_in_dim3A_875 : i32 to vector<16xi32>
      %gather3A_877 = tpu.vector_load_idx %arg10[%add3A_605, %broadcast_in_dim3A_876] : memref<80x32xf32, #tpu.memory_space<vmem>>[vector<16xi32>, vector<16xi32>], vector<16xf32>,
      %mul3A_878 = arith.mulf %gather3A_874, %gather3A_877 : vector<16xf32>
      %add3A_879 = arith.addf %add3A_871, %mul3A_878 : vector<16xf32>
      %broadcast_in_dim3A_880 = arith.constant 7 : i32
      %broadcast_in_dim3A_881 = vector.broadcast %broadcast_in_dim3A_880 : i32 to vector<16xi32>
      %gather3A_882 = tpu.vector_load_idx %arg12[%add3A_605, %broadcast_in_dim3A_881] : memref<80x8xf32, #tpu.memory_space<vmem>>[vector<16xi32>, vector<16xi32>], vector<16xf32>,
      %broadcast_in_dim3A_883 = arith.constant 31 : i32
      %broadcast_in_dim3A_884 = vector.broadcast %broadcast_in_dim3A_883 : i32 to vector<16xi32>
      %gather3A_885 = tpu.vector_load_idx %arg10[%add3A_605, %broadcast_in_dim3A_884] : memref<80x32xf32, #tpu.memory_space<vmem>>[vector<16xi32>, vector<16xi32>], vector<16xf32>,
      %mul3A_886 = arith.mulf %gather3A_882, %gather3A_885 : vector<16xf32>
      %add3A_887 = arith.addf %add3A_879, %mul3A_886 : vector<16xf32>
      %mul3A_888 = arith.constant 0.353553385 : f32
      %mul3A_889 = vector.broadcast %mul3A_888 : f32 to vector<16xf32>
      %mul3A_890 = arith.mulf %add3A_887, %mul3A_889 : vector<16xf32>
      %exp3A_891 = math.exp %mul3A_890 : vector<16xf32>
      %broadcast_in_dim3A_892 = arith.constant 3 : i32
      %broadcast_in_dim3A_893 = vector.broadcast %broadcast_in_dim3A_892 : i32 to vector<16xi32>
      tpu.vector_store_idx %arg13[%add3A_605, %broadcast_in_dim3A_893], %exp3A_891 : memref<80x4xf32, #tpu.memory_space<vmem>>[vector<16xi32>, vector<16xi32>], vector<16xf32>,
      %iota3A_894 = tpu.iota {dimensions = array<i32: 0>} : vector<16xi32>
      %add3A_895 = arith.constant 48 : i32
      %add3A_896 = vector.broadcast %add3A_895 : i32 to vector<16xi32>
      %add3A_897 = arith.addi %iota3A_894, %add3A_896 : vector<16xi32>
      %broadcast_in_dim3A_898 = arith.constant 0.000000e+00 : f32
      %broadcast_in_dim3A_899 = vector.broadcast %broadcast_in_dim3A_898 : f32 to vector<16xf32>
      %broadcast_in_dim3A_900 = arith.constant 0 : i32
      %broadcast_in_dim3A_901 = vector.broadcast %broadcast_in_dim3A_900 : i32 to vector<16xi32>
      %gather3A_902 = tpu.vector_load_idx %arg11[%add3A_897, %broadcast_in_dim3A_901] : memref<80x24xf32, #tpu.memory_space<vmem>>[vector<16xi32>, vector<16xi32>], vector<16xf32>,
      %broadcast_in_dim3A_903 = arith.constant 0 : i32
      %broadcast_in_dim3A_904 = vector.broadcast %broadcast_in_dim3A_903 : i32 to vector<16xi32>
      %gather3A_905 = tpu.vector_load_idx %arg10[%add3A_897, %broadcast_in_dim3A_904] : memref<80x32xf32, #tpu.memory_space<vmem>>[vector<16xi32>, vector<16xi32>], vector<16xf32>,
      %mul3A_906 = arith.mulf %gather3A_902, %gather3A_905 : vector<16xf32>
      %add3A_907 = arith.addf %broadcast_in_dim3A_899, %mul3A_906 : vector<16xf32>
      %broadcast_in_dim3A_908 = arith.constant 1 : i32
      %broadcast_in_dim3A_909 = vector.broadcast %broadcast_in_dim3A_908 : i32 to vector<16xi32>
      %gather3A_910 = tpu.vector_load_idx %arg11[%add3A_897, %broadcast_in_dim3A_909] : memref<80x24xf32, #tpu.memory_space<vmem>>[vector<16xi32>, vector<16xi32>], vector<16xf32>,
      %broadcast_in_dim3A_911 = arith.constant 1 : i32
      %broadcast_in_dim3A_912 = vector.broadcast %broadcast_in_dim3A_911 : i32 to vector<16xi32>
      %gather3A_913 = tpu.vector_load_idx %arg10[%add3A_897, %broadcast_in_dim3A_912] : memref<80x32xf32, #tpu.memory_space<vmem>>[vector<16xi32>, vector<16xi32>], vector<16xf32>,
      %mul3A_914 = arith.mulf %gather3A_910, %gather3A_913 : vector<16xf32>
      %add3A_915 = arith.addf %add3A_907, %mul3A_914 : vector<16xf32>
      %broadcast_in_dim3A_916 = arith.constant 2 : i32
      %broadcast_in_dim3A_917 = vector.broadcast %broadcast_in_dim3A_916 : i32 to vector<16xi32>
      %gather3A_918 = tpu.vector_load_idx %arg11[%add3A_897, %broadcast_in_dim3A_917] : memref<80x24xf32, #tpu.memory_space<vmem>>[vector<16xi32>, vector<16xi32>], vector<16xf32>,
      %broadcast_in_dim3A_919 = arith.constant 2 : i32
      %broadcast_in_dim3A_920 = vector.broadcast %broadcast_in_dim3A_919 : i32 to vector<16xi32>
      %gather3A_921 = tpu.vector_load_idx %arg10[%add3A_897, %broadcast_in_dim3A_920] : memref<80x32xf32, #tpu.memory_space<vmem>>[vector<16xi32>, vector<16xi32>], vector<16xf32>,
      %mul3A_922 = arith.mulf %gather3A_918, %gather3A_921 : vector<16xf32>
      %add3A_923 = arith.addf %add3A_915, %mul3A_922 : vector<16xf32>
      %broadcast_in_dim3A_924 = arith.constant 3 : i32
      %broadcast_in_dim3A_925 = vector.broadcast %broadcast_in_dim3A_924 : i32 to vector<16xi32>
      %gather3A_926 = tpu.vector_load_idx %arg11[%add3A_897, %broadcast_in_dim3A_925] : memref<80x24xf32, #tpu.memory_space<vmem>>[vector<16xi32>, vector<16xi32>], vector<16xf32>,
      %broadcast_in_dim3A_927 = arith.constant 3 : i32
      %broadcast_in_dim3A_928 = vector.broadcast %broadcast_in_dim3A_927 : i32 to vector<16xi32>
      %gather3A_929 = tpu.vector_load_idx %arg10[%add3A_897, %broadcast_in_dim3A_928] : memref<80x32xf32, #tpu.memory_space<vmem>>[vector<16xi32>, vector<16xi32>], vector<16xf32>,
      %mul3A_930 = arith.mulf %gather3A_926, %gather3A_929 : vector<16xf32>
      %add3A_931 = arith.addf %add3A_923, %mul3A_930 : vector<16xf32>
      %broadcast_in_dim3A_932 = arith.constant 4 : i32
      %broadcast_in_dim3A_933 = vector.broadcast %broadcast_in_dim3A_932 : i32 to vector<16xi32>
      %gather3A_934 = tpu.vector_load_idx %arg11[%add3A_897, %broadcast_in_dim3A_933] : memref<80x24xf32, #tpu.memory_space<vmem>>[vector<16xi32>, vector<16xi32>], vector<16xf32>,
      %broadcast_in_dim3A_935 = arith.constant 4 : i32
      %broadcast_in_dim3A_936 = vector.broadcast %broadcast_in_dim3A_935 : i32 to vector<16xi32>
      %gather3A_937 = tpu.vector_load_idx %arg10[%add3A_897, %broadcast_in_dim3A_936] : memref<80x32xf32, #tpu.memory_space<vmem>>[vector<16xi32>, vector<16xi32>], vector<16xf32>,
      %mul3A_938 = arith.mulf %gather3A_934, %gather3A_937 : vector<16xf32>
      %add3A_939 = arith.addf %add3A_931, %mul3A_938 : vector<16xf32>
      %broadcast_in_dim3A_940 = arith.constant 5 : i32
      %broadcast_in_dim3A_941 = vector.broadcast %broadcast_in_dim3A_940 : i32 to vector<16xi32>
      %gather3A_942 = tpu.vector_load_idx %arg11[%add3A_897, %broadcast_in_dim3A_941] : memref<80x24xf32, #tpu.memory_space<vmem>>[vector<16xi32>, vector<16xi32>], vector<16xf32>,
      %broadcast_in_dim3A_943 = arith.constant 5 : i32
      %broadcast_in_dim3A_944 = vector.broadcast %broadcast_in_dim3A_943 : i32 to vector<16xi32>
      %gather3A_945 = tpu.vector_load_idx %arg10[%add3A_897, %broadcast_in_dim3A_944] : memref<80x32xf32, #tpu.memory_space<vmem>>[vector<16xi32>, vector<16xi32>], vector<16xf32>,
      %mul3A_946 = arith.mulf %gather3A_942, %gather3A_945 : vector<16xf32>
      %add3A_947 = arith.addf %add3A_939, %mul3A_946 : vector<16xf32>
      %broadcast_in_dim3A_948 = arith.constant 0 : i32
      %broadcast_in_dim3A_949 = vector.broadcast %broadcast_in_dim3A_948 : i32 to vector<16xi32>
      %gather3A_950 = tpu.vector_load_idx %arg12[%add3A_897, %broadcast_in_dim3A_949] : memref<80x8xf32, #tpu.memory_space<vmem>>[vector<16xi32>, vector<16xi32>], vector<16xf32>,
      %broadcast_in_dim3A_951 = arith.constant 6 : i32
      %broadcast_in_dim3A_952 = vector.broadcast %broadcast_in_dim3A_951 : i32 to vector<16xi32>
      %gather3A_953 = tpu.vector_load_idx %arg10[%add3A_897, %broadcast_in_dim3A_952] : memref<80x32xf32, #tpu.memory_space<vmem>>[vector<16xi32>, vector<16xi32>], vector<16xf32>,
      %mul3A_954 = arith.mulf %gather3A_950, %gather3A_953 : vector<16xf32>
      %add3A_955 = arith.addf %add3A_947, %mul3A_954 : vector<16xf32>
      %broadcast_in_dim3A_956 = arith.constant 1 : i32
      %broadcast_in_dim3A_957 = vector.broadcast %broadcast_in_dim3A_956 : i32 to vector<16xi32>
      %gather3A_958 = tpu.vector_load_idx %arg12[%add3A_897, %broadcast_in_dim3A_957] : memref<80x8xf32, #tpu.memory_space<vmem>>[vector<16xi32>, vector<16xi32>], vector<16xf32>,
      %broadcast_in_dim3A_959 = arith.constant 7 : i32
      %broadcast_in_dim3A_960 = vector.broadcast %broadcast_in_dim3A_959 : i32 to vector<16xi32>
      %gather3A_961 = tpu.vector_load_idx %arg10[%add3A_897, %broadcast_in_dim3A_960] : memref<80x32xf32, #tpu.memory_space<vmem>>[vector<16xi32>, vector<16xi32>], vector<16xf32>,
      %mul3A_962 = arith.mulf %gather3A_958, %gather3A_961 : vector<16xf32>
      %add3A_963 = arith.addf %add3A_955, %mul3A_962 : vector<16xf32>
      %mul3A_964 = arith.constant 0.353553385 : f32
      %mul3A_965 = vector.broadcast %mul3A_964 : f32 to vector<16xf32>
      %mul3A_966 = arith.mulf %add3A_963, %mul3A_965 : vector<16xf32>
      %exp3A_967 = math.exp %mul3A_966 : vector<16xf32>
      %broadcast_in_dim3A_968 = arith.constant 0 : i32
      %broadcast_in_dim3A_969 = vector.broadcast %broadcast_in_dim3A_968 : i32 to vector<16xi32>
      tpu.vector_store_idx %arg13[%add3A_897, %broadcast_in_dim3A_969], %exp3A_967 : memref<80x4xf32, #tpu.memory_space<vmem>>[vector<16xi32>, vector<16xi32>], vector<16xf32>,
      %broadcast_in_dim3A_970 = arith.constant 0.000000e+00 : f32
      %broadcast_in_dim3A_971 = vector.broadcast %broadcast_in_dim3A_970 : f32 to vector<16xf32>
      %broadcast_in_dim3A_972 = arith.constant 6 : i32
      %broadcast_in_dim3A_973 = vector.broadcast %broadcast_in_dim3A_972 : i32 to vector<16xi32>
      %gather3A_974 = tpu.vector_load_idx %arg11[%add3A_897, %broadcast_in_dim3A_973] : memref<80x24xf32, #tpu.memory_space<vmem>>[vector<16xi32>, vector<16xi32>], vector<16xf32>,
      %broadcast_in_dim3A_975 = arith.constant 8 : i32
      %broadcast_in_dim3A_976 = vector.broadcast %broadcast_in_dim3A_975 : i32 to vector<16xi32>
      %gather3A_977 = tpu.vector_load_idx %arg10[%add3A_897, %broadcast_in_dim3A_976] : memref<80x32xf32, #tpu.memory_space<vmem>>[vector<16xi32>, vector<16xi32>], vector<16xf32>,
      %mul3A_978 = arith.mulf %gather3A_974, %gather3A_977 : vector<16xf32>
      %add3A_979 = arith.addf %broadcast_in_dim3A_971, %mul3A_978 : vector<16xf32>
      %broadcast_in_dim3A_980 = arith.constant 7 : i32
      %broadcast_in_dim3A_981 = vector.broadcast %broadcast_in_dim3A_980 : i32 to vector<16xi32>
      %gather3A_982 = tpu.vector_load_idx %arg11[%add3A_897, %broadcast_in_dim3A_981] : memref<80x24xf32, #tpu.memory_space<vmem>>[vector<16xi32>, vector<16xi32>], vector<16xf32>,
      %broadcast_in_dim3A_983 = arith.constant 9 : i32
      %broadcast_in_dim3A_984 = vector.broadcast %broadcast_in_dim3A_983 : i32 to vector<16xi32>
      %gather3A_985 = tpu.vector_load_idx %arg10[%add3A_897, %broadcast_in_dim3A_984] : memref<80x32xf32, #tpu.memory_space<vmem>>[vector<16xi32>, vector<16xi32>], vector<16xf32>,
      %mul3A_986 = arith.mulf %gather3A_982, %gather3A_985 : vector<16xf32>
      %add3A_987 = arith.addf %add3A_979, %mul3A_986 : vector<16xf32>
      %broadcast_in_dim3A_988 = arith.constant 8 : i32
      %broadcast_in_dim3A_989 = vector.broadcast %broadcast_in_dim3A_988 : i32 to vector<16xi32>
      %gather3A_990 = tpu.vector_load_idx %arg11[%add3A_897, %broadcast_in_dim3A_989] : memref<80x24xf32, #tpu.memory_space<vmem>>[vector<16xi32>, vector<16xi32>], vector<16xf32>,
      %broadcast_in_dim3A_991 = arith.constant 10 : i32
      %broadcast_in_dim3A_992 = vector.broadcast %broadcast_in_dim3A_991 : i32 to vector<16xi32>
      %gather3A_993 = tpu.vector_load_idx %arg10[%add3A_897, %broadcast_in_dim3A_992] : memref<80x32xf32, #tpu.memory_space<vmem>>[vector<16xi32>, vector<16xi32>], vector<16xf32>,
      %mul3A_994 = arith.mulf %gather3A_990, %gather3A_993 : vector<16xf32>
      %add3A_995 = arith.addf %add3A_987, %mul3A_994 : vector<16xf32>
      %broadcast_in_dim3A_996 = arith.constant 9 : i32
      %broadcast_in_dim3A_997 = vector.broadcast %broadcast_in_dim3A_996 : i32 to vector<16xi32>
      %gather3A_998 = tpu.vector_load_idx %arg11[%add3A_897, %broadcast_in_dim3A_997] : memref<80x24xf32, #tpu.memory_space<vmem>>[vector<16xi32>, vector<16xi32>], vector<16xf32>,
      %broadcast_in_dim3A_999 = arith.constant 11 : i32
      %broadcast_in_dim3A_1000 = vector.broadcast %broadcast_in_dim3A_999 : i32 to vector<16xi32>
      %gather3A_1001 = tpu.vector_load_idx %arg10[%add3A_897, %broadcast_in_dim3A_1000] : memref<80x32xf32, #tpu.memory_space<vmem>>[vector<16xi32>, vector<16xi32>], vector<16xf32>,
      %mul3A_1002 = arith.mulf %gather3A_998, %gather3A_1001 : vector<16xf32>
      %add3A_1003 = arith.addf %add3A_995, %mul3A_1002 : vector<16xf32>
      %broadcast_in_dim3A_1004 = arith.constant 10 : i32
      %broadcast_in_dim3A_1005 = vector.broadcast %broadcast_in_dim3A_1004 : i32 to vector<16xi32>
      %gather3A_1006 = tpu.vector_load_idx %arg11[%add3A_897, %broadcast_in_dim3A_1005] : memref<80x24xf32, #tpu.memory_space<vmem>>[vector<16xi32>, vector<16xi32>], vector<16xf32>,
      %broadcast_in_dim3A_1007 = arith.constant 12 : i32
      %broadcast_in_dim3A_1008 = vector.broadcast %broadcast_in_dim3A_1007 : i32 to vector<16xi32>
      %gather3A_1009 = tpu.vector_load_idx %arg10[%add3A_897, %broadcast_in_dim3A_1008] : memref<80x32xf32, #tpu.memory_space<vmem>>[vector<16xi32>, vector<16xi32>], vector<16xf32>,
      %mul3A_1010 = arith.mulf %gather3A_1006, %gather3A_1009 : vector<16xf32>
      %add3A_1011 = arith.addf %add3A_1003, %mul3A_1010 : vector<16xf32>
      %broadcast_in_dim3A_1012 = arith.constant 11 : i32
      %broadcast_in_dim3A_1013 = vector.broadcast %broadcast_in_dim3A_1012 : i32 to vector<16xi32>
      %gather3A_1014 = tpu.vector_load_idx %arg11[%add3A_897, %broadcast_in_dim3A_1013] : memref<80x24xf32, #tpu.memory_space<vmem>>[vector<16xi32>, vector<16xi32>], vector<16xf32>,
      %broadcast_in_dim3A_1015 = arith.constant 13 : i32
      %broadcast_in_dim3A_1016 = vector.broadcast %broadcast_in_dim3A_1015 : i32 to vector<16xi32>
      %gather3A_1017 = tpu.vector_load_idx %arg10[%add3A_897, %broadcast_in_dim3A_1016] : memref<80x32xf32, #tpu.memory_space<vmem>>[vector<16xi32>, vector<16xi32>], vector<16xf32>,
      %mul3A_1018 = arith.mulf %gather3A_1014, %gather3A_1017 : vector<16xf32>
      %add3A_1019 = arith.addf %add3A_1011, %mul3A_1018 : vector<16xf32>
      %broadcast_in_dim3A_1020 = arith.constant 2 : i32
      %broadcast_in_dim3A_1021 = vector.broadcast %broadcast_in_dim3A_1020 : i32 to vector<16xi32>
      %gather3A_1022 = tpu.vector_load_idx %arg12[%add3A_897, %broadcast_in_dim3A_1021] : memref<80x8xf32, #tpu.memory_space<vmem>>[vector<16xi32>, vector<16xi32>], vector<16xf32>,
      %broadcast_in_dim3A_1023 = arith.constant 14 : i32
      %broadcast_in_dim3A_1024 = vector.broadcast %broadcast_in_dim3A_1023 : i32 to vector<16xi32>
      %gather3A_1025 = tpu.vector_load_idx %arg10[%add3A_897, %broadcast_in_dim3A_1024] : memref<80x32xf32, #tpu.memory_space<vmem>>[vector<16xi32>, vector<16xi32>], vector<16xf32>,
      %mul3A_1026 = arith.mulf %gather3A_1022, %gather3A_1025 : vector<16xf32>
      %add3A_1027 = arith.addf %add3A_1019, %mul3A_1026 : vector<16xf32>
      %broadcast_in_dim3A_1028 = arith.constant 3 : i32
      %broadcast_in_dim3A_1029 = vector.broadcast %broadcast_in_dim3A_1028 : i32 to vector<16xi32>
      %gather3A_1030 = tpu.vector_load_idx %arg12[%add3A_897, %broadcast_in_dim3A_1029] : memref<80x8xf32, #tpu.memory_space<vmem>>[vector<16xi32>, vector<16xi32>], vector<16xf32>,
      %broadcast_in_dim3A_1031 = arith.constant 15 : i32
      %broadcast_in_dim3A_1032 = vector.broadcast %broadcast_in_dim3A_1031 : i32 to vector<16xi32>
      %gather3A_1033 = tpu.vector_load_idx %arg10[%add3A_897, %broadcast_in_dim3A_1032] : memref<80x32xf32, #tpu.memory_space<vmem>>[vector<16xi32>, vector<16xi32>], vector<16xf32>,
      %mul3A_1034 = arith.mulf %gather3A_1030, %gather3A_1033 : vector<16xf32>
      %add3A_1035 = arith.addf %add3A_1027, %mul3A_1034 : vector<16xf32>
      %mul3A_1036 = arith.constant 0.353553385 : f32
      %mul3A_1037 = vector.broadcast %mul3A_1036 : f32 to vector<16xf32>
      %mul3A_1038 = arith.mulf %add3A_1035, %mul3A_1037 : vector<16xf32>
      %exp3A_1039 = math.exp %mul3A_1038 : vector<16xf32>
      %broadcast_in_dim3A_1040 = arith.constant 1 : i32
      %broadcast_in_dim3A_1041 = vector.broadcast %broadcast_in_dim3A_1040 : i32 to vector<16xi32>
      tpu.vector_store_idx %arg13[%add3A_897, %broadcast_in_dim3A_1041], %exp3A_1039 : memref<80x4xf32, #tpu.memory_space<vmem>>[vector<16xi32>, vector<16xi32>], vector<16xf32>,
      %broadcast_in_dim3A_1042 = arith.constant 0.000000e+00 : f32
      %broadcast_in_dim3A_1043 = vector.broadcast %broadcast_in_dim3A_1042 : f32 to vector<16xf32>
      %broadcast_in_dim3A_1044 = arith.constant 12 : i32
      %broadcast_in_dim3A_1045 = vector.broadcast %broadcast_in_dim3A_1044 : i32 to vector<16xi32>
      %gather3A_1046 = tpu.vector_load_idx %arg11[%add3A_897, %broadcast_in_dim3A_1045] : memref<80x24xf32, #tpu.memory_space<vmem>>[vector<16xi32>, vector<16xi32>], vector<16xf32>,
      %broadcast_in_dim3A_1047 = arith.constant 16 : i32
      %broadcast_in_dim3A_1048 = vector.broadcast %broadcast_in_dim3A_1047 : i32 to vector<16xi32>
      %gather3A_1049 = tpu.vector_load_idx %arg10[%add3A_897, %broadcast_in_dim3A_1048] : memref<80x32xf32, #tpu.memory_space<vmem>>[vector<16xi32>, vector<16xi32>], vector<16xf32>,
      %mul3A_1050 = arith.mulf %gather3A_1046, %gather3A_1049 : vector<16xf32>
      %add3A_1051 = arith.addf %broadcast_in_dim3A_1043, %mul3A_1050 : vector<16xf32>
      %broadcast_in_dim3A_1052 = arith.constant 13 : i32
      %broadcast_in_dim3A_1053 = vector.broadcast %broadcast_in_dim3A_1052 : i32 to vector<16xi32>
      %gather3A_1054 = tpu.vector_load_idx %arg11[%add3A_897, %broadcast_in_dim3A_1053] : memref<80x24xf32, #tpu.memory_space<vmem>>[vector<16xi32>, vector<16xi32>], vector<16xf32>,
      %broadcast_in_dim3A_1055 = arith.constant 17 : i32
      %broadcast_in_dim3A_1056 = vector.broadcast %broadcast_in_dim3A_1055 : i32 to vector<16xi32>
      %gather3A_1057 = tpu.vector_load_idx %arg10[%add3A_897, %broadcast_in_dim3A_1056] : memref<80x32xf32, #tpu.memory_space<vmem>>[vector<16xi32>, vector<16xi32>], vector<16xf32>,
      %mul3A_1058 = arith.mulf %gather3A_1054, %gather3A_1057 : vector<16xf32>
      %add3A_1059 = arith.addf %add3A_1051, %mul3A_1058 : vector<16xf32>
      %broadcast_in_dim3A_1060 = arith.constant 14 : i32
      %broadcast_in_dim3A_1061 = vector.broadcast %broadcast_in_dim3A_1060 : i32 to vector<16xi32>
      %gather3A_1062 = tpu.vector_load_idx %arg11[%add3A_897, %broadcast_in_dim3A_1061] : memref<80x24xf32, #tpu.memory_space<vmem>>[vector<16xi32>, vector<16xi32>], vector<16xf32>,
      %broadcast_in_dim3A_1063 = arith.constant 18 : i32
      %broadcast_in_dim3A_1064 = vector.broadcast %broadcast_in_dim3A_1063 : i32 to vector<16xi32>
      %gather3A_1065 = tpu.vector_load_idx %arg10[%add3A_897, %broadcast_in_dim3A_1064] : memref<80x32xf32, #tpu.memory_space<vmem>>[vector<16xi32>, vector<16xi32>], vector<16xf32>,
      %mul3A_1066 = arith.mulf %gather3A_1062, %gather3A_1065 : vector<16xf32>
      %add3A_1067 = arith.addf %add3A_1059, %mul3A_1066 : vector<16xf32>
      %broadcast_in_dim3A_1068 = arith.constant 15 : i32
      %broadcast_in_dim3A_1069 = vector.broadcast %broadcast_in_dim3A_1068 : i32 to vector<16xi32>
      %gather3A_1070 = tpu.vector_load_idx %arg11[%add3A_897, %broadcast_in_dim3A_1069] : memref<80x24xf32, #tpu.memory_space<vmem>>[vector<16xi32>, vector<16xi32>], vector<16xf32>,
      %broadcast_in_dim3A_1071 = arith.constant 19 : i32
      %broadcast_in_dim3A_1072 = vector.broadcast %broadcast_in_dim3A_1071 : i32 to vector<16xi32>
      %gather3A_1073 = tpu.vector_load_idx %arg10[%add3A_897, %broadcast_in_dim3A_1072] : memref<80x32xf32, #tpu.memory_space<vmem>>[vector<16xi32>, vector<16xi32>], vector<16xf32>,
      %mul3A_1074 = arith.mulf %gather3A_1070, %gather3A_1073 : vector<16xf32>
      %add3A_1075 = arith.addf %add3A_1067, %mul3A_1074 : vector<16xf32>
      %broadcast_in_dim3A_1076 = arith.constant 16 : i32
      %broadcast_in_dim3A_1077 = vector.broadcast %broadcast_in_dim3A_1076 : i32 to vector<16xi32>
      %gather3A_1078 = tpu.vector_load_idx %arg11[%add3A_897, %broadcast_in_dim3A_1077] : memref<80x24xf32, #tpu.memory_space<vmem>>[vector<16xi32>, vector<16xi32>], vector<16xf32>,
      %broadcast_in_dim3A_1079 = arith.constant 20 : i32
      %broadcast_in_dim3A_1080 = vector.broadcast %broadcast_in_dim3A_1079 : i32 to vector<16xi32>
      %gather3A_1081 = tpu.vector_load_idx %arg10[%add3A_897, %broadcast_in_dim3A_1080] : memref<80x32xf32, #tpu.memory_space<vmem>>[vector<16xi32>, vector<16xi32>], vector<16xf32>,
      %mul3A_1082 = arith.mulf %gather3A_1078, %gather3A_1081 : vector<16xf32>
      %add3A_1083 = arith.addf %add3A_1075, %mul3A_1082 : vector<16xf32>
      %broadcast_in_dim3A_1084 = arith.constant 17 : i32
      %broadcast_in_dim3A_1085 = vector.broadcast %broadcast_in_dim3A_1084 : i32 to vector<16xi32>
      %gather3A_1086 = tpu.vector_load_idx %arg11[%add3A_897, %broadcast_in_dim3A_1085] : memref<80x24xf32, #tpu.memory_space<vmem>>[vector<16xi32>, vector<16xi32>], vector<16xf32>,
      %broadcast_in_dim3A_1087 = arith.constant 21 : i32
      %broadcast_in_dim3A_1088 = vector.broadcast %broadcast_in_dim3A_1087 : i32 to vector<16xi32>
      %gather3A_1089 = tpu.vector_load_idx %arg10[%add3A_897, %broadcast_in_dim3A_1088] : memref<80x32xf32, #tpu.memory_space<vmem>>[vector<16xi32>, vector<16xi32>], vector<16xf32>,
      %mul3A_1090 = arith.mulf %gather3A_1086, %gather3A_1089 : vector<16xf32>
      %add3A_1091 = arith.addf %add3A_1083, %mul3A_1090 : vector<16xf32>
      %broadcast_in_dim3A_1092 = arith.constant 4 : i32
      %broadcast_in_dim3A_1093 = vector.broadcast %broadcast_in_dim3A_1092 : i32 to vector<16xi32>
      %gather3A_1094 = tpu.vector_load_idx %arg12[%add3A_897, %broadcast_in_dim3A_1093] : memref<80x8xf32, #tpu.memory_space<vmem>>[vector<16xi32>, vector<16xi32>], vector<16xf32>,
      %broadcast_in_dim3A_1095 = arith.constant 22 : i32
      %broadcast_in_dim3A_1096 = vector.broadcast %broadcast_in_dim3A_1095 : i32 to vector<16xi32>
      %gather3A_1097 = tpu.vector_load_idx %arg10[%add3A_897, %broadcast_in_dim3A_1096] : memref<80x32xf32, #tpu.memory_space<vmem>>[vector<16xi32>, vector<16xi32>], vector<16xf32>,
      %mul3A_1098 = arith.mulf %gather3A_1094, %gather3A_1097 : vector<16xf32>
      %add3A_1099 = arith.addf %add3A_1091, %mul3A_1098 : vector<16xf32>
      %broadcast_in_dim3A_1100 = arith.constant 5 : i32
      %broadcast_in_dim3A_1101 = vector.broadcast %broadcast_in_dim3A_1100 : i32 to vector<16xi32>
      %gather3A_1102 = tpu.vector_load_idx %arg12[%add3A_897, %broadcast_in_dim3A_1101] : memref<80x8xf32, #tpu.memory_space<vmem>>[vector<16xi32>, vector<16xi32>], vector<16xf32>,
      %broadcast_in_dim3A_1103 = arith.constant 23 : i32
      %broadcast_in_dim3A_1104 = vector.broadcast %broadcast_in_dim3A_1103 : i32 to vector<16xi32>
      %gather3A_1105 = tpu.vector_load_idx %arg10[%add3A_897, %broadcast_in_dim3A_1104] : memref<80x32xf32, #tpu.memory_space<vmem>>[vector<16xi32>, vector<16xi32>], vector<16xf32>,
      %mul3A_1106 = arith.mulf %gather3A_1102, %gather3A_1105 : vector<16xf32>
      %add3A_1107 = arith.addf %add3A_1099, %mul3A_1106 : vector<16xf32>
      %mul3A_1108 = arith.constant 0.353553385 : f32
      %mul3A_1109 = vector.broadcast %mul3A_1108 : f32 to vector<16xf32>
      %mul3A_1110 = arith.mulf %add3A_1107, %mul3A_1109 : vector<16xf32>
      %exp3A_1111 = math.exp %mul3A_1110 : vector<16xf32>
      %broadcast_in_dim3A_1112 = arith.constant 2 : i32
      %broadcast_in_dim3A_1113 = vector.broadcast %broadcast_in_dim3A_1112 : i32 to vector<16xi32>
      tpu.vector_store_idx %arg13[%add3A_897, %broadcast_in_dim3A_1113], %exp3A_1111 : memref<80x4xf32, #tpu.memory_space<vmem>>[vector<16xi32>, vector<16xi32>], vector<16xf32>,
      %broadcast_in_dim3A_1114 = arith.constant 0.000000e+00 : f32
      %broadcast_in_dim3A_1115 = vector.broadcast %broadcast_in_dim3A_1114 : f32 to vector<16xf32>
      %broadcast_in_dim3A_1116 = arith.constant 18 : i32
      %broadcast_in_dim3A_1117 = vector.broadcast %broadcast_in_dim3A_1116 : i32 to vector<16xi32>
      %gather3A_1118 = tpu.vector_load_idx %arg11[%add3A_897, %broadcast_in_dim3A_1117] : memref<80x24xf32, #tpu.memory_space<vmem>>[vector<16xi32>, vector<16xi32>], vector<16xf32>,
      %broadcast_in_dim3A_1119 = arith.constant 24 : i32
      %broadcast_in_dim3A_1120 = vector.broadcast %broadcast_in_dim3A_1119 : i32 to vector<16xi32>
      %gather3A_1121 = tpu.vector_load_idx %arg10[%add3A_897, %broadcast_in_dim3A_1120] : memref<80x32xf32, #tpu.memory_space<vmem>>[vector<16xi32>, vector<16xi32>], vector<16xf32>,
      %mul3A_1122 = arith.mulf %gather3A_1118, %gather3A_1121 : vector<16xf32>
      %add3A_1123 = arith.addf %broadcast_in_dim3A_1115, %mul3A_1122 : vector<16xf32>
      %broadcast_in_dim3A_1124 = arith.constant 19 : i32
      %broadcast_in_dim3A_1125 = vector.broadcast %broadcast_in_dim3A_1124 : i32 to vector<16xi32>
      %gather3A_1126 = tpu.vector_load_idx %arg11[%add3A_897, %broadcast_in_dim3A_1125] : memref<80x24xf32, #tpu.memory_space<vmem>>[vector<16xi32>, vector<16xi32>], vector<16xf32>,
      %broadcast_in_dim3A_1127 = arith.constant 25 : i32
      %broadcast_in_dim3A_1128 = vector.broadcast %broadcast_in_dim3A_1127 : i32 to vector<16xi32>
      %gather3A_1129 = tpu.vector_load_idx %arg10[%add3A_897, %broadcast_in_dim3A_1128] : memref<80x32xf32, #tpu.memory_space<vmem>>[vector<16xi32>, vector<16xi32>], vector<16xf32>,
      %mul3A_1130 = arith.mulf %gather3A_1126, %gather3A_1129 : vector<16xf32>
      %add3A_1131 = arith.addf %add3A_1123, %mul3A_1130 : vector<16xf32>
      %broadcast_in_dim3A_1132 = arith.constant 20 : i32
      %broadcast_in_dim3A_1133 = vector.broadcast %broadcast_in_dim3A_1132 : i32 to vector<16xi32>
      %gather3A_1134 = tpu.vector_load_idx %arg11[%add3A_897, %broadcast_in_dim3A_1133] : memref<80x24xf32, #tpu.memory_space<vmem>>[vector<16xi32>, vector<16xi32>], vector<16xf32>,
      %broadcast_in_dim3A_1135 = arith.constant 26 : i32
      %broadcast_in_dim3A_1136 = vector.broadcast %broadcast_in_dim3A_1135 : i32 to vector<16xi32>
      %gather3A_1137 = tpu.vector_load_idx %arg10[%add3A_897, %broadcast_in_dim3A_1136] : memref<80x32xf32, #tpu.memory_space<vmem>>[vector<16xi32>, vector<16xi32>], vector<16xf32>,
      %mul3A_1138 = arith.mulf %gather3A_1134, %gather3A_1137 : vector<16xf32>
      %add3A_1139 = arith.addf %add3A_1131, %mul3A_1138 : vector<16xf32>
      %broadcast_in_dim3A_1140 = arith.constant 21 : i32
      %broadcast_in_dim3A_1141 = vector.broadcast %broadcast_in_dim3A_1140 : i32 to vector<16xi32>
      %gather3A_1142 = tpu.vector_load_idx %arg11[%add3A_897, %broadcast_in_dim3A_1141] : memref<80x24xf32, #tpu.memory_space<vmem>>[vector<16xi32>, vector<16xi32>], vector<16xf32>,
      %broadcast_in_dim3A_1143 = arith.constant 27 : i32
      %broadcast_in_dim3A_1144 = vector.broadcast %broadcast_in_dim3A_1143 : i32 to vector<16xi32>
      %gather3A_1145 = tpu.vector_load_idx %arg10[%add3A_897, %broadcast_in_dim3A_1144] : memref<80x32xf32, #tpu.memory_space<vmem>>[vector<16xi32>, vector<16xi32>], vector<16xf32>,
      %mul3A_1146 = arith.mulf %gather3A_1142, %gather3A_1145 : vector<16xf32>
      %add3A_1147 = arith.addf %add3A_1139, %mul3A_1146 : vector<16xf32>
      %broadcast_in_dim3A_1148 = arith.constant 22 : i32
      %broadcast_in_dim3A_1149 = vector.broadcast %broadcast_in_dim3A_1148 : i32 to vector<16xi32>
      %gather3A_1150 = tpu.vector_load_idx %arg11[%add3A_897, %broadcast_in_dim3A_1149] : memref<80x24xf32, #tpu.memory_space<vmem>>[vector<16xi32>, vector<16xi32>], vector<16xf32>,
      %broadcast_in_dim3A_1151 = arith.constant 28 : i32
      %broadcast_in_dim3A_1152 = vector.broadcast %broadcast_in_dim3A_1151 : i32 to vector<16xi32>
      %gather3A_1153 = tpu.vector_load_idx %arg10[%add3A_897, %broadcast_in_dim3A_1152] : memref<80x32xf32, #tpu.memory_space<vmem>>[vector<16xi32>, vector<16xi32>], vector<16xf32>,
      %mul3A_1154 = arith.mulf %gather3A_1150, %gather3A_1153 : vector<16xf32>
      %add3A_1155 = arith.addf %add3A_1147, %mul3A_1154 : vector<16xf32>
      %broadcast_in_dim3A_1156 = arith.constant 23 : i32
      %broadcast_in_dim3A_1157 = vector.broadcast %broadcast_in_dim3A_1156 : i32 to vector<16xi32>
      %gather3A_1158 = tpu.vector_load_idx %arg11[%add3A_897, %broadcast_in_dim3A_1157] : memref<80x24xf32, #tpu.memory_space<vmem>>[vector<16xi32>, vector<16xi32>], vector<16xf32>,
      %broadcast_in_dim3A_1159 = arith.constant 29 : i32
      %broadcast_in_dim3A_1160 = vector.broadcast %broadcast_in_dim3A_1159 : i32 to vector<16xi32>
      %gather3A_1161 = tpu.vector_load_idx %arg10[%add3A_897, %broadcast_in_dim3A_1160] : memref<80x32xf32, #tpu.memory_space<vmem>>[vector<16xi32>, vector<16xi32>], vector<16xf32>,
      %mul3A_1162 = arith.mulf %gather3A_1158, %gather3A_1161 : vector<16xf32>
      %add3A_1163 = arith.addf %add3A_1155, %mul3A_1162 : vector<16xf32>
      %broadcast_in_dim3A_1164 = arith.constant 6 : i32
      %broadcast_in_dim3A_1165 = vector.broadcast %broadcast_in_dim3A_1164 : i32 to vector<16xi32>
      %gather3A_1166 = tpu.vector_load_idx %arg12[%add3A_897, %broadcast_in_dim3A_1165] : memref<80x8xf32, #tpu.memory_space<vmem>>[vector<16xi32>, vector<16xi32>], vector<16xf32>,
      %broadcast_in_dim3A_1167 = arith.constant 30 : i32
      %broadcast_in_dim3A_1168 = vector.broadcast %broadcast_in_dim3A_1167 : i32 to vector<16xi32>
      %gather3A_1169 = tpu.vector_load_idx %arg10[%add3A_897, %broadcast_in_dim3A_1168] : memref<80x32xf32, #tpu.memory_space<vmem>>[vector<16xi32>, vector<16xi32>], vector<16xf32>,
      %mul3A_1170 = arith.mulf %gather3A_1166, %gather3A_1169 : vector<16xf32>
      %add3A_1171 = arith.addf %add3A_1163, %mul3A_1170 : vector<16xf32>
      %broadcast_in_dim3A_1172 = arith.constant 7 : i32
      %broadcast_in_dim3A_1173 = vector.broadcast %broadcast_in_dim3A_1172 : i32 to vector<16xi32>
      %gather3A_1174 = tpu.vector_load_idx %arg12[%add3A_897, %broadcast_in_dim3A_1173] : memref<80x8xf32, #tpu.memory_space<vmem>>[vector<16xi32>, vector<16xi32>], vector<16xf32>,
      %broadcast_in_dim3A_1175 = arith.constant 31 : i32
      %broadcast_in_dim3A_1176 = vector.broadcast %broadcast_in_dim3A_1175 : i32 to vector<16xi32>
      %gather3A_1177 = tpu.vector_load_idx %arg10[%add3A_897, %broadcast_in_dim3A_1176] : memref<80x32xf32, #tpu.memory_space<vmem>>[vector<16xi32>, vector<16xi32>], vector<16xf32>,
      %mul3A_1178 = arith.mulf %gather3A_1174, %gather3A_1177 : vector<16xf32>
      %add3A_1179 = arith.addf %add3A_1171, %mul3A_1178 : vector<16xf32>
      %mul3A_1180 = arith.constant 0.353553385 : f32
      %mul3A_1181 = vector.broadcast %mul3A_1180 : f32 to vector<16xf32>
      %mul3A_1182 = arith.mulf %add3A_1179, %mul3A_1181 : vector<16xf32>
      %exp3A_1183 = math.exp %mul3A_1182 : vector<16xf32>
      %broadcast_in_dim3A_1184 = arith.constant 3 : i32
      %broadcast_in_dim3A_1185 = vector.broadcast %broadcast_in_dim3A_1184 : i32 to vector<16xi32>
      tpu.vector_store_idx %arg13[%add3A_897, %broadcast_in_dim3A_1185], %exp3A_1183 : memref<80x4xf32, #tpu.memory_space<vmem>>[vector<16xi32>, vector<16xi32>], vector<16xf32>,
      %iota3A_1186 = tpu.iota {dimensions = array<i32: 0>} : vector<16xi32>
      %add3A_1187 = arith.constant 64 : i32
      %add3A_1188 = vector.broadcast %add3A_1187 : i32 to vector<16xi32>
      %add3A_1189 = arith.addi %iota3A_1186, %add3A_1188 : vector<16xi32>
      %broadcast_in_dim3A_1190 = arith.constant 0.000000e+00 : f32
      %broadcast_in_dim3A_1191 = vector.broadcast %broadcast_in_dim3A_1190 : f32 to vector<16xf32>
      %broadcast_in_dim3A_1192 = arith.constant 0 : i32
      %broadcast_in_dim3A_1193 = vector.broadcast %broadcast_in_dim3A_1192 : i32 to vector<16xi32>
      %gather3A_1194 = tpu.vector_load_idx %arg11[%add3A_1189, %broadcast_in_dim3A_1193] : memref<80x24xf32, #tpu.memory_space<vmem>>[vector<16xi32>, vector<16xi32>], vector<16xf32>,
      %broadcast_in_dim3A_1195 = arith.constant 0 : i32
      %broadcast_in_dim3A_1196 = vector.broadcast %broadcast_in_dim3A_1195 : i32 to vector<16xi32>
      %gather3A_1197 = tpu.vector_load_idx %arg10[%add3A_1189, %broadcast_in_dim3A_1196] : memref<80x32xf32, #tpu.memory_space<vmem>>[vector<16xi32>, vector<16xi32>], vector<16xf32>,
      %mul3A_1198 = arith.mulf %gather3A_1194, %gather3A_1197 : vector<16xf32>
      %add3A_1199 = arith.addf %broadcast_in_dim3A_1191, %mul3A_1198 : vector<16xf32>
      %broadcast_in_dim3A_1200 = arith.constant 1 : i32
      %broadcast_in_dim3A_1201 = vector.broadcast %broadcast_in_dim3A_1200 : i32 to vector<16xi32>
      %gather3A_1202 = tpu.vector_load_idx %arg11[%add3A_1189, %broadcast_in_dim3A_1201] : memref<80x24xf32, #tpu.memory_space<vmem>>[vector<16xi32>, vector<16xi32>], vector<16xf32>,
      %broadcast_in_dim3A_1203 = arith.constant 1 : i32
      %broadcast_in_dim3A_1204 = vector.broadcast %broadcast_in_dim3A_1203 : i32 to vector<16xi32>
      %gather3A_1205 = tpu.vector_load_idx %arg10[%add3A_1189, %broadcast_in_dim3A_1204] : memref<80x32xf32, #tpu.memory_space<vmem>>[vector<16xi32>, vector<16xi32>], vector<16xf32>,
      %mul3A_1206 = arith.mulf %gather3A_1202, %gather3A_1205 : vector<16xf32>
      %add3A_1207 = arith.addf %add3A_1199, %mul3A_1206 : vector<16xf32>
      %broadcast_in_dim3A_1208 = arith.constant 2 : i32
      %broadcast_in_dim3A_1209 = vector.broadcast %broadcast_in_dim3A_1208 : i32 to vector<16xi32>
      %gather3A_1210 = tpu.vector_load_idx %arg11[%add3A_1189, %broadcast_in_dim3A_1209] : memref<80x24xf32, #tpu.memory_space<vmem>>[vector<16xi32>, vector<16xi32>], vector<16xf32>,
      %broadcast_in_dim3A_1211 = arith.constant 2 : i32
      %broadcast_in_dim3A_1212 = vector.broadcast %broadcast_in_dim3A_1211 : i32 to vector<16xi32>
      %gather3A_1213 = tpu.vector_load_idx %arg10[%add3A_1189, %broadcast_in_dim3A_1212] : memref<80x32xf32, #tpu.memory_space<vmem>>[vector<16xi32>, vector<16xi32>], vector<16xf32>,
      %mul3A_1214 = arith.mulf %gather3A_1210, %gather3A_1213 : vector<16xf32>
      %add3A_1215 = arith.addf %add3A_1207, %mul3A_1214 : vector<16xf32>
      %broadcast_in_dim3A_1216 = arith.constant 3 : i32
      %broadcast_in_dim3A_1217 = vector.broadcast %broadcast_in_dim3A_1216 : i32 to vector<16xi32>
      %gather3A_1218 = tpu.vector_load_idx %arg11[%add3A_1189, %broadcast_in_dim3A_1217] : memref<80x24xf32, #tpu.memory_space<vmem>>[vector<16xi32>, vector<16xi32>], vector<16xf32>,
      %broadcast_in_dim3A_1219 = arith.constant 3 : i32
      %broadcast_in_dim3A_1220 = vector.broadcast %broadcast_in_dim3A_1219 : i32 to vector<16xi32>
      %gather3A_1221 = tpu.vector_load_idx %arg10[%add3A_1189, %broadcast_in_dim3A_1220] : memref<80x32xf32, #tpu.memory_space<vmem>>[vector<16xi32>, vector<16xi32>], vector<16xf32>,
      %mul3A_1222 = arith.mulf %gather3A_1218, %gather3A_1221 : vector<16xf32>
      %add3A_1223 = arith.addf %add3A_1215, %mul3A_1222 : vector<16xf32>
      %broadcast_in_dim3A_1224 = arith.constant 4 : i32
      %broadcast_in_dim3A_1225 = vector.broadcast %broadcast_in_dim3A_1224 : i32 to vector<16xi32>
      %gather3A_1226 = tpu.vector_load_idx %arg11[%add3A_1189, %broadcast_in_dim3A_1225] : memref<80x24xf32, #tpu.memory_space<vmem>>[vector<16xi32>, vector<16xi32>], vector<16xf32>,
      %broadcast_in_dim3A_1227 = arith.constant 4 : i32
      %broadcast_in_dim3A_1228 = vector.broadcast %broadcast_in_dim3A_1227 : i32 to vector<16xi32>
      %gather3A_1229 = tpu.vector_load_idx %arg10[%add3A_1189, %broadcast_in_dim3A_1228] : memref<80x32xf32, #tpu.memory_space<vmem>>[vector<16xi32>, vector<16xi32>], vector<16xf32>,
      %mul3A_1230 = arith.mulf %gather3A_1226, %gather3A_1229 : vector<16xf32>
      %add3A_1231 = arith.addf %add3A_1223, %mul3A_1230 : vector<16xf32>
      %broadcast_in_dim3A_1232 = arith.constant 5 : i32
      %broadcast_in_dim3A_1233 = vector.broadcast %broadcast_in_dim3A_1232 : i32 to vector<16xi32>
      %gather3A_1234 = tpu.vector_load_idx %arg11[%add3A_1189, %broadcast_in_dim3A_1233] : memref<80x24xf32, #tpu.memory_space<vmem>>[vector<16xi32>, vector<16xi32>], vector<16xf32>,
      %broadcast_in_dim3A_1235 = arith.constant 5 : i32
      %broadcast_in_dim3A_1236 = vector.broadcast %broadcast_in_dim3A_1235 : i32 to vector<16xi32>
      %gather3A_1237 = tpu.vector_load_idx %arg10[%add3A_1189, %broadcast_in_dim3A_1236] : memref<80x32xf32, #tpu.memory_space<vmem>>[vector<16xi32>, vector<16xi32>], vector<16xf32>,
      %mul3A_1238 = arith.mulf %gather3A_1234, %gather3A_1237 : vector<16xf32>
      %add3A_1239 = arith.addf %add3A_1231, %mul3A_1238 : vector<16xf32>
      %broadcast_in_dim3A_1240 = arith.constant 0 : i32
      %broadcast_in_dim3A_1241 = vector.broadcast %broadcast_in_dim3A_1240 : i32 to vector<16xi32>
      %gather3A_1242 = tpu.vector_load_idx %arg12[%add3A_1189, %broadcast_in_dim3A_1241] : memref<80x8xf32, #tpu.memory_space<vmem>>[vector<16xi32>, vector<16xi32>], vector<16xf32>,
      %broadcast_in_dim3A_1243 = arith.constant 6 : i32
      %broadcast_in_dim3A_1244 = vector.broadcast %broadcast_in_dim3A_1243 : i32 to vector<16xi32>
      %gather3A_1245 = tpu.vector_load_idx %arg10[%add3A_1189, %broadcast_in_dim3A_1244] : memref<80x32xf32, #tpu.memory_space<vmem>>[vector<16xi32>, vector<16xi32>], vector<16xf32>,
      %mul3A_1246 = arith.mulf %gather3A_1242, %gather3A_1245 : vector<16xf32>
      %add3A_1247 = arith.addf %add3A_1239, %mul3A_1246 : vector<16xf32>
      %broadcast_in_dim3A_1248 = arith.constant 1 : i32
      %broadcast_in_dim3A_1249 = vector.broadcast %broadcast_in_dim3A_1248 : i32 to vector<16xi32>
      %gather3A_1250 = tpu.vector_load_idx %arg12[%add3A_1189, %broadcast_in_dim3A_1249] : memref<80x8xf32, #tpu.memory_space<vmem>>[vector<16xi32>, vector<16xi32>], vector<16xf32>,
      %broadcast_in_dim3A_1251 = arith.constant 7 : i32
      %broadcast_in_dim3A_1252 = vector.broadcast %broadcast_in_dim3A_1251 : i32 to vector<16xi32>
      %gather3A_1253 = tpu.vector_load_idx %arg10[%add3A_1189, %broadcast_in_dim3A_1252] : memref<80x32xf32, #tpu.memory_space<vmem>>[vector<16xi32>, vector<16xi32>], vector<16xf32>,
      %mul3A_1254 = arith.mulf %gather3A_1250, %gather3A_1253 : vector<16xf32>
      %add3A_1255 = arith.addf %add3A_1247, %mul3A_1254 : vector<16xf32>
      %mul3A_1256 = arith.constant 0.353553385 : f32
      %mul3A_1257 = vector.broadcast %mul3A_1256 : f32 to vector<16xf32>
      %mul3A_1258 = arith.mulf %add3A_1255, %mul3A_1257 : vector<16xf32>
      %exp3A_1259 = math.exp %mul3A_1258 : vector<16xf32>
      %broadcast_in_dim3A_1260 = arith.constant 0 : i32
      %broadcast_in_dim3A_1261 = vector.broadcast %broadcast_in_dim3A_1260 : i32 to vector<16xi32>
      tpu.vector_store_idx %arg13[%add3A_1189, %broadcast_in_dim3A_1261], %exp3A_1259 : memref<80x4xf32, #tpu.memory_space<vmem>>[vector<16xi32>, vector<16xi32>], vector<16xf32>,
      %broadcast_in_dim3A_1262 = arith.constant 0.000000e+00 : f32
      %broadcast_in_dim3A_1263 = vector.broadcast %broadcast_in_dim3A_1262 : f32 to vector<16xf32>
      %broadcast_in_dim3A_1264 = arith.constant 6 : i32
      %broadcast_in_dim3A_1265 = vector.broadcast %broadcast_in_dim3A_1264 : i32 to vector<16xi32>
      %gather3A_1266 = tpu.vector_load_idx %arg11[%add3A_1189, %broadcast_in_dim3A_1265] : memref<80x24xf32, #tpu.memory_space<vmem>>[vector<16xi32>, vector<16xi32>], vector<16xf32>,
      %broadcast_in_dim3A_1267 = arith.constant 8 : i32
      %broadcast_in_dim3A_1268 = vector.broadcast %broadcast_in_dim3A_1267 : i32 to vector<16xi32>
      %gather3A_1269 = tpu.vector_load_idx %arg10[%add3A_1189, %broadcast_in_dim3A_1268] : memref<80x32xf32, #tpu.memory_space<vmem>>[vector<16xi32>, vector<16xi32>], vector<16xf32>,
      %mul3A_1270 = arith.mulf %gather3A_1266, %gather3A_1269 : vector<16xf32>
      %add3A_1271 = arith.addf %broadcast_in_dim3A_1263, %mul3A_1270 : vector<16xf32>
      %broadcast_in_dim3A_1272 = arith.constant 7 : i32
      %broadcast_in_dim3A_1273 = vector.broadcast %broadcast_in_dim3A_1272 : i32 to vector<16xi32>
      %gather3A_1274 = tpu.vector_load_idx %arg11[%add3A_1189, %broadcast_in_dim3A_1273] : memref<80x24xf32, #tpu.memory_space<vmem>>[vector<16xi32>, vector<16xi32>], vector<16xf32>,
      %broadcast_in_dim3A_1275 = arith.constant 9 : i32
      %broadcast_in_dim3A_1276 = vector.broadcast %broadcast_in_dim3A_1275 : i32 to vector<16xi32>
      %gather3A_1277 = tpu.vector_load_idx %arg10[%add3A_1189, %broadcast_in_dim3A_1276] : memref<80x32xf32, #tpu.memory_space<vmem>>[vector<16xi32>, vector<16xi32>], vector<16xf32>,
      %mul3A_1278 = arith.mulf %gather3A_1274, %gather3A_1277 : vector<16xf32>
      %add3A_1279 = arith.addf %add3A_1271, %mul3A_1278 : vector<16xf32>
      %broadcast_in_dim3A_1280 = arith.constant 8 : i32
      %broadcast_in_dim3A_1281 = vector.broadcast %broadcast_in_dim3A_1280 : i32 to vector<16xi32>
      %gather3A_1282 = tpu.vector_load_idx %arg11[%add3A_1189, %broadcast_in_dim3A_1281] : memref<80x24xf32, #tpu.memory_space<vmem>>[vector<16xi32>, vector<16xi32>], vector<16xf32>,
      %broadcast_in_dim3A_1283 = arith.constant 10 : i32
      %broadcast_in_dim3A_1284 = vector.broadcast %broadcast_in_dim3A_1283 : i32 to vector<16xi32>
      %gather3A_1285 = tpu.vector_load_idx %arg10[%add3A_1189, %broadcast_in_dim3A_1284] : memref<80x32xf32, #tpu.memory_space<vmem>>[vector<16xi32>, vector<16xi32>], vector<16xf32>,
      %mul3A_1286 = arith.mulf %gather3A_1282, %gather3A_1285 : vector<16xf32>
      %add3A_1287 = arith.addf %add3A_1279, %mul3A_1286 : vector<16xf32>
      %broadcast_in_dim3A_1288 = arith.constant 9 : i32
      %broadcast_in_dim3A_1289 = vector.broadcast %broadcast_in_dim3A_1288 : i32 to vector<16xi32>
      %gather3A_1290 = tpu.vector_load_idx %arg11[%add3A_1189, %broadcast_in_dim3A_1289] : memref<80x24xf32, #tpu.memory_space<vmem>>[vector<16xi32>, vector<16xi32>], vector<16xf32>,
      %broadcast_in_dim3A_1291 = arith.constant 11 : i32
      %broadcast_in_dim3A_1292 = vector.broadcast %broadcast_in_dim3A_1291 : i32 to vector<16xi32>
      %gather3A_1293 = tpu.vector_load_idx %arg10[%add3A_1189, %broadcast_in_dim3A_1292] : memref<80x32xf32, #tpu.memory_space<vmem>>[vector<16xi32>, vector<16xi32>], vector<16xf32>,
      %mul3A_1294 = arith.mulf %gather3A_1290, %gather3A_1293 : vector<16xf32>
      %add3A_1295 = arith.addf %add3A_1287, %mul3A_1294 : vector<16xf32>
      %broadcast_in_dim3A_1296 = arith.constant 10 : i32
      %broadcast_in_dim3A_1297 = vector.broadcast %broadcast_in_dim3A_1296 : i32 to vector<16xi32>
      %gather3A_1298 = tpu.vector_load_idx %arg11[%add3A_1189, %broadcast_in_dim3A_1297] : memref<80x24xf32, #tpu.memory_space<vmem>>[vector<16xi32>, vector<16xi32>], vector<16xf32>,
      %broadcast_in_dim3A_1299 = arith.constant 12 : i32
      %broadcast_in_dim3A_1300 = vector.broadcast %broadcast_in_dim3A_1299 : i32 to vector<16xi32>
      %gather3A_1301 = tpu.vector_load_idx %arg10[%add3A_1189, %broadcast_in_dim3A_1300] : memref<80x32xf32, #tpu.memory_space<vmem>>[vector<16xi32>, vector<16xi32>], vector<16xf32>,
      %mul3A_1302 = arith.mulf %gather3A_1298, %gather3A_1301 : vector<16xf32>
      %add3A_1303 = arith.addf %add3A_1295, %mul3A_1302 : vector<16xf32>
      %broadcast_in_dim3A_1304 = arith.constant 11 : i32
      %broadcast_in_dim3A_1305 = vector.broadcast %broadcast_in_dim3A_1304 : i32 to vector<16xi32>
      %gather3A_1306 = tpu.vector_load_idx %arg11[%add3A_1189, %broadcast_in_dim3A_1305] : memref<80x24xf32, #tpu.memory_space<vmem>>[vector<16xi32>, vector<16xi32>], vector<16xf32>,
      %broadcast_in_dim3A_1307 = arith.constant 13 : i32
      %broadcast_in_dim3A_1308 = vector.broadcast %broadcast_in_dim3A_1307 : i32 to vector<16xi32>
      %gather3A_1309 = tpu.vector_load_idx %arg10[%add3A_1189, %broadcast_in_dim3A_1308] : memref<80x32xf32, #tpu.memory_space<vmem>>[vector<16xi32>, vector<16xi32>], vector<16xf32>,
      %mul3A_1310 = arith.mulf %gather3A_1306, %gather3A_1309 : vector<16xf32>
      %add3A_1311 = arith.addf %add3A_1303, %mul3A_1310 : vector<16xf32>
      %broadcast_in_dim3A_1312 = arith.constant 2 : i32
      %broadcast_in_dim3A_1313 = vector.broadcast %broadcast_in_dim3A_1312 : i32 to vector<16xi32>
      %gather3A_1314 = tpu.vector_load_idx %arg12[%add3A_1189, %broadcast_in_dim3A_1313] : memref<80x8xf32, #tpu.memory_space<vmem>>[vector<16xi32>, vector<16xi32>], vector<16xf32>,
      %broadcast_in_dim3A_1315 = arith.constant 14 : i32
      %broadcast_in_dim3A_1316 = vector.broadcast %broadcast_in_dim3A_1315 : i32 to vector<16xi32>
      %gather3A_1317 = tpu.vector_load_idx %arg10[%add3A_1189, %broadcast_in_dim3A_1316] : memref<80x32xf32, #tpu.memory_space<vmem>>[vector<16xi32>, vector<16xi32>], vector<16xf32>,
      %mul3A_1318 = arith.mulf %gather3A_1314, %gather3A_1317 : vector<16xf32>
      %add3A_1319 = arith.addf %add3A_1311, %mul3A_1318 : vector<16xf32>
      %broadcast_in_dim3A_1320 = arith.constant 3 : i32
      %broadcast_in_dim3A_1321 = vector.broadcast %broadcast_in_dim3A_1320 : i32 to vector<16xi32>
      %gather3A_1322 = tpu.vector_load_idx %arg12[%add3A_1189, %broadcast_in_dim3A_1321] : memref<80x8xf32, #tpu.memory_space<vmem>>[vector<16xi32>, vector<16xi32>], vector<16xf32>,
      %broadcast_in_dim3A_1323 = arith.constant 15 : i32
      %broadcast_in_dim3A_1324 = vector.broadcast %broadcast_in_dim3A_1323 : i32 to vector<16xi32>
      %gather3A_1325 = tpu.vector_load_idx %arg10[%add3A_1189, %broadcast_in_dim3A_1324] : memref<80x32xf32, #tpu.memory_space<vmem>>[vector<16xi32>, vector<16xi32>], vector<16xf32>,
      %mul3A_1326 = arith.mulf %gather3A_1322, %gather3A_1325 : vector<16xf32>
      %add3A_1327 = arith.addf %add3A_1319, %mul3A_1326 : vector<16xf32>
      %mul3A_1328 = arith.constant 0.353553385 : f32
      %mul3A_1329 = vector.broadcast %mul3A_1328 : f32 to vector<16xf32>
      %mul3A_1330 = arith.mulf %add3A_1327, %mul3A_1329 : vector<16xf32>
      %exp3A_1331 = math.exp %mul3A_1330 : vector<16xf32>
      %broadcast_in_dim3A_1332 = arith.constant 1 : i32
      %broadcast_in_dim3A_1333 = vector.broadcast %broadcast_in_dim3A_1332 : i32 to vector<16xi32>
      tpu.vector_store_idx %arg13[%add3A_1189, %broadcast_in_dim3A_1333], %exp3A_1331 : memref<80x4xf32, #tpu.memory_space<vmem>>[vector<16xi32>, vector<16xi32>], vector<16xf32>,
      %broadcast_in_dim3A_1334 = arith.constant 0.000000e+00 : f32
      %broadcast_in_dim3A_1335 = vector.broadcast %broadcast_in_dim3A_1334 : f32 to vector<16xf32>
      %broadcast_in_dim3A_1336 = arith.constant 12 : i32
      %broadcast_in_dim3A_1337 = vector.broadcast %broadcast_in_dim3A_1336 : i32 to vector<16xi32>
      %gather3A_1338 = tpu.vector_load_idx %arg11[%add3A_1189, %broadcast_in_dim3A_1337] : memref<80x24xf32, #tpu.memory_space<vmem>>[vector<16xi32>, vector<16xi32>], vector<16xf32>,
      %broadcast_in_dim3A_1339 = arith.constant 16 : i32
      %broadcast_in_dim3A_1340 = vector.broadcast %broadcast_in_dim3A_1339 : i32 to vector<16xi32>
      %gather3A_1341 = tpu.vector_load_idx %arg10[%add3A_1189, %broadcast_in_dim3A_1340] : memref<80x32xf32, #tpu.memory_space<vmem>>[vector<16xi32>, vector<16xi32>], vector<16xf32>,
      %mul3A_1342 = arith.mulf %gather3A_1338, %gather3A_1341 : vector<16xf32>
      %add3A_1343 = arith.addf %broadcast_in_dim3A_1335, %mul3A_1342 : vector<16xf32>
      %broadcast_in_dim3A_1344 = arith.constant 13 : i32
      %broadcast_in_dim3A_1345 = vector.broadcast %broadcast_in_dim3A_1344 : i32 to vector<16xi32>
      %gather3A_1346 = tpu.vector_load_idx %arg11[%add3A_1189, %broadcast_in_dim3A_1345] : memref<80x24xf32, #tpu.memory_space<vmem>>[vector<16xi32>, vector<16xi32>], vector<16xf32>,
      %broadcast_in_dim3A_1347 = arith.constant 17 : i32
      %broadcast_in_dim3A_1348 = vector.broadcast %broadcast_in_dim3A_1347 : i32 to vector<16xi32>
      %gather3A_1349 = tpu.vector_load_idx %arg10[%add3A_1189, %broadcast_in_dim3A_1348] : memref<80x32xf32, #tpu.memory_space<vmem>>[vector<16xi32>, vector<16xi32>], vector<16xf32>,
      %mul3A_1350 = arith.mulf %gather3A_1346, %gather3A_1349 : vector<16xf32>
      %add3A_1351 = arith.addf %add3A_1343, %mul3A_1350 : vector<16xf32>
      %broadcast_in_dim3A_1352 = arith.constant 14 : i32
      %broadcast_in_dim3A_1353 = vector.broadcast %broadcast_in_dim3A_1352 : i32 to vector<16xi32>
      %gather3A_1354 = tpu.vector_load_idx %arg11[%add3A_1189, %broadcast_in_dim3A_1353] : memref<80x24xf32, #tpu.memory_space<vmem>>[vector<16xi32>, vector<16xi32>], vector<16xf32>,
      %broadcast_in_dim3A_1355 = arith.constant 18 : i32
      %broadcast_in_dim3A_1356 = vector.broadcast %broadcast_in_dim3A_1355 : i32 to vector<16xi32>
      %gather3A_1357 = tpu.vector_load_idx %arg10[%add3A_1189, %broadcast_in_dim3A_1356] : memref<80x32xf32, #tpu.memory_space<vmem>>[vector<16xi32>, vector<16xi32>], vector<16xf32>,
      %mul3A_1358 = arith.mulf %gather3A_1354, %gather3A_1357 : vector<16xf32>
      %add3A_1359 = arith.addf %add3A_1351, %mul3A_1358 : vector<16xf32>
      %broadcast_in_dim3A_1360 = arith.constant 15 : i32
      %broadcast_in_dim3A_1361 = vector.broadcast %broadcast_in_dim3A_1360 : i32 to vector<16xi32>
      %gather3A_1362 = tpu.vector_load_idx %arg11[%add3A_1189, %broadcast_in_dim3A_1361] : memref<80x24xf32, #tpu.memory_space<vmem>>[vector<16xi32>, vector<16xi32>], vector<16xf32>,
      %broadcast_in_dim3A_1363 = arith.constant 19 : i32
      %broadcast_in_dim3A_1364 = vector.broadcast %broadcast_in_dim3A_1363 : i32 to vector<16xi32>
      %gather3A_1365 = tpu.vector_load_idx %arg10[%add3A_1189, %broadcast_in_dim3A_1364] : memref<80x32xf32, #tpu.memory_space<vmem>>[vector<16xi32>, vector<16xi32>], vector<16xf32>,
      %mul3A_1366 = arith.mulf %gather3A_1362, %gather3A_1365 : vector<16xf32>
      %add3A_1367 = arith.addf %add3A_1359, %mul3A_1366 : vector<16xf32>
      %broadcast_in_dim3A_1368 = arith.constant 16 : i32
      %broadcast_in_dim3A_1369 = vector.broadcast %broadcast_in_dim3A_1368 : i32 to vector<16xi32>
      %gather3A_1370 = tpu.vector_load_idx %arg11[%add3A_1189, %broadcast_in_dim3A_1369] : memref<80x24xf32, #tpu.memory_space<vmem>>[vector<16xi32>, vector<16xi32>], vector<16xf32>,
      %broadcast_in_dim3A_1371 = arith.constant 20 : i32
      %broadcast_in_dim3A_1372 = vector.broadcast %broadcast_in_dim3A_1371 : i32 to vector<16xi32>
      %gather3A_1373 = tpu.vector_load_idx %arg10[%add3A_1189, %broadcast_in_dim3A_1372] : memref<80x32xf32, #tpu.memory_space<vmem>>[vector<16xi32>, vector<16xi32>], vector<16xf32>,
      %mul3A_1374 = arith.mulf %gather3A_1370, %gather3A_1373 : vector<16xf32>
      %add3A_1375 = arith.addf %add3A_1367, %mul3A_1374 : vector<16xf32>
      %broadcast_in_dim3A_1376 = arith.constant 17 : i32
      %broadcast_in_dim3A_1377 = vector.broadcast %broadcast_in_dim3A_1376 : i32 to vector<16xi32>
      %gather3A_1378 = tpu.vector_load_idx %arg11[%add3A_1189, %broadcast_in_dim3A_1377] : memref<80x24xf32, #tpu.memory_space<vmem>>[vector<16xi32>, vector<16xi32>], vector<16xf32>,
      %broadcast_in_dim3A_1379 = arith.constant 21 : i32
      %broadcast_in_dim3A_1380 = vector.broadcast %broadcast_in_dim3A_1379 : i32 to vector<16xi32>
      %gather3A_1381 = tpu.vector_load_idx %arg10[%add3A_1189, %broadcast_in_dim3A_1380] : memref<80x32xf32, #tpu.memory_space<vmem>>[vector<16xi32>, vector<16xi32>], vector<16xf32>,
      %mul3A_1382 = arith.mulf %gather3A_1378, %gather3A_1381 : vector<16xf32>
      %add3A_1383 = arith.addf %add3A_1375, %mul3A_1382 : vector<16xf32>
      %broadcast_in_dim3A_1384 = arith.constant 4 : i32
      %broadcast_in_dim3A_1385 = vector.broadcast %broadcast_in_dim3A_1384 : i32 to vector<16xi32>
      %gather3A_1386 = tpu.vector_load_idx %arg12[%add3A_1189, %broadcast_in_dim3A_1385] : memref<80x8xf32, #tpu.memory_space<vmem>>[vector<16xi32>, vector<16xi32>], vector<16xf32>,
      %broadcast_in_dim3A_1387 = arith.constant 22 : i32
      %broadcast_in_dim3A_1388 = vector.broadcast %broadcast_in_dim3A_1387 : i32 to vector<16xi32>
      %gather3A_1389 = tpu.vector_load_idx %arg10[%add3A_1189, %broadcast_in_dim3A_1388] : memref<80x32xf32, #tpu.memory_space<vmem>>[vector<16xi32>, vector<16xi32>], vector<16xf32>,
      %mul3A_1390 = arith.mulf %gather3A_1386, %gather3A_1389 : vector<16xf32>
      %add3A_1391 = arith.addf %add3A_1383, %mul3A_1390 : vector<16xf32>
      %broadcast_in_dim3A_1392 = arith.constant 5 : i32
      %broadcast_in_dim3A_1393 = vector.broadcast %broadcast_in_dim3A_1392 : i32 to vector<16xi32>
      %gather3A_1394 = tpu.vector_load_idx %arg12[%add3A_1189, %broadcast_in_dim3A_1393] : memref<80x8xf32, #tpu.memory_space<vmem>>[vector<16xi32>, vector<16xi32>], vector<16xf32>,
      %broadcast_in_dim3A_1395 = arith.constant 23 : i32
      %broadcast_in_dim3A_1396 = vector.broadcast %broadcast_in_dim3A_1395 : i32 to vector<16xi32>
      %gather3A_1397 = tpu.vector_load_idx %arg10[%add3A_1189, %broadcast_in_dim3A_1396] : memref<80x32xf32, #tpu.memory_space<vmem>>[vector<16xi32>, vector<16xi32>], vector<16xf32>,
      %mul3A_1398 = arith.mulf %gather3A_1394, %gather3A_1397 : vector<16xf32>
      %add3A_1399 = arith.addf %add3A_1391, %mul3A_1398 : vector<16xf32>
      %mul3A_1400 = arith.constant 0.353553385 : f32
      %mul3A_1401 = vector.broadcast %mul3A_1400 : f32 to vector<16xf32>
      %mul3A_1402 = arith.mulf %add3A_1399, %mul3A_1401 : vector<16xf32>
      %exp3A_1403 = math.exp %mul3A_1402 : vector<16xf32>
      %broadcast_in_dim3A_1404 = arith.constant 2 : i32
      %broadcast_in_dim3A_1405 = vector.broadcast %broadcast_in_dim3A_1404 : i32 to vector<16xi32>
      tpu.vector_store_idx %arg13[%add3A_1189, %broadcast_in_dim3A_1405], %exp3A_1403 : memref<80x4xf32, #tpu.memory_space<vmem>>[vector<16xi32>, vector<16xi32>], vector<16xf32>,
      %broadcast_in_dim3A_1406 = arith.constant 0.000000e+00 : f32
      %broadcast_in_dim3A_1407 = vector.broadcast %broadcast_in_dim3A_1406 : f32 to vector<16xf32>
      %broadcast_in_dim3A_1408 = arith.constant 18 : i32
      %broadcast_in_dim3A_1409 = vector.broadcast %broadcast_in_dim3A_1408 : i32 to vector<16xi32>
      %gather3A_1410 = tpu.vector_load_idx %arg11[%add3A_1189, %broadcast_in_dim3A_1409] : memref<80x24xf32, #tpu.memory_space<vmem>>[vector<16xi32>, vector<16xi32>], vector<16xf32>,
      %broadcast_in_dim3A_1411 = arith.constant 24 : i32
      %broadcast_in_dim3A_1412 = vector.broadcast %broadcast_in_dim3A_1411 : i32 to vector<16xi32>
      %gather3A_1413 = tpu.vector_load_idx %arg10[%add3A_1189, %broadcast_in_dim3A_1412] : memref<80x32xf32, #tpu.memory_space<vmem>>[vector<16xi32>, vector<16xi32>], vector<16xf32>,
      %mul3A_1414 = arith.mulf %gather3A_1410, %gather3A_1413 : vector<16xf32>
      %add3A_1415 = arith.addf %broadcast_in_dim3A_1407, %mul3A_1414 : vector<16xf32>
      %broadcast_in_dim3A_1416 = arith.constant 19 : i32
      %broadcast_in_dim3A_1417 = vector.broadcast %broadcast_in_dim3A_1416 : i32 to vector<16xi32>
      %gather3A_1418 = tpu.vector_load_idx %arg11[%add3A_1189, %broadcast_in_dim3A_1417] : memref<80x24xf32, #tpu.memory_space<vmem>>[vector<16xi32>, vector<16xi32>], vector<16xf32>,
      %broadcast_in_dim3A_1419 = arith.constant 25 : i32
      %broadcast_in_dim3A_1420 = vector.broadcast %broadcast_in_dim3A_1419 : i32 to vector<16xi32>
      %gather3A_1421 = tpu.vector_load_idx %arg10[%add3A_1189, %broadcast_in_dim3A_1420] : memref<80x32xf32, #tpu.memory_space<vmem>>[vector<16xi32>, vector<16xi32>], vector<16xf32>,
      %mul3A_1422 = arith.mulf %gather3A_1418, %gather3A_1421 : vector<16xf32>
      %add3A_1423 = arith.addf %add3A_1415, %mul3A_1422 : vector<16xf32>
      %broadcast_in_dim3A_1424 = arith.constant 20 : i32
      %broadcast_in_dim3A_1425 = vector.broadcast %broadcast_in_dim3A_1424 : i32 to vector<16xi32>
      %gather3A_1426 = tpu.vector_load_idx %arg11[%add3A_1189, %broadcast_in_dim3A_1425] : memref<80x24xf32, #tpu.memory_space<vmem>>[vector<16xi32>, vector<16xi32>], vector<16xf32>,
      %broadcast_in_dim3A_1427 = arith.constant 26 : i32
      %broadcast_in_dim3A_1428 = vector.broadcast %broadcast_in_dim3A_1427 : i32 to vector<16xi32>
      %gather3A_1429 = tpu.vector_load_idx %arg10[%add3A_1189, %broadcast_in_dim3A_1428] : memref<80x32xf32, #tpu.memory_space<vmem>>[vector<16xi32>, vector<16xi32>], vector<16xf32>,
      %mul3A_1430 = arith.mulf %gather3A_1426, %gather3A_1429 : vector<16xf32>
      %add3A_1431 = arith.addf %add3A_1423, %mul3A_1430 : vector<16xf32>
      %broadcast_in_dim3A_1432 = arith.constant 21 : i32
      %broadcast_in_dim3A_1433 = vector.broadcast %broadcast_in_dim3A_1432 : i32 to vector<16xi32>
      %gather3A_1434 = tpu.vector_load_idx %arg11[%add3A_1189, %broadcast_in_dim3A_1433] : memref<80x24xf32, #tpu.memory_space<vmem>>[vector<16xi32>, vector<16xi32>], vector<16xf32>,
      %broadcast_in_dim3A_1435 = arith.constant 27 : i32
      %broadcast_in_dim3A_1436 = vector.broadcast %broadcast_in_dim3A_1435 : i32 to vector<16xi32>
      %gather3A_1437 = tpu.vector_load_idx %arg10[%add3A_1189, %broadcast_in_dim3A_1436] : memref<80x32xf32, #tpu.memory_space<vmem>>[vector<16xi32>, vector<16xi32>], vector<16xf32>,
      %mul3A_1438 = arith.mulf %gather3A_1434, %gather3A_1437 : vector<16xf32>
      %add3A_1439 = arith.addf %add3A_1431, %mul3A_1438 : vector<16xf32>
      %broadcast_in_dim3A_1440 = arith.constant 22 : i32
      %broadcast_in_dim3A_1441 = vector.broadcast %broadcast_in_dim3A_1440 : i32 to vector<16xi32>
      %gather3A_1442 = tpu.vector_load_idx %arg11[%add3A_1189, %broadcast_in_dim3A_1441] : memref<80x24xf32, #tpu.memory_space<vmem>>[vector<16xi32>, vector<16xi32>], vector<16xf32>,
      %broadcast_in_dim3A_1443 = arith.constant 28 : i32
      %broadcast_in_dim3A_1444 = vector.broadcast %broadcast_in_dim3A_1443 : i32 to vector<16xi32>
      %gather3A_1445 = tpu.vector_load_idx %arg10[%add3A_1189, %broadcast_in_dim3A_1444] : memref<80x32xf32, #tpu.memory_space<vmem>>[vector<16xi32>, vector<16xi32>], vector<16xf32>,
      %mul3A_1446 = arith.mulf %gather3A_1442, %gather3A_1445 : vector<16xf32>
      %add3A_1447 = arith.addf %add3A_1439, %mul3A_1446 : vector<16xf32>
      %broadcast_in_dim3A_1448 = arith.constant 23 : i32
      %broadcast_in_dim3A_1449 = vector.broadcast %broadcast_in_dim3A_1448 : i32 to vector<16xi32>
      %gather3A_1450 = tpu.vector_load_idx %arg11[%add3A_1189, %broadcast_in_dim3A_1449] : memref<80x24xf32, #tpu.memory_space<vmem>>[vector<16xi32>, vector<16xi32>], vector<16xf32>,
      %broadcast_in_dim3A_1451 = arith.constant 29 : i32
      %broadcast_in_dim3A_1452 = vector.broadcast %broadcast_in_dim3A_1451 : i32 to vector<16xi32>
      %gather3A_1453 = tpu.vector_load_idx %arg10[%add3A_1189, %broadcast_in_dim3A_1452] : memref<80x32xf32, #tpu.memory_space<vmem>>[vector<16xi32>, vector<16xi32>], vector<16xf32>,
      %mul3A_1454 = arith.mulf %gather3A_1450, %gather3A_1453 : vector<16xf32>
      %add3A_1455 = arith.addf %add3A_1447, %mul3A_1454 : vector<16xf32>
      %broadcast_in_dim3A_1456 = arith.constant 6 : i32
      %broadcast_in_dim3A_1457 = vector.broadcast %broadcast_in_dim3A_1456 : i32 to vector<16xi32>
      %gather3A_1458 = tpu.vector_load_idx %arg12[%add3A_1189, %broadcast_in_dim3A_1457] : memref<80x8xf32, #tpu.memory_space<vmem>>[vector<16xi32>, vector<16xi32>], vector<16xf32>,
      %broadcast_in_dim3A_1459 = arith.constant 30 : i32
      %broadcast_in_dim3A_1460 = vector.broadcast %broadcast_in_dim3A_1459 : i32 to vector<16xi32>
      %gather3A_1461 = tpu.vector_load_idx %arg10[%add3A_1189, %broadcast_in_dim3A_1460] : memref<80x32xf32, #tpu.memory_space<vmem>>[vector<16xi32>, vector<16xi32>], vector<16xf32>,
      %mul3A_1462 = arith.mulf %gather3A_1458, %gather3A_1461 : vector<16xf32>
      %add3A_1463 = arith.addf %add3A_1455, %mul3A_1462 : vector<16xf32>
      %broadcast_in_dim3A_1464 = arith.constant 7 : i32
      %broadcast_in_dim3A_1465 = vector.broadcast %broadcast_in_dim3A_1464 : i32 to vector<16xi32>
      %gather3A_1466 = tpu.vector_load_idx %arg12[%add3A_1189, %broadcast_in_dim3A_1465] : memref<80x8xf32, #tpu.memory_space<vmem>>[vector<16xi32>, vector<16xi32>], vector<16xf32>,
      %broadcast_in_dim3A_1467 = arith.constant 31 : i32
      %broadcast_in_dim3A_1468 = vector.broadcast %broadcast_in_dim3A_1467 : i32 to vector<16xi32>
      %gather3A_1469 = tpu.vector_load_idx %arg10[%add3A_1189, %broadcast_in_dim3A_1468] : memref<80x32xf32, #tpu.memory_space<vmem>>[vector<16xi32>, vector<16xi32>], vector<16xf32>,
      %mul3A_1470 = arith.mulf %gather3A_1466, %gather3A_1469 : vector<16xf32>
      %add3A_1471 = arith.addf %add3A_1463, %mul3A_1470 : vector<16xf32>
      %mul3A_1472 = arith.constant 0.353553385 : f32
      %mul3A_1473 = vector.broadcast %mul3A_1472 : f32 to vector<16xf32>
      %mul3A_1474 = arith.mulf %add3A_1471, %mul3A_1473 : vector<16xf32>
      %exp3A_1475 = math.exp %mul3A_1474 : vector<16xf32>
      %broadcast_in_dim3A_1476 = arith.constant 3 : i32
      %broadcast_in_dim3A_1477 = vector.broadcast %broadcast_in_dim3A_1476 : i32 to vector<16xi32>
      tpu.vector_store_idx %arg13[%add3A_1189, %broadcast_in_dim3A_1477], %exp3A_1475 : memref<80x4xf32, #tpu.memory_space<vmem>>[vector<16xi32>, vector<16xi32>], vector<16xf32>,
      "tpu.region"() ({
        %run_scoped3A = tpu.sem_alloc : memref<!tpu.dma_semaphore, #tpu.memory_space<semaphore_mem>>
        %dma_start3A_1478 = arith.constant 0 : i32
        %dma_start3A_1479 = tpu.memref_slice %arg7[%add3A_17, %dma_start3A_1478] : memref<1600000x4xf32, #tpu.memory_space<hbm>> -> memref<80x4xf32, #tpu.memory_space<hbm>>
        %dma_start3A_1480 = arith.constant 0 : i32
        %dma_start3A_1481 = tpu.memref_slice %arg7[%add3A_17, %dma_start3A_1480] : memref<1600000x4xf32, #tpu.memory_space<hbm>> -> memref<80x4xf32, #tpu.memory_space<hbm>>
        tpu.enqueue_dma source(%arg13 : memref<80x4xf32, #tpu.memory_space<vmem>>) target(%dma_start3A_1481 : memref<80x4xf32, #tpu.memory_space<hbm>>) target_semaphore(%run_scoped3A : memref<!tpu.dma_semaphore, #tpu.memory_space<semaphore_mem>>)
        %dma_wait3A_1482 = arith.constant 0 : i32
        %dma_wait3A_1483 = tpu.memref_slice %arg7[%add3A_17, %dma_wait3A_1482] : memref<1600000x4xf32, #tpu.memory_space<hbm>> -> memref<80x4xf32, #tpu.memory_space<hbm>>
        %dma_wait3A_1484 = arith.constant 0 : i32
        %dma_wait3A_1485 = tpu.memref_slice %arg7[%add3A_17, %dma_wait3A_1484] : memref<1600000x4xf32, #tpu.memory_space<hbm>> -> memref<80x4xf32, #tpu.memory_space<hbm>>
        tpu.wait_dma2 semaphore(%run_scoped3A : memref<!tpu.dma_semaphore, #tpu.memory_space<semaphore_mem>>) src(%arg13 : memref<80x4xf32, #tpu.memory_space<vmem>>) dst(%dma_wait3A_1485 : memref<80x4xf32, #tpu.memory_space<hbm>>)
        tpu.yield
      }) : () -> ()
      "tpu.region"() ({
        %run_scoped3A = tpu.sem_alloc : memref<!tpu.dma_semaphore, #tpu.memory_space<semaphore_mem>>
        %dma_start3A_1478 = arith.constant 0 : i32
        %dma_start3A_1479 = arith.constant 0 : i32
        %dma_start3A_1480 = tpu.memref_slice %arg14[%dma_start3A_1478, %dma_start3A_1479] : memref<100096x4xf32, #tpu.memory_space<vmem_shared>> -> memref<100096x4xf32, #tpu.memory_space<vmem_shared>>
        tpu.enqueue_indirect_dma source(%arg13 : memref<80x4xf32, #tpu.memory_space<vmem>>) target(%dma_start3A_1480 : memref<100096x4xf32, #tpu.memory_space<vmem_shared>>) offsets(%arg9 : memref<80xi32, #tpu.memory_space<vmem>>) semaphore(%run_scoped3A : memref<!tpu.dma_semaphore, #tpu.memory_space<semaphore_mem>>) {add = true}
        %dma_wait3A_1481 = arith.constant 0 : i32
        %dma_wait3A_1482 = arith.constant 0 : i32
        %dma_wait3A_1483 = tpu.memref_slice %arg14[%dma_wait3A_1481, %dma_wait3A_1482] : memref<100096x4xf32, #tpu.memory_space<vmem_shared>> -> memref<100096x4xf32, #tpu.memory_space<vmem_shared>>
        tpu.wait_indirect_dma semaphore(%run_scoped3A : memref<!tpu.dma_semaphore, #tpu.memory_space<semaphore_mem>>) src(%arg13 : memref<80x4xf32, #tpu.memory_space<vmem>>) dst(%dma_wait3A_1483 : memref<100096x4xf32, #tpu.memory_space<vmem_shared>>)
        tpu.yield
      }) : () -> ()
    }
    %scan3A_7 = arith.constant 625 : i32
    %barrier3A_8 = arith.constant 0 : index
    tpu.barrier barrier_id(%barrier3A_8)
    %mul3A_9 = arith.constant 100096 : i32
    %mul3A_10 = arith.muli %arg0, %mul3A_9 : i32
    %add3A_11 = arith.addi %mul3A_10, %mul3A_2 : i32
    "tpu.region"() ({
      %run_scoped3A = tpu.sem_alloc : memref<!tpu.dma_semaphore, #tpu.memory_space<semaphore_mem>>
      %dma_start3A = arith.constant 0 : i32
      %dma_start3A_12 = tpu.memref_slice %arg8[%add3A_11, %dma_start3A] : memref<200192x4xf32, #tpu.memory_space<hbm>> -> memref<6256x4xf32, #tpu.memory_space<hbm>>
      %dma_start3A_13 = arith.constant 0 : i32
      %dma_start3A_14 = tpu.memref_slice %arg14[%mul3A_2, %dma_start3A_13] : memref<100096x4xf32, #tpu.memory_space<vmem_shared>> -> memref<6256x4xf32, #tpu.memory_space<vmem_shared>>
      tpu.enqueue_dma source(%dma_start3A_14 : memref<6256x4xf32, #tpu.memory_space<vmem_shared>>) target(%dma_start3A_12 : memref<6256x4xf32, #tpu.memory_space<hbm>>) target_semaphore(%run_scoped3A : memref<!tpu.dma_semaphore, #tpu.memory_space<semaphore_mem>>)
      %dma_wait3A = arith.constant 0 : i32
      %dma_wait3A_15 = tpu.memref_slice %arg8[%add3A_11, %dma_wait3A] : memref<200192x4xf32, #tpu.memory_space<hbm>> -> memref<6256x4xf32, #tpu.memory_space<hbm>>
      %dma_wait3A_16 = arith.constant 0 : i32
      %dma_wait3A_17 = tpu.memref_slice %arg14[%mul3A_2, %dma_wait3A_16] : memref<100096x4xf32, #tpu.memory_space<vmem_shared>> -> memref<6256x4xf32, #tpu.memory_space<vmem_shared>>
      tpu.wait_dma2 semaphore(%run_scoped3A : memref<!tpu.dma_semaphore, #tpu.memory_space<semaphore_mem>>) src(%dma_wait3A_17 : memref<6256x4xf32, #tpu.memory_space<vmem_shared>>) dst(%dma_wait3A_15 : memref<6256x4xf32, #tpu.memory_space<hbm>>)
      tpu.yield
    }) : () -> ()
    return
  }
}

#map = affine_map<(d0, d1) -> (0, 0)>
#map1 = affine_map<(d0, d1) -> (0)>
module attributes {stable_mosaic.version = 14 : i64} {
  func.func @_phase2(%arg0: i32, %arg1: i32, %arg2: memref<1600000x4xf32, #tpu.memory_space<hbm>>, %arg3: memref<100096x4xf32, #tpu.memory_space<hbm>>, %arg4: memref<100096x4xf32, #tpu.memory_space<hbm>>, %arg5: memref<1600000xi32, #tpu.memory_space<hbm>>, %arg6: memref<1600000x24xf32, #tpu.memory_space<hbm>>, %arg7: memref<1600000x8xf32, #tpu.memory_space<hbm>>, %arg8: memref<100096x16xf32, #tpu.memory_space<hbm>>, %arg9: memref<200192x16xf32, #tpu.memory_space<hbm>>, %arg10: memref<80xi32, #tpu.memory_space<vmem>>, %arg11: memref<80x4xf32, #tpu.memory_space<vmem>>, %arg12: memref<80x4xf32, #tpu.memory_space<vmem>>, %arg13: memref<80x4xf32, #tpu.memory_space<vmem>>, %arg14: memref<80x24xf32, #tpu.memory_space<vmem>>, %arg15: memref<80x8xf32, #tpu.memory_space<vmem>>, %arg16: memref<80x16xf32, #tpu.memory_space<vmem>>, %arg17: memref<100096x16xf32, #tpu.memory_space<vmem_shared>>, %arg18: memref<!tpu.dma_semaphore, #tpu.memory_space<semaphore_mem>>) attributes {dimension_semantics = [#tpu.dimension_semantics<core_parallel>, #tpu.dimension_semantics<subcore_parallel>], iteration_bounds = array<i64: 2, 16>, scalar_prefetch = 0 : i64, scratch_operands = 9 : i64, tpu.core_type = #tpu.core_type<sc_vector_subcore>, window_params = [{transform_indices = #map}, {transform_indices = #map}, {transform_indices = #map}, {transform_indices = #map1}, {transform_indices = #map}, {transform_indices = #map}, {transform_indices = #map}, {transform_indices = #map}]} {
    %mul3A = arith.constant 6256 : i32
    %mul3A_0 = arith.muli %arg1, %mul3A : i32
    "tpu.region"() ({
      %run_scoped3A = tpu.sem_alloc : memref<!tpu.dma_semaphore, #tpu.memory_space<semaphore_mem>>
      %dma_start3A = arith.constant 0 : i32
      %dma_start3A_9 = tpu.memref_slice %arg17[%mul3A_0, %dma_start3A] : memref<100096x16xf32, #tpu.memory_space<vmem_shared>> -> memref<6256x16xf32, #tpu.memory_space<vmem_shared>>
      %dma_start3A_10 = arith.constant 0 : i32
      %dma_start3A_11 = tpu.memref_slice %arg8[%mul3A_0, %dma_start3A_10] : memref<100096x16xf32, #tpu.memory_space<hbm>> -> memref<6256x16xf32, #tpu.memory_space<hbm>>
      tpu.enqueue_dma source(%dma_start3A_11 : memref<6256x16xf32, #tpu.memory_space<hbm>>) target(%dma_start3A_9 : memref<6256x16xf32, #tpu.memory_space<vmem_shared>>) target_semaphore(%run_scoped3A : memref<!tpu.dma_semaphore, #tpu.memory_space<semaphore_mem>>)
      %dma_wait3A = arith.constant 0 : i32
      %dma_wait3A_12 = tpu.memref_slice %arg17[%mul3A_0, %dma_wait3A] : memref<100096x16xf32, #tpu.memory_space<vmem_shared>> -> memref<6256x16xf32, #tpu.memory_space<vmem_shared>>
      %dma_wait3A_13 = arith.constant 0 : i32
      %dma_wait3A_14 = tpu.memref_slice %arg8[%mul3A_0, %dma_wait3A_13] : memref<100096x16xf32, #tpu.memory_space<hbm>> -> memref<6256x16xf32, #tpu.memory_space<hbm>>
      tpu.wait_dma2 semaphore(%run_scoped3A : memref<!tpu.dma_semaphore, #tpu.memory_space<semaphore_mem>>) src(%dma_wait3A_14 : memref<6256x16xf32, #tpu.memory_space<hbm>>) dst(%dma_wait3A_12 : memref<6256x16xf32, #tpu.memory_space<vmem_shared>>)
      tpu.yield
    }) : () -> ()
    %barrier3A = arith.constant 0 : index
    tpu.barrier barrier_id(%barrier3A)
    %scan3A = arith.constant 0 : i32
    %scan3A_1 = arith.constant 0 : i32
    %scan3A_2 = arith.constant 1250 : i32
    %scan3A_3 = arith.addi %scan3A_1, %scan3A_2 : i32
    %scan3A_4 = arith.constant 1 : i32
    scf.for %scan3A_9 = %scan3A_1 to %scan3A_3 step %scan3A_4  : i32 {
      %mul3A_10 = arith.constant 100000 : i32
      %mul3A_11 = arith.muli %arg1, %mul3A_10 : i32
      %mul3A_12 = arith.constant 80 : i32
      %mul3A_13 = arith.muli %scan3A_9, %mul3A_12 : i32
      %add3A_14 = arith.addi %mul3A_11, %mul3A_13 : i32
      "tpu.region"() ({
        %run_scoped3A = tpu.sem_alloc : memref<!tpu.dma_semaphore, #tpu.memory_space<semaphore_mem>>
        %dma_start3A_881 = tpu.memref_slice %arg5[%add3A_14] : memref<1600000xi32, #tpu.memory_space<hbm>> -> memref<80xi32, #tpu.memory_space<hbm>>
        %dma_start3A_882 = tpu.memref_slice %arg5[%add3A_14] : memref<1600000xi32, #tpu.memory_space<hbm>> -> memref<80xi32, #tpu.memory_space<hbm>>
        tpu.enqueue_dma source(%dma_start3A_882 : memref<80xi32, #tpu.memory_space<hbm>>) target(%arg10 : memref<80xi32, #tpu.memory_space<vmem>>) target_semaphore(%run_scoped3A : memref<!tpu.dma_semaphore, #tpu.memory_space<semaphore_mem>>)
        %dma_wait3A_883 = tpu.memref_slice %arg5[%add3A_14] : memref<1600000xi32, #tpu.memory_space<hbm>> -> memref<80xi32, #tpu.memory_space<hbm>>
        %dma_wait3A_884 = tpu.memref_slice %arg5[%add3A_14] : memref<1600000xi32, #tpu.memory_space<hbm>> -> memref<80xi32, #tpu.memory_space<hbm>>
        tpu.wait_dma2 semaphore(%run_scoped3A : memref<!tpu.dma_semaphore, #tpu.memory_space<semaphore_mem>>) src(%dma_wait3A_884 : memref<80xi32, #tpu.memory_space<hbm>>) dst(%arg10 : memref<80xi32, #tpu.memory_space<vmem>>)
        tpu.yield
      }) : () -> ()
      %dma_start3A = arith.constant 0 : i32
      %dma_start3A_15 = arith.constant 0 : i32
      %dma_start3A_16 = tpu.memref_slice %arg3[%dma_start3A, %dma_start3A_15] : memref<100096x4xf32, #tpu.memory_space<hbm>> -> memref<100096x4xf32, #tpu.memory_space<hbm>>
      tpu.enqueue_indirect_dma source(%dma_start3A_16 : memref<100096x4xf32, #tpu.memory_space<hbm>>) target(%arg12 : memref<80x4xf32, #tpu.memory_space<vmem>>) offsets(%arg10 : memref<80xi32, #tpu.memory_space<vmem>>) semaphore(%arg18 : memref<!tpu.dma_semaphore, #tpu.memory_space<semaphore_mem>>)
      %dma_start3A_17 = arith.constant 0 : i32
      %dma_start3A_18 = arith.constant 0 : i32
      %dma_start3A_19 = tpu.memref_slice %arg4[%dma_start3A_17, %dma_start3A_18] : memref<100096x4xf32, #tpu.memory_space<hbm>> -> memref<100096x4xf32, #tpu.memory_space<hbm>>
      tpu.enqueue_indirect_dma source(%dma_start3A_19 : memref<100096x4xf32, #tpu.memory_space<hbm>>) target(%arg13 : memref<80x4xf32, #tpu.memory_space<vmem>>) offsets(%arg10 : memref<80xi32, #tpu.memory_space<vmem>>) semaphore(%arg18 : memref<!tpu.dma_semaphore, #tpu.memory_space<semaphore_mem>>)
      "tpu.region"() ({
        %run_scoped3A = tpu.sem_alloc : memref<!tpu.dma_semaphore, #tpu.memory_space<semaphore_mem>>
        %dma_start3A_881 = arith.constant 0 : i32
        %dma_start3A_882 = tpu.memref_slice %arg2[%add3A_14, %dma_start3A_881] : memref<1600000x4xf32, #tpu.memory_space<hbm>> -> memref<80x4xf32, #tpu.memory_space<hbm>>
        %dma_start3A_883 = arith.constant 0 : i32
        %dma_start3A_884 = tpu.memref_slice %arg2[%add3A_14, %dma_start3A_883] : memref<1600000x4xf32, #tpu.memory_space<hbm>> -> memref<80x4xf32, #tpu.memory_space<hbm>>
        tpu.enqueue_dma source(%dma_start3A_884 : memref<80x4xf32, #tpu.memory_space<hbm>>) target(%arg11 : memref<80x4xf32, #tpu.memory_space<vmem>>) target_semaphore(%run_scoped3A : memref<!tpu.dma_semaphore, #tpu.memory_space<semaphore_mem>>)
        %dma_wait3A_885 = arith.constant 0 : i32
        %dma_wait3A_886 = tpu.memref_slice %arg2[%add3A_14, %dma_wait3A_885] : memref<1600000x4xf32, #tpu.memory_space<hbm>> -> memref<80x4xf32, #tpu.memory_space<hbm>>
        %dma_wait3A_887 = arith.constant 0 : i32
        %dma_wait3A_888 = tpu.memref_slice %arg2[%add3A_14, %dma_wait3A_887] : memref<1600000x4xf32, #tpu.memory_space<hbm>> -> memref<80x4xf32, #tpu.memory_space<hbm>>
        tpu.wait_dma2 semaphore(%run_scoped3A : memref<!tpu.dma_semaphore, #tpu.memory_space<semaphore_mem>>) src(%dma_wait3A_888 : memref<80x4xf32, #tpu.memory_space<hbm>>) dst(%arg11 : memref<80x4xf32, #tpu.memory_space<vmem>>)
        tpu.yield
      }) : () -> ()
      "tpu.region"() ({
        %run_scoped3A = tpu.sem_alloc : memref<!tpu.dma_semaphore, #tpu.memory_space<semaphore_mem>>
        %dma_start3A_881 = arith.constant 0 : i32
        %dma_start3A_882 = tpu.memref_slice %arg6[%add3A_14, %dma_start3A_881] : memref<1600000x24xf32, #tpu.memory_space<hbm>> -> memref<80x24xf32, #tpu.memory_space<hbm>>
        %dma_start3A_883 = arith.constant 0 : i32
        %dma_start3A_884 = tpu.memref_slice %arg6[%add3A_14, %dma_start3A_883] : memref<1600000x24xf32, #tpu.memory_space<hbm>> -> memref<80x24xf32, #tpu.memory_space<hbm>>
        tpu.enqueue_dma source(%dma_start3A_884 : memref<80x24xf32, #tpu.memory_space<hbm>>) target(%arg14 : memref<80x24xf32, #tpu.memory_space<vmem>>) target_semaphore(%run_scoped3A : memref<!tpu.dma_semaphore, #tpu.memory_space<semaphore_mem>>)
        %dma_wait3A_885 = arith.constant 0 : i32
        %dma_wait3A_886 = tpu.memref_slice %arg6[%add3A_14, %dma_wait3A_885] : memref<1600000x24xf32, #tpu.memory_space<hbm>> -> memref<80x24xf32, #tpu.memory_space<hbm>>
        %dma_wait3A_887 = arith.constant 0 : i32
        %dma_wait3A_888 = tpu.memref_slice %arg6[%add3A_14, %dma_wait3A_887] : memref<1600000x24xf32, #tpu.memory_space<hbm>> -> memref<80x24xf32, #tpu.memory_space<hbm>>
        tpu.wait_dma2 semaphore(%run_scoped3A : memref<!tpu.dma_semaphore, #tpu.memory_space<semaphore_mem>>) src(%dma_wait3A_888 : memref<80x24xf32, #tpu.memory_space<hbm>>) dst(%arg14 : memref<80x24xf32, #tpu.memory_space<vmem>>)
        tpu.yield
      }) : () -> ()
      "tpu.region"() ({
        %run_scoped3A = tpu.sem_alloc : memref<!tpu.dma_semaphore, #tpu.memory_space<semaphore_mem>>
        %dma_start3A_881 = arith.constant 0 : i32
        %dma_start3A_882 = tpu.memref_slice %arg7[%add3A_14, %dma_start3A_881] : memref<1600000x8xf32, #tpu.memory_space<hbm>> -> memref<80x8xf32, #tpu.memory_space<hbm>>
        %dma_start3A_883 = arith.constant 0 : i32
        %dma_start3A_884 = tpu.memref_slice %arg7[%add3A_14, %dma_start3A_883] : memref<1600000x8xf32, #tpu.memory_space<hbm>> -> memref<80x8xf32, #tpu.memory_space<hbm>>
        tpu.enqueue_dma source(%dma_start3A_884 : memref<80x8xf32, #tpu.memory_space<hbm>>) target(%arg15 : memref<80x8xf32, #tpu.memory_space<vmem>>) target_semaphore(%run_scoped3A : memref<!tpu.dma_semaphore, #tpu.memory_space<semaphore_mem>>)
        %dma_wait3A_885 = arith.constant 0 : i32
        %dma_wait3A_886 = tpu.memref_slice %arg7[%add3A_14, %dma_wait3A_885] : memref<1600000x8xf32, #tpu.memory_space<hbm>> -> memref<80x8xf32, #tpu.memory_space<hbm>>
        %dma_wait3A_887 = arith.constant 0 : i32
        %dma_wait3A_888 = tpu.memref_slice %arg7[%add3A_14, %dma_wait3A_887] : memref<1600000x8xf32, #tpu.memory_space<hbm>> -> memref<80x8xf32, #tpu.memory_space<hbm>>
        tpu.wait_dma2 semaphore(%run_scoped3A : memref<!tpu.dma_semaphore, #tpu.memory_space<semaphore_mem>>) src(%dma_wait3A_888 : memref<80x8xf32, #tpu.memory_space<hbm>>) dst(%arg15 : memref<80x8xf32, #tpu.memory_space<vmem>>)
        tpu.yield
      }) : () -> ()
      %dma_wait3A = arith.constant 0 : i32
      %dma_wait3A_20 = arith.constant 0 : i32
      %dma_wait3A_21 = tpu.memref_slice %arg3[%dma_wait3A, %dma_wait3A_20] : memref<100096x4xf32, #tpu.memory_space<hbm>> -> memref<100096x4xf32, #tpu.memory_space<hbm>>
      tpu.wait_indirect_dma semaphore(%arg18 : memref<!tpu.dma_semaphore, #tpu.memory_space<semaphore_mem>>) src(%dma_wait3A_21 : memref<100096x4xf32, #tpu.memory_space<hbm>>) dst(%arg12 : memref<80x4xf32, #tpu.memory_space<vmem>>)
      %dma_wait3A_22 = arith.constant 0 : i32
      %dma_wait3A_23 = arith.constant 0 : i32
      %dma_wait3A_24 = tpu.memref_slice %arg4[%dma_wait3A_22, %dma_wait3A_23] : memref<100096x4xf32, #tpu.memory_space<hbm>> -> memref<100096x4xf32, #tpu.memory_space<hbm>>
      tpu.wait_indirect_dma semaphore(%arg18 : memref<!tpu.dma_semaphore, #tpu.memory_space<semaphore_mem>>) src(%dma_wait3A_24 : memref<100096x4xf32, #tpu.memory_space<hbm>>) dst(%arg13 : memref<80x4xf32, #tpu.memory_space<vmem>>)
      %iota3A = tpu.iota {dimensions = array<i32: 0>} : vector<16xi32>
      %add3A_25 = arith.constant 0 : i32
      %add3A_26 = vector.broadcast %add3A_25 : i32 to vector<16xi32>
      %add3A_27 = arith.addi %iota3A, %add3A_26 : vector<16xi32>
      %mul3A_28 = arith.constant 2 : i32
      %mul3A_29 = arith.muli %mul3A_28, %arg0 : i32
      %add3A_30 = arith.constant 0 : i32
      %add3A_31 = arith.addi %mul3A_29, %add3A_30 : i32
      %broadcast_in_dim3A = vector.broadcast %add3A_31 : i32 to vector<16xi32>
      %gather3A = tpu.vector_load_idx %arg11[%add3A_27, %broadcast_in_dim3A] : memref<80x4xf32, #tpu.memory_space<vmem>>[vector<16xi32>, vector<16xi32>], vector<16xf32>,
      %broadcast_in_dim3A_32 = vector.broadcast %add3A_31 : i32 to vector<16xi32>
      %gather3A_33 = tpu.vector_load_idx %arg12[%add3A_27, %broadcast_in_dim3A_32] : memref<80x4xf32, #tpu.memory_space<vmem>>[vector<16xi32>, vector<16xi32>], vector<16xf32>,
      %broadcast_in_dim3A_34 = vector.broadcast %add3A_31 : i32 to vector<16xi32>
      %gather3A_35 = tpu.vector_load_idx %arg13[%add3A_27, %broadcast_in_dim3A_34] : memref<80x4xf32, #tpu.memory_space<vmem>>[vector<16xi32>, vector<16xi32>], vector<16xf32>,
      %add3A_36 = arith.addf %gather3A_33, %gather3A_35 : vector<16xf32>
      %div3A = arith.divf %gather3A, %add3A_36 : vector<16xf32>
      %mul3A_37 = arith.constant 6 : i32
      %mul3A_38 = arith.muli %mul3A_37, %add3A_31 : i32
      %add3A_39 = arith.constant 0 : i32
      %add3A_40 = arith.addi %mul3A_38, %add3A_39 : i32
      %broadcast_in_dim3A_41 = vector.broadcast %add3A_40 : i32 to vector<16xi32>
      %gather3A_42 = tpu.vector_load_idx %arg14[%add3A_27, %broadcast_in_dim3A_41] : memref<80x24xf32, #tpu.memory_space<vmem>>[vector<16xi32>, vector<16xi32>], vector<16xf32>,
      %broadcast_in_dim3A_43 = arith.constant 0 : i32
      %broadcast_in_dim3A_44 = vector.broadcast %broadcast_in_dim3A_43 : i32 to vector<16xi32>
      %mul3A_45 = arith.mulf %gather3A_42, %div3A : vector<16xf32>
      tpu.vector_store_idx %arg16[%add3A_27, %broadcast_in_dim3A_44], %mul3A_45 : memref<80x16xf32, #tpu.memory_space<vmem>>[vector<16xi32>, vector<16xi32>], vector<16xf32>,
      %mul3A_46 = arith.constant 6 : i32
      %mul3A_47 = arith.muli %mul3A_46, %add3A_31 : i32
      %add3A_48 = arith.constant 1 : i32
      %add3A_49 = arith.addi %mul3A_47, %add3A_48 : i32
      %broadcast_in_dim3A_50 = vector.broadcast %add3A_49 : i32 to vector<16xi32>
      %gather3A_51 = tpu.vector_load_idx %arg14[%add3A_27, %broadcast_in_dim3A_50] : memref<80x24xf32, #tpu.memory_space<vmem>>[vector<16xi32>, vector<16xi32>], vector<16xf32>,
      %broadcast_in_dim3A_52 = arith.constant 1 : i32
      %broadcast_in_dim3A_53 = vector.broadcast %broadcast_in_dim3A_52 : i32 to vector<16xi32>
      %mul3A_54 = arith.mulf %gather3A_51, %div3A : vector<16xf32>
      tpu.vector_store_idx %arg16[%add3A_27, %broadcast_in_dim3A_53], %mul3A_54 : memref<80x16xf32, #tpu.memory_space<vmem>>[vector<16xi32>, vector<16xi32>], vector<16xf32>,
      %mul3A_55 = arith.constant 6 : i32
      %mul3A_56 = arith.muli %mul3A_55, %add3A_31 : i32
      %add3A_57 = arith.constant 2 : i32
      %add3A_58 = arith.addi %mul3A_56, %add3A_57 : i32
      %broadcast_in_dim3A_59 = vector.broadcast %add3A_58 : i32 to vector<16xi32>
      %gather3A_60 = tpu.vector_load_idx %arg14[%add3A_27, %broadcast_in_dim3A_59] : memref<80x24xf32, #tpu.memory_space<vmem>>[vector<16xi32>, vector<16xi32>], vector<16xf32>,
      %broadcast_in_dim3A_61 = arith.constant 2 : i32
      %broadcast_in_dim3A_62 = vector.broadcast %broadcast_in_dim3A_61 : i32 to vector<16xi32>
      %mul3A_63 = arith.mulf %gather3A_60, %div3A : vector<16xf32>
      tpu.vector_store_idx %arg16[%add3A_27, %broadcast_in_dim3A_62], %mul3A_63 : memref<80x16xf32, #tpu.memory_space<vmem>>[vector<16xi32>, vector<16xi32>], vector<16xf32>,
      %mul3A_64 = arith.constant 6 : i32
      %mul3A_65 = arith.muli %mul3A_64, %add3A_31 : i32
      %add3A_66 = arith.constant 3 : i32
      %add3A_67 = arith.addi %mul3A_65, %add3A_66 : i32
      %broadcast_in_dim3A_68 = vector.broadcast %add3A_67 : i32 to vector<16xi32>
      %gather3A_69 = tpu.vector_load_idx %arg14[%add3A_27, %broadcast_in_dim3A_68] : memref<80x24xf32, #tpu.memory_space<vmem>>[vector<16xi32>, vector<16xi32>], vector<16xf32>,
      %broadcast_in_dim3A_70 = arith.constant 3 : i32
      %broadcast_in_dim3A_71 = vector.broadcast %broadcast_in_dim3A_70 : i32 to vector<16xi32>
      %mul3A_72 = arith.mulf %gather3A_69, %div3A : vector<16xf32>
      tpu.vector_store_idx %arg16[%add3A_27, %broadcast_in_dim3A_71], %mul3A_72 : memref<80x16xf32, #tpu.memory_space<vmem>>[vector<16xi32>, vector<16xi32>], vector<16xf32>,
      %mul3A_73 = arith.constant 6 : i32
      %mul3A_74 = arith.muli %mul3A_73, %add3A_31 : i32
      %add3A_75 = arith.constant 4 : i32
      %add3A_76 = arith.addi %mul3A_74, %add3A_75 : i32
      %broadcast_in_dim3A_77 = vector.broadcast %add3A_76 : i32 to vector<16xi32>
      %gather3A_78 = tpu.vector_load_idx %arg14[%add3A_27, %broadcast_in_dim3A_77] : memref<80x24xf32, #tpu.memory_space<vmem>>[vector<16xi32>, vector<16xi32>], vector<16xf32>,
      %broadcast_in_dim3A_79 = arith.constant 4 : i32
      %broadcast_in_dim3A_80 = vector.broadcast %broadcast_in_dim3A_79 : i32 to vector<16xi32>
      %mul3A_81 = arith.mulf %gather3A_78, %div3A : vector<16xf32>
      tpu.vector_store_idx %arg16[%add3A_27, %broadcast_in_dim3A_80], %mul3A_81 : memref<80x16xf32, #tpu.memory_space<vmem>>[vector<16xi32>, vector<16xi32>], vector<16xf32>,
      %mul3A_82 = arith.constant 6 : i32
      %mul3A_83 = arith.muli %mul3A_82, %add3A_31 : i32
      %add3A_84 = arith.constant 5 : i32
      %add3A_85 = arith.addi %mul3A_83, %add3A_84 : i32
      %broadcast_in_dim3A_86 = vector.broadcast %add3A_85 : i32 to vector<16xi32>
      %gather3A_87 = tpu.vector_load_idx %arg14[%add3A_27, %broadcast_in_dim3A_86] : memref<80x24xf32, #tpu.memory_space<vmem>>[vector<16xi32>, vector<16xi32>], vector<16xf32>,
      %broadcast_in_dim3A_88 = arith.constant 5 : i32
      %broadcast_in_dim3A_89 = vector.broadcast %broadcast_in_dim3A_88 : i32 to vector<16xi32>
      %mul3A_90 = arith.mulf %gather3A_87, %div3A : vector<16xf32>
      tpu.vector_store_idx %arg16[%add3A_27, %broadcast_in_dim3A_89], %mul3A_90 : memref<80x16xf32, #tpu.memory_space<vmem>>[vector<16xi32>, vector<16xi32>], vector<16xf32>,
      %mul3A_91 = arith.constant 2 : i32
      %mul3A_92 = arith.muli %mul3A_91, %add3A_31 : i32
      %add3A_93 = arith.constant 0 : i32
      %add3A_94 = arith.addi %mul3A_92, %add3A_93 : i32
      %broadcast_in_dim3A_95 = vector.broadcast %add3A_94 : i32 to vector<16xi32>
      %gather3A_96 = tpu.vector_load_idx %arg15[%add3A_27, %broadcast_in_dim3A_95] : memref<80x8xf32, #tpu.memory_space<vmem>>[vector<16xi32>, vector<16xi32>], vector<16xf32>,
      %broadcast_in_dim3A_97 = arith.constant 12 : i32
      %broadcast_in_dim3A_98 = vector.broadcast %broadcast_in_dim3A_97 : i32 to vector<16xi32>
      %mul3A_99 = arith.mulf %gather3A_96, %div3A : vector<16xf32>
      tpu.vector_store_idx %arg16[%add3A_27, %broadcast_in_dim3A_98], %mul3A_99 : memref<80x16xf32, #tpu.memory_space<vmem>>[vector<16xi32>, vector<16xi32>], vector<16xf32>,
      %mul3A_100 = arith.constant 2 : i32
      %mul3A_101 = arith.muli %mul3A_100, %add3A_31 : i32
      %add3A_102 = arith.constant 1 : i32
      %add3A_103 = arith.addi %mul3A_101, %add3A_102 : i32
      %broadcast_in_dim3A_104 = vector.broadcast %add3A_103 : i32 to vector<16xi32>
      %gather3A_105 = tpu.vector_load_idx %arg15[%add3A_27, %broadcast_in_dim3A_104] : memref<80x8xf32, #tpu.memory_space<vmem>>[vector<16xi32>, vector<16xi32>], vector<16xf32>,
      %broadcast_in_dim3A_106 = arith.constant 13 : i32
      %broadcast_in_dim3A_107 = vector.broadcast %broadcast_in_dim3A_106 : i32 to vector<16xi32>
      %mul3A_108 = arith.mulf %gather3A_105, %div3A : vector<16xf32>
      tpu.vector_store_idx %arg16[%add3A_27, %broadcast_in_dim3A_107], %mul3A_108 : memref<80x16xf32, #tpu.memory_space<vmem>>[vector<16xi32>, vector<16xi32>], vector<16xf32>,
      %mul3A_109 = arith.constant 2 : i32
      %mul3A_110 = arith.muli %mul3A_109, %arg0 : i32
      %add3A_111 = arith.constant 1 : i32
      %add3A_112 = arith.addi %mul3A_110, %add3A_111 : i32
      %broadcast_in_dim3A_113 = vector.broadcast %add3A_112 : i32 to vector<16xi32>
      %gather3A_114 = tpu.vector_load_idx %arg11[%add3A_27, %broadcast_in_dim3A_113] : memref<80x4xf32, #tpu.memory_space<vmem>>[vector<16xi32>, vector<16xi32>], vector<16xf32>,
      %broadcast_in_dim3A_115 = vector.broadcast %add3A_112 : i32 to vector<16xi32>
      %gather3A_116 = tpu.vector_load_idx %arg12[%add3A_27, %broadcast_in_dim3A_115] : memref<80x4xf32, #tpu.memory_space<vmem>>[vector<16xi32>, vector<16xi32>], vector<16xf32>,
      %broadcast_in_dim3A_117 = vector.broadcast %add3A_112 : i32 to vector<16xi32>
      %gather3A_118 = tpu.vector_load_idx %arg13[%add3A_27, %broadcast_in_dim3A_117] : memref<80x4xf32, #tpu.memory_space<vmem>>[vector<16xi32>, vector<16xi32>], vector<16xf32>,
      %add3A_119 = arith.addf %gather3A_116, %gather3A_118 : vector<16xf32>
      %div3A_120 = arith.divf %gather3A_114, %add3A_119 : vector<16xf32>
      %mul3A_121 = arith.constant 6 : i32
      %mul3A_122 = arith.muli %mul3A_121, %add3A_112 : i32
      %add3A_123 = arith.constant 0 : i32
      %add3A_124 = arith.addi %mul3A_122, %add3A_123 : i32
      %broadcast_in_dim3A_125 = vector.broadcast %add3A_124 : i32 to vector<16xi32>
      %gather3A_126 = tpu.vector_load_idx %arg14[%add3A_27, %broadcast_in_dim3A_125] : memref<80x24xf32, #tpu.memory_space<vmem>>[vector<16xi32>, vector<16xi32>], vector<16xf32>,
      %broadcast_in_dim3A_127 = arith.constant 6 : i32
      %broadcast_in_dim3A_128 = vector.broadcast %broadcast_in_dim3A_127 : i32 to vector<16xi32>
      %mul3A_129 = arith.mulf %gather3A_126, %div3A_120 : vector<16xf32>
      tpu.vector_store_idx %arg16[%add3A_27, %broadcast_in_dim3A_128], %mul3A_129 : memref<80x16xf32, #tpu.memory_space<vmem>>[vector<16xi32>, vector<16xi32>], vector<16xf32>,
      %mul3A_130 = arith.constant 6 : i32
      %mul3A_131 = arith.muli %mul3A_130, %add3A_112 : i32
      %add3A_132 = arith.constant 1 : i32
      %add3A_133 = arith.addi %mul3A_131, %add3A_132 : i32
      %broadcast_in_dim3A_134 = vector.broadcast %add3A_133 : i32 to vector<16xi32>
      %gather3A_135 = tpu.vector_load_idx %arg14[%add3A_27, %broadcast_in_dim3A_134] : memref<80x24xf32, #tpu.memory_space<vmem>>[vector<16xi32>, vector<16xi32>], vector<16xf32>,
      %broadcast_in_dim3A_136 = arith.constant 7 : i32
      %broadcast_in_dim3A_137 = vector.broadcast %broadcast_in_dim3A_136 : i32 to vector<16xi32>
      %mul3A_138 = arith.mulf %gather3A_135, %div3A_120 : vector<16xf32>
      tpu.vector_store_idx %arg16[%add3A_27, %broadcast_in_dim3A_137], %mul3A_138 : memref<80x16xf32, #tpu.memory_space<vmem>>[vector<16xi32>, vector<16xi32>], vector<16xf32>,
      %mul3A_139 = arith.constant 6 : i32
      %mul3A_140 = arith.muli %mul3A_139, %add3A_112 : i32
      %add3A_141 = arith.constant 2 : i32
      %add3A_142 = arith.addi %mul3A_140, %add3A_141 : i32
      %broadcast_in_dim3A_143 = vector.broadcast %add3A_142 : i32 to vector<16xi32>
      %gather3A_144 = tpu.vector_load_idx %arg14[%add3A_27, %broadcast_in_dim3A_143] : memref<80x24xf32, #tpu.memory_space<vmem>>[vector<16xi32>, vector<16xi32>], vector<16xf32>,
      %broadcast_in_dim3A_145 = arith.constant 8 : i32
      %broadcast_in_dim3A_146 = vector.broadcast %broadcast_in_dim3A_145 : i32 to vector<16xi32>
      %mul3A_147 = arith.mulf %gather3A_144, %div3A_120 : vector<16xf32>
      tpu.vector_store_idx %arg16[%add3A_27, %broadcast_in_dim3A_146], %mul3A_147 : memref<80x16xf32, #tpu.memory_space<vmem>>[vector<16xi32>, vector<16xi32>], vector<16xf32>,
      %mul3A_148 = arith.constant 6 : i32
      %mul3A_149 = arith.muli %mul3A_148, %add3A_112 : i32
      %add3A_150 = arith.constant 3 : i32
      %add3A_151 = arith.addi %mul3A_149, %add3A_150 : i32
      %broadcast_in_dim3A_152 = vector.broadcast %add3A_151 : i32 to vector<16xi32>
      %gather3A_153 = tpu.vector_load_idx %arg14[%add3A_27, %broadcast_in_dim3A_152] : memref<80x24xf32, #tpu.memory_space<vmem>>[vector<16xi32>, vector<16xi32>], vector<16xf32>,
      %broadcast_in_dim3A_154 = arith.constant 9 : i32
      %broadcast_in_dim3A_155 = vector.broadcast %broadcast_in_dim3A_154 : i32 to vector<16xi32>
      %mul3A_156 = arith.mulf %gather3A_153, %div3A_120 : vector<16xf32>
      tpu.vector_store_idx %arg16[%add3A_27, %broadcast_in_dim3A_155], %mul3A_156 : memref<80x16xf32, #tpu.memory_space<vmem>>[vector<16xi32>, vector<16xi32>], vector<16xf32>,
      %mul3A_157 = arith.constant 6 : i32
      %mul3A_158 = arith.muli %mul3A_157, %add3A_112 : i32
      %add3A_159 = arith.constant 4 : i32
      %add3A_160 = arith.addi %mul3A_158, %add3A_159 : i32
      %broadcast_in_dim3A_161 = vector.broadcast %add3A_160 : i32 to vector<16xi32>
      %gather3A_162 = tpu.vector_load_idx %arg14[%add3A_27, %broadcast_in_dim3A_161] : memref<80x24xf32, #tpu.memory_space<vmem>>[vector<16xi32>, vector<16xi32>], vector<16xf32>,
      %broadcast_in_dim3A_163 = arith.constant 10 : i32
      %broadcast_in_dim3A_164 = vector.broadcast %broadcast_in_dim3A_163 : i32 to vector<16xi32>
      %mul3A_165 = arith.mulf %gather3A_162, %div3A_120 : vector<16xf32>
      tpu.vector_store_idx %arg16[%add3A_27, %broadcast_in_dim3A_164], %mul3A_165 : memref<80x16xf32, #tpu.memory_space<vmem>>[vector<16xi32>, vector<16xi32>], vector<16xf32>,
      %mul3A_166 = arith.constant 6 : i32
      %mul3A_167 = arith.muli %mul3A_166, %add3A_112 : i32
      %add3A_168 = arith.constant 5 : i32
      %add3A_169 = arith.addi %mul3A_167, %add3A_168 : i32
      %broadcast_in_dim3A_170 = vector.broadcast %add3A_169 : i32 to vector<16xi32>
      %gather3A_171 = tpu.vector_load_idx %arg14[%add3A_27, %broadcast_in_dim3A_170] : memref<80x24xf32, #tpu.memory_space<vmem>>[vector<16xi32>, vector<16xi32>], vector<16xf32>,
      %broadcast_in_dim3A_172 = arith.constant 11 : i32
      %broadcast_in_dim3A_173 = vector.broadcast %broadcast_in_dim3A_172 : i32 to vector<16xi32>
      %mul3A_174 = arith.mulf %gather3A_171, %div3A_120 : vector<16xf32>
      tpu.vector_store_idx %arg16[%add3A_27, %broadcast_in_dim3A_173], %mul3A_174 : memref<80x16xf32, #tpu.memory_space<vmem>>[vector<16xi32>, vector<16xi32>], vector<16xf32>,
      %mul3A_175 = arith.constant 2 : i32
      %mul3A_176 = arith.muli %mul3A_175, %add3A_112 : i32
      %add3A_177 = arith.constant 0 : i32
      %add3A_178 = arith.addi %mul3A_176, %add3A_177 : i32
      %broadcast_in_dim3A_179 = vector.broadcast %add3A_178 : i32 to vector<16xi32>
      %gather3A_180 = tpu.vector_load_idx %arg15[%add3A_27, %broadcast_in_dim3A_179] : memref<80x8xf32, #tpu.memory_space<vmem>>[vector<16xi32>, vector<16xi32>], vector<16xf32>,
      %broadcast_in_dim3A_181 = arith.constant 14 : i32
      %broadcast_in_dim3A_182 = vector.broadcast %broadcast_in_dim3A_181 : i32 to vector<16xi32>
      %mul3A_183 = arith.mulf %gather3A_180, %div3A_120 : vector<16xf32>
      tpu.vector_store_idx %arg16[%add3A_27, %broadcast_in_dim3A_182], %mul3A_183 : memref<80x16xf32, #tpu.memory_space<vmem>>[vector<16xi32>, vector<16xi32>], vector<16xf32>,
      %mul3A_184 = arith.constant 2 : i32
      %mul3A_185 = arith.muli %mul3A_184, %add3A_112 : i32
      %add3A_186 = arith.constant 1 : i32
      %add3A_187 = arith.addi %mul3A_185, %add3A_186 : i32
      %broadcast_in_dim3A_188 = vector.broadcast %add3A_187 : i32 to vector<16xi32>
      %gather3A_189 = tpu.vector_load_idx %arg15[%add3A_27, %broadcast_in_dim3A_188] : memref<80x8xf32, #tpu.memory_space<vmem>>[vector<16xi32>, vector<16xi32>], vector<16xf32>,
      %broadcast_in_dim3A_190 = arith.constant 15 : i32
      %broadcast_in_dim3A_191 = vector.broadcast %broadcast_in_dim3A_190 : i32 to vector<16xi32>
      %mul3A_192 = arith.mulf %gather3A_189, %div3A_120 : vector<16xf32>
      tpu.vector_store_idx %arg16[%add3A_27, %broadcast_in_dim3A_191], %mul3A_192 : memref<80x16xf32, #tpu.memory_space<vmem>>[vector<16xi32>, vector<16xi32>], vector<16xf32>,
      %iota3A_193 = tpu.iota {dimensions = array<i32: 0>} : vector<16xi32>
      %add3A_194 = arith.constant 16 : i32
      %add3A_195 = vector.broadcast %add3A_194 : i32 to vector<16xi32>
      %add3A_196 = arith.addi %iota3A_193, %add3A_195 : vector<16xi32>
      %mul3A_197 = arith.constant 2 : i32
      %mul3A_198 = arith.muli %mul3A_197, %arg0 : i32
      %add3A_199 = arith.constant 0 : i32
      %add3A_200 = arith.addi %mul3A_198, %add3A_199 : i32
      %broadcast_in_dim3A_201 = vector.broadcast %add3A_200 : i32 to vector<16xi32>
      %gather3A_202 = tpu.vector_load_idx %arg11[%add3A_196, %broadcast_in_dim3A_201] : memref<80x4xf32, #tpu.memory_space<vmem>>[vector<16xi32>, vector<16xi32>], vector<16xf32>,
      %broadcast_in_dim3A_203 = vector.broadcast %add3A_200 : i32 to vector<16xi32>
      %gather3A_204 = tpu.vector_load_idx %arg12[%add3A_196, %broadcast_in_dim3A_203] : memref<80x4xf32, #tpu.memory_space<vmem>>[vector<16xi32>, vector<16xi32>], vector<16xf32>,
      %broadcast_in_dim3A_205 = vector.broadcast %add3A_200 : i32 to vector<16xi32>
      %gather3A_206 = tpu.vector_load_idx %arg13[%add3A_196, %broadcast_in_dim3A_205] : memref<80x4xf32, #tpu.memory_space<vmem>>[vector<16xi32>, vector<16xi32>], vector<16xf32>,
      %add3A_207 = arith.addf %gather3A_204, %gather3A_206 : vector<16xf32>
      %div3A_208 = arith.divf %gather3A_202, %add3A_207 : vector<16xf32>
      %mul3A_209 = arith.constant 6 : i32
      %mul3A_210 = arith.muli %mul3A_209, %add3A_200 : i32
      %add3A_211 = arith.constant 0 : i32
      %add3A_212 = arith.addi %mul3A_210, %add3A_211 : i32
      %broadcast_in_dim3A_213 = vector.broadcast %add3A_212 : i32 to vector<16xi32>
      %gather3A_214 = tpu.vector_load_idx %arg14[%add3A_196, %broadcast_in_dim3A_213] : memref<80x24xf32, #tpu.memory_space<vmem>>[vector<16xi32>, vector<16xi32>], vector<16xf32>,
      %broadcast_in_dim3A_215 = arith.constant 0 : i32
      %broadcast_in_dim3A_216 = vector.broadcast %broadcast_in_dim3A_215 : i32 to vector<16xi32>
      %mul3A_217 = arith.mulf %gather3A_214, %div3A_208 : vector<16xf32>
      tpu.vector_store_idx %arg16[%add3A_196, %broadcast_in_dim3A_216], %mul3A_217 : memref<80x16xf32, #tpu.memory_space<vmem>>[vector<16xi32>, vector<16xi32>], vector<16xf32>,
      %mul3A_218 = arith.constant 6 : i32
      %mul3A_219 = arith.muli %mul3A_218, %add3A_200 : i32
      %add3A_220 = arith.constant 1 : i32
      %add3A_221 = arith.addi %mul3A_219, %add3A_220 : i32
      %broadcast_in_dim3A_222 = vector.broadcast %add3A_221 : i32 to vector<16xi32>
      %gather3A_223 = tpu.vector_load_idx %arg14[%add3A_196, %broadcast_in_dim3A_222] : memref<80x24xf32, #tpu.memory_space<vmem>>[vector<16xi32>, vector<16xi32>], vector<16xf32>,
      %broadcast_in_dim3A_224 = arith.constant 1 : i32
      %broadcast_in_dim3A_225 = vector.broadcast %broadcast_in_dim3A_224 : i32 to vector<16xi32>
      %mul3A_226 = arith.mulf %gather3A_223, %div3A_208 : vector<16xf32>
      tpu.vector_store_idx %arg16[%add3A_196, %broadcast_in_dim3A_225], %mul3A_226 : memref<80x16xf32, #tpu.memory_space<vmem>>[vector<16xi32>, vector<16xi32>], vector<16xf32>,
      %mul3A_227 = arith.constant 6 : i32
      %mul3A_228 = arith.muli %mul3A_227, %add3A_200 : i32
      %add3A_229 = arith.constant 2 : i32
      %add3A_230 = arith.addi %mul3A_228, %add3A_229 : i32
      %broadcast_in_dim3A_231 = vector.broadcast %add3A_230 : i32 to vector<16xi32>
      %gather3A_232 = tpu.vector_load_idx %arg14[%add3A_196, %broadcast_in_dim3A_231] : memref<80x24xf32, #tpu.memory_space<vmem>>[vector<16xi32>, vector<16xi32>], vector<16xf32>,
      %broadcast_in_dim3A_233 = arith.constant 2 : i32
      %broadcast_in_dim3A_234 = vector.broadcast %broadcast_in_dim3A_233 : i32 to vector<16xi32>
      %mul3A_235 = arith.mulf %gather3A_232, %div3A_208 : vector<16xf32>
      tpu.vector_store_idx %arg16[%add3A_196, %broadcast_in_dim3A_234], %mul3A_235 : memref<80x16xf32, #tpu.memory_space<vmem>>[vector<16xi32>, vector<16xi32>], vector<16xf32>,
      %mul3A_236 = arith.constant 6 : i32
      %mul3A_237 = arith.muli %mul3A_236, %add3A_200 : i32
      %add3A_238 = arith.constant 3 : i32
      %add3A_239 = arith.addi %mul3A_237, %add3A_238 : i32
      %broadcast_in_dim3A_240 = vector.broadcast %add3A_239 : i32 to vector<16xi32>
      %gather3A_241 = tpu.vector_load_idx %arg14[%add3A_196, %broadcast_in_dim3A_240] : memref<80x24xf32, #tpu.memory_space<vmem>>[vector<16xi32>, vector<16xi32>], vector<16xf32>,
      %broadcast_in_dim3A_242 = arith.constant 3 : i32
      %broadcast_in_dim3A_243 = vector.broadcast %broadcast_in_dim3A_242 : i32 to vector<16xi32>
      %mul3A_244 = arith.mulf %gather3A_241, %div3A_208 : vector<16xf32>
      tpu.vector_store_idx %arg16[%add3A_196, %broadcast_in_dim3A_243], %mul3A_244 : memref<80x16xf32, #tpu.memory_space<vmem>>[vector<16xi32>, vector<16xi32>], vector<16xf32>,
      %mul3A_245 = arith.constant 6 : i32
      %mul3A_246 = arith.muli %mul3A_245, %add3A_200 : i32
      %add3A_247 = arith.constant 4 : i32
      %add3A_248 = arith.addi %mul3A_246, %add3A_247 : i32
      %broadcast_in_dim3A_249 = vector.broadcast %add3A_248 : i32 to vector<16xi32>
      %gather3A_250 = tpu.vector_load_idx %arg14[%add3A_196, %broadcast_in_dim3A_249] : memref<80x24xf32, #tpu.memory_space<vmem>>[vector<16xi32>, vector<16xi32>], vector<16xf32>,
      %broadcast_in_dim3A_251 = arith.constant 4 : i32
      %broadcast_in_dim3A_252 = vector.broadcast %broadcast_in_dim3A_251 : i32 to vector<16xi32>
      %mul3A_253 = arith.mulf %gather3A_250, %div3A_208 : vector<16xf32>
      tpu.vector_store_idx %arg16[%add3A_196, %broadcast_in_dim3A_252], %mul3A_253 : memref<80x16xf32, #tpu.memory_space<vmem>>[vector<16xi32>, vector<16xi32>], vector<16xf32>,
      %mul3A_254 = arith.constant 6 : i32
      %mul3A_255 = arith.muli %mul3A_254, %add3A_200 : i32
      %add3A_256 = arith.constant 5 : i32
      %add3A_257 = arith.addi %mul3A_255, %add3A_256 : i32
      %broadcast_in_dim3A_258 = vector.broadcast %add3A_257 : i32 to vector<16xi32>
      %gather3A_259 = tpu.vector_load_idx %arg14[%add3A_196, %broadcast_in_dim3A_258] : memref<80x24xf32, #tpu.memory_space<vmem>>[vector<16xi32>, vector<16xi32>], vector<16xf32>,
      %broadcast_in_dim3A_260 = arith.constant 5 : i32
      %broadcast_in_dim3A_261 = vector.broadcast %broadcast_in_dim3A_260 : i32 to vector<16xi32>
      %mul3A_262 = arith.mulf %gather3A_259, %div3A_208 : vector<16xf32>
      tpu.vector_store_idx %arg16[%add3A_196, %broadcast_in_dim3A_261], %mul3A_262 : memref<80x16xf32, #tpu.memory_space<vmem>>[vector<16xi32>, vector<16xi32>], vector<16xf32>,
      %mul3A_263 = arith.constant 2 : i32
      %mul3A_264 = arith.muli %mul3A_263, %add3A_200 : i32
      %add3A_265 = arith.constant 0 : i32
      %add3A_266 = arith.addi %mul3A_264, %add3A_265 : i32
      %broadcast_in_dim3A_267 = vector.broadcast %add3A_266 : i32 to vector<16xi32>
      %gather3A_268 = tpu.vector_load_idx %arg15[%add3A_196, %broadcast_in_dim3A_267] : memref<80x8xf32, #tpu.memory_space<vmem>>[vector<16xi32>, vector<16xi32>], vector<16xf32>,
      %broadcast_in_dim3A_269 = arith.constant 12 : i32
      %broadcast_in_dim3A_270 = vector.broadcast %broadcast_in_dim3A_269 : i32 to vector<16xi32>
      %mul3A_271 = arith.mulf %gather3A_268, %div3A_208 : vector<16xf32>
      tpu.vector_store_idx %arg16[%add3A_196, %broadcast_in_dim3A_270], %mul3A_271 : memref<80x16xf32, #tpu.memory_space<vmem>>[vector<16xi32>, vector<16xi32>], vector<16xf32>,
      %mul3A_272 = arith.constant 2 : i32
      %mul3A_273 = arith.muli %mul3A_272, %add3A_200 : i32
      %add3A_274 = arith.constant 1 : i32
      %add3A_275 = arith.addi %mul3A_273, %add3A_274 : i32
      %broadcast_in_dim3A_276 = vector.broadcast %add3A_275 : i32 to vector<16xi32>
      %gather3A_277 = tpu.vector_load_idx %arg15[%add3A_196, %broadcast_in_dim3A_276] : memref<80x8xf32, #tpu.memory_space<vmem>>[vector<16xi32>, vector<16xi32>], vector<16xf32>,
      %broadcast_in_dim3A_278 = arith.constant 13 : i32
      %broadcast_in_dim3A_279 = vector.broadcast %broadcast_in_dim3A_278 : i32 to vector<16xi32>
      %mul3A_280 = arith.mulf %gather3A_277, %div3A_208 : vector<16xf32>
      tpu.vector_store_idx %arg16[%add3A_196, %broadcast_in_dim3A_279], %mul3A_280 : memref<80x16xf32, #tpu.memory_space<vmem>>[vector<16xi32>, vector<16xi32>], vector<16xf32>,
      %mul3A_281 = arith.constant 2 : i32
      %mul3A_282 = arith.muli %mul3A_281, %arg0 : i32
      %add3A_283 = arith.constant 1 : i32
      %add3A_284 = arith.addi %mul3A_282, %add3A_283 : i32
      %broadcast_in_dim3A_285 = vector.broadcast %add3A_284 : i32 to vector<16xi32>
      %gather3A_286 = tpu.vector_load_idx %arg11[%add3A_196, %broadcast_in_dim3A_285] : memref<80x4xf32, #tpu.memory_space<vmem>>[vector<16xi32>, vector<16xi32>], vector<16xf32>,
      %broadcast_in_dim3A_287 = vector.broadcast %add3A_284 : i32 to vector<16xi32>
      %gather3A_288 = tpu.vector_load_idx %arg12[%add3A_196, %broadcast_in_dim3A_287] : memref<80x4xf32, #tpu.memory_space<vmem>>[vector<16xi32>, vector<16xi32>], vector<16xf32>,
      %broadcast_in_dim3A_289 = vector.broadcast %add3A_284 : i32 to vector<16xi32>
      %gather3A_290 = tpu.vector_load_idx %arg13[%add3A_196, %broadcast_in_dim3A_289] : memref<80x4xf32, #tpu.memory_space<vmem>>[vector<16xi32>, vector<16xi32>], vector<16xf32>,
      %add3A_291 = arith.addf %gather3A_288, %gather3A_290 : vector<16xf32>
      %div3A_292 = arith.divf %gather3A_286, %add3A_291 : vector<16xf32>
      %mul3A_293 = arith.constant 6 : i32
      %mul3A_294 = arith.muli %mul3A_293, %add3A_284 : i32
      %add3A_295 = arith.constant 0 : i32
      %add3A_296 = arith.addi %mul3A_294, %add3A_295 : i32
      %broadcast_in_dim3A_297 = vector.broadcast %add3A_296 : i32 to vector<16xi32>
      %gather3A_298 = tpu.vector_load_idx %arg14[%add3A_196, %broadcast_in_dim3A_297] : memref<80x24xf32, #tpu.memory_space<vmem>>[vector<16xi32>, vector<16xi32>], vector<16xf32>,
      %broadcast_in_dim3A_299 = arith.constant 6 : i32
      %broadcast_in_dim3A_300 = vector.broadcast %broadcast_in_dim3A_299 : i32 to vector<16xi32>
      %mul3A_301 = arith.mulf %gather3A_298, %div3A_292 : vector<16xf32>
      tpu.vector_store_idx %arg16[%add3A_196, %broadcast_in_dim3A_300], %mul3A_301 : memref<80x16xf32, #tpu.memory_space<vmem>>[vector<16xi32>, vector<16xi32>], vector<16xf32>,
      %mul3A_302 = arith.constant 6 : i32
      %mul3A_303 = arith.muli %mul3A_302, %add3A_284 : i32
      %add3A_304 = arith.constant 1 : i32
      %add3A_305 = arith.addi %mul3A_303, %add3A_304 : i32
      %broadcast_in_dim3A_306 = vector.broadcast %add3A_305 : i32 to vector<16xi32>
      %gather3A_307 = tpu.vector_load_idx %arg14[%add3A_196, %broadcast_in_dim3A_306] : memref<80x24xf32, #tpu.memory_space<vmem>>[vector<16xi32>, vector<16xi32>], vector<16xf32>,
      %broadcast_in_dim3A_308 = arith.constant 7 : i32
      %broadcast_in_dim3A_309 = vector.broadcast %broadcast_in_dim3A_308 : i32 to vector<16xi32>
      %mul3A_310 = arith.mulf %gather3A_307, %div3A_292 : vector<16xf32>
      tpu.vector_store_idx %arg16[%add3A_196, %broadcast_in_dim3A_309], %mul3A_310 : memref<80x16xf32, #tpu.memory_space<vmem>>[vector<16xi32>, vector<16xi32>], vector<16xf32>,
      %mul3A_311 = arith.constant 6 : i32
      %mul3A_312 = arith.muli %mul3A_311, %add3A_284 : i32
      %add3A_313 = arith.constant 2 : i32
      %add3A_314 = arith.addi %mul3A_312, %add3A_313 : i32
      %broadcast_in_dim3A_315 = vector.broadcast %add3A_314 : i32 to vector<16xi32>
      %gather3A_316 = tpu.vector_load_idx %arg14[%add3A_196, %broadcast_in_dim3A_315] : memref<80x24xf32, #tpu.memory_space<vmem>>[vector<16xi32>, vector<16xi32>], vector<16xf32>,
      %broadcast_in_dim3A_317 = arith.constant 8 : i32
      %broadcast_in_dim3A_318 = vector.broadcast %broadcast_in_dim3A_317 : i32 to vector<16xi32>
      %mul3A_319 = arith.mulf %gather3A_316, %div3A_292 : vector<16xf32>
      tpu.vector_store_idx %arg16[%add3A_196, %broadcast_in_dim3A_318], %mul3A_319 : memref<80x16xf32, #tpu.memory_space<vmem>>[vector<16xi32>, vector<16xi32>], vector<16xf32>,
      %mul3A_320 = arith.constant 6 : i32
      %mul3A_321 = arith.muli %mul3A_320, %add3A_284 : i32
      %add3A_322 = arith.constant 3 : i32
      %add3A_323 = arith.addi %mul3A_321, %add3A_322 : i32
      %broadcast_in_dim3A_324 = vector.broadcast %add3A_323 : i32 to vector<16xi32>
      %gather3A_325 = tpu.vector_load_idx %arg14[%add3A_196, %broadcast_in_dim3A_324] : memref<80x24xf32, #tpu.memory_space<vmem>>[vector<16xi32>, vector<16xi32>], vector<16xf32>,
      %broadcast_in_dim3A_326 = arith.constant 9 : i32
      %broadcast_in_dim3A_327 = vector.broadcast %broadcast_in_dim3A_326 : i32 to vector<16xi32>
      %mul3A_328 = arith.mulf %gather3A_325, %div3A_292 : vector<16xf32>
      tpu.vector_store_idx %arg16[%add3A_196, %broadcast_in_dim3A_327], %mul3A_328 : memref<80x16xf32, #tpu.memory_space<vmem>>[vector<16xi32>, vector<16xi32>], vector<16xf32>,
      %mul3A_329 = arith.constant 6 : i32
      %mul3A_330 = arith.muli %mul3A_329, %add3A_284 : i32
      %add3A_331 = arith.constant 4 : i32
      %add3A_332 = arith.addi %mul3A_330, %add3A_331 : i32
      %broadcast_in_dim3A_333 = vector.broadcast %add3A_332 : i32 to vector<16xi32>
      %gather3A_334 = tpu.vector_load_idx %arg14[%add3A_196, %broadcast_in_dim3A_333] : memref<80x24xf32, #tpu.memory_space<vmem>>[vector<16xi32>, vector<16xi32>], vector<16xf32>,
      %broadcast_in_dim3A_335 = arith.constant 10 : i32
      %broadcast_in_dim3A_336 = vector.broadcast %broadcast_in_dim3A_335 : i32 to vector<16xi32>
      %mul3A_337 = arith.mulf %gather3A_334, %div3A_292 : vector<16xf32>
      tpu.vector_store_idx %arg16[%add3A_196, %broadcast_in_dim3A_336], %mul3A_337 : memref<80x16xf32, #tpu.memory_space<vmem>>[vector<16xi32>, vector<16xi32>], vector<16xf32>,
      %mul3A_338 = arith.constant 6 : i32
      %mul3A_339 = arith.muli %mul3A_338, %add3A_284 : i32
      %add3A_340 = arith.constant 5 : i32
      %add3A_341 = arith.addi %mul3A_339, %add3A_340 : i32
      %broadcast_in_dim3A_342 = vector.broadcast %add3A_341 : i32 to vector<16xi32>
      %gather3A_343 = tpu.vector_load_idx %arg14[%add3A_196, %broadcast_in_dim3A_342] : memref<80x24xf32, #tpu.memory_space<vmem>>[vector<16xi32>, vector<16xi32>], vector<16xf32>,
      %broadcast_in_dim3A_344 = arith.constant 11 : i32
      %broadcast_in_dim3A_345 = vector.broadcast %broadcast_in_dim3A_344 : i32 to vector<16xi32>
      %mul3A_346 = arith.mulf %gather3A_343, %div3A_292 : vector<16xf32>
      tpu.vector_store_idx %arg16[%add3A_196, %broadcast_in_dim3A_345], %mul3A_346 : memref<80x16xf32, #tpu.memory_space<vmem>>[vector<16xi32>, vector<16xi32>], vector<16xf32>,
      %mul3A_347 = arith.constant 2 : i32
      %mul3A_348 = arith.muli %mul3A_347, %add3A_284 : i32
      %add3A_349 = arith.constant 0 : i32
      %add3A_350 = arith.addi %mul3A_348, %add3A_349 : i32
      %broadcast_in_dim3A_351 = vector.broadcast %add3A_350 : i32 to vector<16xi32>
      %gather3A_352 = tpu.vector_load_idx %arg15[%add3A_196, %broadcast_in_dim3A_351] : memref<80x8xf32, #tpu.memory_space<vmem>>[vector<16xi32>, vector<16xi32>], vector<16xf32>,
      %broadcast_in_dim3A_353 = arith.constant 14 : i32
      %broadcast_in_dim3A_354 = vector.broadcast %broadcast_in_dim3A_353 : i32 to vector<16xi32>
      %mul3A_355 = arith.mulf %gather3A_352, %div3A_292 : vector<16xf32>
      tpu.vector_store_idx %arg16[%add3A_196, %broadcast_in_dim3A_354], %mul3A_355 : memref<80x16xf32, #tpu.memory_space<vmem>>[vector<16xi32>, vector<16xi32>], vector<16xf32>,
      %mul3A_356 = arith.constant 2 : i32
      %mul3A_357 = arith.muli %mul3A_356, %add3A_284 : i32
      %add3A_358 = arith.constant 1 : i32
      %add3A_359 = arith.addi %mul3A_357, %add3A_358 : i32
      %broadcast_in_dim3A_360 = vector.broadcast %add3A_359 : i32 to vector<16xi32>
      %gather3A_361 = tpu.vector_load_idx %arg15[%add3A_196, %broadcast_in_dim3A_360] : memref<80x8xf32, #tpu.memory_space<vmem>>[vector<16xi32>, vector<16xi32>], vector<16xf32>,
      %broadcast_in_dim3A_362 = arith.constant 15 : i32
      %broadcast_in_dim3A_363 = vector.broadcast %broadcast_in_dim3A_362 : i32 to vector<16xi32>
      %mul3A_364 = arith.mulf %gather3A_361, %div3A_292 : vector<16xf32>
      tpu.vector_store_idx %arg16[%add3A_196, %broadcast_in_dim3A_363], %mul3A_364 : memref<80x16xf32, #tpu.memory_space<vmem>>[vector<16xi32>, vector<16xi32>], vector<16xf32>,
      %iota3A_365 = tpu.iota {dimensions = array<i32: 0>} : vector<16xi32>
      %add3A_366 = arith.constant 32 : i32
      %add3A_367 = vector.broadcast %add3A_366 : i32 to vector<16xi32>
      %add3A_368 = arith.addi %iota3A_365, %add3A_367 : vector<16xi32>
      %mul3A_369 = arith.constant 2 : i32
      %mul3A_370 = arith.muli %mul3A_369, %arg0 : i32
      %add3A_371 = arith.constant 0 : i32
      %add3A_372 = arith.addi %mul3A_370, %add3A_371 : i32
      %broadcast_in_dim3A_373 = vector.broadcast %add3A_372 : i32 to vector<16xi32>
      %gather3A_374 = tpu.vector_load_idx %arg11[%add3A_368, %broadcast_in_dim3A_373] : memref<80x4xf32, #tpu.memory_space<vmem>>[vector<16xi32>, vector<16xi32>], vector<16xf32>,
      %broadcast_in_dim3A_375 = vector.broadcast %add3A_372 : i32 to vector<16xi32>
      %gather3A_376 = tpu.vector_load_idx %arg12[%add3A_368, %broadcast_in_dim3A_375] : memref<80x4xf32, #tpu.memory_space<vmem>>[vector<16xi32>, vector<16xi32>], vector<16xf32>,
      %broadcast_in_dim3A_377 = vector.broadcast %add3A_372 : i32 to vector<16xi32>
      %gather3A_378 = tpu.vector_load_idx %arg13[%add3A_368, %broadcast_in_dim3A_377] : memref<80x4xf32, #tpu.memory_space<vmem>>[vector<16xi32>, vector<16xi32>], vector<16xf32>,
      %add3A_379 = arith.addf %gather3A_376, %gather3A_378 : vector<16xf32>
      %div3A_380 = arith.divf %gather3A_374, %add3A_379 : vector<16xf32>
      %mul3A_381 = arith.constant 6 : i32
      %mul3A_382 = arith.muli %mul3A_381, %add3A_372 : i32
      %add3A_383 = arith.constant 0 : i32
      %add3A_384 = arith.addi %mul3A_382, %add3A_383 : i32
      %broadcast_in_dim3A_385 = vector.broadcast %add3A_384 : i32 to vector<16xi32>
      %gather3A_386 = tpu.vector_load_idx %arg14[%add3A_368, %broadcast_in_dim3A_385] : memref<80x24xf32, #tpu.memory_space<vmem>>[vector<16xi32>, vector<16xi32>], vector<16xf32>,
      %broadcast_in_dim3A_387 = arith.constant 0 : i32
      %broadcast_in_dim3A_388 = vector.broadcast %broadcast_in_dim3A_387 : i32 to vector<16xi32>
      %mul3A_389 = arith.mulf %gather3A_386, %div3A_380 : vector<16xf32>
      tpu.vector_store_idx %arg16[%add3A_368, %broadcast_in_dim3A_388], %mul3A_389 : memref<80x16xf32, #tpu.memory_space<vmem>>[vector<16xi32>, vector<16xi32>], vector<16xf32>,
      %mul3A_390 = arith.constant 6 : i32
      %mul3A_391 = arith.muli %mul3A_390, %add3A_372 : i32
      %add3A_392 = arith.constant 1 : i32
      %add3A_393 = arith.addi %mul3A_391, %add3A_392 : i32
      %broadcast_in_dim3A_394 = vector.broadcast %add3A_393 : i32 to vector<16xi32>
      %gather3A_395 = tpu.vector_load_idx %arg14[%add3A_368, %broadcast_in_dim3A_394] : memref<80x24xf32, #tpu.memory_space<vmem>>[vector<16xi32>, vector<16xi32>], vector<16xf32>,
      %broadcast_in_dim3A_396 = arith.constant 1 : i32
      %broadcast_in_dim3A_397 = vector.broadcast %broadcast_in_dim3A_396 : i32 to vector<16xi32>
      %mul3A_398 = arith.mulf %gather3A_395, %div3A_380 : vector<16xf32>
      tpu.vector_store_idx %arg16[%add3A_368, %broadcast_in_dim3A_397], %mul3A_398 : memref<80x16xf32, #tpu.memory_space<vmem>>[vector<16xi32>, vector<16xi32>], vector<16xf32>,
      %mul3A_399 = arith.constant 6 : i32
      %mul3A_400 = arith.muli %mul3A_399, %add3A_372 : i32
      %add3A_401 = arith.constant 2 : i32
      %add3A_402 = arith.addi %mul3A_400, %add3A_401 : i32
      %broadcast_in_dim3A_403 = vector.broadcast %add3A_402 : i32 to vector<16xi32>
      %gather3A_404 = tpu.vector_load_idx %arg14[%add3A_368, %broadcast_in_dim3A_403] : memref<80x24xf32, #tpu.memory_space<vmem>>[vector<16xi32>, vector<16xi32>], vector<16xf32>,
      %broadcast_in_dim3A_405 = arith.constant 2 : i32
      %broadcast_in_dim3A_406 = vector.broadcast %broadcast_in_dim3A_405 : i32 to vector<16xi32>
      %mul3A_407 = arith.mulf %gather3A_404, %div3A_380 : vector<16xf32>
      tpu.vector_store_idx %arg16[%add3A_368, %broadcast_in_dim3A_406], %mul3A_407 : memref<80x16xf32, #tpu.memory_space<vmem>>[vector<16xi32>, vector<16xi32>], vector<16xf32>,
      %mul3A_408 = arith.constant 6 : i32
      %mul3A_409 = arith.muli %mul3A_408, %add3A_372 : i32
      %add3A_410 = arith.constant 3 : i32
      %add3A_411 = arith.addi %mul3A_409, %add3A_410 : i32
      %broadcast_in_dim3A_412 = vector.broadcast %add3A_411 : i32 to vector<16xi32>
      %gather3A_413 = tpu.vector_load_idx %arg14[%add3A_368, %broadcast_in_dim3A_412] : memref<80x24xf32, #tpu.memory_space<vmem>>[vector<16xi32>, vector<16xi32>], vector<16xf32>,
      %broadcast_in_dim3A_414 = arith.constant 3 : i32
      %broadcast_in_dim3A_415 = vector.broadcast %broadcast_in_dim3A_414 : i32 to vector<16xi32>
      %mul3A_416 = arith.mulf %gather3A_413, %div3A_380 : vector<16xf32>
      tpu.vector_store_idx %arg16[%add3A_368, %broadcast_in_dim3A_415], %mul3A_416 : memref<80x16xf32, #tpu.memory_space<vmem>>[vector<16xi32>, vector<16xi32>], vector<16xf32>,
      %mul3A_417 = arith.constant 6 : i32
      %mul3A_418 = arith.muli %mul3A_417, %add3A_372 : i32
      %add3A_419 = arith.constant 4 : i32
      %add3A_420 = arith.addi %mul3A_418, %add3A_419 : i32
      %broadcast_in_dim3A_421 = vector.broadcast %add3A_420 : i32 to vector<16xi32>
      %gather3A_422 = tpu.vector_load_idx %arg14[%add3A_368, %broadcast_in_dim3A_421] : memref<80x24xf32, #tpu.memory_space<vmem>>[vector<16xi32>, vector<16xi32>], vector<16xf32>,
      %broadcast_in_dim3A_423 = arith.constant 4 : i32
      %broadcast_in_dim3A_424 = vector.broadcast %broadcast_in_dim3A_423 : i32 to vector<16xi32>
      %mul3A_425 = arith.mulf %gather3A_422, %div3A_380 : vector<16xf32>
      tpu.vector_store_idx %arg16[%add3A_368, %broadcast_in_dim3A_424], %mul3A_425 : memref<80x16xf32, #tpu.memory_space<vmem>>[vector<16xi32>, vector<16xi32>], vector<16xf32>,
      %mul3A_426 = arith.constant 6 : i32
      %mul3A_427 = arith.muli %mul3A_426, %add3A_372 : i32
      %add3A_428 = arith.constant 5 : i32
      %add3A_429 = arith.addi %mul3A_427, %add3A_428 : i32
      %broadcast_in_dim3A_430 = vector.broadcast %add3A_429 : i32 to vector<16xi32>
      %gather3A_431 = tpu.vector_load_idx %arg14[%add3A_368, %broadcast_in_dim3A_430] : memref<80x24xf32, #tpu.memory_space<vmem>>[vector<16xi32>, vector<16xi32>], vector<16xf32>,
      %broadcast_in_dim3A_432 = arith.constant 5 : i32
      %broadcast_in_dim3A_433 = vector.broadcast %broadcast_in_dim3A_432 : i32 to vector<16xi32>
      %mul3A_434 = arith.mulf %gather3A_431, %div3A_380 : vector<16xf32>
      tpu.vector_store_idx %arg16[%add3A_368, %broadcast_in_dim3A_433], %mul3A_434 : memref<80x16xf32, #tpu.memory_space<vmem>>[vector<16xi32>, vector<16xi32>], vector<16xf32>,
      %mul3A_435 = arith.constant 2 : i32
      %mul3A_436 = arith.muli %mul3A_435, %add3A_372 : i32
      %add3A_437 = arith.constant 0 : i32
      %add3A_438 = arith.addi %mul3A_436, %add3A_437 : i32
      %broadcast_in_dim3A_439 = vector.broadcast %add3A_438 : i32 to vector<16xi32>
      %gather3A_440 = tpu.vector_load_idx %arg15[%add3A_368, %broadcast_in_dim3A_439] : memref<80x8xf32, #tpu.memory_space<vmem>>[vector<16xi32>, vector<16xi32>], vector<16xf32>,
      %broadcast_in_dim3A_441 = arith.constant 12 : i32
      %broadcast_in_dim3A_442 = vector.broadcast %broadcast_in_dim3A_441 : i32 to vector<16xi32>
      %mul3A_443 = arith.mulf %gather3A_440, %div3A_380 : vector<16xf32>
      tpu.vector_store_idx %arg16[%add3A_368, %broadcast_in_dim3A_442], %mul3A_443 : memref<80x16xf32, #tpu.memory_space<vmem>>[vector<16xi32>, vector<16xi32>], vector<16xf32>,
      %mul3A_444 = arith.constant 2 : i32
      %mul3A_445 = arith.muli %mul3A_444, %add3A_372 : i32
      %add3A_446 = arith.constant 1 : i32
      %add3A_447 = arith.addi %mul3A_445, %add3A_446 : i32
      %broadcast_in_dim3A_448 = vector.broadcast %add3A_447 : i32 to vector<16xi32>
      %gather3A_449 = tpu.vector_load_idx %arg15[%add3A_368, %broadcast_in_dim3A_448] : memref<80x8xf32, #tpu.memory_space<vmem>>[vector<16xi32>, vector<16xi32>], vector<16xf32>,
      %broadcast_in_dim3A_450 = arith.constant 13 : i32
      %broadcast_in_dim3A_451 = vector.broadcast %broadcast_in_dim3A_450 : i32 to vector<16xi32>
      %mul3A_452 = arith.mulf %gather3A_449, %div3A_380 : vector<16xf32>
      tpu.vector_store_idx %arg16[%add3A_368, %broadcast_in_dim3A_451], %mul3A_452 : memref<80x16xf32, #tpu.memory_space<vmem>>[vector<16xi32>, vector<16xi32>], vector<16xf32>,
      %mul3A_453 = arith.constant 2 : i32
      %mul3A_454 = arith.muli %mul3A_453, %arg0 : i32
      %add3A_455 = arith.constant 1 : i32
      %add3A_456 = arith.addi %mul3A_454, %add3A_455 : i32
      %broadcast_in_dim3A_457 = vector.broadcast %add3A_456 : i32 to vector<16xi32>
      %gather3A_458 = tpu.vector_load_idx %arg11[%add3A_368, %broadcast_in_dim3A_457] : memref<80x4xf32, #tpu.memory_space<vmem>>[vector<16xi32>, vector<16xi32>], vector<16xf32>,
      %broadcast_in_dim3A_459 = vector.broadcast %add3A_456 : i32 to vector<16xi32>
      %gather3A_460 = tpu.vector_load_idx %arg12[%add3A_368, %broadcast_in_dim3A_459] : memref<80x4xf32, #tpu.memory_space<vmem>>[vector<16xi32>, vector<16xi32>], vector<16xf32>,
      %broadcast_in_dim3A_461 = vector.broadcast %add3A_456 : i32 to vector<16xi32>
      %gather3A_462 = tpu.vector_load_idx %arg13[%add3A_368, %broadcast_in_dim3A_461] : memref<80x4xf32, #tpu.memory_space<vmem>>[vector<16xi32>, vector<16xi32>], vector<16xf32>,
      %add3A_463 = arith.addf %gather3A_460, %gather3A_462 : vector<16xf32>
      %div3A_464 = arith.divf %gather3A_458, %add3A_463 : vector<16xf32>
      %mul3A_465 = arith.constant 6 : i32
      %mul3A_466 = arith.muli %mul3A_465, %add3A_456 : i32
      %add3A_467 = arith.constant 0 : i32
      %add3A_468 = arith.addi %mul3A_466, %add3A_467 : i32
      %broadcast_in_dim3A_469 = vector.broadcast %add3A_468 : i32 to vector<16xi32>
      %gather3A_470 = tpu.vector_load_idx %arg14[%add3A_368, %broadcast_in_dim3A_469] : memref<80x24xf32, #tpu.memory_space<vmem>>[vector<16xi32>, vector<16xi32>], vector<16xf32>,
      %broadcast_in_dim3A_471 = arith.constant 6 : i32
      %broadcast_in_dim3A_472 = vector.broadcast %broadcast_in_dim3A_471 : i32 to vector<16xi32>
      %mul3A_473 = arith.mulf %gather3A_470, %div3A_464 : vector<16xf32>
      tpu.vector_store_idx %arg16[%add3A_368, %broadcast_in_dim3A_472], %mul3A_473 : memref<80x16xf32, #tpu.memory_space<vmem>>[vector<16xi32>, vector<16xi32>], vector<16xf32>,
      %mul3A_474 = arith.constant 6 : i32
      %mul3A_475 = arith.muli %mul3A_474, %add3A_456 : i32
      %add3A_476 = arith.constant 1 : i32
      %add3A_477 = arith.addi %mul3A_475, %add3A_476 : i32
      %broadcast_in_dim3A_478 = vector.broadcast %add3A_477 : i32 to vector<16xi32>
      %gather3A_479 = tpu.vector_load_idx %arg14[%add3A_368, %broadcast_in_dim3A_478] : memref<80x24xf32, #tpu.memory_space<vmem>>[vector<16xi32>, vector<16xi32>], vector<16xf32>,
      %broadcast_in_dim3A_480 = arith.constant 7 : i32
      %broadcast_in_dim3A_481 = vector.broadcast %broadcast_in_dim3A_480 : i32 to vector<16xi32>
      %mul3A_482 = arith.mulf %gather3A_479, %div3A_464 : vector<16xf32>
      tpu.vector_store_idx %arg16[%add3A_368, %broadcast_in_dim3A_481], %mul3A_482 : memref<80x16xf32, #tpu.memory_space<vmem>>[vector<16xi32>, vector<16xi32>], vector<16xf32>,
      %mul3A_483 = arith.constant 6 : i32
      %mul3A_484 = arith.muli %mul3A_483, %add3A_456 : i32
      %add3A_485 = arith.constant 2 : i32
      %add3A_486 = arith.addi %mul3A_484, %add3A_485 : i32
      %broadcast_in_dim3A_487 = vector.broadcast %add3A_486 : i32 to vector<16xi32>
      %gather3A_488 = tpu.vector_load_idx %arg14[%add3A_368, %broadcast_in_dim3A_487] : memref<80x24xf32, #tpu.memory_space<vmem>>[vector<16xi32>, vector<16xi32>], vector<16xf32>,
      %broadcast_in_dim3A_489 = arith.constant 8 : i32
      %broadcast_in_dim3A_490 = vector.broadcast %broadcast_in_dim3A_489 : i32 to vector<16xi32>
      %mul3A_491 = arith.mulf %gather3A_488, %div3A_464 : vector<16xf32>
      tpu.vector_store_idx %arg16[%add3A_368, %broadcast_in_dim3A_490], %mul3A_491 : memref<80x16xf32, #tpu.memory_space<vmem>>[vector<16xi32>, vector<16xi32>], vector<16xf32>,
      %mul3A_492 = arith.constant 6 : i32
      %mul3A_493 = arith.muli %mul3A_492, %add3A_456 : i32
      %add3A_494 = arith.constant 3 : i32
      %add3A_495 = arith.addi %mul3A_493, %add3A_494 : i32
      %broadcast_in_dim3A_496 = vector.broadcast %add3A_495 : i32 to vector<16xi32>
      %gather3A_497 = tpu.vector_load_idx %arg14[%add3A_368, %broadcast_in_dim3A_496] : memref<80x24xf32, #tpu.memory_space<vmem>>[vector<16xi32>, vector<16xi32>], vector<16xf32>,
      %broadcast_in_dim3A_498 = arith.constant 9 : i32
      %broadcast_in_dim3A_499 = vector.broadcast %broadcast_in_dim3A_498 : i32 to vector<16xi32>
      %mul3A_500 = arith.mulf %gather3A_497, %div3A_464 : vector<16xf32>
      tpu.vector_store_idx %arg16[%add3A_368, %broadcast_in_dim3A_499], %mul3A_500 : memref<80x16xf32, #tpu.memory_space<vmem>>[vector<16xi32>, vector<16xi32>], vector<16xf32>,
      %mul3A_501 = arith.constant 6 : i32
      %mul3A_502 = arith.muli %mul3A_501, %add3A_456 : i32
      %add3A_503 = arith.constant 4 : i32
      %add3A_504 = arith.addi %mul3A_502, %add3A_503 : i32
      %broadcast_in_dim3A_505 = vector.broadcast %add3A_504 : i32 to vector<16xi32>
      %gather3A_506 = tpu.vector_load_idx %arg14[%add3A_368, %broadcast_in_dim3A_505] : memref<80x24xf32, #tpu.memory_space<vmem>>[vector<16xi32>, vector<16xi32>], vector<16xf32>,
      %broadcast_in_dim3A_507 = arith.constant 10 : i32
      %broadcast_in_dim3A_508 = vector.broadcast %broadcast_in_dim3A_507 : i32 to vector<16xi32>
      %mul3A_509 = arith.mulf %gather3A_506, %div3A_464 : vector<16xf32>
      tpu.vector_store_idx %arg16[%add3A_368, %broadcast_in_dim3A_508], %mul3A_509 : memref<80x16xf32, #tpu.memory_space<vmem>>[vector<16xi32>, vector<16xi32>], vector<16xf32>,
      %mul3A_510 = arith.constant 6 : i32
      %mul3A_511 = arith.muli %mul3A_510, %add3A_456 : i32
      %add3A_512 = arith.constant 5 : i32
      %add3A_513 = arith.addi %mul3A_511, %add3A_512 : i32
      %broadcast_in_dim3A_514 = vector.broadcast %add3A_513 : i32 to vector<16xi32>
      %gather3A_515 = tpu.vector_load_idx %arg14[%add3A_368, %broadcast_in_dim3A_514] : memref<80x24xf32, #tpu.memory_space<vmem>>[vector<16xi32>, vector<16xi32>], vector<16xf32>,
      %broadcast_in_dim3A_516 = arith.constant 11 : i32
      %broadcast_in_dim3A_517 = vector.broadcast %broadcast_in_dim3A_516 : i32 to vector<16xi32>
      %mul3A_518 = arith.mulf %gather3A_515, %div3A_464 : vector<16xf32>
      tpu.vector_store_idx %arg16[%add3A_368, %broadcast_in_dim3A_517], %mul3A_518 : memref<80x16xf32, #tpu.memory_space<vmem>>[vector<16xi32>, vector<16xi32>], vector<16xf32>,
      %mul3A_519 = arith.constant 2 : i32
      %mul3A_520 = arith.muli %mul3A_519, %add3A_456 : i32
      %add3A_521 = arith.constant 0 : i32
      %add3A_522 = arith.addi %mul3A_520, %add3A_521 : i32
      %broadcast_in_dim3A_523 = vector.broadcast %add3A_522 : i32 to vector<16xi32>
      %gather3A_524 = tpu.vector_load_idx %arg15[%add3A_368, %broadcast_in_dim3A_523] : memref<80x8xf32, #tpu.memory_space<vmem>>[vector<16xi32>, vector<16xi32>], vector<16xf32>,
      %broadcast_in_dim3A_525 = arith.constant 14 : i32
      %broadcast_in_dim3A_526 = vector.broadcast %broadcast_in_dim3A_525 : i32 to vector<16xi32>
      %mul3A_527 = arith.mulf %gather3A_524, %div3A_464 : vector<16xf32>
      tpu.vector_store_idx %arg16[%add3A_368, %broadcast_in_dim3A_526], %mul3A_527 : memref<80x16xf32, #tpu.memory_space<vmem>>[vector<16xi32>, vector<16xi32>], vector<16xf32>,
      %mul3A_528 = arith.constant 2 : i32
      %mul3A_529 = arith.muli %mul3A_528, %add3A_456 : i32
      %add3A_530 = arith.constant 1 : i32
      %add3A_531 = arith.addi %mul3A_529, %add3A_530 : i32
      %broadcast_in_dim3A_532 = vector.broadcast %add3A_531 : i32 to vector<16xi32>
      %gather3A_533 = tpu.vector_load_idx %arg15[%add3A_368, %broadcast_in_dim3A_532] : memref<80x8xf32, #tpu.memory_space<vmem>>[vector<16xi32>, vector<16xi32>], vector<16xf32>,
      %broadcast_in_dim3A_534 = arith.constant 15 : i32
      %broadcast_in_dim3A_535 = vector.broadcast %broadcast_in_dim3A_534 : i32 to vector<16xi32>
      %mul3A_536 = arith.mulf %gather3A_533, %div3A_464 : vector<16xf32>
      tpu.vector_store_idx %arg16[%add3A_368, %broadcast_in_dim3A_535], %mul3A_536 : memref<80x16xf32, #tpu.memory_space<vmem>>[vector<16xi32>, vector<16xi32>], vector<16xf32>,
      %iota3A_537 = tpu.iota {dimensions = array<i32: 0>} : vector<16xi32>
      %add3A_538 = arith.constant 48 : i32
      %add3A_539 = vector.broadcast %add3A_538 : i32 to vector<16xi32>
      %add3A_540 = arith.addi %iota3A_537, %add3A_539 : vector<16xi32>
      %mul3A_541 = arith.constant 2 : i32
      %mul3A_542 = arith.muli %mul3A_541, %arg0 : i32
      %add3A_543 = arith.constant 0 : i32
      %add3A_544 = arith.addi %mul3A_542, %add3A_543 : i32
      %broadcast_in_dim3A_545 = vector.broadcast %add3A_544 : i32 to vector<16xi32>
      %gather3A_546 = tpu.vector_load_idx %arg11[%add3A_540, %broadcast_in_dim3A_545] : memref<80x4xf32, #tpu.memory_space<vmem>>[vector<16xi32>, vector<16xi32>], vector<16xf32>,
      %broadcast_in_dim3A_547 = vector.broadcast %add3A_544 : i32 to vector<16xi32>
      %gather3A_548 = tpu.vector_load_idx %arg12[%add3A_540, %broadcast_in_dim3A_547] : memref<80x4xf32, #tpu.memory_space<vmem>>[vector<16xi32>, vector<16xi32>], vector<16xf32>,
      %broadcast_in_dim3A_549 = vector.broadcast %add3A_544 : i32 to vector<16xi32>
      %gather3A_550 = tpu.vector_load_idx %arg13[%add3A_540, %broadcast_in_dim3A_549] : memref<80x4xf32, #tpu.memory_space<vmem>>[vector<16xi32>, vector<16xi32>], vector<16xf32>,
      %add3A_551 = arith.addf %gather3A_548, %gather3A_550 : vector<16xf32>
      %div3A_552 = arith.divf %gather3A_546, %add3A_551 : vector<16xf32>
      %mul3A_553 = arith.constant 6 : i32
      %mul3A_554 = arith.muli %mul3A_553, %add3A_544 : i32
      %add3A_555 = arith.constant 0 : i32
      %add3A_556 = arith.addi %mul3A_554, %add3A_555 : i32
      %broadcast_in_dim3A_557 = vector.broadcast %add3A_556 : i32 to vector<16xi32>
      %gather3A_558 = tpu.vector_load_idx %arg14[%add3A_540, %broadcast_in_dim3A_557] : memref<80x24xf32, #tpu.memory_space<vmem>>[vector<16xi32>, vector<16xi32>], vector<16xf32>,
      %broadcast_in_dim3A_559 = arith.constant 0 : i32
      %broadcast_in_dim3A_560 = vector.broadcast %broadcast_in_dim3A_559 : i32 to vector<16xi32>
      %mul3A_561 = arith.mulf %gather3A_558, %div3A_552 : vector<16xf32>
      tpu.vector_store_idx %arg16[%add3A_540, %broadcast_in_dim3A_560], %mul3A_561 : memref<80x16xf32, #tpu.memory_space<vmem>>[vector<16xi32>, vector<16xi32>], vector<16xf32>,
      %mul3A_562 = arith.constant 6 : i32
      %mul3A_563 = arith.muli %mul3A_562, %add3A_544 : i32
      %add3A_564 = arith.constant 1 : i32
      %add3A_565 = arith.addi %mul3A_563, %add3A_564 : i32
      %broadcast_in_dim3A_566 = vector.broadcast %add3A_565 : i32 to vector<16xi32>
      %gather3A_567 = tpu.vector_load_idx %arg14[%add3A_540, %broadcast_in_dim3A_566] : memref<80x24xf32, #tpu.memory_space<vmem>>[vector<16xi32>, vector<16xi32>], vector<16xf32>,
      %broadcast_in_dim3A_568 = arith.constant 1 : i32
      %broadcast_in_dim3A_569 = vector.broadcast %broadcast_in_dim3A_568 : i32 to vector<16xi32>
      %mul3A_570 = arith.mulf %gather3A_567, %div3A_552 : vector<16xf32>
      tpu.vector_store_idx %arg16[%add3A_540, %broadcast_in_dim3A_569], %mul3A_570 : memref<80x16xf32, #tpu.memory_space<vmem>>[vector<16xi32>, vector<16xi32>], vector<16xf32>,
      %mul3A_571 = arith.constant 6 : i32
      %mul3A_572 = arith.muli %mul3A_571, %add3A_544 : i32
      %add3A_573 = arith.constant 2 : i32
      %add3A_574 = arith.addi %mul3A_572, %add3A_573 : i32
      %broadcast_in_dim3A_575 = vector.broadcast %add3A_574 : i32 to vector<16xi32>
      %gather3A_576 = tpu.vector_load_idx %arg14[%add3A_540, %broadcast_in_dim3A_575] : memref<80x24xf32, #tpu.memory_space<vmem>>[vector<16xi32>, vector<16xi32>], vector<16xf32>,
      %broadcast_in_dim3A_577 = arith.constant 2 : i32
      %broadcast_in_dim3A_578 = vector.broadcast %broadcast_in_dim3A_577 : i32 to vector<16xi32>
      %mul3A_579 = arith.mulf %gather3A_576, %div3A_552 : vector<16xf32>
      tpu.vector_store_idx %arg16[%add3A_540, %broadcast_in_dim3A_578], %mul3A_579 : memref<80x16xf32, #tpu.memory_space<vmem>>[vector<16xi32>, vector<16xi32>], vector<16xf32>,
      %mul3A_580 = arith.constant 6 : i32
      %mul3A_581 = arith.muli %mul3A_580, %add3A_544 : i32
      %add3A_582 = arith.constant 3 : i32
      %add3A_583 = arith.addi %mul3A_581, %add3A_582 : i32
      %broadcast_in_dim3A_584 = vector.broadcast %add3A_583 : i32 to vector<16xi32>
      %gather3A_585 = tpu.vector_load_idx %arg14[%add3A_540, %broadcast_in_dim3A_584] : memref<80x24xf32, #tpu.memory_space<vmem>>[vector<16xi32>, vector<16xi32>], vector<16xf32>,
      %broadcast_in_dim3A_586 = arith.constant 3 : i32
      %broadcast_in_dim3A_587 = vector.broadcast %broadcast_in_dim3A_586 : i32 to vector<16xi32>
      %mul3A_588 = arith.mulf %gather3A_585, %div3A_552 : vector<16xf32>
      tpu.vector_store_idx %arg16[%add3A_540, %broadcast_in_dim3A_587], %mul3A_588 : memref<80x16xf32, #tpu.memory_space<vmem>>[vector<16xi32>, vector<16xi32>], vector<16xf32>,
      %mul3A_589 = arith.constant 6 : i32
      %mul3A_590 = arith.muli %mul3A_589, %add3A_544 : i32
      %add3A_591 = arith.constant 4 : i32
      %add3A_592 = arith.addi %mul3A_590, %add3A_591 : i32
      %broadcast_in_dim3A_593 = vector.broadcast %add3A_592 : i32 to vector<16xi32>
      %gather3A_594 = tpu.vector_load_idx %arg14[%add3A_540, %broadcast_in_dim3A_593] : memref<80x24xf32, #tpu.memory_space<vmem>>[vector<16xi32>, vector<16xi32>], vector<16xf32>,
      %broadcast_in_dim3A_595 = arith.constant 4 : i32
      %broadcast_in_dim3A_596 = vector.broadcast %broadcast_in_dim3A_595 : i32 to vector<16xi32>
      %mul3A_597 = arith.mulf %gather3A_594, %div3A_552 : vector<16xf32>
      tpu.vector_store_idx %arg16[%add3A_540, %broadcast_in_dim3A_596], %mul3A_597 : memref<80x16xf32, #tpu.memory_space<vmem>>[vector<16xi32>, vector<16xi32>], vector<16xf32>,
      %mul3A_598 = arith.constant 6 : i32
      %mul3A_599 = arith.muli %mul3A_598, %add3A_544 : i32
      %add3A_600 = arith.constant 5 : i32
      %add3A_601 = arith.addi %mul3A_599, %add3A_600 : i32
      %broadcast_in_dim3A_602 = vector.broadcast %add3A_601 : i32 to vector<16xi32>
      %gather3A_603 = tpu.vector_load_idx %arg14[%add3A_540, %broadcast_in_dim3A_602] : memref<80x24xf32, #tpu.memory_space<vmem>>[vector<16xi32>, vector<16xi32>], vector<16xf32>,
      %broadcast_in_dim3A_604 = arith.constant 5 : i32
      %broadcast_in_dim3A_605 = vector.broadcast %broadcast_in_dim3A_604 : i32 to vector<16xi32>
      %mul3A_606 = arith.mulf %gather3A_603, %div3A_552 : vector<16xf32>
      tpu.vector_store_idx %arg16[%add3A_540, %broadcast_in_dim3A_605], %mul3A_606 : memref<80x16xf32, #tpu.memory_space<vmem>>[vector<16xi32>, vector<16xi32>], vector<16xf32>,
      %mul3A_607 = arith.constant 2 : i32
      %mul3A_608 = arith.muli %mul3A_607, %add3A_544 : i32
      %add3A_609 = arith.constant 0 : i32
      %add3A_610 = arith.addi %mul3A_608, %add3A_609 : i32
      %broadcast_in_dim3A_611 = vector.broadcast %add3A_610 : i32 to vector<16xi32>
      %gather3A_612 = tpu.vector_load_idx %arg15[%add3A_540, %broadcast_in_dim3A_611] : memref<80x8xf32, #tpu.memory_space<vmem>>[vector<16xi32>, vector<16xi32>], vector<16xf32>,
      %broadcast_in_dim3A_613 = arith.constant 12 : i32
      %broadcast_in_dim3A_614 = vector.broadcast %broadcast_in_dim3A_613 : i32 to vector<16xi32>
      %mul3A_615 = arith.mulf %gather3A_612, %div3A_552 : vector<16xf32>
      tpu.vector_store_idx %arg16[%add3A_540, %broadcast_in_dim3A_614], %mul3A_615 : memref<80x16xf32, #tpu.memory_space<vmem>>[vector<16xi32>, vector<16xi32>], vector<16xf32>,
      %mul3A_616 = arith.constant 2 : i32
      %mul3A_617 = arith.muli %mul3A_616, %add3A_544 : i32
      %add3A_618 = arith.constant 1 : i32
      %add3A_619 = arith.addi %mul3A_617, %add3A_618 : i32
      %broadcast_in_dim3A_620 = vector.broadcast %add3A_619 : i32 to vector<16xi32>
      %gather3A_621 = tpu.vector_load_idx %arg15[%add3A_540, %broadcast_in_dim3A_620] : memref<80x8xf32, #tpu.memory_space<vmem>>[vector<16xi32>, vector<16xi32>], vector<16xf32>,
      %broadcast_in_dim3A_622 = arith.constant 13 : i32
      %broadcast_in_dim3A_623 = vector.broadcast %broadcast_in_dim3A_622 : i32 to vector<16xi32>
      %mul3A_624 = arith.mulf %gather3A_621, %div3A_552 : vector<16xf32>
      tpu.vector_store_idx %arg16[%add3A_540, %broadcast_in_dim3A_623], %mul3A_624 : memref<80x16xf32, #tpu.memory_space<vmem>>[vector<16xi32>, vector<16xi32>], vector<16xf32>,
      %mul3A_625 = arith.constant 2 : i32
      %mul3A_626 = arith.muli %mul3A_625, %arg0 : i32
      %add3A_627 = arith.constant 1 : i32
      %add3A_628 = arith.addi %mul3A_626, %add3A_627 : i32
      %broadcast_in_dim3A_629 = vector.broadcast %add3A_628 : i32 to vector<16xi32>
      %gather3A_630 = tpu.vector_load_idx %arg11[%add3A_540, %broadcast_in_dim3A_629] : memref<80x4xf32, #tpu.memory_space<vmem>>[vector<16xi32>, vector<16xi32>], vector<16xf32>,
      %broadcast_in_dim3A_631 = vector.broadcast %add3A_628 : i32 to vector<16xi32>
      %gather3A_632 = tpu.vector_load_idx %arg12[%add3A_540, %broadcast_in_dim3A_631] : memref<80x4xf32, #tpu.memory_space<vmem>>[vector<16xi32>, vector<16xi32>], vector<16xf32>,
      %broadcast_in_dim3A_633 = vector.broadcast %add3A_628 : i32 to vector<16xi32>
      %gather3A_634 = tpu.vector_load_idx %arg13[%add3A_540, %broadcast_in_dim3A_633] : memref<80x4xf32, #tpu.memory_space<vmem>>[vector<16xi32>, vector<16xi32>], vector<16xf32>,
      %add3A_635 = arith.addf %gather3A_632, %gather3A_634 : vector<16xf32>
      %div3A_636 = arith.divf %gather3A_630, %add3A_635 : vector<16xf32>
      %mul3A_637 = arith.constant 6 : i32
      %mul3A_638 = arith.muli %mul3A_637, %add3A_628 : i32
      %add3A_639 = arith.constant 0 : i32
      %add3A_640 = arith.addi %mul3A_638, %add3A_639 : i32
      %broadcast_in_dim3A_641 = vector.broadcast %add3A_640 : i32 to vector<16xi32>
      %gather3A_642 = tpu.vector_load_idx %arg14[%add3A_540, %broadcast_in_dim3A_641] : memref<80x24xf32, #tpu.memory_space<vmem>>[vector<16xi32>, vector<16xi32>], vector<16xf32>,
      %broadcast_in_dim3A_643 = arith.constant 6 : i32
      %broadcast_in_dim3A_644 = vector.broadcast %broadcast_in_dim3A_643 : i32 to vector<16xi32>
      %mul3A_645 = arith.mulf %gather3A_642, %div3A_636 : vector<16xf32>
      tpu.vector_store_idx %arg16[%add3A_540, %broadcast_in_dim3A_644], %mul3A_645 : memref<80x16xf32, #tpu.memory_space<vmem>>[vector<16xi32>, vector<16xi32>], vector<16xf32>,
      %mul3A_646 = arith.constant 6 : i32
      %mul3A_647 = arith.muli %mul3A_646, %add3A_628 : i32
      %add3A_648 = arith.constant 1 : i32
      %add3A_649 = arith.addi %mul3A_647, %add3A_648 : i32
      %broadcast_in_dim3A_650 = vector.broadcast %add3A_649 : i32 to vector<16xi32>
      %gather3A_651 = tpu.vector_load_idx %arg14[%add3A_540, %broadcast_in_dim3A_650] : memref<80x24xf32, #tpu.memory_space<vmem>>[vector<16xi32>, vector<16xi32>], vector<16xf32>,
      %broadcast_in_dim3A_652 = arith.constant 7 : i32
      %broadcast_in_dim3A_653 = vector.broadcast %broadcast_in_dim3A_652 : i32 to vector<16xi32>
      %mul3A_654 = arith.mulf %gather3A_651, %div3A_636 : vector<16xf32>
      tpu.vector_store_idx %arg16[%add3A_540, %broadcast_in_dim3A_653], %mul3A_654 : memref<80x16xf32, #tpu.memory_space<vmem>>[vector<16xi32>, vector<16xi32>], vector<16xf32>,
      %mul3A_655 = arith.constant 6 : i32
      %mul3A_656 = arith.muli %mul3A_655, %add3A_628 : i32
      %add3A_657 = arith.constant 2 : i32
      %add3A_658 = arith.addi %mul3A_656, %add3A_657 : i32
      %broadcast_in_dim3A_659 = vector.broadcast %add3A_658 : i32 to vector<16xi32>
      %gather3A_660 = tpu.vector_load_idx %arg14[%add3A_540, %broadcast_in_dim3A_659] : memref<80x24xf32, #tpu.memory_space<vmem>>[vector<16xi32>, vector<16xi32>], vector<16xf32>,
      %broadcast_in_dim3A_661 = arith.constant 8 : i32
      %broadcast_in_dim3A_662 = vector.broadcast %broadcast_in_dim3A_661 : i32 to vector<16xi32>
      %mul3A_663 = arith.mulf %gather3A_660, %div3A_636 : vector<16xf32>
      tpu.vector_store_idx %arg16[%add3A_540, %broadcast_in_dim3A_662], %mul3A_663 : memref<80x16xf32, #tpu.memory_space<vmem>>[vector<16xi32>, vector<16xi32>], vector<16xf32>,
      %mul3A_664 = arith.constant 6 : i32
      %mul3A_665 = arith.muli %mul3A_664, %add3A_628 : i32
      %add3A_666 = arith.constant 3 : i32
      %add3A_667 = arith.addi %mul3A_665, %add3A_666 : i32
      %broadcast_in_dim3A_668 = vector.broadcast %add3A_667 : i32 to vector<16xi32>
      %gather3A_669 = tpu.vector_load_idx %arg14[%add3A_540, %broadcast_in_dim3A_668] : memref<80x24xf32, #tpu.memory_space<vmem>>[vector<16xi32>, vector<16xi32>], vector<16xf32>,
      %broadcast_in_dim3A_670 = arith.constant 9 : i32
      %broadcast_in_dim3A_671 = vector.broadcast %broadcast_in_dim3A_670 : i32 to vector<16xi32>
      %mul3A_672 = arith.mulf %gather3A_669, %div3A_636 : vector<16xf32>
      tpu.vector_store_idx %arg16[%add3A_540, %broadcast_in_dim3A_671], %mul3A_672 : memref<80x16xf32, #tpu.memory_space<vmem>>[vector<16xi32>, vector<16xi32>], vector<16xf32>,
      %mul3A_673 = arith.constant 6 : i32
      %mul3A_674 = arith.muli %mul3A_673, %add3A_628 : i32
      %add3A_675 = arith.constant 4 : i32
      %add3A_676 = arith.addi %mul3A_674, %add3A_675 : i32
      %broadcast_in_dim3A_677 = vector.broadcast %add3A_676 : i32 to vector<16xi32>
      %gather3A_678 = tpu.vector_load_idx %arg14[%add3A_540, %broadcast_in_dim3A_677] : memref<80x24xf32, #tpu.memory_space<vmem>>[vector<16xi32>, vector<16xi32>], vector<16xf32>,
      %broadcast_in_dim3A_679 = arith.constant 10 : i32
      %broadcast_in_dim3A_680 = vector.broadcast %broadcast_in_dim3A_679 : i32 to vector<16xi32>
      %mul3A_681 = arith.mulf %gather3A_678, %div3A_636 : vector<16xf32>
      tpu.vector_store_idx %arg16[%add3A_540, %broadcast_in_dim3A_680], %mul3A_681 : memref<80x16xf32, #tpu.memory_space<vmem>>[vector<16xi32>, vector<16xi32>], vector<16xf32>,
      %mul3A_682 = arith.constant 6 : i32
      %mul3A_683 = arith.muli %mul3A_682, %add3A_628 : i32
      %add3A_684 = arith.constant 5 : i32
      %add3A_685 = arith.addi %mul3A_683, %add3A_684 : i32
      %broadcast_in_dim3A_686 = vector.broadcast %add3A_685 : i32 to vector<16xi32>
      %gather3A_687 = tpu.vector_load_idx %arg14[%add3A_540, %broadcast_in_dim3A_686] : memref<80x24xf32, #tpu.memory_space<vmem>>[vector<16xi32>, vector<16xi32>], vector<16xf32>,
      %broadcast_in_dim3A_688 = arith.constant 11 : i32
      %broadcast_in_dim3A_689 = vector.broadcast %broadcast_in_dim3A_688 : i32 to vector<16xi32>
      %mul3A_690 = arith.mulf %gather3A_687, %div3A_636 : vector<16xf32>
      tpu.vector_store_idx %arg16[%add3A_540, %broadcast_in_dim3A_689], %mul3A_690 : memref<80x16xf32, #tpu.memory_space<vmem>>[vector<16xi32>, vector<16xi32>], vector<16xf32>,
      %mul3A_691 = arith.constant 2 : i32
      %mul3A_692 = arith.muli %mul3A_691, %add3A_628 : i32
      %add3A_693 = arith.constant 0 : i32
      %add3A_694 = arith.addi %mul3A_692, %add3A_693 : i32
      %broadcast_in_dim3A_695 = vector.broadcast %add3A_694 : i32 to vector<16xi32>
      %gather3A_696 = tpu.vector_load_idx %arg15[%add3A_540, %broadcast_in_dim3A_695] : memref<80x8xf32, #tpu.memory_space<vmem>>[vector<16xi32>, vector<16xi32>], vector<16xf32>,
      %broadcast_in_dim3A_697 = arith.constant 14 : i32
      %broadcast_in_dim3A_698 = vector.broadcast %broadcast_in_dim3A_697 : i32 to vector<16xi32>
      %mul3A_699 = arith.mulf %gather3A_696, %div3A_636 : vector<16xf32>
      tpu.vector_store_idx %arg16[%add3A_540, %broadcast_in_dim3A_698], %mul3A_699 : memref<80x16xf32, #tpu.memory_space<vmem>>[vector<16xi32>, vector<16xi32>], vector<16xf32>,
      %mul3A_700 = arith.constant 2 : i32
      %mul3A_701 = arith.muli %mul3A_700, %add3A_628 : i32
      %add3A_702 = arith.constant 1 : i32
      %add3A_703 = arith.addi %mul3A_701, %add3A_702 : i32
      %broadcast_in_dim3A_704 = vector.broadcast %add3A_703 : i32 to vector<16xi32>
      %gather3A_705 = tpu.vector_load_idx %arg15[%add3A_540, %broadcast_in_dim3A_704] : memref<80x8xf32, #tpu.memory_space<vmem>>[vector<16xi32>, vector<16xi32>], vector<16xf32>,
      %broadcast_in_dim3A_706 = arith.constant 15 : i32
      %broadcast_in_dim3A_707 = vector.broadcast %broadcast_in_dim3A_706 : i32 to vector<16xi32>
      %mul3A_708 = arith.mulf %gather3A_705, %div3A_636 : vector<16xf32>
      tpu.vector_store_idx %arg16[%add3A_540, %broadcast_in_dim3A_707], %mul3A_708 : memref<80x16xf32, #tpu.memory_space<vmem>>[vector<16xi32>, vector<16xi32>], vector<16xf32>,
      %iota3A_709 = tpu.iota {dimensions = array<i32: 0>} : vector<16xi32>
      %add3A_710 = arith.constant 64 : i32
      %add3A_711 = vector.broadcast %add3A_710 : i32 to vector<16xi32>
      %add3A_712 = arith.addi %iota3A_709, %add3A_711 : vector<16xi32>
      %mul3A_713 = arith.constant 2 : i32
      %mul3A_714 = arith.muli %mul3A_713, %arg0 : i32
      %add3A_715 = arith.constant 0 : i32
      %add3A_716 = arith.addi %mul3A_714, %add3A_715 : i32
      %broadcast_in_dim3A_717 = vector.broadcast %add3A_716 : i32 to vector<16xi32>
      %gather3A_718 = tpu.vector_load_idx %arg11[%add3A_712, %broadcast_in_dim3A_717] : memref<80x4xf32, #tpu.memory_space<vmem>>[vector<16xi32>, vector<16xi32>], vector<16xf32>,
      %broadcast_in_dim3A_719 = vector.broadcast %add3A_716 : i32 to vector<16xi32>
      %gather3A_720 = tpu.vector_load_idx %arg12[%add3A_712, %broadcast_in_dim3A_719] : memref<80x4xf32, #tpu.memory_space<vmem>>[vector<16xi32>, vector<16xi32>], vector<16xf32>,
      %broadcast_in_dim3A_721 = vector.broadcast %add3A_716 : i32 to vector<16xi32>
      %gather3A_722 = tpu.vector_load_idx %arg13[%add3A_712, %broadcast_in_dim3A_721] : memref<80x4xf32, #tpu.memory_space<vmem>>[vector<16xi32>, vector<16xi32>], vector<16xf32>,
      %add3A_723 = arith.addf %gather3A_720, %gather3A_722 : vector<16xf32>
      %div3A_724 = arith.divf %gather3A_718, %add3A_723 : vector<16xf32>
      %mul3A_725 = arith.constant 6 : i32
      %mul3A_726 = arith.muli %mul3A_725, %add3A_716 : i32
      %add3A_727 = arith.constant 0 : i32
      %add3A_728 = arith.addi %mul3A_726, %add3A_727 : i32
      %broadcast_in_dim3A_729 = vector.broadcast %add3A_728 : i32 to vector<16xi32>
      %gather3A_730 = tpu.vector_load_idx %arg14[%add3A_712, %broadcast_in_dim3A_729] : memref<80x24xf32, #tpu.memory_space<vmem>>[vector<16xi32>, vector<16xi32>], vector<16xf32>,
      %broadcast_in_dim3A_731 = arith.constant 0 : i32
      %broadcast_in_dim3A_732 = vector.broadcast %broadcast_in_dim3A_731 : i32 to vector<16xi32>
      %mul3A_733 = arith.mulf %gather3A_730, %div3A_724 : vector<16xf32>
      tpu.vector_store_idx %arg16[%add3A_712, %broadcast_in_dim3A_732], %mul3A_733 : memref<80x16xf32, #tpu.memory_space<vmem>>[vector<16xi32>, vector<16xi32>], vector<16xf32>,
      %mul3A_734 = arith.constant 6 : i32
      %mul3A_735 = arith.muli %mul3A_734, %add3A_716 : i32
      %add3A_736 = arith.constant 1 : i32
      %add3A_737 = arith.addi %mul3A_735, %add3A_736 : i32
      %broadcast_in_dim3A_738 = vector.broadcast %add3A_737 : i32 to vector<16xi32>
      %gather3A_739 = tpu.vector_load_idx %arg14[%add3A_712, %broadcast_in_dim3A_738] : memref<80x24xf32, #tpu.memory_space<vmem>>[vector<16xi32>, vector<16xi32>], vector<16xf32>,
      %broadcast_in_dim3A_740 = arith.constant 1 : i32
      %broadcast_in_dim3A_741 = vector.broadcast %broadcast_in_dim3A_740 : i32 to vector<16xi32>
      %mul3A_742 = arith.mulf %gather3A_739, %div3A_724 : vector<16xf32>
      tpu.vector_store_idx %arg16[%add3A_712, %broadcast_in_dim3A_741], %mul3A_742 : memref<80x16xf32, #tpu.memory_space<vmem>>[vector<16xi32>, vector<16xi32>], vector<16xf32>,
      %mul3A_743 = arith.constant 6 : i32
      %mul3A_744 = arith.muli %mul3A_743, %add3A_716 : i32
      %add3A_745 = arith.constant 2 : i32
      %add3A_746 = arith.addi %mul3A_744, %add3A_745 : i32
      %broadcast_in_dim3A_747 = vector.broadcast %add3A_746 : i32 to vector<16xi32>
      %gather3A_748 = tpu.vector_load_idx %arg14[%add3A_712, %broadcast_in_dim3A_747] : memref<80x24xf32, #tpu.memory_space<vmem>>[vector<16xi32>, vector<16xi32>], vector<16xf32>,
      %broadcast_in_dim3A_749 = arith.constant 2 : i32
      %broadcast_in_dim3A_750 = vector.broadcast %broadcast_in_dim3A_749 : i32 to vector<16xi32>
      %mul3A_751 = arith.mulf %gather3A_748, %div3A_724 : vector<16xf32>
      tpu.vector_store_idx %arg16[%add3A_712, %broadcast_in_dim3A_750], %mul3A_751 : memref<80x16xf32, #tpu.memory_space<vmem>>[vector<16xi32>, vector<16xi32>], vector<16xf32>,
      %mul3A_752 = arith.constant 6 : i32
      %mul3A_753 = arith.muli %mul3A_752, %add3A_716 : i32
      %add3A_754 = arith.constant 3 : i32
      %add3A_755 = arith.addi %mul3A_753, %add3A_754 : i32
      %broadcast_in_dim3A_756 = vector.broadcast %add3A_755 : i32 to vector<16xi32>
      %gather3A_757 = tpu.vector_load_idx %arg14[%add3A_712, %broadcast_in_dim3A_756] : memref<80x24xf32, #tpu.memory_space<vmem>>[vector<16xi32>, vector<16xi32>], vector<16xf32>,
      %broadcast_in_dim3A_758 = arith.constant 3 : i32
      %broadcast_in_dim3A_759 = vector.broadcast %broadcast_in_dim3A_758 : i32 to vector<16xi32>
      %mul3A_760 = arith.mulf %gather3A_757, %div3A_724 : vector<16xf32>
      tpu.vector_store_idx %arg16[%add3A_712, %broadcast_in_dim3A_759], %mul3A_760 : memref<80x16xf32, #tpu.memory_space<vmem>>[vector<16xi32>, vector<16xi32>], vector<16xf32>,
      %mul3A_761 = arith.constant 6 : i32
      %mul3A_762 = arith.muli %mul3A_761, %add3A_716 : i32
      %add3A_763 = arith.constant 4 : i32
      %add3A_764 = arith.addi %mul3A_762, %add3A_763 : i32
      %broadcast_in_dim3A_765 = vector.broadcast %add3A_764 : i32 to vector<16xi32>
      %gather3A_766 = tpu.vector_load_idx %arg14[%add3A_712, %broadcast_in_dim3A_765] : memref<80x24xf32, #tpu.memory_space<vmem>>[vector<16xi32>, vector<16xi32>], vector<16xf32>,
      %broadcast_in_dim3A_767 = arith.constant 4 : i32
      %broadcast_in_dim3A_768 = vector.broadcast %broadcast_in_dim3A_767 : i32 to vector<16xi32>
      %mul3A_769 = arith.mulf %gather3A_766, %div3A_724 : vector<16xf32>
      tpu.vector_store_idx %arg16[%add3A_712, %broadcast_in_dim3A_768], %mul3A_769 : memref<80x16xf32, #tpu.memory_space<vmem>>[vector<16xi32>, vector<16xi32>], vector<16xf32>,
      %mul3A_770 = arith.constant 6 : i32
      %mul3A_771 = arith.muli %mul3A_770, %add3A_716 : i32
      %add3A_772 = arith.constant 5 : i32
      %add3A_773 = arith.addi %mul3A_771, %add3A_772 : i32
      %broadcast_in_dim3A_774 = vector.broadcast %add3A_773 : i32 to vector<16xi32>
      %gather3A_775 = tpu.vector_load_idx %arg14[%add3A_712, %broadcast_in_dim3A_774] : memref<80x24xf32, #tpu.memory_space<vmem>>[vector<16xi32>, vector<16xi32>], vector<16xf32>,
      %broadcast_in_dim3A_776 = arith.constant 5 : i32
      %broadcast_in_dim3A_777 = vector.broadcast %broadcast_in_dim3A_776 : i32 to vector<16xi32>
      %mul3A_778 = arith.mulf %gather3A_775, %div3A_724 : vector<16xf32>
      tpu.vector_store_idx %arg16[%add3A_712, %broadcast_in_dim3A_777], %mul3A_778 : memref<80x16xf32, #tpu.memory_space<vmem>>[vector<16xi32>, vector<16xi32>], vector<16xf32>,
      %mul3A_779 = arith.constant 2 : i32
      %mul3A_780 = arith.muli %mul3A_779, %add3A_716 : i32
      %add3A_781 = arith.constant 0 : i32
      %add3A_782 = arith.addi %mul3A_780, %add3A_781 : i32
      %broadcast_in_dim3A_783 = vector.broadcast %add3A_782 : i32 to vector<16xi32>
      %gather3A_784 = tpu.vector_load_idx %arg15[%add3A_712, %broadcast_in_dim3A_783] : memref<80x8xf32, #tpu.memory_space<vmem>>[vector<16xi32>, vector<16xi32>], vector<16xf32>,
      %broadcast_in_dim3A_785 = arith.constant 12 : i32
      %broadcast_in_dim3A_786 = vector.broadcast %broadcast_in_dim3A_785 : i32 to vector<16xi32>
      %mul3A_787 = arith.mulf %gather3A_784, %div3A_724 : vector<16xf32>
      tpu.vector_store_idx %arg16[%add3A_712, %broadcast_in_dim3A_786], %mul3A_787 : memref<80x16xf32, #tpu.memory_space<vmem>>[vector<16xi32>, vector<16xi32>], vector<16xf32>,
      %mul3A_788 = arith.constant 2 : i32
      %mul3A_789 = arith.muli %mul3A_788, %add3A_716 : i32
      %add3A_790 = arith.constant 1 : i32
      %add3A_791 = arith.addi %mul3A_789, %add3A_790 : i32
      %broadcast_in_dim3A_792 = vector.broadcast %add3A_791 : i32 to vector<16xi32>
      %gather3A_793 = tpu.vector_load_idx %arg15[%add3A_712, %broadcast_in_dim3A_792] : memref<80x8xf32, #tpu.memory_space<vmem>>[vector<16xi32>, vector<16xi32>], vector<16xf32>,
      %broadcast_in_dim3A_794 = arith.constant 13 : i32
      %broadcast_in_dim3A_795 = vector.broadcast %broadcast_in_dim3A_794 : i32 to vector<16xi32>
      %mul3A_796 = arith.mulf %gather3A_793, %div3A_724 : vector<16xf32>
      tpu.vector_store_idx %arg16[%add3A_712, %broadcast_in_dim3A_795], %mul3A_796 : memref<80x16xf32, #tpu.memory_space<vmem>>[vector<16xi32>, vector<16xi32>], vector<16xf32>,
      %mul3A_797 = arith.constant 2 : i32
      %mul3A_798 = arith.muli %mul3A_797, %arg0 : i32
      %add3A_799 = arith.constant 1 : i32
      %add3A_800 = arith.addi %mul3A_798, %add3A_799 : i32
      %broadcast_in_dim3A_801 = vector.broadcast %add3A_800 : i32 to vector<16xi32>
      %gather3A_802 = tpu.vector_load_idx %arg11[%add3A_712, %broadcast_in_dim3A_801] : memref<80x4xf32, #tpu.memory_space<vmem>>[vector<16xi32>, vector<16xi32>], vector<16xf32>,
      %broadcast_in_dim3A_803 = vector.broadcast %add3A_800 : i32 to vector<16xi32>
      %gather3A_804 = tpu.vector_load_idx %arg12[%add3A_712, %broadcast_in_dim3A_803] : memref<80x4xf32, #tpu.memory_space<vmem>>[vector<16xi32>, vector<16xi32>], vector<16xf32>,
      %broadcast_in_dim3A_805 = vector.broadcast %add3A_800 : i32 to vector<16xi32>
      %gather3A_806 = tpu.vector_load_idx %arg13[%add3A_712, %broadcast_in_dim3A_805] : memref<80x4xf32, #tpu.memory_space<vmem>>[vector<16xi32>, vector<16xi32>], vector<16xf32>,
      %add3A_807 = arith.addf %gather3A_804, %gather3A_806 : vector<16xf32>
      %div3A_808 = arith.divf %gather3A_802, %add3A_807 : vector<16xf32>
      %mul3A_809 = arith.constant 6 : i32
      %mul3A_810 = arith.muli %mul3A_809, %add3A_800 : i32
      %add3A_811 = arith.constant 0 : i32
      %add3A_812 = arith.addi %mul3A_810, %add3A_811 : i32
      %broadcast_in_dim3A_813 = vector.broadcast %add3A_812 : i32 to vector<16xi32>
      %gather3A_814 = tpu.vector_load_idx %arg14[%add3A_712, %broadcast_in_dim3A_813] : memref<80x24xf32, #tpu.memory_space<vmem>>[vector<16xi32>, vector<16xi32>], vector<16xf32>,
      %broadcast_in_dim3A_815 = arith.constant 6 : i32
      %broadcast_in_dim3A_816 = vector.broadcast %broadcast_in_dim3A_815 : i32 to vector<16xi32>
      %mul3A_817 = arith.mulf %gather3A_814, %div3A_808 : vector<16xf32>
      tpu.vector_store_idx %arg16[%add3A_712, %broadcast_in_dim3A_816], %mul3A_817 : memref<80x16xf32, #tpu.memory_space<vmem>>[vector<16xi32>, vector<16xi32>], vector<16xf32>,
      %mul3A_818 = arith.constant 6 : i32
      %mul3A_819 = arith.muli %mul3A_818, %add3A_800 : i32
      %add3A_820 = arith.constant 1 : i32
      %add3A_821 = arith.addi %mul3A_819, %add3A_820 : i32
      %broadcast_in_dim3A_822 = vector.broadcast %add3A_821 : i32 to vector<16xi32>
      %gather3A_823 = tpu.vector_load_idx %arg14[%add3A_712, %broadcast_in_dim3A_822] : memref<80x24xf32, #tpu.memory_space<vmem>>[vector<16xi32>, vector<16xi32>], vector<16xf32>,
      %broadcast_in_dim3A_824 = arith.constant 7 : i32
      %broadcast_in_dim3A_825 = vector.broadcast %broadcast_in_dim3A_824 : i32 to vector<16xi32>
      %mul3A_826 = arith.mulf %gather3A_823, %div3A_808 : vector<16xf32>
      tpu.vector_store_idx %arg16[%add3A_712, %broadcast_in_dim3A_825], %mul3A_826 : memref<80x16xf32, #tpu.memory_space<vmem>>[vector<16xi32>, vector<16xi32>], vector<16xf32>,
      %mul3A_827 = arith.constant 6 : i32
      %mul3A_828 = arith.muli %mul3A_827, %add3A_800 : i32
      %add3A_829 = arith.constant 2 : i32
      %add3A_830 = arith.addi %mul3A_828, %add3A_829 : i32
      %broadcast_in_dim3A_831 = vector.broadcast %add3A_830 : i32 to vector<16xi32>
      %gather3A_832 = tpu.vector_load_idx %arg14[%add3A_712, %broadcast_in_dim3A_831] : memref<80x24xf32, #tpu.memory_space<vmem>>[vector<16xi32>, vector<16xi32>], vector<16xf32>,
      %broadcast_in_dim3A_833 = arith.constant 8 : i32
      %broadcast_in_dim3A_834 = vector.broadcast %broadcast_in_dim3A_833 : i32 to vector<16xi32>
      %mul3A_835 = arith.mulf %gather3A_832, %div3A_808 : vector<16xf32>
      tpu.vector_store_idx %arg16[%add3A_712, %broadcast_in_dim3A_834], %mul3A_835 : memref<80x16xf32, #tpu.memory_space<vmem>>[vector<16xi32>, vector<16xi32>], vector<16xf32>,
      %mul3A_836 = arith.constant 6 : i32
      %mul3A_837 = arith.muli %mul3A_836, %add3A_800 : i32
      %add3A_838 = arith.constant 3 : i32
      %add3A_839 = arith.addi %mul3A_837, %add3A_838 : i32
      %broadcast_in_dim3A_840 = vector.broadcast %add3A_839 : i32 to vector<16xi32>
      %gather3A_841 = tpu.vector_load_idx %arg14[%add3A_712, %broadcast_in_dim3A_840] : memref<80x24xf32, #tpu.memory_space<vmem>>[vector<16xi32>, vector<16xi32>], vector<16xf32>,
      %broadcast_in_dim3A_842 = arith.constant 9 : i32
      %broadcast_in_dim3A_843 = vector.broadcast %broadcast_in_dim3A_842 : i32 to vector<16xi32>
      %mul3A_844 = arith.mulf %gather3A_841, %div3A_808 : vector<16xf32>
      tpu.vector_store_idx %arg16[%add3A_712, %broadcast_in_dim3A_843], %mul3A_844 : memref<80x16xf32, #tpu.memory_space<vmem>>[vector<16xi32>, vector<16xi32>], vector<16xf32>,
      %mul3A_845 = arith.constant 6 : i32
      %mul3A_846 = arith.muli %mul3A_845, %add3A_800 : i32
      %add3A_847 = arith.constant 4 : i32
      %add3A_848 = arith.addi %mul3A_846, %add3A_847 : i32
      %broadcast_in_dim3A_849 = vector.broadcast %add3A_848 : i32 to vector<16xi32>
      %gather3A_850 = tpu.vector_load_idx %arg14[%add3A_712, %broadcast_in_dim3A_849] : memref<80x24xf32, #tpu.memory_space<vmem>>[vector<16xi32>, vector<16xi32>], vector<16xf32>,
      %broadcast_in_dim3A_851 = arith.constant 10 : i32
      %broadcast_in_dim3A_852 = vector.broadcast %broadcast_in_dim3A_851 : i32 to vector<16xi32>
      %mul3A_853 = arith.mulf %gather3A_850, %div3A_808 : vector<16xf32>
      tpu.vector_store_idx %arg16[%add3A_712, %broadcast_in_dim3A_852], %mul3A_853 : memref<80x16xf32, #tpu.memory_space<vmem>>[vector<16xi32>, vector<16xi32>], vector<16xf32>,
      %mul3A_854 = arith.constant 6 : i32
      %mul3A_855 = arith.muli %mul3A_854, %add3A_800 : i32
      %add3A_856 = arith.constant 5 : i32
      %add3A_857 = arith.addi %mul3A_855, %add3A_856 : i32
      %broadcast_in_dim3A_858 = vector.broadcast %add3A_857 : i32 to vector<16xi32>
      %gather3A_859 = tpu.vector_load_idx %arg14[%add3A_712, %broadcast_in_dim3A_858] : memref<80x24xf32, #tpu.memory_space<vmem>>[vector<16xi32>, vector<16xi32>], vector<16xf32>,
      %broadcast_in_dim3A_860 = arith.constant 11 : i32
      %broadcast_in_dim3A_861 = vector.broadcast %broadcast_in_dim3A_860 : i32 to vector<16xi32>
      %mul3A_862 = arith.mulf %gather3A_859, %div3A_808 : vector<16xf32>
      tpu.vector_store_idx %arg16[%add3A_712, %broadcast_in_dim3A_861], %mul3A_862 : memref<80x16xf32, #tpu.memory_space<vmem>>[vector<16xi32>, vector<16xi32>], vector<16xf32>,
      %mul3A_863 = arith.constant 2 : i32
      %mul3A_864 = arith.muli %mul3A_863, %add3A_800 : i32
      %add3A_865 = arith.constant 0 : i32
      %add3A_866 = arith.addi %mul3A_864, %add3A_865 : i32
      %broadcast_in_dim3A_867 = vector.broadcast %add3A_866 : i32 to vector<16xi32>
      %gather3A_868 = tpu.vector_load_idx %arg15[%add3A_712, %broadcast_in_dim3A_867] : memref<80x8xf32, #tpu.memory_space<vmem>>[vector<16xi32>, vector<16xi32>], vector<16xf32>,
      %broadcast_in_dim3A_869 = arith.constant 14 : i32
      %broadcast_in_dim3A_870 = vector.broadcast %broadcast_in_dim3A_869 : i32 to vector<16xi32>
      %mul3A_871 = arith.mulf %gather3A_868, %div3A_808 : vector<16xf32>
      tpu.vector_store_idx %arg16[%add3A_712, %broadcast_in_dim3A_870], %mul3A_871 : memref<80x16xf32, #tpu.memory_space<vmem>>[vector<16xi32>, vector<16xi32>], vector<16xf32>,
      %mul3A_872 = arith.constant 2 : i32
      %mul3A_873 = arith.muli %mul3A_872, %add3A_800 : i32
      %add3A_874 = arith.constant 1 : i32
      %add3A_875 = arith.addi %mul3A_873, %add3A_874 : i32
      %broadcast_in_dim3A_876 = vector.broadcast %add3A_875 : i32 to vector<16xi32>
      %gather3A_877 = tpu.vector_load_idx %arg15[%add3A_712, %broadcast_in_dim3A_876] : memref<80x8xf32, #tpu.memory_space<vmem>>[vector<16xi32>, vector<16xi32>], vector<16xf32>,
      %broadcast_in_dim3A_878 = arith.constant 15 : i32
      %broadcast_in_dim3A_879 = vector.broadcast %broadcast_in_dim3A_878 : i32 to vector<16xi32>
      %mul3A_880 = arith.mulf %gather3A_877, %div3A_808 : vector<16xf32>
      tpu.vector_store_idx %arg16[%add3A_712, %broadcast_in_dim3A_879], %mul3A_880 : memref<80x16xf32, #tpu.memory_space<vmem>>[vector<16xi32>, vector<16xi32>], vector<16xf32>,
      "tpu.region"() ({
        %run_scoped3A = tpu.sem_alloc : memref<!tpu.dma_semaphore, #tpu.memory_space<semaphore_mem>>
        %dma_start3A_881 = arith.constant 0 : i32
        %dma_start3A_882 = arith.constant 0 : i32
        %dma_start3A_883 = tpu.memref_slice %arg17[%dma_start3A_881, %dma_start3A_882] : memref<100096x16xf32, #tpu.memory_space<vmem_shared>> -> memref<100096x16xf32, #tpu.memory_space<vmem_shared>>
        tpu.enqueue_indirect_dma source(%arg16 : memref<80x16xf32, #tpu.memory_space<vmem>>) target(%dma_start3A_883 : memref<100096x16xf32, #tpu.memory_space<vmem_shared>>) offsets(%arg10 : memref<80xi32, #tpu.memory_space<vmem>>) semaphore(%run_scoped3A : memref<!tpu.dma_semaphore, #tpu.memory_space<semaphore_mem>>) {add = true}
        %dma_wait3A_884 = arith.constant 0 : i32
        %dma_wait3A_885 = arith.constant 0 : i32
        %dma_wait3A_886 = tpu.memref_slice %arg17[%dma_wait3A_884, %dma_wait3A_885] : memref<100096x16xf32, #tpu.memory_space<vmem_shared>> -> memref<100096x16xf32, #tpu.memory_space<vmem_shared>>
        tpu.wait_indirect_dma semaphore(%run_scoped3A : memref<!tpu.dma_semaphore, #tpu.memory_space<semaphore_mem>>) src(%arg16 : memref<80x16xf32, #tpu.memory_space<vmem>>) dst(%dma_wait3A_886 : memref<100096x16xf32, #tpu.memory_space<vmem_shared>>)
        tpu.yield
      }) : () -> ()
    }
    %scan3A_5 = arith.constant 1250 : i32
    %barrier3A_6 = arith.constant 0 : index
    tpu.barrier barrier_id(%barrier3A_6)
    %mul3A_7 = arith.constant 100096 : i32
    %mul3A_8 = arith.muli %arg0, %mul3A_7 : i32
    %add3A = arith.addi %mul3A_8, %mul3A_0 : i32
    "tpu.region"() ({
      %run_scoped3A = tpu.sem_alloc : memref<!tpu.dma_semaphore, #tpu.memory_space<semaphore_mem>>
      %dma_start3A = arith.constant 0 : i32
      %dma_start3A_9 = tpu.memref_slice %arg9[%add3A, %dma_start3A] : memref<200192x16xf32, #tpu.memory_space<hbm>> -> memref<6256x16xf32, #tpu.memory_space<hbm>>
      %dma_start3A_10 = arith.constant 0 : i32
      %dma_start3A_11 = tpu.memref_slice %arg17[%mul3A_0, %dma_start3A_10] : memref<100096x16xf32, #tpu.memory_space<vmem_shared>> -> memref<6256x16xf32, #tpu.memory_space<vmem_shared>>
      tpu.enqueue_dma source(%dma_start3A_11 : memref<6256x16xf32, #tpu.memory_space<vmem_shared>>) target(%dma_start3A_9 : memref<6256x16xf32, #tpu.memory_space<hbm>>) target_semaphore(%run_scoped3A : memref<!tpu.dma_semaphore, #tpu.memory_space<semaphore_mem>>)
      %dma_wait3A = arith.constant 0 : i32
      %dma_wait3A_12 = tpu.memref_slice %arg9[%add3A, %dma_wait3A] : memref<200192x16xf32, #tpu.memory_space<hbm>> -> memref<6256x16xf32, #tpu.memory_space<hbm>>
      %dma_wait3A_13 = arith.constant 0 : i32
      %dma_wait3A_14 = tpu.memref_slice %arg17[%mul3A_0, %dma_wait3A_13] : memref<100096x16xf32, #tpu.memory_space<vmem_shared>> -> memref<6256x16xf32, #tpu.memory_space<vmem_shared>>
      tpu.wait_dma2 semaphore(%run_scoped3A : memref<!tpu.dma_semaphore, #tpu.memory_space<semaphore_mem>>) src(%dma_wait3A_14 : memref<6256x16xf32, #tpu.memory_space<vmem_shared>>) dst(%dma_wait3A_12 : memref<6256x16xf32, #tpu.memory_space<hbm>>)
      tpu.yield
    }) : () -> ()
    return
  }
}

</mosaic_0001>

<sc_bundles>
// kernel: kernel.4.cloned.1.call-start
scs
__scs_entry_jumppad:
0x0: {  	(pc) =	sbr.rel $0x88, $3  }
0x1: {  	(tag) =	ssettag $0x0;
	lr =	simm.s32 $0x1  }
0x2: {  	[smem:$0x3F9A] =	sst lr;
	_ =	strace $0xD0000000  }
0x3: {  	_ = 	snop  }
0x4: {  	_ = 	snop  }
0x5: {  	_ = 	snop  }
0x6: {  	_ = 	snop  }
0x7: {  	_ = 	snop  }
__scs_overlays_trampoline_lowered:
0x8: {  	[smem:$0x3FA9] =	sst s0  }
0x9: {  	[smem:$0x3FAA] =	sst s1  }
0xa: {  	[smem:$0x3FAB] =	sst s2  }
0xb: {  	[smem:$0x3FAC] =	sst s3  }
0xc: {  	[smem:$0x3FAD] =	sst s4  }
0xd: {  	[smem:$0x3FAE] =	sst s5  }
0xe: {  	[smem:$0x3FAF] =	sst s6  }
0xf: {  	[smem:$0x3FB0] =	sst s7  }
0x10: {  	[smem:$0x3FB1] =	sst s8  }
0x11: {  	[smem:$0x3FB2] =	sst s9;
	s0 =	simm.s32 @!p0 $0x0  }
0x12: {  	s1 =	sld [smem:$0x3F98];
	s0 =	simm.s32 @p0 $0x1  }
0x13: {  	[smem:$0x3FB3] =	sst s0;
	s0 =	simm.s32 @!p1 $0x0  }
0x14: {  	s2 =	sld [smem:$0x3F97];
	s0 =	simm.s32 @p1 $0x1  }
0x15: {  	[smem:$0x3FB4] =	sst s0;
	s0 =	simm.s32 @!p2 $0x0  }
0x16: {  	s3 =	sld [smem:$0x3FDB];
	s0 =	simm.s32 @p2 $0x1  }
0x17: {  	s4 =	simm.s32 $0x1BF5;
	[smem:$0x3FB6] =	sst s0  }
0x18: {  	s0 =	sld [smem:$0x3F99];
	_ =	swait.ge [sflag:s4], $0x0  }
0x19: {  	s7 =	sld [smem:$0x3F9A]  }
0x1a: {  	s8 =	sadd.s32 $0xFFFFE003, lr  }
0x1b: {  	s9 =	sadd.s32 $0xFFFFFEF7, lr;
	s5 =	simm.s32 $0xFFFFFFFF;
	p2 =	slt.u32 s8, $0xFFFFF086  }
0x1c: {  	p1 =	slt.u32 s9, $0xF7A;
	s5 =	simm.s32 @!p2 $0x0  }
0x1d: {  	s5 =	simm.s32 @p1 $0x1;
	p0 =	seq.s32 s7, s2  }
0x1e: {  	s7 =	smul.u32 @!p0 $0xF7A, s2;
	p2 =	seq.s32 @!p0 s5, $0x0  }
0x1f: {  	s9 =	smul.u32 $0xF7A, s1;
	s8 =	simm.s32 @!p0 $0x1BF5;
	p2 =	por !p2, p0  }
0x20: {  	[sflag:s8] =	ssyncset.s32 @!p0 $0xFFFFF086;
	s6 =	sadd.s32 @!p0 s3, s7;
	s7 =	simm.s32 @!p0 $0x108  }
0x21: {  	s3 =	sadd.s32 s3, s9;
	s6 =	sadd.s32 @!p0 $0x88, s6;
	s7 =	simm.s32 @p2 $0x1082  }
0x22: {  	[simem:s7], [sflag:s8] =	dma.local @!p0 [hbm:s6], $0xF7A  }
0x23: {  	s9 =	sor.u32 $0xD0000000, s2;
	s6 =	simm.s32 $0x108;
	_ =	swait.ge @!p0 [sflag:s8], $0x0  }
0x24: {  	s3 =	sadd.s32 $0x88, s3;
	s6 =	simm.s32 @!p1 $0x1082;
	[sflag:s4] =	ssyncset.s32 $0xFFFFF086  }
0x25: {  	[simem:s6], [sflag:s4] =	dma.local [hbm:s3], $0xF7A  }
0x26: {  	[smem:$0x3F9A] =	sst s1;
	(tag) =	ssettag s2;
	_ =	strace s9  }
0x27: {  	s1 =	sld [smem:$0x3FAA]  }
0x28: {  	s2 =	sld [smem:$0x3FAB]  }
0x29: {  	s4 =	sld [smem:$0x3FAD]  }
0x2a: {  	p0 =	seq.s32 s5, $0x0;
	s5 =	sld [smem:$0x3FAE]  }
0x2b: {  	s6 =	sld [smem:$0x3FAF]  }
0x2c: {  	s7 =	sld [smem:$0x3FB0]  }
0x2d: {  	s3 =	simm.s32 $0x108;
	s8 =	sld [smem:$0x3FB1]  }
0x2e: {  	s3 =	simm.s32 @!p0 $0x1082;
	s9 =	sld [smem:$0x3FB2]  }
0x2f: {  	lr =	sadd.s32 s0, s3;
	s0 =	sld [smem:$0x3FA9]  }
0x30: {  	s3 =	sld [smem:$0x3FAC]  }
0x31: {  	[smem:$0x3FB5] =	sst s10  }
0x32: {  	s10 =	sld [smem:$0x3FB3];
	_ =	sdelay $0x3  }
0x33: {  	p0 =	seq.s32 s10, $0x1;
	s10 =	sld [smem:$0x3FB5];
	_ =	sdelay $0x3  }
0x34: {  	[smem:$0x3FB5] =	sst s10  }
0x35: {  	s10 =	sld [smem:$0x3FB4];
	_ =	sdelay $0x3  }
0x36: {  	p1 =	seq.s32 s10, $0x1;
	s10 =	sld [smem:$0x3FB5];
	_ =	sdelay $0x3  }
0x37: {  	[smem:$0x3FB5] =	sst s10  }
0x38: {  	s10 =	sld [smem:$0x3FB6]  }
0x39: {  	_ = 	snop;
	(pc) =	sbr.ind lr, $3  }
0x3a: {  	_ = 	snop  }
0x3b: {  	_ = 	snop  }
0x3c: {  	p2 =	seq.s32 s10, $0x1;
	s10 =	sld [smem:$0x3FB5]  }
0x3d: {  	_ =	shalt  }
0x3e: {  	_ =	shalt  }
0x3f: {  	_ =	shalt  }
0x40: {  	_ =	shalt  }
0x41: {  	_ =	shalt  }
0x42: {  	_ =	shalt  }
0x43: {  	_ =	shalt  }
0x44: {  	_ =	shalt  }
0x45: {  	_ =	shalt  }
0x46: {  	_ =	shalt  }
0x47: {  	_ =	shalt  }
0x48: {  	_ =	shalt  }
0x49: {  	_ =	shalt  }
0x4a: {  	_ =	shalt  }
0x4b: {  	_ =	shalt  }
0x4c: {  	_ =	shalt  }
0x4d: {  	_ =	shalt  }
0x4e: {  	_ =	shalt  }
0x4f: {  	_ =	shalt  }
0x50: {  	_ =	shalt  }
0x51: {  	_ =	shalt  }
0x52: {  	_ =	shalt  }
0x53: {  	_ =	shalt  }
0x54: {  	_ =	shalt  }
0x55: {  	_ =	shalt  }
0x56: {  	_ =	shalt  }
0x57: {  	_ =	shalt  }
0x58: {  	_ =	shalt  }
0x59: {  	_ =	shalt  }
0x5a: {  	_ =	shalt  }
0x5b: {  	_ =	shalt  }
0x5c: {  	_ =	shalt  }
0x5d: {  	_ =	shalt  }
0x5e: {  	_ =	shalt  }
0x5f: {  	_ =	shalt  }
0x60: {  	_ =	shalt  }
0x61: {  	_ =	shalt  }
0x62: {  	_ =	shalt  }
0x63: {  	_ =	shalt  }
0x64: {  	_ =	shalt  }
0x65: {  	_ =	shalt  }
0x66: {  	_ =	shalt  }
0x67: {  	_ =	shalt  }
0x68: {  	_ =	shalt  }
0x69: {  	_ =	shalt  }
0x6a: {  	_ =	shalt  }
0x6b: {  	_ =	shalt  }
0x6c: {  	_ =	shalt  }
0x6d: {  	_ =	shalt  }
0x6e: {  	_ =	shalt  }
0x6f: {  	_ =	shalt  }
0x70: {  	_ =	shalt  }
0x71: {  	_ =	shalt  }
0x72: {  	_ =	shalt  }
0x73: {  	_ =	shalt  }
0x74: {  	_ =	shalt  }
0x75: {  	_ =	shalt  }
0x76: {  	_ =	shalt  }
0x77: {  	_ =	shalt  }
0x78: {  	_ =	shalt  }
0x79: {  	_ =	shalt  }
0x7a: {  	_ =	shalt  }
0x7b: {  	_ =	shalt  }
0x7c: {  	_ =	shalt  }
0x7d: {  	_ =	shalt  }
0x7e: {  	_ =	shalt  }
0x7f: {  	_ =	shalt  }
0x80: {  	_ =	shalt  }
0x81: {  	_ =	shalt  }
0x82: {  	_ =	shalt  }
0x83: {  	_ =	shalt  }
0x84: {  	_ =	shalt  }
0x85: {  	_ =	shalt  }
0x86: {  	_ =	shalt  }
0x87: {  	_ =	shalt  }
.Lfunc_end0:
.L_simem_size_0:
called_computation.2_lowered:
.L_overlay_start_0:
0x88: {  	s2 =	sld [smem:$0x3FD9]  }
0x89: {  	s3 =	sld [smem:$0x3FFE];
	_ =	sdelay $0x1  }
0x8a: {  	s1 =	srdreg.scid  }
0x8b: {  	s0 =	sand.u32 $0x1, s1  }
0x8c: {  	s15 =	sshll.u32 s0, $0xA;
	s2 =	sadd.s32 s3, s2  }
0x8d: {  	s2 =	sadd.s32 s2, s15  }
0x8e: {  	[smem:$0x3FC1] =	sst s2  }
0x8f: {  	_ = 	snop  }
0x90: {  	s2 =	sld [smem:$0x3FD0];
	_ =	sdelay $0x2  }
0x91: {  	s4 =	simm.s32 $0xB;
	s16 =	simm.s32 $0x10  }
0x92: {  	[smem:s16], [sflag:s4] =	dma.local [hbm:s2], $0x1  }
0x93: {  	_ =	swait.eq [sflag:s4], $0x1  }
0x94: {  	[sflag:s4] =	ssyncset.done $0x0  }
0x95: {  	s17 =	sld [smem:$0x10];
	[sflag:s4] =	ssyncadd.s32 $0xFFFFFFFF  }
0x96: {  	s18 =	sld [smem:$0x11];
	(tm) =	ssettm $0x1  }
0x97: {  	s19 =	sld [smem:$0x3FFB];
	_ =	sdelay $0x3  }
0x98: {  	_ =	strace s19  }
0x99: {  	s2 =	sld [smem:$0x3FFC];
	_ =	sdelay $0x3  }
0x9a: {  	_ =	strace s2  }
0x9b: {  	s2 =	sld [smem:$0x3FFD];
	_ =	sdelay $0x3  }
0x9c: {  	_ =	strace s2  }
0x9d: {  	_ =	strace $0x8FFFFFFF  }
0x9e: {  	s20 =	sld [smem:$0x3FDB];
	_ =	sdelay $0x1  }
0x9f: {  	s5 =	simm.s32 $_scs_section_size  }
0xa0: {  	s6 =	simm.s32 $_size__tile_overlayer_lowered;
	s7 =	simm.s32 $_tile_overlayer_lowered  }
0xa1: {  	s8 =	simm.s32 $0x1BFF;
	s21 =	sshll.u32 s7, $0x1;
	s5 =	sadd.s32 s5, s20  }
0xa2: {  	s22 =	simm.s32 $0x0;
	s6 =	sshll.u32 s6, $0x1;
	s7 =	sadd.s32 s21, s5  }
0xa3: {  	[timem:s22], [sflag:s8] =	dma.local [hbm:s7], s6  }
0xa4: {  	_ =	swait.ge [sflag:s8], s6  }
0xa5: {  	s6 =	ssub.s32 $0x0, s6;
	[sflag:s8] =	ssyncset.done $0x0  }
0xa6: {  	[sflag:s8] =	ssyncadd.s32 s6;
	_ =	sdelay $0x1  }
0xa7: {  	s23 =	simm.s32 $0x1B8B  }
0xa8: {  	_ =	swait.ge [sflag:s23], $0x1  }
0xa9: {  	[sflag:s23] =	ssyncset.done $0x0  }
0xaa: {  	[sflag:s23] =	ssyncadd.s32 $0xFFFFFFFF  }
0xab: {  	s6 =	sld [smem:$0x0]  }
0xac: {  	s7 =	sand.u32 $0xFFFFFFFE, s1  }
0xad: {  	p0 =	sne.s32 s1, s7  }
0xae: {  	s7 =	sshll.u32 @p0 s7, $0xE  }
0xaf: {  	s7 =	sadd.s32 @p0 $0x11B8D, s7;
	s8 =	sshll.u32 @p0 s6, $0x11  }
0xb0: {  	s7 =	sor.u32 @p0 s8, s7  }
0xb1: {  	[sflag:s7] =	ssyncadd.remote.s32 @p0 $0x1;
	_ =	sdelay $0x1  }
0xb2: {  	s7 =	simm.s32 @p0 $0x1B8D  }
0xb3: {  	_ =	swait.eq @p0 [sflag:s7], $0x1  }
0xb4: {  	[sflag:s7] =	ssyncadd.s32 @p0 $0xFFFFFFFF  }
0xb5: {  	s8 =	sshll.u32 @!p0 s1, $0xE  }
0xb6: {  	s8 =	sor.u32 @!p0 $0x4000, s8;
	s7 =	simm.s32 @!p0 $0x1B8D  }
0xb7: {  	s6 =	sshll.u32 @!p0 s6, $0x11;
	s8 =	sadd.s32 @!p0 $0x11B8D, s8;
	_ =	swait.eq @!p0 [sflag:s7], $0x1  }
0xb8: {  	s6 =	sor.u32 @!p0 s6, s8;
	[sflag:s7] =	ssyncadd.s32 @!p0 $0xFFFFFFFF  }
0xb9: {  	s25 =	simm.s32 $0x1B8E;
	s24 =	sld [smem:$0x3FFE];
	[sflag:s6] =	ssyncadd.remote.s32 @!p0 $0x1  }
0xba: {  	s26 =	simm.s32 $execute0_lowered;
	[smem:$0x3FD2] =	sst s25  }
0xbb: {  	s7 =	sshll.u32 s26, $0x1;
	_ =	strace $0x8000004C;
	[dreg:$0x1] =	wrdreg $0xFFFFFFFF  }
0xbc: {  	s28 =	simm.s32 $_size_execute0_lowered;
	s5 =	sadd.s32 s5, s7;
	[dreg:$0x0] =	wrdreg $0x0  }
0xbd: {  	s7 =	sshll.u32 s28, $0x1;
	[dreg:$0x2] =	wrdreg s5  }
0xbe: {  	[dreg:$0x3] =	wrdreg s7  }
0xbf: {  	[dreg:$0x4] =	wrdreg $0xC0  }
0xc0: {  	_ =	task [dreg:s22], $0x5FFFF  }
0xc1: {  	[dreg:$0x1] =	wrdreg $0xFFFFFFFF  }
0xc2: {  	[dreg:$0x0] =	wrdreg $0x60  }
0xc3: {  	[dreg:$0x2] =	wrdreg s24  }
0xc4: {  	[dreg:$0x3] =	wrdreg s18  }
0xc5: {  	[dreg:$0x4] =	wrdreg s17  }
0xc6: {  	[dreg:$0x5] =	wrdreg $0x16D00  }
0xc7: {  	[dreg:$0x6] =	wrdreg $0xA  }
0xc8: {  	_ =	task.clear_ibuf [dreg:s22], $0x7FFFF;
	_ =	strace $0x9000004C  }
0xc9: {  	s29 =	simm.s32 $0xA;
	_ =	strace $0x8000004E  }
0xca: {  	_ =	swait.ge [sflag:s29], $0x1  }
0xcb: {  	[sflag:s29] =	ssyncadd.s32 $0xFFFFFFFF  }
0xcc: {  	_ =	strace $0x9000004E  }
0xcd: {  	_ =	sfence  }
0xce: {  	s30 =	sld [smem:$0x0];
	_ =	sdelay $0x2  }
0xcf: {  	s31 =	sshll.u32 s1, $0xD;
	s1 =	sshrl.u32 s1, $0x2  }
0xd0: {  	s4 =	sand.u32 $0x4000, s31;
	s1 =	sadd.s32 s1, s30  }
0xd1: {  	s0 =	sor.u32 s4, s0;
	s1 =	sshll.u32 s1, $0x11  }
0xd2: {  	s0 =	sor.u32 s1, s0  }
0xd3: {  	s0 =	sadd.s32 $0x8F2B, s0  }
0xd4: {  	[sflag:s0] =	ssyncadd.remote.s32 $0x1  }
0xd5: {  	_ =	sfence.sel $0xFFFF  }
0xd6: {  	[dreg:$0x0] =	wrdreg $0xFFFFFFFF;
	(pc) =	sbr.abs _section_cstart, $3  }
0xd7: {  	[dreg:$0x1] =	wrdreg $0xFFFFFFFF  }
0xd8: {  	_ =	task.clear_ibuf [dreg:s22], $0x2FFFF;
	_ =	strace $0x9FFFFFFF  }
0xd9: {  	(tm) =	ssettm $0x7FFFFFFF  }
tec
execute0_lowered:
.L_overlay_start_1:
0x0: {  	(tag) =	ssettag $0x1  }
0x1: {  	v8 =	vlaneseq.u32  }
0x2: {  	v0 =	vmul.u32 $0x18, v8;
	v1 =	vmul.u32 $0x20, v8  }
0x3: {  	v8 =	vmul.u32 $0x8, v8  }
0x4: {  	s6 =	rddreg [dreg:$0x0];
	v18 =	vor.u32 $0x1, v0;
	v19 =	vor.u32 $0x1, v1;
	v20 =	vor.u32 $0x2, v0  }
0x5: {  	s5 =	rddreg [dreg:$0x1];
	v21 =	vor.u32 $0x2, v1;
	v7 =	vor.u32 $0x3, v0;
	v23 =	vor.u32 $0x3, v1  }
0x6: {  	s7 =	rddreg [dreg:$0x2];
	v9 =	vor.u32 $0x4, v0;
	v25 =	vor.u32 $0x4, v1;
	v10 =	vor.u32 $0x5, v0  }
0x7: {  	s1 =	srdreg.scid;
	s2 =	rddreg [dreg:$0x3];
	s3 =	simm.s32 $0x0;
	v12 =	vor.u32 $0x5, v1;
	v17 =	vor.u32 $0x6, v1;
	v28 =	vor.u32 $0x1, v8  }
0x8: {  	s0 =	stileid.u32;
	s8 =	sand.u32 $0x1, s1;
	[smem:$0x7FF] =	sst s3;
	v24 =	vor.u32 $0x7, v1;
	v26 =	vor.u32 $0x6, v0;
	v2 =	vadd.s32 $0x17, v0  }
0x9: {  	s4 =	smul.u32 $0x186A0, s0;
	s1 =	rddreg [dreg:$0x4];
	_ =	strace $0x8000004D;
	v29 =	vor.u32 $0x8, v1;
	v31 =	vor.u32 $0x7, v0;
	v33 =	vor.u32 $0x9, v1;
	[tilespmem:$0x1FF10] =	vst v2  }
0xa: {  	s10 =	smul.u32 $0x493E0, s0;
	v36 =	vadd.s32 $0x8, v0;
	v37 =	vor.u32 $0xA, v1;
	v38 =	vadd.s32 $0x9, v0;
	[tilespmem:$0x1FF60] =	vst v7  }
0xb: {  	s13 =	smul.u32 $0xC380, s0;
	v39 =	vor.u32 $0xB, v1;
	v40 =	vadd.s32 $0xA, v0;
	v41 =	vor.u32 $0xC, v1;
	[tilespmem:$0x1FF70] =	vst v10  }
0xc: {  	s28 =	smul.u32 $0x1870, s0;
	v42 =	vadd.s32 $0xB, v0;
	v43 =	vor.u32 $0xD, v1;
	v30 =	vor.u32 $0x2, v8;
	[tilespmem:$0x1FF80] =	vst v12  }
0xd: {  	s18 =	simm.s32 $0x1;
	s19 =	simm.s32 $0x1450;
	s9 =	smul.u32 $0xC350, s8;
	v44 =	vor.u32 $0xE, v1;
	v11 =	vor.u32 $0x3, v8;
	v45 =	vor.u32 $0xF, v1;
	[tilespmem:$0x1FF90] =	vst v9  }
0xe: {  	s20 =	simm.s32 $0x0;
	s30 =	sshll.u32 s0, $0x6;
	s16 =	smul.u32 $0x18700, s8;
	v46 =	vadd.s32 $0xC, v0;
	v47 =	vor.u32 $0x10, v1;
	v48 =	vadd.s32 $0xD, v0;
	[tilespmem:$0x1FFA0] =	vst v17  }
0xf: {  	s12 =	ssub.s32 $0x2, s8;
	s17 =	smul.u32 $0x249F0, s8;
	s10 =	sadd.s32 s10, s6;
	v49 =	vor.u32 $0x11, v1;
	v50 =	vadd.s32 $0xE, v0;
	v51 =	vor.u32 $0x12, v1;
	[tilespmem:$0x1FFB0] =	vst v24  }
0x10: {  	s26 =	sshrl.u32 s12, $0x1;
	v52 =	vadd.s32 $0xF, v0;
	s15 =	sadd.s32 s13, s2;
	v53 =	vor.u32 $0x13, v1;
	v54 =	vadd.s32 $0x10, v0;
	s29 =	sshrl.u32 s13, $0x3;
	[tilespmem:$0x1FFC0] =	vst v26  }
0x11: {  	v55 =	vor.u32 $0x14, v1;
	v56 =	vadd.s32 $0x11, v0;
	v57 =	vor.u32 $0x15, v1;
	s7 =	sadd.s32 s7, s28;
	s9 =	sadd.s32 s9, s4;
	s4 =	sadd.s32 $0x30F800, s6;
	[tilespmem:$0x1FFD0] =	vst v29  }
0x12: {  	v58 =	vor.u32 $0x4, v8;
	v59 =	vor.u32 $0x16, v1;
	v61 =	vor.u32 $0x17, v1;
	s12 =	ssub.s32 s12, s26;
	s5 =	sadd.s32 s5, s29;
	s7 =	sadd.s32 s16, s7;
	[tilespmem:$0x1FFE0] =	vst v31  }
0x13: {  	v62 =	vadd.s32 $0x12, v0;
	v22 =	vadd.s32 $0x13, v0;
	s31 =	sadd.s32 s17, s10;
	s13 =	sshrl.u32 s15, $0x3;
	s15 =	simm.s32 $0x50;
	v2 =	vor.u32 $0x1D, v1;
	[tilespmem:$0x1FFF0] =	vst v33  }
0x14: {  	v13 =	vor.u32 $0x19, v1;
	v15 =	vadd.s32 $0x14, v0;
	s16 =	simm.s32 $0xA50;
	s11 =	sadd.s32 s9, s6;
	s9 =	sshrl.u32 s9, $0x3;
	[tilespmem:$0x1FF20] =	vst v2;
	v2 =	vor.u32 $0x6, v8  }
0x15: {  	v16 =	vor.u32 $0x1A, v1;
	v27 =	vadd.s32 $0x15, v0;
	s17 =	simm.s32 $0x11D0;
	s14 =	sadd.s32 s9, s6;
	s6 =	sor.u32 $0x1C02, s30;
	[tilespmem:$0x1FF30] =	vst v2;
	v2 =	vor.u32 $0x1E, v1  }
0x16: {  	v32 =	vor.u32 $0x1B, v1;
	v34 =	vadd.s32 $0x16, v0;
	s8 =	sadd.s32 $0x805200, s11;
	s9 =	smax.u32 s12, $0x1;
	s10 =	sadd.s32 $0x2400, s11;
	[tilespmem:$0x1FF40] =	vst v2;
	v2 =	vor.u32 $0x7, v8  }
0x17: {  	v60 =	vor.u32 $0x5, v8;
	v14 =	vor.u32 $0x18, v1;
	v35 =	vor.u32 $0x1C, v1;
	s11 =	sadd.s32 $0x371400, s31;
	s12 =	sadd.s32 $0x188E00, s14;
	s14 =	simm.s32 $0x2;
	[tilespmem:$0x1FF50] =	vst v2  }
.LBB2_1:
0x18: {  	[spmem:s13], [sflag:s6] =	dma.local [hbm:s5], $0x1870  }
0x19: {  	_ =	swait.ge [sflag:s14], $0x1870  }
0x1a: {  	[sflag:s14] =	ssyncset.done $0x0  }
0x1b: {  	s21 =	smov.u32 s12;
	[sflag:s14] =	ssyncadd.s32 $0xFFFFE790  }
0x1c: {  	s22 =	smov.u32 s11;
	s23 =	simm.s32 $0x0;
	[bflag:$0x0] =	sbarrier.arrive $0xFFFF  }
.LBB2_2:
0x1d: {  	[tilespmem:s3], [sflag:$0x2] =	stream.linear.gather [hbm4b:s21+s3], $0x50, $0x38;
	[tilespmem:$0x7890] =	vst v63  }
0x1e: {  	_ =	swait.ge [sflag:s14], $0x50  }
0x1f: {  	[sflag:s14] =	ssyncset.done $0x0  }
0x20: {  	[sflag:s14] =	ssyncadd.s32 $0xFFFFFFB0  }
0x21: {  	[tilespmem:s15], [sflag:$0x1] =	stream.indirect.gather [hbm4b:s4+s15], $0x20, s3, s15, $0xb8;
	[tilespmem:$0x7890] =	vst v63  }
0x22: {  	_ = 	snop  }
0x23: {  	[tilespmem:s16], [sflag:$0x2] =	stream.linear.gather [hbm4b:s22+s3], $0x780, $0x38;
	[tilespmem:$0x7890] =	vst v63  }
0x24: {  	_ =	swait.ge [sflag:s14], $0x780  }
0x25: {  	[sflag:s14] =	ssyncset.done $0x0  }
0x26: {  	s24 =	sadd.s32 s23, s10;
	[sflag:s14] =	ssyncadd.s32 $0xFFFFF880  }
0x27: {  	[tilespmem:s17], [sflag:$0x2] =	stream.linear.gather [hbm4b:s24+s3], $0x280, $0x38;
	[tilespmem:$0x7890] =	vst v63  }
0x28: {  	_ =	swait.ge [sflag:s14], $0x280  }
0x29: {  	[sflag:s14] =	ssyncset.done $0x0  }
0x2a: {  	[sflag:s14] =	ssyncadd.s32 $0xFFFFFD80  }
0x2b: {  	_ =	swait.ge [sflag:s18], $0xA00  }
0x2c: {  	[sflag:s18] =	ssyncset.done $0x0  }
0x2d: {  	[sflag:s18] =	ssyncadd.s32 $0xFFFFF600  }
0x2e: {  	v63 =	vld.idx.msk [tilespmem:v0+s16+$0x0], $0xffff  }
0x2f: {  	v2 =	vld.idx.msk [tilespmem:v1+s15+$0x0], $0xffff  }
0x30: {  	v3 =	vld.idx.msk [tilespmem:v18+s16+$0x0], $0xffff  }
0x31: {  	v4 =	vld.idx.msk [tilespmem:v19+s15+$0x0], $0xffff  }
0x32: {  	v5 =	vld.idx.msk [tilespmem:v20+s16+$0x0], $0xffff  }
0x33: {  	v6 =	vld.idx.msk [tilespmem:v21+s15+$0x0], $0xffff  }
0x34: {  	v2 =	vmul.f32 v2, v63;
	v63 =	vld.idx.msk [tilespmem:v7+s16+$0x0], $0xffff  }
0x35: {  	v7 =	vld.idx.msk [tilespmem:v23+s15+$0x0], $0xffff  }
0x36: {  	v3 =	vmul.f32 v4, v3;
	v4 =	vld.idx.msk [tilespmem:v9+s16+$0x0], $0xffff;
	v2 =	vadd.f32 $0.0e+00, v2  }
0x37: {  	v9 =	vld.idx.msk [tilespmem:v25+s15+$0x0], $0xffff  }
0x38: {  	v2 =	vadd.f32 v3, v2;
	v3 =	vmul.f32 v6, v5;
	v5 =	vld.idx.msk [tilespmem:v10+s16+$0x0], $0xffff  }
0x39: {  	v6 =	vld.idx.msk [tilespmem:v12+s15+$0x0], $0xffff  }
0x3a: {  	v2 =	vadd.f32 v3, v2;
	v3 =	vmul.f32 v7, v63;
	v7 =	vld.idx.msk [tilespmem:v8+s17+$0x0], $0xffff  }
0x3b: {  	v63 =	vld.idx.msk [tilespmem:v17+s15+$0x0], $0xffff  }
0x3c: {  	v2 =	vadd.f32 v3, v2;
	v3 =	vmul.f32 v9, v4;
	v4 =	vld.idx.msk [tilespmem:v28+s17+$0x0], $0xffff  }
0x3d: {  	v9 =	vld.idx.msk [tilespmem:v24+s15+$0x0], $0xffff  }
0x3e: {  	v2 =	vadd.f32 v3, v2;
	v3 =	vmul.f32 v6, v5;
	_ =	sdelay $0x1  }
0x3f: {  	v2 =	vadd.f32 v3, v2;
	v3 =	vmul.f32 v63, v7;
	_ =	sdelay $0x1  }
0x40: {  	v2 =	vadd.f32 v3, v2;
	v3 =	vmul.f32 v9, v4;
	_ =	sdelay $0x1  }
0x41: {  	v2 =	vadd.f32 v3, v2;
	_ =	sdelay $0x1  }
0x42: {  	v2 =	vmul.f32 $3.535533850e-01, v2;
	_ =	sdelay $0x1  }
0x43: {  	v2 =	vmul.f32 $1.442695020e+00, v2;
	_ =	sdelay $0x1  }
0x44: {  	(erf) = vpow2.f32 v2;
	_ =	sdelay $0x8  }
0x45: {  	v2 =	vpop (erf)  }
0x46: {  	[tilespmem:v8+s19+$0x0] =	vst.idx.msk $0xffff, v2  }
0x47: {  	v2 =	vld.idx.msk [tilespmem:v26+s16+$0x0], $0xffff  }
0x48: {  	v3 =	vld.idx.msk [tilespmem:v29+s15+$0x0], $0xffff  }
0x49: {  	v4 =	vld.idx.msk [tilespmem:v31+s16+$0x0], $0xffff  }
0x4a: {  	v5 =	vld.idx.msk [tilespmem:v33+s15+$0x0], $0xffff  }
0x4b: {  	v6 =	vld.idx.msk [tilespmem:v36+s16+$0x0], $0xffff  }
0x4c: {  	v7 =	vld.idx.msk [tilespmem:v37+s15+$0x0], $0xffff  }
0x4d: {  	v9 =	vld.idx.msk [tilespmem:v39+s15+$0x0], $0xffff;
	v2 =	vmul.f32 v3, v2  }
0x4e: {  	v3 =	vld.idx.msk [tilespmem:v38+s16+$0x0], $0xffff  }
0x4f: {  	v33 =	vld.idx.msk [tilespmem:v41+s15+$0x0], $0xffff;
	v4 =	vmul.f32 v5, v4;
	v2 =	vadd.f32 $0.0e+00, v2  }
0x50: {  	v5 =	vld.idx.msk [tilespmem:v40+s16+$0x0], $0xffff  }
0x51: {  	v2 =	vadd.f32 v4, v2;
	v4 =	vmul.f32 v7, v6;
	v6 =	vld.idx.msk [tilespmem:v42+s16+$0x0], $0xffff  }
0x52: {  	v7 =	vld.idx.msk [tilespmem:v43+s15+$0x0], $0xffff  }
0x53: {  	v3 =	vmul.f32 v9, v3;
	v9 =	vld.idx.msk [tilespmem:v44+s15+$0x0], $0xffff;
	v2 =	vadd.f32 v4, v2  }
0x54: {  	v4 =	vld.idx.msk [tilespmem:v30+s17+$0x0], $0xffff  }
0x55: {  	v2 =	vadd.f32 v3, v2;
	v3 =	vmul.f32 v33, v5;
	v5 =	vld.idx.msk [tilespmem:v11+s17+$0x0], $0xffff  }
0x56: {  	v33 =	vld.idx.msk [tilespmem:v45+s15+$0x0], $0xffff  }
0x57: {  	v2 =	vadd.f32 v3, v2;
	v3 =	vmul.f32 v7, v6;
	_ =	sdelay $0x1  }
0x58: {  	v2 =	vadd.f32 v3, v2;
	v3 =	vmul.f32 v9, v4;
	_ =	sdelay $0x1  }
0x59: {  	v2 =	vadd.f32 v3, v2;
	v3 =	vmul.f32 v33, v5;
	_ =	sdelay $0x1  }
0x5a: {  	v2 =	vadd.f32 v3, v2;
	_ =	sdelay $0x1  }
0x5b: {  	v2 =	vmul.f32 $3.535533850e-01, v2;
	_ =	sdelay $0x1  }
0x5c: {  	v2 =	vmul.f32 $1.442695020e+00, v2;
	_ =	sdelay $0x1  }
0x5d: {  	(erf) = vpow2.f32 v2;
	_ =	sdelay $0x8  }
0x5e: {  	v2 =	vpop (erf)  }
0x5f: {  	[tilespmem:v28+s19+$0x0] =	vst.idx.msk $0xffff, v2  }
0x60: {  	v2 =	vld.idx.msk [tilespmem:v46+s16+$0x0], $0xffff  }
0x61: {  	v3 =	vld.idx.msk [tilespmem:v47+s15+$0x0], $0xffff  }
0x62: {  	v4 =	vld.idx.msk [tilespmem:v48+s16+$0x0], $0xffff  }
0x63: {  	v5 =	vld.idx.msk [tilespmem:v49+s15+$0x0], $0xffff  }
0x64: {  	v6 =	vld.idx.msk [tilespmem:v50+s16+$0x0], $0xffff  }
0x65: {  	v7 =	vld.idx.msk [tilespmem:v51+s15+$0x0], $0xffff  }
0x66: {  	v9 =	vld.idx.msk [tilespmem:v53+s15+$0x0], $0xffff;
	v2 =	vmul.f32 v3, v2  }
0x67: {  	v3 =	vld.idx.msk [tilespmem:v52+s16+$0x0], $0xffff  }
0x68: {  	v33 =	vld.idx.msk [tilespmem:v55+s15+$0x0], $0xffff;
	v4 =	vmul.f32 v5, v4;
	v2 =	vadd.f32 $0.0e+00, v2  }
0x69: {  	v5 =	vld.idx.msk [tilespmem:v54+s16+$0x0], $0xffff  }
0x6a: {  	v2 =	vadd.f32 v4, v2;
	v4 =	vmul.f32 v7, v6;
	v6 =	vld.idx.msk [tilespmem:v56+s16+$0x0], $0xffff  }
0x6b: {  	v7 =	vld.idx.msk [tilespmem:v57+s15+$0x0], $0xffff  }
0x6c: {  	v3 =	vmul.f32 v9, v3;
	v9 =	vld.idx.msk [tilespmem:v59+s15+$0x0], $0xffff;
	v2 =	vadd.f32 v4, v2  }
0x6d: {  	v4 =	vld.idx.msk [tilespmem:v58+s17+$0x0], $0xffff  }
0x6e: {  	v2 =	vadd.f32 v3, v2;
	v3 =	vmul.f32 v33, v5;
	v5 =	vld.idx.msk [tilespmem:v60+s17+$0x0], $0xffff  }
0x6f: {  	v33 =	vld.idx.msk [tilespmem:v61+s15+$0x0], $0xffff  }
0x70: {  	v2 =	vadd.f32 v3, v2;
	v3 =	vmul.f32 v7, v6;
	_ =	sdelay $0x1  }
0x71: {  	v2 =	vadd.f32 v3, v2;
	v3 =	vmul.f32 v9, v4;
	_ =	sdelay $0x1  }
0x72: {  	v2 =	vadd.f32 v3, v2;
	v3 =	vmul.f32 v33, v5;
	_ =	sdelay $0x1  }
0x73: {  	v2 =	vadd.f32 v3, v2;
	_ =	sdelay $0x1  }
0x74: {  	v2 =	vmul.f32 $3.535533850e-01, v2;
	_ =	sdelay $0x1  }
0x75: {  	v2 =	vmul.f32 $1.442695020e+00, v2;
	_ =	sdelay $0x1  }
0x76: {  	(erf) = vpow2.f32 v2;
	_ =	sdelay $0x8  }
0x77: {  	v2 =	vpop (erf)  }
0x78: {  	[tilespmem:v30+s19+$0x0] =	vst.idx.msk $0xffff, v2  }
0x79: {  	v2 =	vld.idx.msk [tilespmem:v62+s16+$0x0], $0xffff  }
0x7a: {  	v3 =	vld.idx.msk [tilespmem:v14+s15+$0x0], $0xffff  }
0x7b: {  	v4 =	vld.idx.msk [tilespmem:v22+s16+$0x0], $0xffff  }
0x7c: {  	v5 =	vld.idx.msk [tilespmem:v13+s15+$0x0], $0xffff  }
0x7d: {  	v6 =	vld.idx.msk [tilespmem:v15+s16+$0x0], $0xffff  }
0x7e: {  	v7 =	vld.idx.msk [tilespmem:v16+s15+$0x0], $0xffff  }
0x7f: {  	v9 =	vld.idx.msk [tilespmem:v32+s15+$0x0], $0xffff  }
0x80: {  	v2 =	vmul.f32 v3, v2;
	v3 =	vld.idx.msk [tilespmem:v27+s16+$0x0], $0xffff  }
0x81: {  	v10 =	vld [tilespmem:$0x1FF20]  }
0x82: {  	v63 =	vld.idx.msk [tilespmem:v35+s15+$0x0], $0xffff;
	v4 =	vmul.f32 v5, v4;
	v2 =	vadd.f32 $0.0e+00, v2  }
0x83: {  	v5 =	vld.idx.msk [tilespmem:v34+s16+$0x0], $0xffff  }
0x84: {  	v2 =	vadd.f32 v4, v2;
	v4 =	vmul.f32 v7, v6;
	v6 =	vld [tilespmem:$0x1FF10]  }
0x85: {  	v3 =	vmul.f32 v9, v3;
	v9 =	vld [tilespmem:$0x1FF40]  }
0x86: {  	v2 =	vadd.f32 v4, v2;
	v4 =	vld [tilespmem:$0x1FF30];
	_ =	sdelay $0x1  }
0x87: {  	v2 =	vadd.f32 v3, v2;
	v3 =	vmul.f32 v63, v5;
	v5 =	vld [tilespmem:$0x1FF50];
	_ =	sdelay $0x1  }
0x88: {  	v7 =	vor.u32 $0x1F, v1  }
0x89: {  	v10 =	vld.idx.msk [tilespmem:v10+s15+$0x0], $0xffff  }
0x8a: {  	v6 =	vld.idx.msk [tilespmem:v6+s16+$0x0], $0xffff  }
0x8b: {  	v9 =	vld.idx.msk [tilespmem:v9+s15+$0x0], $0xffff  }
0x8c: {  	v4 =	vld.idx.msk [tilespmem:v4+s17+$0x0], $0xffff  }
0x8d: {  	v7 =	vld.idx.msk [tilespmem:v7+s15+$0x0], $0xffff  }
0x8e: {  	v5 =	vld.idx.msk [tilespmem:v5+s17+$0x0], $0xffff  }
0x8f: {  	v2 =	vadd.f32 v3, v2;
	v3 =	vmul.f32 v10, v6;
	_ =	sdelay $0x1  }
0x90: {  	v2 =	vadd.f32 v3, v2;
	v3 =	vmul.f32 v9, v4;
	_ =	sdelay $0x1  }
0x91: {  	v2 =	vadd.f32 v3, v2;
	v3 =	vmul.f32 v7, v5;
	_ =	sdelay $0x1  }
0x92: {  	v2 =	vadd.f32 v3, v2;
	_ =	sdelay $0x1  }
0x93: {  	v2 =	vmul.f32 $3.535533850e-01, v2;
	_ =	sdelay $0x1  }
0x94: {  	v2 =	vmul.f32 $1.442695020e+00, v2;
	_ =	sdelay $0x1  }
0x95: {  	(erf) = vpow2.f32 v2;
	_ =	sdelay $0x5  }
0x96: {  	v2 =	vadd.s32 $0x180, v0  }
0x97: {  	v3 =	vor.u32 $0x200, v1  }
0x98: {  	v4 =	vadd.s32 $0x181, v0  }
0x99: {  	v6 =	vor.u32 $0x201, v1;
	v5 =	vpop (erf)  }
0x9a: {  	v7 =	vor.u32 $0x202, v1;
	[tilespmem:v11+s19+$0x0] =	vst.idx.msk $0xffff, v5  }
0x9b: {  	v10 =	vor.u32 $0x203, v1;
	v2 =	vld.idx.msk [tilespmem:v2+s16+$0x0], $0xffff  }
0x9c: {  	v5 =	vadd.s32 $0x182, v0;
	v3 =	vld.idx.msk [tilespmem:v3+s15+$0x0], $0xffff  }
0x9d: {  	v9 =	vadd.s32 $0x183, v0;
	v4 =	vld.idx.msk [tilespmem:v4+s16+$0x0], $0xffff  }
0x9e: {  	v63 =	vadd.s32 $0x184, v0;
	v6 =	vld.idx.msk [tilespmem:v6+s15+$0x0], $0xffff  }
0x9f: {  	v7 =	vld.idx.msk [tilespmem:v7+s15+$0x0], $0xffff  }
0xa0: {  	v24 =	vmov v11;
	v11 =	vor.u32 $0x204, v1;
	v10 =	vld.idx.msk [tilespmem:v10+s15+$0x0], $0xffff  }
0xa1: {  	v12 =	vadd.s32 $0x185, v0;
	v5 =	vld.idx.msk [tilespmem:v5+s16+$0x0], $0xffff  }
0xa2: {  	v2 =	vmul.f32 v3, v2;
	v3 =	vld.idx.msk [tilespmem:v9+s16+$0x0], $0xffff;
	v9 =	vor.u32 $0x205, v1  }
0xa3: {  	v4 =	vmul.f32 v6, v4;
	v6 =	vld.idx.msk [tilespmem:v63+s16+$0x0], $0xffff;
	v63 =	vor.u32 $0x206, v1  }
0xa4: {  	v26 =	vmov v13;
	v13 =	vor.u32 $0x80, v8;
	v2 =	vadd.f32 $0.0e+00, v2  }
0xa5: {  	v29 =	vmov v22;
	v22 =	vmov v15;
	v15 =	vor.u32 $0x81, v8;
	v11 =	vld.idx.msk [tilespmem:v11+s15+$0x0], $0xffff  }
0xa6: {  	v2 =	vadd.f32 v4, v2;
	v4 =	vmul.f32 v7, v5;
	v5 =	vld.idx.msk [tilespmem:v12+s16+$0x0], $0xffff;
	v7 =	vor.u32 $0x207, v1  }
0xa7: {  	v9 =	vld.idx.msk [tilespmem:v9+s15+$0x0], $0xffff  }
0xa8: {  	v3 =	vmul.f32 v10, v3;
	v10 =	vld.idx.msk [tilespmem:v63+s15+$0x0], $0xffff;
	v2 =	vadd.f32 v4, v2  }
0xa9: {  	v4 =	vld.idx.msk [tilespmem:v13+s17+$0x0], $0xffff  }
0xaa: {  	v2 =	vadd.f32 v3, v2;
	v3 =	vmul.f32 v11, v6;
	v6 =	vld.idx.msk [tilespmem:v15+s17+$0x0], $0xffff  }
0xab: {  	v7 =	vld.idx.msk [tilespmem:v7+s15+$0x0], $0xffff  }
0xac: {  	v2 =	vadd.f32 v3, v2;
	v3 =	vmul.f32 v9, v5;
	_ =	sdelay $0x1  }
0xad: {  	v2 =	vadd.f32 v3, v2;
	v3 =	vmul.f32 v10, v4;
	_ =	sdelay $0x1  }
0xae: {  	v2 =	vadd.f32 v3, v2;
	v3 =	vmul.f32 v7, v6;
	_ =	sdelay $0x1  }
0xaf: {  	v2 =	vadd.f32 v3, v2;
	_ =	sdelay $0x1  }
0xb0: {  	v2 =	vmul.f32 $3.535533850e-01, v2;
	_ =	sdelay $0x1  }
0xb1: {  	v2 =	vmul.f32 $1.442695020e+00, v2;
	_ =	sdelay $0x1  }
0xb2: {  	(erf) = vpow2.f32 v2;
	_ =	sdelay $0x5  }
0xb3: {  	v2 =	vadd.s32 $0x186, v0  }
0xb4: {  	v3 =	vor.u32 $0x208, v1  }
0xb5: {  	v4 =	vadd.s32 $0x187, v0  }
0xb6: {  	v6 =	vor.u32 $0x209, v1;
	v5 =	vpop (erf)  }
0xb7: {  	v7 =	vor.u32 $0x20A, v1;
	[tilespmem:v13+s19+$0x0] =	vst.idx.msk $0xffff, v5  }
0xb8: {  	v10 =	vor.u32 $0x20B, v1;
	v2 =	vld.idx.msk [tilespmem:v2+s16+$0x0], $0xffff  }
0xb9: {  	v5 =	vadd.s32 $0x188, v0;
	v3 =	vld.idx.msk [tilespmem:v3+s15+$0x0], $0xffff  }
0xba: {  	v9 =	vadd.s32 $0x189, v0;
	v4 =	vld.idx.msk [tilespmem:v4+s16+$0x0], $0xffff  }
0xbb: {  	v11 =	vadd.s32 $0x18A, v0;
	v6 =	vld.idx.msk [tilespmem:v6+s15+$0x0], $0xffff  }
0xbc: {  	v7 =	vld.idx.msk [tilespmem:v7+s15+$0x0], $0xffff  }
0xbd: {  	v12 =	vor.u32 $0x20C, v1;
	v10 =	vld.idx.msk [tilespmem:v10+s15+$0x0], $0xffff  }
0xbe: {  	v13 =	vadd.s32 $0x18B, v0;
	v5 =	vld.idx.msk [tilespmem:v5+s16+$0x0], $0xffff  }
0xbf: {  	v2 =	vmul.f32 v3, v2;
	v3 =	vld.idx.msk [tilespmem:v9+s16+$0x0], $0xffff;
	v9 =	vor.u32 $0x20D, v1  }
0xc0: {  	v4 =	vmul.f32 v6, v4;
	v6 =	vld.idx.msk [tilespmem:v11+s16+$0x0], $0xffff;
	v11 =	vor.u32 $0x20E, v1  }
0xc1: {  	v33 =	vmovc v14;
	v14 =	vmov v16;
	v16 =	vor.u32 $0x82, v8;
	v2 =	vadd.f32 $0.0e+00, v2  }
0xc2: {  	v63 =	vor.u32 $0x83, v8;
	v12 =	vld.idx.msk [tilespmem:v12+s15+$0x0], $0xffff  }
0xc3: {  	v2 =	vadd.f32 v4, v2;
	v4 =	vmul.f32 v7, v5;
	v5 =	vld.idx.msk [tilespmem:v13+s16+$0x0], $0xffff;
	v7 =	vor.u32 $0x20F, v1  }
0xc4: {  	v9 =	vld.idx.msk [tilespmem:v9+s15+$0x0], $0xffff  }
0xc5: {  	v3 =	vmul.f32 v10, v3;
	v10 =	vld.idx.msk [tilespmem:v11+s15+$0x0], $0xffff;
	v2 =	vadd.f32 v4, v2  }
0xc6: {  	v4 =	vld.idx.msk [tilespmem:v16+s17+$0x0], $0xffff  }
0xc7: {  	v2 =	vadd.f32 v3, v2;
	v3 =	vmul.f32 v12, v6;
	v6 =	vld.idx.msk [tilespmem:v63+s17+$0x0], $0xffff  }
0xc8: {  	v7 =	vld.idx.msk [tilespmem:v7+s15+$0x0], $0xffff  }
0xc9: {  	v2 =	vadd.f32 v3, v2;
	v3 =	vmul.f32 v9, v5;
	_ =	sdelay $0x1  }
0xca: {  	v2 =	vadd.f32 v3, v2;
	v3 =	vmul.f32 v10, v4;
	_ =	sdelay $0x1  }
0xcb: {  	v2 =	vadd.f32 v3, v2;
	v3 =	vmul.f32 v7, v6;
	_ =	sdelay $0x1  }
0xcc: {  	v2 =	vadd.f32 v3, v2;
	_ =	sdelay $0x1  }
0xcd: {  	v2 =	vmul.f32 $3.535533850e-01, v2;
	_ =	sdelay $0x1  }
0xce: {  	v2 =	vmul.f32 $1.442695020e+00, v2;
	_ =	sdelay $0x1  }
0xcf: {  	(erf) = vpow2.f32 v2;
	_ =	sdelay $0x5  }
0xd0: {  	v2 =	vadd.s32 $0x18C, v0  }
0xd1: {  	v3 =	vor.u32 $0x210, v1  }
0xd2: {  	v4 =	vadd.s32 $0x18D, v0  }
0xd3: {  	v6 =	vor.u32 $0x211, v1;
	v5 =	vpop (erf)  }
0xd4: {  	v7 =	vor.u32 $0x212, v1;
	[tilespmem:v15+s19+$0x0] =	vst.idx.msk $0xffff, v5  }
0xd5: {  	v10 =	vor.u32 $0x213, v1;
	v2 =	vld.idx.msk [tilespmem:v2+s16+$0x0], $0xffff  }
0xd6: {  	v5 =	vadd.s32 $0x18E, v0;
	v3 =	vld.idx.msk [tilespmem:v3+s15+$0x0], $0xffff  }
0xd7: {  	v9 =	vadd.s32 $0x18F, v0;
	v4 =	vld.idx.msk [tilespmem:v4+s16+$0x0], $0xffff  }
0xd8: {  	v11 =	vadd.s32 $0x190, v0;
	v6 =	vld.idx.msk [tilespmem:v6+s15+$0x0], $0xffff  }
0xd9: {  	v7 =	vld.idx.msk [tilespmem:v7+s15+$0x0], $0xffff  }
0xda: {  	v12 =	vor.u32 $0x214, v1;
	v10 =	vld.idx.msk [tilespmem:v10+s15+$0x0], $0xffff  }
0xdb: {  	v13 =	vadd.s32 $0x191, v0;
	v5 =	vld.idx.msk [tilespmem:v5+s16+$0x0], $0xffff  }
0xdc: {  	v2 =	vmul.f32 v3, v2;
	v3 =	vld.idx.msk [tilespmem:v9+s16+$0x0], $0xffff;
	v9 =	vor.u32 $0x215, v1  }
0xdd: {  	v4 =	vmul.f32 v6, v4;
	v6 =	vld.idx.msk [tilespmem:v11+s16+$0x0], $0xffff;
	v11 =	vor.u32 $0x216, v1  }
0xde: {  	v15 =	vor.u32 $0x84, v8;
	v2 =	vadd.f32 $0.0e+00, v2  }
0xdf: {  	v17 =	vor.u32 $0x85, v8;
	v12 =	vld.idx.msk [tilespmem:v12+s15+$0x0], $0xffff  }
0xe0: {  	v2 =	vadd.f32 v4, v2;
	v4 =	vmul.f32 v7, v5;
	v5 =	vld.idx.msk [tilespmem:v13+s16+$0x0], $0xffff;
	v7 =	vor.u32 $0x217, v1  }
0xe1: {  	v9 =	vld.idx.msk [tilespmem:v9+s15+$0x0], $0xffff  }
0xe2: {  	v3 =	vmul.f32 v10, v3;
	v10 =	vld.idx.msk [tilespmem:v11+s15+$0x0], $0xffff;
	v2 =	vadd.f32 v4, v2  }
0xe3: {  	v4 =	vld.idx.msk [tilespmem:v15+s17+$0x0], $0xffff  }
0xe4: {  	v2 =	vadd.f32 v3, v2;
	v3 =	vmul.f32 v12, v6;
	v6 =	vld.idx.msk [tilespmem:v17+s17+$0x0], $0xffff  }
0xe5: {  	v7 =	vld.idx.msk [tilespmem:v7+s15+$0x0], $0xffff  }
0xe6: {  	v2 =	vadd.f32 v3, v2;
	v3 =	vmul.f32 v9, v5;
	_ =	sdelay $0x1  }
0xe7: {  	v2 =	vadd.f32 v3, v2;
	v3 =	vmul.f32 v10, v4;
	_ =	sdelay $0x1  }
0xe8: {  	v2 =	vadd.f32 v3, v2;
	v3 =	vmul.f32 v7, v6;
	_ =	sdelay $0x1  }
0xe9: {  	v2 =	vadd.f32 v3, v2;
	_ =	sdelay $0x1  }
0xea: {  	v2 =	vmul.f32 $3.535533850e-01, v2;
	_ =	sdelay $0x1  }
0xeb: {  	v2 =	vmul.f32 $1.442695020e+00, v2;
	_ =	sdelay $0x1  }
0xec: {  	(erf) = vpow2.f32 v2;
	_ =	sdelay $0x5  }
0xed: {  	v2 =	vadd.s32 $0x192, v0  }
0xee: {  	v3 =	vor.u32 $0x218, v1  }
0xef: {  	v4 =	vadd.s32 $0x193, v0  }
0xf0: {  	v6 =	vor.u32 $0x219, v1;
	v5 =	vpop (erf)  }
0xf1: {  	v7 =	vor.u32 $0x21A, v1;
	[tilespmem:v16+s19+$0x0] =	vst.idx.msk $0xffff, v5  }
0xf2: {  	v10 =	vor.u32 $0x21B, v1;
	v2 =	vld.idx.msk [tilespmem:v2+s16+$0x0], $0xffff  }
0xf3: {  	v5 =	vadd.s32 $0x194, v0;
	v3 =	vld.idx.msk [tilespmem:v3+s15+$0x0], $0xffff  }
0xf4: {  	v9 =	vadd.s32 $0x195, v0;
	v4 =	vld.idx.msk [tilespmem:v4+s16+$0x0], $0xffff  }
0xf5: {  	v11 =	vadd.s32 $0x196, v0;
	v6 =	vld.idx.msk [tilespmem:v6+s15+$0x0], $0xffff  }
0xf6: {  	v7 =	vld.idx.msk [tilespmem:v7+s15+$0x0], $0xffff  }
0xf7: {  	v12 =	vor.u32 $0x21C, v1;
	v10 =	vld.idx.msk [tilespmem:v10+s15+$0x0], $0xffff  }
0xf8: {  	v13 =	vadd.s32 $0x197, v0;
	v5 =	vld.idx.msk [tilespmem:v5+s16+$0x0], $0xffff  }
0xf9: {  	v2 =	vmul.f32 v3, v2;
	v3 =	vld.idx.msk [tilespmem:v9+s16+$0x0], $0xffff;
	v9 =	vor.u32 $0x21D, v1  }
0xfa: {  	v4 =	vmul.f32 v6, v4;
	v6 =	vld.idx.msk [tilespmem:v11+s16+$0x0], $0xffff;
	v11 =	vor.u32 $0x21E, v1  }
0xfb: {  	v15 =	vor.u32 $0x86, v8;
	v2 =	vadd.f32 $0.0e+00, v2  }
0xfc: {  	v16 =	vor.u32 $0x87, v8;
	v12 =	vld.idx.msk [tilespmem:v12+s15+$0x0], $0xffff  }
0xfd: {  	v2 =	vadd.f32 v4, v2;
	v4 =	vmul.f32 v7, v5;
	v5 =	vld.idx.msk [tilespmem:v13+s16+$0x0], $0xffff;
	v7 =	vor.u32 $0x21F, v1  }
0xfe: {  	v9 =	vld.idx.msk [tilespmem:v9+s15+$0x0], $0xffff  }
0xff: {  	v3 =	vmul.f32 v10, v3;
	v10 =	vld.idx.msk [tilespmem:v11+s15+$0x0], $0xffff;
	v2 =	vadd.f32 v4, v2  }
0x100: {  	v4 =	vld.idx.msk [tilespmem:v15+s17+$0x0], $0xffff  }
0x101: {  	v2 =	vadd.f32 v3, v2;
	v3 =	vmul.f32 v12, v6;
	v6 =	vld.idx.msk [tilespmem:v16+s17+$0x0], $0xffff  }
0x102: {  	v7 =	vld.idx.msk [tilespmem:v7+s15+$0x0], $0xffff  }
0x103: {  	v2 =	vadd.f32 v3, v2;
	v3 =	vmul.f32 v9, v5;
	_ =	sdelay $0x1  }
0x104: {  	v2 =	vadd.f32 v3, v2;
	v3 =	vmul.f32 v10, v4;
	_ =	sdelay $0x1  }
0x105: {  	v2 =	vadd.f32 v3, v2;
	v3 =	vmul.f32 v7, v6;
	_ =	sdelay $0x1  }
0x106: {  	v2 =	vadd.f32 v3, v2;
	_ =	sdelay $0x1  }
0x107: {  	v2 =	vmul.f32 $3.535533850e-01, v2;
	_ =	sdelay $0x1  }
0x108: {  	v2 =	vmul.f32 $1.442695020e+00, v2;
	_ =	sdelay $0x1  }
0x109: {  	(erf) = vpow2.f32 v2;
	_ =	sdelay $0x5  }
0x10a: {  	v2 =	vadd.s32 $0x300, v0  }
0x10b: {  	v3 =	vor.u32 $0x400, v1  }
0x10c: {  	v4 =	vadd.s32 $0x301, v0  }
0x10d: {  	v6 =	vor.u32 $0x401, v1;
	v5 =	vpop (erf)  }
0x10e: {  	v7 =	vor.u32 $0x402, v1;
	[tilespmem:v63+s19+$0x0] =	vst.idx.msk $0xffff, v5  }
0x10f: {  	v10 =	vor.u32 $0x403, v1;
	v2 =	vld.idx.msk [tilespmem:v2+s16+$0x0], $0xffff  }
0x110: {  	v5 =	vadd.s32 $0x302, v0;
	v3 =	vld.idx.msk [tilespmem:v3+s15+$0x0], $0xffff  }
0x111: {  	v9 =	vadd.s32 $0x303, v0;
	v4 =	vld.idx.msk [tilespmem:v4+s16+$0x0], $0xffff  }
0x112: {  	v11 =	vadd.s32 $0x304, v0;
	v6 =	vld.idx.msk [tilespmem:v6+s15+$0x0], $0xffff  }
0x113: {  	v7 =	vld.idx.msk [tilespmem:v7+s15+$0x0], $0xffff  }
0x114: {  	v12 =	vor.u32 $0x404, v1;
	v10 =	vld.idx.msk [tilespmem:v10+s15+$0x0], $0xffff  }
0x115: {  	v13 =	vadd.s32 $0x305, v0;
	v5 =	vld.idx.msk [tilespmem:v5+s16+$0x0], $0xffff  }
0x116: {  	v2 =	vmul.f32 v3, v2;
	v3 =	vld.idx.msk [tilespmem:v9+s16+$0x0], $0xffff;
	v9 =	vor.u32 $0x405, v1  }
0x117: {  	v4 =	vmul.f32 v6, v4;
	v6 =	vld.idx.msk [tilespmem:v11+s16+$0x0], $0xffff;
	v11 =	vor.u32 $0x406, v1  }
0x118: {  	v15 =	vor.u32 $0x100, v8;
	v2 =	vadd.f32 $0.0e+00, v2  }
0x119: {  	v16 =	vor.u32 $0x101, v8;
	v12 =	vld.idx.msk [tilespmem:v12+s15+$0x0], $0xffff  }
0x11a: {  	v2 =	vadd.f32 v4, v2;
	v4 =	vmul.f32 v7, v5;
	v5 =	vld.idx.msk [tilespmem:v13+s16+$0x0], $0xffff;
	v7 =	vor.u32 $0x407, v1  }
0x11b: {  	v9 =	vld.idx.msk [tilespmem:v9+s15+$0x0], $0xffff  }
0x11c: {  	v3 =	vmul.f32 v10, v3;
	v10 =	vld.idx.msk [tilespmem:v11+s15+$0x0], $0xffff;
	v2 =	vadd.f32 v4, v2  }
0x11d: {  	v4 =	vld.idx.msk [tilespmem:v15+s17+$0x0], $0xffff  }
0x11e: {  	v2 =	vadd.f32 v3, v2;
	v3 =	vmul.f32 v12, v6;
	v6 =	vld.idx.msk [tilespmem:v16+s17+$0x0], $0xffff  }
0x11f: {  	v7 =	vld.idx.msk [tilespmem:v7+s15+$0x0], $0xffff  }
0x120: {  	v2 =	vadd.f32 v3, v2;
	v3 =	vmul.f32 v9, v5;
	_ =	sdelay $0x1  }
0x121: {  	v2 =	vadd.f32 v3, v2;
	v3 =	vmul.f32 v10, v4;
	_ =	sdelay $0x1  }
0x122: {  	v2 =	vadd.f32 v3, v2;
	v3 =	vmul.f32 v7, v6;
	_ =	sdelay $0x1  }
0x123: {  	v2 =	vadd.f32 v3, v2;
	_ =	sdelay $0x1  }
0x124: {  	v2 =	vmul.f32 $3.535533850e-01, v2;
	_ =	sdelay $0x1  }
0x125: {  	v2 =	vmul.f32 $1.442695020e+00, v2;
	_ =	sdelay $0x1  }
0x126: {  	(erf) = vpow2.f32 v2;
	_ =	sdelay $0x5  }
0x127: {  	v2 =	vadd.s32 $0x306, v0  }
0x128: {  	v3 =	vor.u32 $0x408, v1  }
0x129: {  	v4 =	vadd.s32 $0x307, v0  }
0x12a: {  	v6 =	vor.u32 $0x409, v1;
	v5 =	vpop (erf)  }
0x12b: {  	v7 =	vor.u32 $0x40A, v1;
	[tilespmem:v15+s19+$0x0] =	vst.idx.msk $0xffff, v5  }
0x12c: {  	v10 =	vor.u32 $0x40B, v1;
	v2 =	vld.idx.msk [tilespmem:v2+s16+$0x0], $0xffff  }
0x12d: {  	v5 =	vadd.s32 $0x308, v0;
	v3 =	vld.idx.msk [tilespmem:v3+s15+$0x0], $0xffff  }
0x12e: {  	v9 =	vadd.s32 $0x309, v0;
	v4 =	vld.idx.msk [tilespmem:v4+s16+$0x0], $0xffff  }
0x12f: {  	v11 =	vadd.s32 $0x30A, v0;
	v6 =	vld.idx.msk [tilespmem:v6+s15+$0x0], $0xffff  }
0x130: {  	v7 =	vld.idx.msk [tilespmem:v7+s15+$0x0], $0xffff  }
0x131: {  	v12 =	vor.u32 $0x40C, v1;
	v10 =	vld.idx.msk [tilespmem:v10+s15+$0x0], $0xffff  }
0x132: {  	v13 =	vadd.s32 $0x30B, v0;
	v5 =	vld.idx.msk [tilespmem:v5+s16+$0x0], $0xffff  }
0x133: {  	v2 =	vmul.f32 v3, v2;
	v3 =	vld.idx.msk [tilespmem:v9+s16+$0x0], $0xffff;
	v9 =	vor.u32 $0x40D, v1  }
0x134: {  	v4 =	vmul.f32 v6, v4;
	v6 =	vld.idx.msk [tilespmem:v11+s16+$0x0], $0xffff;
	v11 =	vor.u32 $0x40E, v1  }
0x135: {  	v15 =	vor.u32 $0x102, v8;
	v2 =	vadd.f32 $0.0e+00, v2  }
0x136: {  	v63 =	vor.u32 $0x103, v8;
	v12 =	vld.idx.msk [tilespmem:v12+s15+$0x0], $0xffff  }
0x137: {  	v2 =	vadd.f32 v4, v2;
	v4 =	vmul.f32 v7, v5;
	v5 =	vld.idx.msk [tilespmem:v13+s16+$0x0], $0xffff;
	v7 =	vor.u32 $0x40F, v1  }
0x138: {  	v9 =	vld.idx.msk [tilespmem:v9+s15+$0x0], $0xffff  }
0x139: {  	v3 =	vmul.f32 v10, v3;
	v10 =	vld.idx.msk [tilespmem:v11+s15+$0x0], $0xffff;
	v2 =	vadd.f32 v4, v2  }
0x13a: {  	v4 =	vld.idx.msk [tilespmem:v15+s17+$0x0], $0xffff  }
0x13b: {  	v2 =	vadd.f32 v3, v2;
	v3 =	vmul.f32 v12, v6;
	v6 =	vld.idx.msk [tilespmem:v63+s17+$0x0], $0xffff  }
0x13c: {  	v7 =	vld.idx.msk [tilespmem:v7+s15+$0x0], $0xffff  }
0x13d: {  	v2 =	vadd.f32 v3, v2;
	v3 =	vmul.f32 v9, v5;
	_ =	sdelay $0x1  }
0x13e: {  	v2 =	vadd.f32 v3, v2;
	v3 =	vmul.f32 v10, v4;
	_ =	sdelay $0x1  }
0x13f: {  	v2 =	vadd.f32 v3, v2;
	v3 =	vmul.f32 v7, v6;
	_ =	sdelay $0x1  }
0x140: {  	v2 =	vadd.f32 v3, v2;
	_ =	sdelay $0x1  }
0x141: {  	v2 =	vmul.f32 $3.535533850e-01, v2;
	_ =	sdelay $0x1  }
0x142: {  	v2 =	vmul.f32 $1.442695020e+00, v2;
	_ =	sdelay $0x1  }
0x143: {  	(erf) = vpow2.f32 v2;
	_ =	sdelay $0x5  }
0x144: {  	v2 =	vadd.s32 $0x30C, v0  }
0x145: {  	v3 =	vor.u32 $0x410, v1  }
0x146: {  	v4 =	vadd.s32 $0x30D, v0  }
0x147: {  	v6 =	vor.u32 $0x411, v1;
	v5 =	vpop (erf)  }
0x148: {  	v7 =	vor.u32 $0x412, v1;
	[tilespmem:v16+s19+$0x0] =	vst.idx.msk $0xffff, v5  }
0x149: {  	v10 =	vor.u32 $0x413, v1;
	v2 =	vld.idx.msk [tilespmem:v2+s16+$0x0], $0xffff  }
0x14a: {  	v5 =	vadd.s32 $0x30E, v0;
	v3 =	vld.idx.msk [tilespmem:v3+s15+$0x0], $0xffff  }
0x14b: {  	v9 =	vadd.s32 $0x30F, v0;
	v4 =	vld.idx.msk [tilespmem:v4+s16+$0x0], $0xffff  }
0x14c: {  	v11 =	vadd.s32 $0x310, v0;
	v6 =	vld.idx.msk [tilespmem:v6+s15+$0x0], $0xffff  }
0x14d: {  	v7 =	vld.idx.msk [tilespmem:v7+s15+$0x0], $0xffff  }
0x14e: {  	v12 =	vor.u32 $0x414, v1;
	v10 =	vld.idx.msk [tilespmem:v10+s15+$0x0], $0xffff  }
0x14f: {  	v13 =	vadd.s32 $0x311, v0;
	v5 =	vld.idx.msk [tilespmem:v5+s16+$0x0], $0xffff  }
0x150: {  	v2 =	vmul.f32 v3, v2;
	v3 =	vld.idx.msk [tilespmem:v9+s16+$0x0], $0xffff;
	v9 =	vor.u32 $0x415, v1  }
0x151: {  	v4 =	vmul.f32 v6, v4;
	v6 =	vld.idx.msk [tilespmem:v11+s16+$0x0], $0xffff;
	v11 =	vor.u32 $0x416, v1  }
0x152: {  	v16 =	vor.u32 $0x104, v8;
	v2 =	vadd.f32 $0.0e+00, v2  }
0x153: {  	v17 =	vor.u32 $0x105, v8;
	v12 =	vld.idx.msk [tilespmem:v12+s15+$0x0], $0xffff  }
0x154: {  	v2 =	vadd.f32 v4, v2;
	v4 =	vmul.f32 v7, v5;
	v5 =	vld.idx.msk [tilespmem:v13+s16+$0x0], $0xffff;
	v7 =	vor.u32 $0x417, v1  }
0x155: {  	v9 =	vld.idx.msk [tilespmem:v9+s15+$0x0], $0xffff  }
0x156: {  	v3 =	vmul.f32 v10, v3;
	v10 =	vld.idx.msk [tilespmem:v11+s15+$0x0], $0xffff;
	v2 =	vadd.f32 v4, v2  }
0x157: {  	v4 =	vld.idx.msk [tilespmem:v16+s17+$0x0], $0xffff  }
0x158: {  	v2 =	vadd.f32 v3, v2;
	v3 =	vmul.f32 v12, v6;
	v6 =	vld.idx.msk [tilespmem:v17+s17+$0x0], $0xffff  }
0x159: {  	v7 =	vld.idx.msk [tilespmem:v7+s15+$0x0], $0xffff  }
0x15a: {  	v2 =	vadd.f32 v3, v2;
	v3 =	vmul.f32 v9, v5;
	_ =	sdelay $0x1  }
0x15b: {  	v2 =	vadd.f32 v3, v2;
	v3 =	vmul.f32 v10, v4;
	_ =	sdelay $0x1  }
0x15c: {  	v2 =	vadd.f32 v3, v2;
	v3 =	vmul.f32 v7, v6;
	_ =	sdelay $0x1  }
0x15d: {  	v2 =	vadd.f32 v3, v2;
	_ =	sdelay $0x1  }
0x15e: {  	v2 =	vmul.f32 $3.535533850e-01, v2;
	_ =	sdelay $0x1  }
0x15f: {  	v2 =	vmul.f32 $1.442695020e+00, v2;
	_ =	sdelay $0x1  }
0x160: {  	(erf) = vpow2.f32 v2;
	_ =	sdelay $0x5  }
0x161: {  	v2 =	vadd.s32 $0x312, v0  }
0x162: {  	v3 =	vor.u32 $0x418, v1  }
0x163: {  	v4 =	vadd.s32 $0x313, v0  }
0x164: {  	v6 =	vor.u32 $0x419, v1;
	v5 =	vpop (erf)  }
0x165: {  	v7 =	vor.u32 $0x41A, v1;
	[tilespmem:v15+s19+$0x0] =	vst.idx.msk $0xffff, v5  }
0x166: {  	v10 =	vor.u32 $0x41B, v1;
	v2 =	vld.idx.msk [tilespmem:v2+s16+$0x0], $0xffff  }
0x167: {  	v5 =	vadd.s32 $0x314, v0;
	v3 =	vld.idx.msk [tilespmem:v3+s15+$0x0], $0xffff  }
0x168: {  	v9 =	vadd.s32 $0x315, v0;
	v4 =	vld.idx.msk [tilespmem:v4+s16+$0x0], $0xffff  }
0x169: {  	v11 =	vadd.s32 $0x316, v0;
	v6 =	vld.idx.msk [tilespmem:v6+s15+$0x0], $0xffff  }
0x16a: {  	v7 =	vld.idx.msk [tilespmem:v7+s15+$0x0], $0xffff  }
0x16b: {  	v12 =	vor.u32 $0x41C, v1;
	v10 =	vld.idx.msk [tilespmem:v10+s15+$0x0], $0xffff  }
0x16c: {  	v13 =	vadd.s32 $0x317, v0;
	v5 =	vld.idx.msk [tilespmem:v5+s16+$0x0], $0xffff  }
0x16d: {  	v2 =	vmul.f32 v3, v2;
	v3 =	vld.idx.msk [tilespmem:v9+s16+$0x0], $0xffff;
	v9 =	vor.u32 $0x41D, v1  }
0x16e: {  	v4 =	vmul.f32 v6, v4;
	v6 =	vld.idx.msk [tilespmem:v11+s16+$0x0], $0xffff;
	v11 =	vor.u32 $0x41E, v1  }
0x16f: {  	v15 =	vor.u32 $0x106, v8;
	v2 =	vadd.f32 $0.0e+00, v2  }
0x170: {  	v16 =	vor.u32 $0x107, v8;
	v12 =	vld.idx.msk [tilespmem:v12+s15+$0x0], $0xffff  }
0x171: {  	v2 =	vadd.f32 v4, v2;
	v4 =	vmul.f32 v7, v5;
	v5 =	vld.idx.msk [tilespmem:v13+s16+$0x0], $0xffff;
	v7 =	vor.u32 $0x41F, v1  }
0x172: {  	v9 =	vld.idx.msk [tilespmem:v9+s15+$0x0], $0xffff  }
0x173: {  	v3 =	vmul.f32 v10, v3;
	v10 =	vld.idx.msk [tilespmem:v11+s15+$0x0], $0xffff;
	v2 =	vadd.f32 v4, v2  }
0x174: {  	v4 =	vld.idx.msk [tilespmem:v15+s17+$0x0], $0xffff  }
0x175: {  	v2 =	vadd.f32 v3, v2;
	v3 =	vmul.f32 v12, v6;
	v6 =	vld.idx.msk [tilespmem:v16+s17+$0x0], $0xffff  }
0x176: {  	v7 =	vld.idx.msk [tilespmem:v7+s15+$0x0], $0xffff  }
0x177: {  	v2 =	vadd.f32 v3, v2;
	v3 =	vmul.f32 v9, v5;
	_ =	sdelay $0x1  }
0x178: {  	v2 =	vadd.f32 v3, v2;
	v3 =	vmul.f32 v10, v4;
	_ =	sdelay $0x1  }
0x179: {  	v2 =	vadd.f32 v3, v2;
	v3 =	vmul.f32 v7, v6;
	_ =	sdelay $0x1  }
0x17a: {  	v2 =	vadd.f32 v3, v2;
	_ =	sdelay $0x1  }
0x17b: {  	v2 =	vmul.f32 $3.535533850e-01, v2;
	_ =	sdelay $0x1  }
0x17c: {  	v2 =	vmul.f32 $1.442695020e+00, v2;
	_ =	sdelay $0x1  }
0x17d: {  	(erf) = vpow2.f32 v2;
	_ =	sdelay $0x5  }
0x17e: {  	v2 =	vadd.s32 $0x480, v0  }
0x17f: {  	v3 =	vor.u32 $0x600, v1  }
0x180: {  	v4 =	vadd.s32 $0x481, v0  }
0x181: {  	v6 =	vor.u32 $0x601, v1;
	v5 =	vpop (erf)  }
0x182: {  	v7 =	vor.u32 $0x602, v1;
	[tilespmem:v63+s19+$0x0] =	vst.idx.msk $0xffff, v5  }
0x183: {  	v10 =	vor.u32 $0x603, v1;
	v2 =	vld.idx.msk [tilespmem:v2+s16+$0x0], $0xffff  }
0x184: {  	v5 =	vadd.s32 $0x482, v0;
	v3 =	vld.idx.msk [tilespmem:v3+s15+$0x0], $0xffff  }
0x185: {  	v9 =	vadd.s32 $0x483, v0;
	v4 =	vld.idx.msk [tilespmem:v4+s16+$0x0], $0xffff  }
0x186: {  	v11 =	vadd.s32 $0x484, v0;
	v6 =	vld.idx.msk [tilespmem:v6+s15+$0x0], $0xffff  }
0x187: {  	v7 =	vld.idx.msk [tilespmem:v7+s15+$0x0], $0xffff  }
0x188: {  	v12 =	vor.u32 $0x604, v1;
	v10 =	vld.idx.msk [tilespmem:v10+s15+$0x0], $0xffff  }
0x189: {  	v13 =	vadd.s32 $0x485, v0;
	v5 =	vld.idx.msk [tilespmem:v5+s16+$0x0], $0xffff  }
0x18a: {  	v2 =	vmul.f32 v3, v2;
	v3 =	vld.idx.msk [tilespmem:v9+s16+$0x0], $0xffff;
	v9 =	vor.u32 $0x605, v1  }
0x18b: {  	v4 =	vmul.f32 v6, v4;
	v6 =	vld.idx.msk [tilespmem:v11+s16+$0x0], $0xffff;
	v11 =	vor.u32 $0x606, v1  }
0x18c: {  	v15 =	vor.u32 $0x180, v8;
	v2 =	vadd.f32 $0.0e+00, v2  }
0x18d: {  	v16 =	vor.u32 $0x181, v8;
	v12 =	vld.idx.msk [tilespmem:v12+s15+$0x0], $0xffff  }
0x18e: {  	v2 =	vadd.f32 v4, v2;
	v4 =	vmul.f32 v7, v5;
	v5 =	vld.idx.msk [tilespmem:v13+s16+$0x0], $0xffff;
	v7 =	vor.u32 $0x607, v1  }
0x18f: {  	v9 =	vld.idx.msk [tilespmem:v9+s15+$0x0], $0xffff  }
0x190: {  	v3 =	vmul.f32 v10, v3;
	v10 =	vld.idx.msk [tilespmem:v11+s15+$0x0], $0xffff;
	v2 =	vadd.f32 v4, v2  }
0x191: {  	v4 =	vld.idx.msk [tilespmem:v15+s17+$0x0], $0xffff  }
0x192: {  	v2 =	vadd.f32 v3, v2;
	v3 =	vmul.f32 v12, v6;
	v6 =	vld.idx.msk [tilespmem:v16+s17+$0x0], $0xffff  }
0x193: {  	v7 =	vld.idx.msk [tilespmem:v7+s15+$0x0], $0xffff  }
0x194: {  	v2 =	vadd.f32 v3, v2;
	v3 =	vmul.f32 v9, v5;
	_ =	sdelay $0x1  }
0x195: {  	v2 =	vadd.f32 v3, v2;
	v3 =	vmul.f32 v10, v4;
	_ =	sdelay $0x1  }
0x196: {  	v2 =	vadd.f32 v3, v2;
	v3 =	vmul.f32 v7, v6;
	_ =	sdelay $0x1  }
0x197: {  	v2 =	vadd.f32 v3, v2;
	_ =	sdelay $0x1  }
0x198: {  	v2 =	vmul.f32 $3.535533850e-01, v2;
	_ =	sdelay $0x1  }
0x199: {  	v2 =	vmul.f32 $1.442695020e+00, v2;
	_ =	sdelay $0x1  }
0x19a: {  	(erf) = vpow2.f32 v2;
	_ =	sdelay $0x5  }
0x19b: {  	v2 =	vadd.s32 $0x486, v0  }
0x19c: {  	v3 =	vor.u32 $0x608, v1  }
0x19d: {  	v4 =	vadd.s32 $0x487, v0  }
0x19e: {  	v6 =	vor.u32 $0x609, v1;
	v5 =	vpop (erf)  }
0x19f: {  	v7 =	vor.u32 $0x60A, v1;
	[tilespmem:v15+s19+$0x0] =	vst.idx.msk $0xffff, v5  }
0x1a0: {  	v10 =	vor.u32 $0x60B, v1;
	v2 =	vld.idx.msk [tilespmem:v2+s16+$0x0], $0xffff  }
0x1a1: {  	v5 =	vadd.s32 $0x488, v0;
	v3 =	vld.idx.msk [tilespmem:v3+s15+$0x0], $0xffff  }
0x1a2: {  	v9 =	vadd.s32 $0x489, v0;
	v4 =	vld.idx.msk [tilespmem:v4+s16+$0x0], $0xffff  }
0x1a3: {  	v11 =	vadd.s32 $0x48A, v0;
	v6 =	vld.idx.msk [tilespmem:v6+s15+$0x0], $0xffff  }
0x1a4: {  	v7 =	vld.idx.msk [tilespmem:v7+s15+$0x0], $0xffff  }
0x1a5: {  	v12 =	vor.u32 $0x60C, v1;
	v10 =	vld.idx.msk [tilespmem:v10+s15+$0x0], $0xffff  }
0x1a6: {  	v13 =	vadd.s32 $0x48B, v0;
	v5 =	vld.idx.msk [tilespmem:v5+s16+$0x0], $0xffff  }
0x1a7: {  	v2 =	vmul.f32 v3, v2;
	v3 =	vld.idx.msk [tilespmem:v9+s16+$0x0], $0xffff;
	v9 =	vor.u32 $0x60D, v1  }
0x1a8: {  	v4 =	vmul.f32 v6, v4;
	v6 =	vld.idx.msk [tilespmem:v11+s16+$0x0], $0xffff;
	v11 =	vor.u32 $0x60E, v1  }
0x1a9: {  	v15 =	vor.u32 $0x182, v8;
	v2 =	vadd.f32 $0.0e+00, v2  }
0x1aa: {  	v63 =	vor.u32 $0x183, v8;
	v12 =	vld.idx.msk [tilespmem:v12+s15+$0x0], $0xffff  }
0x1ab: {  	v2 =	vadd.f32 v4, v2;
	v4 =	vmul.f32 v7, v5;
	v5 =	vld.idx.msk [tilespmem:v13+s16+$0x0], $0xffff;
	v7 =	vor.u32 $0x60F, v1  }
0x1ac: {  	v9 =	vld.idx.msk [tilespmem:v9+s15+$0x0], $0xffff  }
0x1ad: {  	v3 =	vmul.f32 v10, v3;
	v10 =	vld.idx.msk [tilespmem:v11+s15+$0x0], $0xffff;
	v2 =	vadd.f32 v4, v2  }
0x1ae: {  	v4 =	vld.idx.msk [tilespmem:v15+s17+$0x0], $0xffff  }
0x1af: {  	v2 =	vadd.f32 v3, v2;
	v3 =	vmul.f32 v12, v6;
	v6 =	vld.idx.msk [tilespmem:v63+s17+$0x0], $0xffff  }
0x1b0: {  	v7 =	vld.idx.msk [tilespmem:v7+s15+$0x0], $0xffff  }
0x1b1: {  	v2 =	vadd.f32 v3, v2;
	v3 =	vmul.f32 v9, v5;
	_ =	sdelay $0x1  }
0x1b2: {  	v2 =	vadd.f32 v3, v2;
	v3 =	vmul.f32 v10, v4;
	_ =	sdelay $0x1  }
0x1b3: {  	v2 =	vadd.f32 v3, v2;
	v3 =	vmul.f32 v7, v6;
	_ =	sdelay $0x1  }
0x1b4: {  	v2 =	vadd.f32 v3, v2;
	_ =	sdelay $0x1  }
0x1b5: {  	v2 =	vmul.f32 $3.535533850e-01, v2;
	_ =	sdelay $0x1  }
0x1b6: {  	v2 =	vmul.f32 $1.442695020e+00, v2;
	_ =	sdelay $0x1  }
0x1b7: {  	(erf) = vpow2.f32 v2;
	_ =	sdelay $0x5  }
0x1b8: {  	v2 =	vadd.s32 $0x48C, v0  }
0x1b9: {  	v3 =	vor.u32 $0x610, v1  }
0x1ba: {  	v4 =	vadd.s32 $0x48D, v0  }
0x1bb: {  	v6 =	vor.u32 $0x611, v1;
	v5 =	vpop (erf)  }
0x1bc: {  	v7 =	vor.u32 $0x612, v1;
	[tilespmem:v16+s19+$0x0] =	vst.idx.msk $0xffff, v5  }
0x1bd: {  	v10 =	vor.u32 $0x613, v1;
	v2 =	vld.idx.msk [tilespmem:v2+s16+$0x0], $0xffff  }
0x1be: {  	v5 =	vadd.s32 $0x48E, v0;
	v3 =	vld.idx.msk [tilespmem:v3+s15+$0x0], $0xffff  }
0x1bf: {  	v9 =	vadd.s32 $0x48F, v0;
	v4 =	vld.idx.msk [tilespmem:v4+s16+$0x0], $0xffff  }
0x1c0: {  	v11 =	vadd.s32 $0x490, v0;
	v6 =	vld.idx.msk [tilespmem:v6+s15+$0x0], $0xffff  }
0x1c1: {  	v7 =	vld.idx.msk [tilespmem:v7+s15+$0x0], $0xffff  }
0x1c2: {  	v12 =	vor.u32 $0x614, v1;
	v10 =	vld.idx.msk [tilespmem:v10+s15+$0x0], $0xffff  }
0x1c3: {  	v13 =	vadd.s32 $0x491, v0;
	v5 =	vld.idx.msk [tilespmem:v5+s16+$0x0], $0xffff  }
0x1c4: {  	v2 =	vmul.f32 v3, v2;
	v3 =	vld.idx.msk [tilespmem:v9+s16+$0x0], $0xffff;
	v9 =	vor.u32 $0x615, v1  }
0x1c5: {  	v4 =	vmul.f32 v6, v4;
	v6 =	vld.idx.msk [tilespmem:v11+s16+$0x0], $0xffff;
	v11 =	vor.u32 $0x616, v1  }
0x1c6: {  	v16 =	vor.u32 $0x184, v8;
	v2 =	vadd.f32 $0.0e+00, v2  }
0x1c7: {  	v17 =	vor.u32 $0x185, v8;
	v12 =	vld.idx.msk [tilespmem:v12+s15+$0x0], $0xffff  }
0x1c8: {  	v2 =	vadd.f32 v4, v2;
	v4 =	vmul.f32 v7, v5;
	v5 =	vld.idx.msk [tilespmem:v13+s16+$0x0], $0xffff;
	v7 =	vor.u32 $0x617, v1  }
0x1c9: {  	v9 =	vld.idx.msk [tilespmem:v9+s15+$0x0], $0xffff  }
0x1ca: {  	v3 =	vmul.f32 v10, v3;
	v10 =	vld.idx.msk [tilespmem:v11+s15+$0x0], $0xffff;
	v2 =	vadd.f32 v4, v2  }
0x1cb: {  	v4 =	vld.idx.msk [tilespmem:v16+s17+$0x0], $0xffff  }
0x1cc: {  	v2 =	vadd.f32 v3, v2;
	v3 =	vmul.f32 v12, v6;
	v6 =	vld.idx.msk [tilespmem:v17+s17+$0x0], $0xffff  }
0x1cd: {  	v7 =	vld.idx.msk [tilespmem:v7+s15+$0x0], $0xffff  }
0x1ce: {  	v2 =	vadd.f32 v3, v2;
	v3 =	vmul.f32 v9, v5;
	_ =	sdelay $0x1  }
0x1cf: {  	v2 =	vadd.f32 v3, v2;
	v3 =	vmul.f32 v10, v4;
	_ =	sdelay $0x1  }
0x1d0: {  	v2 =	vadd.f32 v3, v2;
	v3 =	vmul.f32 v7, v6;
	_ =	sdelay $0x1  }
0x1d1: {  	v2 =	vadd.f32 v3, v2;
	_ =	sdelay $0x1  }
0x1d2: {  	v2 =	vmul.f32 $3.535533850e-01, v2;
	_ =	sdelay $0x1  }
0x1d3: {  	v2 =	vmul.f32 $1.442695020e+00, v2;
	_ =	sdelay $0x1  }
0x1d4: {  	(erf) = vpow2.f32 v2;
	_ =	sdelay $0x5  }
0x1d5: {  	v2 =	vadd.s32 $0x492, v0  }
0x1d6: {  	v3 =	vor.u32 $0x618, v1  }
0x1d7: {  	v4 =	vadd.s32 $0x493, v0  }
0x1d8: {  	v6 =	vor.u32 $0x619, v1;
	v5 =	vpop (erf)  }
0x1d9: {  	v7 =	vor.u32 $0x61A, v1;
	[tilespmem:v15+s19+$0x0] =	vst.idx.msk $0xffff, v5  }
0x1da: {  	v10 =	vor.u32 $0x61B, v1;
	v2 =	vld.idx.msk [tilespmem:v2+s16+$0x0], $0xffff  }
0x1db: {  	v5 =	vadd.s32 $0x494, v0;
	v3 =	vld.idx.msk [tilespmem:v3+s15+$0x0], $0xffff  }
0x1dc: {  	v9 =	vadd.s32 $0x495, v0;
	v4 =	vld.idx.msk [tilespmem:v4+s16+$0x0], $0xffff  }
0x1dd: {  	v11 =	vadd.s32 $0x496, v0;
	v6 =	vld.idx.msk [tilespmem:v6+s15+$0x0], $0xffff  }
0x1de: {  	v7 =	vld.idx.msk [tilespmem:v7+s15+$0x0], $0xffff  }
0x1df: {  	v12 =	vor.u32 $0x61C, v1;
	v10 =	vld.idx.msk [tilespmem:v10+s15+$0x0], $0xffff  }
0x1e0: {  	v13 =	vadd.s32 $0x497, v0;
	v5 =	vld.idx.msk [tilespmem:v5+s16+$0x0], $0xffff  }
0x1e1: {  	v2 =	vmul.f32 v3, v2;
	v3 =	vld.idx.msk [tilespmem:v9+s16+$0x0], $0xffff;
	v9 =	vor.u32 $0x61D, v1  }
0x1e2: {  	v4 =	vmul.f32 v6, v4;
	v6 =	vld.idx.msk [tilespmem:v11+s16+$0x0], $0xffff;
	v11 =	vor.u32 $0x61E, v1  }
0x1e3: {  	v15 =	vor.u32 $0x186, v8;
	v2 =	vadd.f32 $0.0e+00, v2  }
0x1e4: {  	v16 =	vor.u32 $0x187, v8;
	v12 =	vld.idx.msk [tilespmem:v12+s15+$0x0], $0xffff  }
0x1e5: {  	v2 =	vadd.f32 v4, v2;
	v4 =	vmul.f32 v7, v5;
	v5 =	vld.idx.msk [tilespmem:v13+s16+$0x0], $0xffff;
	v7 =	vor.u32 $0x61F, v1  }
0x1e6: {  	v9 =	vld.idx.msk [tilespmem:v9+s15+$0x0], $0xffff  }
0x1e7: {  	v3 =	vmul.f32 v10, v3;
	v10 =	vld.idx.msk [tilespmem:v11+s15+$0x0], $0xffff;
	v2 =	vadd.f32 v4, v2  }
0x1e8: {  	v4 =	vld.idx.msk [tilespmem:v15+s17+$0x0], $0xffff  }
0x1e9: {  	v2 =	vadd.f32 v3, v2;
	v3 =	vmul.f32 v12, v6;
	v6 =	vld.idx.msk [tilespmem:v16+s17+$0x0], $0xffff  }
0x1ea: {  	v7 =	vld.idx.msk [tilespmem:v7+s15+$0x0], $0xffff  }
0x1eb: {  	v2 =	vadd.f32 v3, v2;
	v3 =	vmul.f32 v9, v5;
	_ =	sdelay $0x1  }
0x1ec: {  	v2 =	vadd.f32 v3, v2;
	v3 =	vmul.f32 v10, v4;
	_ =	sdelay $0x1  }
0x1ed: {  	v2 =	vadd.f32 v3, v2;
	v3 =	vmul.f32 v7, v6;
	_ =	sdelay $0x1  }
0x1ee: {  	v2 =	vadd.f32 v3, v2;
	_ =	sdelay $0x1  }
0x1ef: {  	v2 =	vmul.f32 $3.535533850e-01, v2;
	_ =	sdelay $0x1  }
0x1f0: {  	v2 =	vmul.f32 $1.442695020e+00, v2;
	_ =	sdelay $0x1  }
0x1f1: {  	(erf) = vpow2.f32 v2;
	_ =	sdelay $0x5  }
0x1f2: {  	v2 =	vor.u32 $0x600, v0  }
0x1f3: {  	v3 =	vor.u32 $0x800, v1  }
0x1f4: {  	v4 =	vor.u32 $0x601, v0  }
0x1f5: {  	v6 =	vor.u32 $0x801, v1;
	v5 =	vpop (erf)  }
0x1f6: {  	v7 =	vor.u32 $0x802, v1;
	[tilespmem:v63+s19+$0x0] =	vst.idx.msk $0xffff, v5  }
0x1f7: {  	v10 =	vor.u32 $0x803, v1;
	v2 =	vld.idx.msk [tilespmem:v2+s16+$0x0], $0xffff  }
0x1f8: {  	v5 =	vor.u32 $0x602, v0;
	v3 =	vld.idx.msk [tilespmem:v3+s15+$0x0], $0xffff  }
0x1f9: {  	v9 =	vor.u32 $0x603, v0;
	v4 =	vld.idx.msk [tilespmem:v4+s16+$0x0], $0xffff  }
0x1fa: {  	v11 =	vor.u32 $0x604, v0;
	v6 =	vld.idx.msk [tilespmem:v6+s15+$0x0], $0xffff  }
0x1fb: {  	v7 =	vld.idx.msk [tilespmem:v7+s15+$0x0], $0xffff  }
0x1fc: {  	v12 =	vor.u32 $0x804, v1;
	v10 =	vld.idx.msk [tilespmem:v10+s15+$0x0], $0xffff  }
0x1fd: {  	v13 =	vor.u32 $0x605, v0;
	v5 =	vld.idx.msk [tilespmem:v5+s16+$0x0], $0xffff  }
0x1fe: {  	v2 =	vmul.f32 v3, v2;
	v3 =	vld.idx.msk [tilespmem:v9+s16+$0x0], $0xffff;
	v9 =	vor.u32 $0x805, v1  }
0x1ff: {  	v4 =	vmul.f32 v6, v4;
	v6 =	vld.idx.msk [tilespmem:v11+s16+$0x0], $0xffff;
	v11 =	vor.u32 $0x806, v1  }
0x200: {  	v15 =	vor.u32 $0x200, v8;
	v2 =	vadd.f32 $0.0e+00, v2  }
0x201: {  	v16 =	vor.u32 $0x201, v8;
	v12 =	vld.idx.msk [tilespmem:v12+s15+$0x0], $0xffff  }
0x202: {  	v2 =	vadd.f32 v4, v2;
	v4 =	vmul.f32 v7, v5;
	v5 =	vld.idx.msk [tilespmem:v13+s16+$0x0], $0xffff;
	v7 =	vor.u32 $0x807, v1  }
0x203: {  	v9 =	vld.idx.msk [tilespmem:v9+s15+$0x0], $0xffff  }
0x204: {  	v3 =	vmul.f32 v10, v3;
	v10 =	vld.idx.msk [tilespmem:v11+s15+$0x0], $0xffff;
	v2 =	vadd.f32 v4, v2  }
0x205: {  	v4 =	vld.idx.msk [tilespmem:v15+s17+$0x0], $0xffff  }
0x206: {  	v2 =	vadd.f32 v3, v2;
	v3 =	vmul.f32 v12, v6;
	v6 =	vld.idx.msk [tilespmem:v16+s17+$0x0], $0xffff  }
0x207: {  	v7 =	vld.idx.msk [tilespmem:v7+s15+$0x0], $0xffff  }
0x208: {  	v2 =	vadd.f32 v3, v2;
	v3 =	vmul.f32 v9, v5;
	_ =	sdelay $0x1  }
0x209: {  	v2 =	vadd.f32 v3, v2;
	v3 =	vmul.f32 v10, v4;
	_ =	sdelay $0x1  }
0x20a: {  	v2 =	vadd.f32 v3, v2;
	v3 =	vmul.f32 v7, v6;
	_ =	sdelay $0x1  }
0x20b: {  	v2 =	vadd.f32 v3, v2;
	_ =	sdelay $0x1  }
0x20c: {  	v2 =	vmul.f32 $3.535533850e-01, v2;
	_ =	sdelay $0x1  }
0x20d: {  	v2 =	vmul.f32 $1.442695020e+00, v2;
	_ =	sdelay $0x1  }
0x20e: {  	(erf) = vpow2.f32 v2;
	_ =	sdelay $0x5  }
0x20f: {  	v2 =	vor.u32 $0x606, v0  }
0x210: {  	v3 =	vor.u32 $0x808, v1  }
0x211: {  	v4 =	vor.u32 $0x607, v0  }
0x212: {  	v6 =	vor.u32 $0x809, v1;
	v5 =	vpop (erf)  }
0x213: {  	v7 =	vor.u32 $0x80A, v1;
	[tilespmem:v15+s19+$0x0] =	vst.idx.msk $0xffff, v5  }
0x214: {  	v10 =	vor.u32 $0x80B, v1;
	v2 =	vld.idx.msk [tilespmem:v2+s16+$0x0], $0xffff  }
0x215: {  	v5 =	vadd.s32 $0x608, v0;
	v3 =	vld.idx.msk [tilespmem:v3+s15+$0x0], $0xffff  }
0x216: {  	v9 =	vadd.s32 $0x609, v0;
	v4 =	vld.idx.msk [tilespmem:v4+s16+$0x0], $0xffff  }
0x217: {  	v11 =	vadd.s32 $0x60A, v0;
	v6 =	vld.idx.msk [tilespmem:v6+s15+$0x0], $0xffff  }
0x218: {  	v7 =	vld.idx.msk [tilespmem:v7+s15+$0x0], $0xffff  }
0x219: {  	v12 =	vor.u32 $0x80C, v1;
	v10 =	vld.idx.msk [tilespmem:v10+s15+$0x0], $0xffff  }
0x21a: {  	v13 =	vadd.s32 $0x60B, v0;
	v5 =	vld.idx.msk [tilespmem:v5+s16+$0x0], $0xffff  }
0x21b: {  	v2 =	vmul.f32 v3, v2;
	v3 =	vld.idx.msk [tilespmem:v9+s16+$0x0], $0xffff;
	v9 =	vor.u32 $0x80D, v1  }
0x21c: {  	v4 =	vmul.f32 v6, v4;
	v6 =	vld.idx.msk [tilespmem:v11+s16+$0x0], $0xffff;
	v11 =	vor.u32 $0x80E, v1  }
0x21d: {  	v15 =	vor.u32 $0x202, v8;
	v2 =	vadd.f32 $0.0e+00, v2  }
0x21e: {  	v63 =	vor.u32 $0x203, v8;
	v12 =	vld.idx.msk [tilespmem:v12+s15+$0x0], $0xffff  }
0x21f: {  	v2 =	vadd.f32 v4, v2;
	v4 =	vmul.f32 v7, v5;
	v5 =	vld.idx.msk [tilespmem:v13+s16+$0x0], $0xffff;
	v7 =	vor.u32 $0x80F, v1  }
0x220: {  	v9 =	vld.idx.msk [tilespmem:v9+s15+$0x0], $0xffff  }
0x221: {  	v3 =	vmul.f32 v10, v3;
	v10 =	vld.idx.msk [tilespmem:v11+s15+$0x0], $0xffff;
	v2 =	vadd.f32 v4, v2  }
0x222: {  	v4 =	vld.idx.msk [tilespmem:v15+s17+$0x0], $0xffff  }
0x223: {  	v2 =	vadd.f32 v3, v2;
	v3 =	vmul.f32 v12, v6;
	v6 =	vld.idx.msk [tilespmem:v63+s17+$0x0], $0xffff  }
0x224: {  	v7 =	vld.idx.msk [tilespmem:v7+s15+$0x0], $0xffff  }
0x225: {  	v2 =	vadd.f32 v3, v2;
	v3 =	vmul.f32 v9, v5;
	_ =	sdelay $0x1  }
0x226: {  	v2 =	vadd.f32 v3, v2;
	v3 =	vmul.f32 v10, v4;
	_ =	sdelay $0x1  }
0x227: {  	v2 =	vadd.f32 v3, v2;
	v3 =	vmul.f32 v7, v6;
	_ =	sdelay $0x1  }
0x228: {  	v2 =	vadd.f32 v3, v2;
	_ =	sdelay $0x1  }
0x229: {  	v2 =	vmul.f32 $3.535533850e-01, v2;
	_ =	sdelay $0x1  }
0x22a: {  	v2 =	vmul.f32 $1.442695020e+00, v2;
	_ =	sdelay $0x1  }
0x22b: {  	(erf) = vpow2.f32 v2;
	_ =	sdelay $0x5  }
0x22c: {  	v2 =	vadd.s32 $0x60C, v0  }
0x22d: {  	v3 =	vor.u32 $0x810, v1  }
0x22e: {  	v4 =	vadd.s32 $0x60D, v0  }
0x22f: {  	v6 =	vor.u32 $0x811, v1;
	v5 =	vpop (erf)  }
0x230: {  	v7 =	vor.u32 $0x812, v1;
	[tilespmem:v16+s19+$0x0] =	vst.idx.msk $0xffff, v5  }
0x231: {  	v10 =	vor.u32 $0x813, v1;
	v2 =	vld.idx.msk [tilespmem:v2+s16+$0x0], $0xffff  }
0x232: {  	v5 =	vadd.s32 $0x60E, v0;
	v3 =	vld.idx.msk [tilespmem:v3+s15+$0x0], $0xffff  }
0x233: {  	v9 =	vadd.s32 $0x60F, v0;
	v4 =	vld.idx.msk [tilespmem:v4+s16+$0x0], $0xffff  }
0x234: {  	v11 =	vadd.s32 $0x610, v0;
	v6 =	vld.idx.msk [tilespmem:v6+s15+$0x0], $0xffff  }
0x235: {  	v7 =	vld.idx.msk [tilespmem:v7+s15+$0x0], $0xffff  }
0x236: {  	v12 =	vor.u32 $0x814, v1;
	v10 =	vld.idx.msk [tilespmem:v10+s15+$0x0], $0xffff  }
0x237: {  	v13 =	vadd.s32 $0x611, v0;
	v5 =	vld.idx.msk [tilespmem:v5+s16+$0x0], $0xffff  }
0x238: {  	v2 =	vmul.f32 v3, v2;
	v3 =	vld.idx.msk [tilespmem:v9+s16+$0x0], $0xffff;
	v9 =	vor.u32 $0x815, v1  }
0x239: {  	v4 =	vmul.f32 v6, v4;
	v6 =	vld.idx.msk [tilespmem:v11+s16+$0x0], $0xffff;
	v11 =	vor.u32 $0x816, v1  }
0x23a: {  	v16 =	vor.u32 $0x204, v8;
	v2 =	vadd.f32 $0.0e+00, v2  }
0x23b: {  	v17 =	vor.u32 $0x205, v8;
	v12 =	vld.idx.msk [tilespmem:v12+s15+$0x0], $0xffff  }
0x23c: {  	v2 =	vadd.f32 v4, v2;
	v4 =	vmul.f32 v7, v5;
	v5 =	vld.idx.msk [tilespmem:v13+s16+$0x0], $0xffff;
	v7 =	vor.u32 $0x817, v1  }
0x23d: {  	v9 =	vld.idx.msk [tilespmem:v9+s15+$0x0], $0xffff  }
0x23e: {  	v3 =	vmul.f32 v10, v3;
	v10 =	vld.idx.msk [tilespmem:v11+s15+$0x0], $0xffff;
	v2 =	vadd.f32 v4, v2  }
0x23f: {  	v4 =	vld.idx.msk [tilespmem:v16+s17+$0x0], $0xffff  }
0x240: {  	v2 =	vadd.f32 v3, v2;
	v3 =	vmul.f32 v12, v6;
	v6 =	vld.idx.msk [tilespmem:v17+s17+$0x0], $0xffff  }
0x241: {  	v7 =	vld.idx.msk [tilespmem:v7+s15+$0x0], $0xffff  }
0x242: {  	v2 =	vadd.f32 v3, v2;
	v3 =	vmul.f32 v9, v5;
	_ =	sdelay $0x1  }
0x243: {  	v2 =	vadd.f32 v3, v2;
	v3 =	vmul.f32 v10, v4;
	_ =	sdelay $0x1  }
0x244: {  	v2 =	vadd.f32 v3, v2;
	v3 =	vmul.f32 v7, v6;
	_ =	sdelay $0x1  }
0x245: {  	v2 =	vadd.f32 v3, v2;
	_ =	sdelay $0x1  }
0x246: {  	v2 =	vmul.f32 $3.535533850e-01, v2;
	_ =	sdelay $0x1  }
0x247: {  	v2 =	vmul.f32 $1.442695020e+00, v2;
	_ =	sdelay $0x1  }
0x248: {  	(erf) = vpow2.f32 v2;
	_ =	sdelay $0x5  }
0x249: {  	v2 =	vadd.s32 $0x612, v0  }
0x24a: {  	v3 =	vor.u32 $0x818, v1  }
0x24b: {  	v4 =	vadd.s32 $0x613, v0  }
0x24c: {  	v6 =	vor.u32 $0x819, v1;
	v5 =	vpop (erf)  }
0x24d: {  	v7 =	vor.u32 $0x81A, v1;
	[tilespmem:v15+s19+$0x0] =	vst.idx.msk $0xffff, v5  }
0x24e: {  	v10 =	vor.u32 $0x81B, v1;
	v2 =	vld.idx.msk [tilespmem:v2+s16+$0x0], $0xffff  }
0x24f: {  	v5 =	vadd.s32 $0x614, v0;
	v3 =	vld.idx.msk [tilespmem:v3+s15+$0x0], $0xffff  }
0x250: {  	v9 =	vadd.s32 $0x615, v0;
	v4 =	vld.idx.msk [tilespmem:v4+s16+$0x0], $0xffff  }
0x251: {  	v11 =	vadd.s32 $0x616, v0;
	v6 =	vld.idx.msk [tilespmem:v6+s15+$0x0], $0xffff  }
0x252: {  	v7 =	vld.idx.msk [tilespmem:v7+s15+$0x0], $0xffff  }
0x253: {  	v12 =	vor.u32 $0x81C, v1;
	v10 =	vld.idx.msk [tilespmem:v10+s15+$0x0], $0xffff  }
0x254: {  	v13 =	vadd.s32 $0x617, v0;
	v5 =	vld.idx.msk [tilespmem:v5+s16+$0x0], $0xffff  }
0x255: {  	v2 =	vmul.f32 v3, v2;
	v3 =	vld.idx.msk [tilespmem:v9+s16+$0x0], $0xffff;
	v9 =	vor.u32 $0x81D, v1  }
0x256: {  	v4 =	vmul.f32 v6, v4;
	v6 =	vld.idx.msk [tilespmem:v11+s16+$0x0], $0xffff;
	v11 =	vor.u32 $0x81E, v1  }
0x257: {  	v15 =	vor.u32 $0x206, v8;
	v2 =	vadd.f32 $0.0e+00, v2  }
0x258: {  	v16 =	vor.u32 $0x207, v8;
	v12 =	vld.idx.msk [tilespmem:v12+s15+$0x0], $0xffff  }
0x259: {  	v2 =	vadd.f32 v4, v2;
	v4 =	vmul.f32 v7, v5;
	v5 =	vld.idx.msk [tilespmem:v13+s16+$0x0], $0xffff;
	v7 =	vor.u32 $0x81F, v1  }
0x25a: {  	v9 =	vld.idx.msk [tilespmem:v9+s15+$0x0], $0xffff  }
0x25b: {  	v3 =	vmul.f32 v10, v3;
	v10 =	vld.idx.msk [tilespmem:v11+s15+$0x0], $0xffff;
	v2 =	vadd.f32 v4, v2  }
0x25c: {  	v4 =	vld.idx.msk [tilespmem:v15+s17+$0x0], $0xffff  }
0x25d: {  	v2 =	vadd.f32 v3, v2;
	v3 =	vmul.f32 v12, v6;
	v6 =	vld.idx.msk [tilespmem:v16+s17+$0x0], $0xffff  }
0x25e: {  	v7 =	vld.idx.msk [tilespmem:v7+s15+$0x0], $0xffff  }
0x25f: {  	v2 =	vadd.f32 v3, v2;
	v3 =	vmul.f32 v9, v5;
	_ =	sdelay $0x1  }
0x260: {  	v2 =	vadd.f32 v3, v2;
	v3 =	vmul.f32 v10, v4;
	_ =	sdelay $0x1  }
0x261: {  	v2 =	vadd.f32 v3, v2;
	v3 =	vmul.f32 v7, v6;
	_ =	sdelay $0x1  }
0x262: {  	v2 =	vadd.f32 v3, v2;
	_ =	sdelay $0x1  }
0x263: {  	v2 =	vmul.f32 $3.535533850e-01, v2;
	_ =	sdelay $0x1  }
0x264: {  	v2 =	vmul.f32 $1.442695020e+00, v2;
	_ =	sdelay $0x1  }
0x265: {  	(erf) = vpow2.f32 v2;
	_ =	sdelay $0x2  }
0x266: {  	v31 =	vld [tilespmem:$0x1FFE0]  }
0x267: {  	v17 =	vld [tilespmem:$0x1FFA0]  }
0x268: {  	v13 =	vmov v26;
	v26 =	vld [tilespmem:$0x1FFC0]  }
0x269: {  	v11 =	vmov v24;
	v24 =	vld [tilespmem:$0x1FFB0]  }
0x26a: {  	v15 =	vmov v22;
	v22 =	vmov v29;
	v29 =	vld [tilespmem:$0x1FFD0]  }
0x26b: {  	v16 =	vmov v14;
	v14 =	vmov v33;
	v33 =	vld [tilespmem:$0x1FFF0]  }
0x26c: {  	v12 =	vld [tilespmem:$0x1FF80];
	v2 =	vpop (erf)  }
0x26d: {  	s31 =	sadd.s32 s23, s8;
	v9 =	vld [tilespmem:$0x1FF90];
	[tilespmem:v63+s19+$0x0] =	vst.idx.msk $0xffff, v2  }
0x26e: {  	v10 =	vld [tilespmem:$0x1FF70];
	[hbm4b:s31+s3] =	stream.linear.scatter [tilespmem:s19], [sflag:$0x2], $0x280, $0x38  }
0x26f: {  	v7 =	vld [tilespmem:$0x1FF60];
	_ =	swait.ge [sflag:s14], $0x280  }
0x270: {  	p0 =	sne.s32 s23, $0xC300;
	[sflag:s14] =	ssyncset.done $0x0  }
.Ltmp0:
0x271: {  	[sflag:s14] =	ssyncadd.s32 $0xFFFFFD80;
	(pc) =	sbr.rel @p0 .LBB2_2-.Ltmp0, $4  }
0x272: {  	[spmem:s2] =	stream.indirect.scatter.add.f32 [tilespmem:s19], [sflag:$0x2], $0x4, s3, s15, $0xb8;
	[tilespmem:$0x7890] =	vst v63  }
0x273: {  	_ =	swait.ge [sflag:s14], $0x140  }
0x274: {  	s21 =	sadd.s32 $0xA, s21;
	[sflag:s14] =	ssyncset.done $0x0  }
0x275: {  	s23 =	sadd.s32 $0x50, s23;
	s22 =	sadd.s32 $0xF0, s22;
	[sflag:s14] =	ssyncadd.s32 $0xFFFFFEC0  }
0x276: {  	s20 =	sadd.s32 $0x1, s20  }
0x277: {  	p0 =	sne.s32 s20, s9  }
.Ltmp1:
0x278: {  	[bflag:$0x0] =	sbarrier.arrive $0xFFFF;
	(pc) =	sbr.rel @p0 .LBB2_1-.Ltmp1, $4  }
0x279: {  	[hbm:s7], [sflag:s6] =	dma.local [spmem:s13], $0x1870  }
0x27a: {  	_ =	swait.ge [sflag:s14], $0x1870  }
0x27b: {  	[sflag:s14] =	ssyncset.done $0x0  }
0x27c: {  	[sflag:s14] =	ssyncadd.s32 $0xFFFFE790  }
0x27d: {  	_ =	sfence.sel $0x180000  }
0x27e: {  	[bflag:$0x0] =	sbarrier.arrive $0xFFFF  }
0x27f: {  	p0 =	sne.s32 s0, $0x0;
	_ =	strace $0x9000004D  }
0x280: {  	s0 =	sadd.s32 @!p0 $0x100000, s1;
	[bflag:$0x2] =	sbarrier.arrive $0xFFFF  }
0x281: {  	[sflag:s0] =	ssyncadd.tile.s32 @!p0 $0x1;
	_ =	shalt  }
.Lfunc_end2:
_tile_overlayer_lowered:
.L_overlay_start_2:
0x282: {  	(tag) =	ssettag $0x2  }
0x283: {  	s0 =	rddreg [dreg:$0x0];
	s2 =	stileid.u32  }
0x284: {  	s1 =	rddreg [dreg:$0x1];
	p0 =	sne.s32 s2, $0x0  }
0x285: {  	s3 =	rddreg [dreg:$0x2];
	[bflag:$0x3] =	sbarrier.arrive $0xFFFF;
	s2 =	simm.s32 @!p0 $0x1C02  }
0x286: {  	[timem:s3], [sflag:s2] =	dma.local @!p0 [hbm:s0], s1  }
0x287: {  	s0 =	simm.s32 @!p0 $0x2  }
0x288: {  	_ =	swait.ge @!p0 [sflag:s0], s1  }
0x289: {  	s1 =	ssub.s32 @!p0 $0x0, s1;
	[sflag:s0] =	ssyncset.done @!p0 $0x0  }
0x28a: {  	[sflag:s0] =	ssyncadd.s32 @!p0 s1  }
0x28b: {  	[bflag:$0x3] =	sbarrier.arrive $0xFFFF  }
0x28c: {  	_ =	shalt  }

// kernel: kernel.7.cloned.1.call-start
scs
__scs_entry_jumppad:
0x0: {  	(pc) =	sbr.rel $0x88, $3  }
0x1: {  	(tag) =	ssettag $0x0;
	lr =	simm.s32 $0x1  }
0x2: {  	[smem:$0x3F9A] =	sst lr;
	_ =	strace $0xD0000000  }
0x3: {  	_ = 	snop  }
0x4: {  	_ = 	snop  }
0x5: {  	_ = 	snop  }
0x6: {  	_ = 	snop  }
0x7: {  	_ = 	snop  }
__scs_overlays_trampoline_lowered:
0x8: {  	[smem:$0x3FA9] =	sst s0  }
0x9: {  	[smem:$0x3FAA] =	sst s1  }
0xa: {  	[smem:$0x3FAB] =	sst s2  }
0xb: {  	[smem:$0x3FAC] =	sst s3  }
0xc: {  	[smem:$0x3FAD] =	sst s4  }
0xd: {  	[smem:$0x3FAE] =	sst s5  }
0xe: {  	[smem:$0x3FAF] =	sst s6  }
0xf: {  	[smem:$0x3FB0] =	sst s7  }
0x10: {  	[smem:$0x3FB1] =	sst s8  }
0x11: {  	[smem:$0x3FB2] =	sst s9;
	s0 =	simm.s32 @!p0 $0x0  }
0x12: {  	s1 =	sld [smem:$0x3F98];
	s0 =	simm.s32 @p0 $0x1  }
0x13: {  	[smem:$0x3FB3] =	sst s0;
	s0 =	simm.s32 @!p1 $0x0  }
0x14: {  	s2 =	sld [smem:$0x3F97];
	s0 =	simm.s32 @p1 $0x1  }
0x15: {  	[smem:$0x3FB4] =	sst s0;
	s0 =	simm.s32 @!p2 $0x0  }
0x16: {  	s3 =	sld [smem:$0x3FDB];
	s0 =	simm.s32 @p2 $0x1  }
0x17: {  	s4 =	simm.s32 $0x1BF5;
	[smem:$0x3FB6] =	sst s0  }
0x18: {  	s0 =	sld [smem:$0x3F99];
	_ =	swait.ge [sflag:s4], $0x0  }
0x19: {  	s7 =	sld [smem:$0x3F9A]  }
0x1a: {  	s8 =	sadd.s32 $0xFFFFE003, lr  }
0x1b: {  	s9 =	sadd.s32 $0xFFFFFEF7, lr;
	s5 =	simm.s32 $0xFFFFFFFF;
	p2 =	slt.u32 s8, $0xFFFFF086  }
0x1c: {  	p1 =	slt.u32 s9, $0xF7A;
	s5 =	simm.s32 @!p2 $0x0  }
0x1d: {  	s5 =	simm.s32 @p1 $0x1;
	p0 =	seq.s32 s7, s2  }
0x1e: {  	s7 =	smul.u32 @!p0 $0xF7A, s2;
	p2 =	seq.s32 @!p0 s5, $0x0  }
0x1f: {  	s9 =	smul.u32 $0xF7A, s1;
	s8 =	simm.s32 @!p0 $0x1BF5;
	p2 =	por !p2, p0  }
0x20: {  	[sflag:s8] =	ssyncset.s32 @!p0 $0xFFFFF086;
	s6 =	sadd.s32 @!p0 s3, s7;
	s7 =	simm.s32 @!p0 $0x108  }
0x21: {  	s3 =	sadd.s32 s3, s9;
	s6 =	sadd.s32 @!p0 $0x88, s6;
	s7 =	simm.s32 @p2 $0x1082  }
0x22: {  	[simem:s7], [sflag:s8] =	dma.local @!p0 [hbm:s6], $0xF7A  }
0x23: {  	s9 =	sor.u32 $0xD0000000, s2;
	s6 =	simm.s32 $0x108;
	_ =	swait.ge @!p0 [sflag:s8], $0x0  }
0x24: {  	s3 =	sadd.s32 $0x88, s3;
	s6 =	simm.s32 @!p1 $0x1082;
	[sflag:s4] =	ssyncset.s32 $0xFFFFF086  }
0x25: {  	[simem:s6], [sflag:s4] =	dma.local [hbm:s3], $0xF7A  }
0x26: {  	[smem:$0x3F9A] =	sst s1;
	(tag) =	ssettag s2;
	_ =	strace s9  }
0x27: {  	s1 =	sld [smem:$0x3FAA]  }
0x28: {  	s2 =	sld [smem:$0x3FAB]  }
0x29: {  	s4 =	sld [smem:$0x3FAD]  }
0x2a: {  	p0 =	seq.s32 s5, $0x0;
	s5 =	sld [smem:$0x3FAE]  }
0x2b: {  	s6 =	sld [smem:$0x3FAF]  }
0x2c: {  	s7 =	sld [smem:$0x3FB0]  }
0x2d: {  	s3 =	simm.s32 $0x108;
	s8 =	sld [smem:$0x3FB1]  }
0x2e: {  	s3 =	simm.s32 @!p0 $0x1082;
	s9 =	sld [smem:$0x3FB2]  }
0x2f: {  	lr =	sadd.s32 s0, s3;
	s0 =	sld [smem:$0x3FA9]  }
0x30: {  	s3 =	sld [smem:$0x3FAC]  }
0x31: {  	[smem:$0x3FB5] =	sst s10  }
0x32: {  	s10 =	sld [smem:$0x3FB3];
	_ =	sdelay $0x3  }
0x33: {  	p0 =	seq.s32 s10, $0x1;
	s10 =	sld [smem:$0x3FB5];
	_ =	sdelay $0x3  }
0x34: {  	[smem:$0x3FB5] =	sst s10  }
0x35: {  	s10 =	sld [smem:$0x3FB4];
	_ =	sdelay $0x3  }
0x36: {  	p1 =	seq.s32 s10, $0x1;
	s10 =	sld [smem:$0x3FB5];
	_ =	sdelay $0x3  }
0x37: {  	[smem:$0x3FB5] =	sst s10  }
0x38: {  	s10 =	sld [smem:$0x3FB6]  }
0x39: {  	_ = 	snop;
	(pc) =	sbr.ind lr, $3  }
0x3a: {  	_ = 	snop  }
0x3b: {  	_ = 	snop  }
0x3c: {  	p2 =	seq.s32 s10, $0x1;
	s10 =	sld [smem:$0x3FB5]  }
0x3d: {  	_ =	shalt  }
0x3e: {  	_ =	shalt  }
0x3f: {  	_ =	shalt  }
0x40: {  	_ =	shalt  }
0x41: {  	_ =	shalt  }
0x42: {  	_ =	shalt  }
0x43: {  	_ =	shalt  }
0x44: {  	_ =	shalt  }
0x45: {  	_ =	shalt  }
0x46: {  	_ =	shalt  }
0x47: {  	_ =	shalt  }
0x48: {  	_ =	shalt  }
0x49: {  	_ =	shalt  }
0x4a: {  	_ =	shalt  }
0x4b: {  	_ =	shalt  }
0x4c: {  	_ =	shalt  }
0x4d: {  	_ =	shalt  }
0x4e: {  	_ =	shalt  }
0x4f: {  	_ =	shalt  }
0x50: {  	_ =	shalt  }
0x51: {  	_ =	shalt  }
0x52: {  	_ =	shalt  }
0x53: {  	_ =	shalt  }
0x54: {  	_ =	shalt  }
0x55: {  	_ =	shalt  }
0x56: {  	_ =	shalt  }
0x57: {  	_ =	shalt  }
0x58: {  	_ =	shalt  }
0x59: {  	_ =	shalt  }
0x5a: {  	_ =	shalt  }
0x5b: {  	_ =	shalt  }
0x5c: {  	_ =	shalt  }
0x5d: {  	_ =	shalt  }
0x5e: {  	_ =	shalt  }
0x5f: {  	_ =	shalt  }
0x60: {  	_ =	shalt  }
0x61: {  	_ =	shalt  }
0x62: {  	_ =	shalt  }
0x63: {  	_ =	shalt  }
0x64: {  	_ =	shalt  }
0x65: {  	_ =	shalt  }
0x66: {  	_ =	shalt  }
0x67: {  	_ =	shalt  }
0x68: {  	_ =	shalt  }
0x69: {  	_ =	shalt  }
0x6a: {  	_ =	shalt  }
0x6b: {  	_ =	shalt  }
0x6c: {  	_ =	shalt  }
0x6d: {  	_ =	shalt  }
0x6e: {  	_ =	shalt  }
0x6f: {  	_ =	shalt  }
0x70: {  	_ =	shalt  }
0x71: {  	_ =	shalt  }
0x72: {  	_ =	shalt  }
0x73: {  	_ =	shalt  }
0x74: {  	_ =	shalt  }
0x75: {  	_ =	shalt  }
0x76: {  	_ =	shalt  }
0x77: {  	_ =	shalt  }
0x78: {  	_ =	shalt  }
0x79: {  	_ =	shalt  }
0x7a: {  	_ =	shalt  }
0x7b: {  	_ =	shalt  }
0x7c: {  	_ =	shalt  }
0x7d: {  	_ =	shalt  }
0x7e: {  	_ =	shalt  }
0x7f: {  	_ =	shalt  }
0x80: {  	_ =	shalt  }
0x81: {  	_ =	shalt  }
0x82: {  	_ =	shalt  }
0x83: {  	_ =	shalt  }
0x84: {  	_ =	shalt  }
0x85: {  	_ =	shalt  }
0x86: {  	_ =	shalt  }
0x87: {  	_ =	shalt  }
.Lfunc_end0:
.L_simem_size_0:
called_computation.3_lowered:
.L_overlay_start_0:
0x88: {  	s2 =	sld [smem:$0x3FD9]  }
0x89: {  	s3 =	sld [smem:$0x3FFE];
	_ =	sdelay $0x1  }
0x8a: {  	s1 =	srdreg.scid  }
0x8b: {  	s0 =	sand.u32 $0x1, s1  }
0x8c: {  	s14 =	sshll.u32 s0, $0xA;
	s2 =	sadd.s32 s3, s2  }
0x8d: {  	s2 =	sadd.s32 s2, s14  }
0x8e: {  	[smem:$0x3FC1] =	sst s2  }
0x8f: {  	_ = 	snop  }
0x90: {  	s2 =	sld [smem:$0x3FD0];
	_ =	sdelay $0x2  }
0x91: {  	s15 =	simm.s32 $0xB;
	s4 =	simm.s32 $0x10  }
0x92: {  	[smem:s4], [sflag:s15] =	dma.local [hbm:s2], $0x1  }
0x93: {  	_ =	swait.eq [sflag:s15], $0x1  }
0x94: {  	[sflag:s15] =	ssyncset.done $0x0  }
0x95: {  	s16 =	sld [smem:$0x10];
	[sflag:s15] =	ssyncadd.s32 $0xFFFFFFFF  }
0x96: {  	s17 =	sld [smem:$0x11];
	(tm) =	ssettm $0x1  }
0x97: {  	s18 =	sld [smem:$0x3FFB];
	_ =	sdelay $0x3  }
0x98: {  	_ =	strace s18  }
0x99: {  	s4 =	sld [smem:$0x3FFC];
	_ =	sdelay $0x3  }
0x9a: {  	_ =	strace s4  }
0x9b: {  	s4 =	sld [smem:$0x3FFD];
	_ =	sdelay $0x3  }
0x9c: {  	_ =	strace s4  }
0x9d: {  	_ =	strace $0x8FFFFFFF  }
0x9e: {  	s19 =	sld [smem:$0x3FDB];
	_ =	sdelay $0x1  }
0x9f: {  	s5 =	simm.s32 $_scs_section_size  }
0xa0: {  	s6 =	simm.s32 $_size__tile_overlayer_lowered;
	s7 =	simm.s32 $_tile_overlayer_lowered  }
0xa1: {  	s22 =	simm.s32 $0x1BFF;
	s21 =	sshll.u32 s7, $0x1;
	s4 =	sadd.s32 s5, s19  }
0xa2: {  	s8 =	simm.s32 $0x0;
	s20 =	sshll.u32 s6, $0x1;
	s6 =	sadd.s32 s21, s4  }
0xa3: {  	[timem:s8], [sflag:s22] =	dma.local [hbm:s6], s20  }
0xa4: {  	_ =	swait.ge [sflag:s22], s20  }
0xa5: {  	s5 =	ssub.s32 $0x0, s20;
	[sflag:s22] =	ssyncset.done $0x0  }
0xa6: {  	[sflag:s22] =	ssyncadd.s32 s5;
	_ =	sdelay $0x1  }
0xa7: {  	s23 =	simm.s32 $0x1B8B  }
0xa8: {  	_ =	swait.ge [sflag:s23], $0x1  }
0xa9: {  	[sflag:s23] =	ssyncset.done $0x0  }
0xaa: {  	s25 =	simm.s32 $0x1B8E;
	s24 =	sld [smem:$0x3FFE];
	[sflag:s23] =	ssyncadd.s32 $0xFFFFFFFF  }
0xab: {  	s26 =	simm.s32 $execute0_lowered;
	[smem:$0x3FD2] =	sst s25  }
0xac: {  	s6 =	sshll.u32 s26, $0x1;
	_ =	strace $0x8000004F;
	[dreg:$0x1] =	wrdreg $0xFFFFFFFF  }
0xad: {  	s28 =	simm.s32 $_size_execute0_lowered;
	s4 =	sadd.s32 s4, s6;
	[dreg:$0x0] =	wrdreg $0x0  }
0xae: {  	s6 =	sshll.u32 s28, $0x1;
	[dreg:$0x2] =	wrdreg s4  }
0xaf: {  	[dreg:$0x3] =	wrdreg s6  }
0xb0: {  	[dreg:$0x4] =	wrdreg $0xC0  }
0xb1: {  	_ =	task [dreg:s8], $0x5FFFF  }
0xb2: {  	[dreg:$0x1] =	wrdreg $0xFFFFFFFF  }
0xb3: {  	[dreg:$0x0] =	wrdreg $0x60  }
0xb4: {  	[dreg:$0x2] =	wrdreg s24  }
0xb5: {  	[dreg:$0x3] =	wrdreg s17  }
0xb6: {  	[dreg:$0x4] =	wrdreg s16  }
0xb7: {  	[dreg:$0x5] =	wrdreg $0x16D00  }
0xb8: {  	[dreg:$0x6] =	wrdreg $0x9  }
0xb9: {  	_ =	task.clear_ibuf [dreg:s8], $0x7FFFF;
	_ =	strace $0x9000004F  }
0xba: {  	s29 =	simm.s32 $0x9;
	_ =	strace $0x80000051  }
0xbb: {  	_ =	swait.ge [sflag:s29], $0x1  }
0xbc: {  	[sflag:s29] =	ssyncadd.s32 $0xFFFFFFFF  }
0xbd: {  	_ =	strace $0x90000051  }
0xbe: {  	_ =	sfence  }
0xbf: {  	s30 =	sld [smem:$0x0];
	_ =	sdelay $0x2  }
0xc0: {  	s31 =	sshll.u32 s1, $0xD;
	s1 =	sshrl.u32 s1, $0x2  }
0xc1: {  	s3 =	sand.u32 $0x4000, s31;
	s1 =	sadd.s32 s1, s30  }
0xc2: {  	s0 =	sor.u32 s3, s0;
	s1 =	sshll.u32 s1, $0x11  }
0xc3: {  	s0 =	sor.u32 s1, s0  }
0xc4: {  	s0 =	sadd.s32 $0x8F2B, s0  }
0xc5: {  	[sflag:s0] =	ssyncadd.remote.s32 $0x1  }
0xc6: {  	_ =	sfence.sel $0xFFFF  }
0xc7: {  	[dreg:$0x0] =	wrdreg $0xFFFFFFFF;
	(pc) =	sbr.abs _section_cstart, $3  }
0xc8: {  	[dreg:$0x1] =	wrdreg $0xFFFFFFFF  }
0xc9: {  	_ =	task.clear_ibuf [dreg:s8], $0x2FFFF;
	_ =	strace $0x9FFFFFFF  }
0xca: {  	(tm) =	ssettm $0x7FFFFFFF  }
0xcb: {  	_ =	shalt  }
tec
execute0_lowered:
.L_overlay_start_1:
0x0: {  	(tag) =	ssettag $0x1  }
0x1: {  	s0 =	srdreg.scid;
	v34 =	vlaneseq.u32  }
0x2: {  	s6 =	sand.u32 $0x1, s0;
	v11 =	vmul.u32 $0x18, v34  }
0x3: {  	s15 =	smul.u32 $0xC, s6  }
0x4: {  	s0 =	sshllo.u32 s6, $0x1;
	v3 =	vadd.s32 $0x180, v11  }
0x5: {  	s18 =	smul.u32 $0x6, s0;
	s16 =	sor.u32 $0x1, s15;
	v4 =	vadd.s32 s15, v3  }
0x6: {  	s17 =	sor.u32 $0x2, s15;
	[tilespmem:$0x1FB30] =	vst v4;
	v4 =	vadd.s32 s16, v3  }
0x7: {  	s19 =	sor.u32 $0x3, s15;
	s2 =	sadd.s32 $0x2, s18;
	[tilespmem:$0x1FB40] =	vst v4;
	v4 =	vadd.s32 s17, v3  }
0x8: {  	v0 =	vmul.u32 $0x8, v34;
	s20 =	sadd.s32 $0x4, s15;
	s28 =	sadd.s32 $0x5, s18;
	v2 =	vmov s2;
	[tilespmem:$0x1FB50] =	vst v4;
	v4 =	vadd.s32 s19, v3  }
0x9: {  	s24 =	sadd.s32 $0x5, s15;
	v14 =	vand.u32 $0x7FFFFFFC, v2;
	v2 =	vmov s28;
	[tilespmem:$0x1FB60] =	vst v4;
	v4 =	vadd.s32 s20, v3  }
0xa: {  	s22 =	sshll.u32 s6, $0x2;
	v17 =	vand.u32 $0x7FFFFFFF, v2;
	v2 =	vor.u32 $0x80, v0;
	[tilespmem:$0x1FB70] =	vst v4;
	v4 =	vadd.s32 s24, v3  }
0xb: {  	v1 =	vmov s0;
	s23 =	sor.u32 $0x1, s22;
	s1 =	sor.u32 $0x1, s18;
	[tilespmem:$0x1FB80] =	vst v4;
	v4 =	vor.u32 s22, v2  }
0xc: {  	v12 =	vbroadcast v1, $0x0;
	v1 =	vmov s1;
	[tilespmem:$0x1FB90] =	vst v4;
	v4 =	vor.u32 s23, v2  }
0xd: {  	s25 =	sadd.s32 $0x3, s18;
	v13 =	vand.u32 $0x7FFFFFFF, v1;
	[tilespmem:$0x1FBA0] =	vst v4;
	v4 =	vadd.s32 s18, v3  }
0xe: {  	s26 =	sadd.s32 $0x4, s18;
	v1 =	vmov s25;
	[tilespmem:$0x1FBB0] =	vst v4;
	v4 =	vadd.s32 v3, v13  }
0xf: {  	s29 =	sshll.u32 s0, $0x1;
	v15 =	vand.u32 $0x7FFFFFFD, v1;
	v1 =	vmov s26;
	[tilespmem:$0x1FBC0] =	vst v4;
	v4 =	vadd.s32 v3, v14  }
0x10: {  	v16 =	vand.u32 $0x7FFFFFFE, v1;
	v1 =	vmov s29;
	[tilespmem:$0x1FBD0] =	vst v4;
	v4 =	vadd.s32 v3, v15  }
0x11: {  	v25 =	vbroadcast v1, $0x0;
	[tilespmem:$0x1FBE0] =	vst v4;
	v4 =	vadd.s32 v3, v16  }
0x12: {  	s21 =	sshll.u32 s6, $0x1;
	s25 =	sshllo.u32 s0, $0x1;
	v10 =	vor.u32 v2, v12;
	v3 =	vadd.s32 v3, v17;
	[tilespmem:$0x1FBF0] =	vst v4  }
0x13: {  	v1 =	vor.u32 s21, v2;
	[tilespmem:$0x1FC00] =	vst v3;
	v3 =	vor.u32 v2, v25;
	v2 =	vor.u32 s25, v2  }
0x14: {  	[tilespmem:$0x1FC20] =	vst v2;
	v2 =	vadd.s32 $0x300, v11  }
0x15: {  	[tilespmem:$0x1FC10] =	vst v3;
	v4 =	vadd.s32 s15, v2  }
0x16: {  	[tilespmem:$0x1FC30] =	vst v4;
	v4 =	vadd.s32 s16, v2  }
0x17: {  	[tilespmem:$0x1FC40] =	vst v4;
	v4 =	vadd.s32 s17, v2  }
0x18: {  	[tilespmem:$0x1FC50] =	vst v4;
	v4 =	vadd.s32 s19, v2  }
0x19: {  	[tilespmem:$0x1FC60] =	vst v4;
	v4 =	vadd.s32 s20, v2  }
0x1a: {  	v3 =	vor.u32 $0x100, v0;
	[tilespmem:$0x1FC70] =	vst v4;
	v4 =	vadd.s32 s24, v2  }
0x1b: {  	[tilespmem:$0x1FC80] =	vst v4;
	v4 =	vor.u32 s22, v3  }
0x1c: {  	[tilespmem:$0x1FC90] =	vst v4;
	v4 =	vor.u32 s23, v3  }
0x1d: {  	[tilespmem:$0x1FCA0] =	vst v4;
	v4 =	vadd.s32 s18, v2  }
0x1e: {  	[tilespmem:$0x1FCB0] =	vst v4;
	v4 =	vadd.s32 v2, v13  }
0x1f: {  	[tilespmem:$0x1FCC0] =	vst v4;
	v4 =	vadd.s32 v2, v14  }
0x20: {  	[tilespmem:$0x1FCD0] =	vst v4;
	v4 =	vadd.s32 v2, v15  }
0x21: {  	[tilespmem:$0x1FCE0] =	vst v4;
	v4 =	vadd.s32 v2, v16  }
0x22: {  	v2 =	vadd.s32 v2, v17;
	[tilespmem:$0x1FCF0] =	vst v4  }
0x23: {  	v19 =	vor.u32 s21, v3;
	[tilespmem:$0x1FD00] =	vst v2;
	v2 =	vor.u32 v3, v25  }
0x24: {  	v28 =	vor.u32 v3, v12;
	v4 =	vadd.s32 $0x480, v11;
	v3 =	vor.u32 s25, v3;
	[tilespmem:$0x1FD10] =	vst v2  }
0x25: {  	[tilespmem:$0x1FD20] =	vst v3;
	v3 =	vadd.s32 s15, v4  }
0x26: {  	[tilespmem:$0x1FD30] =	vst v3;
	v3 =	vadd.s32 s16, v4  }
0x27: {  	[tilespmem:$0x1FD40] =	vst v3;
	v3 =	vadd.s32 s17, v4  }
0x28: {  	[tilespmem:$0x1FD50] =	vst v3;
	v3 =	vadd.s32 s19, v4  }
0x29: {  	[tilespmem:$0x1FD60] =	vst v3;
	v3 =	vadd.s32 s20, v4  }
0x2a: {  	v2 =	vor.u32 $0x180, v0;
	[tilespmem:$0x1FD70] =	vst v3;
	v3 =	vadd.s32 s24, v4  }
0x2b: {  	[tilespmem:$0x1FD80] =	vst v3;
	v3 =	vor.u32 s22, v2  }
0x2c: {  	[tilespmem:$0x1FD90] =	vst v3;
	v3 =	vor.u32 s23, v2  }
0x2d: {  	[tilespmem:$0x1FDA0] =	vst v3;
	v3 =	vadd.s32 s18, v4  }
0x2e: {  	[tilespmem:$0x1FDB0] =	vst v3;
	v3 =	vadd.s32 v4, v13  }
0x2f: {  	[tilespmem:$0x1FDC0] =	vst v3;
	v3 =	vadd.s32 v4, v14  }
0x30: {  	[tilespmem:$0x1FDD0] =	vst v3;
	v3 =	vadd.s32 v4, v15  }
0x31: {  	[tilespmem:$0x1FDE0] =	vst v3;
	v3 =	vadd.s32 v4, v16  }
0x32: {  	[tilespmem:$0x1FDF0] =	vst v3;
	v3 =	vadd.s32 v4, v17  }
0x33: {  	s7 =	rddreg [dreg:$0x0];
	[tilespmem:$0x1FE00] =	vst v3;
	v3 =	vor.u32 v2, v25  }
0x34: {  	s9 =	rddreg [dreg:$0x2];
	v37 =	vor.u32 s21, v2;
	v46 =	vor.u32 v2, v12;
	v2 =	vor.u32 s25, v2;
	[tilespmem:$0x1FE10] =	vst v3  }
0x35: {  	s3 =	rddreg [dreg:$0x3];
	s4 =	simm.s32 $0x0;
	[tilespmem:$0x1FE20] =	vst v2;
	v2 =	vor.u32 s23, v0  }
0x36: {  	[smem:$0x7FF] =	sst s4;
	[tilespmem:$0x1FE30] =	vst v2;
	v2 =	vor.u32 v0, v25  }
0x37: {  	v55 =	vor.u32 s21, v0;
	v35 =	vor.u32 s22, v0;
	s2 =	rddreg [dreg:$0x4];
	[tilespmem:$0x1FE40] =	vst v2;
	v2 =	vor.u32 s25, v0  }
0x38: {  	v30 =	vor.u32 $0x200, v0;
	v58 =	vor.u32 v0, v12;
	s0 =	rddreg [dreg:$0x1];
	v0 =	vadd.s32 s16, v11;
	_ =	strace $0x80000050;
	[tilespmem:$0x1FE50] =	vst v2  }
0x39: {  	[tilespmem:$0x1FE60] =	vst v0;
	v0 =	vadd.s32 s17, v11  }
0x3a: {  	[tilespmem:$0x1FE70] =	vst v0;
	v0 =	vadd.s32 s19, v11  }
0x3b: {  	[tilespmem:$0x1FE80] =	vst v0;
	v0 =	vadd.s32 s20, v11  }
0x3c: {  	[tilespmem:$0x1FE90] =	vst v0;
	v0 =	vadd.s32 s24, v11  }
0x3d: {  	[tilespmem:$0x1FEA0] =	vst v0;
	v0 =	vadd.s32 s18, v11  }
0x3e: {  	[tilespmem:$0x1FEB0] =	vst v0;
	v0 =	vadd.s32 v11, v13  }
0x3f: {  	[tilespmem:$0x1FEC0] =	vst v0;
	v0 =	vadd.s32 v11, v14  }
0x40: {  	[tilespmem:$0x1FED0] =	vst v0;
	v0 =	vadd.s32 v11, v15  }
0x41: {  	[tilespmem:$0x1FEE0] =	vst v0;
	v0 =	vadd.s32 v11, v16  }
0x42: {  	v24 =	vor.u32 $0x600, v11;
	[tilespmem:$0x1FEF0] =	vst v0;
	v0 =	vadd.s32 v11, v17  }
0x43: {  	[tilespmem:$0x1FF00] =	vst v0;
	v0 =	vadd.s32 v24, v13  }
0x44: {  	s11 =	smul.u32 $0x30E00, s6;
	s1 =	stileid.u32;
	[tilespmem:$0x1FF10] =	vst v0;
	v0 =	vadd.s32 v24, v14  }
0x45: {  	s5 =	smul.u32 $0x186A0, s1;
	[tilespmem:$0x1FF20] =	vst v0;
	v0 =	vadd.s32 v24, v15  }
0x46: {  	s8 =	smul.u32 $0x30D4, s1;
	[tilespmem:$0x1FF30] =	vst v0;
	v0 =	vadd.s32 v24, v16  }
0x47: {  	s10 =	smul.u32 $0x30E0, s1;
	[tilespmem:$0x1FF40] =	vst v0;
	v0 =	vadd.s32 v24, v17  }
0x48: {  	s30 =	smul.u32 $0x493E0, s1;
	[tilespmem:$0x1FF50] =	vst v0;
	v0 =	vadd.s32 s15, v24  }
0x49: {  	s6 =	ssub.s32 $0x2, s6;
	s31 =	smul.u32 $0x18700, s1;
	s13 =	sadd.s32 s5, s7;
	[tilespmem:$0x1FF60] =	vst v0;
	v0 =	vadd.s32 s16, v24  }
0x4a: {  	s5 =	sadd.s32 $0x2400, s7;
	s14 =	sadd.s32 s8, s7;
	s10 =	sadd.s32 s10, s11;
	[tilespmem:$0x1FF70] =	vst v0;
	v0 =	vadd.s32 s17, v24  }
0x4b: {  	s12 =	sadd.s32 s30, s7;
	s29 =	sshrl.u32 s6, $0x1;
	s30 =	sshll.u32 s1, $0x6;
	[tilespmem:$0x1FF80] =	vst v0;
	v0 =	vadd.s32 s19, v24  }
0x4c: {  	s28 =	sadd.s32 s10, s7;
	s26 =	ssub.s32 s6, s29;
	s7 =	sor.u32 $0x1C02, s30;
	[tilespmem:$0x1FF90] =	vst v0;
	v0 =	vadd.s32 s20, v24  }
0x4d: {  	s6 =	sadd.s32 s31, s3;
	s10 =	sadd.s32 $0x98BC00, s12;
	s11 =	sadd.s32 $0x4018800, s13;
	[tilespmem:$0x1FFA0] =	vst v0;
	v0 =	vadd.s32 s24, v24  }
0x4e: {  	s31 =	sshrl.u32 s31, $0x3;
	s13 =	sadd.s32 $0x805200, s13;
	s14 =	sadd.s32 $0x188E00, s14;
	[tilespmem:$0x1FFB0] =	vst v0;
	v0 =	vadd.s32 s18, v24  }
0x4f: {  	s8 =	sadd.s32 $0x1AC00, s28;
	s9 =	sadd.s32 s9, s31;
	s12 =	smax.u32 s26, $0x1;
	[tilespmem:$0x1FFC0] =	vst v0;
	v0 =	vor.u32 v30, v25  }
0x50: {  	v40 =	vadd.s32 s15, v11;
	v26 =	vor.u32 s21, v30;
	s21 =	simm.s32 $0x1;
	s15 =	simm.s32 $0x2;
	s16 =	simm.s32 $0x50;
	[tilespmem:$0x1FFD0] =	vst v0;
	v0 =	vor.u32 s22, v30  }
0x51: {  	s17 =	simm.s32 $0x2D0;
	s19 =	simm.s32 $0x7D0;
	s20 =	simm.s32 $0xF50;
	[tilespmem:$0x1FFE0] =	vst v0;
	v0 =	vor.u32 s23, v30  }
0x52: {  	v7 =	vor.u32 s25, v30;
	v11 =	vor.u32 v30, v12;
	s18 =	simm.s32 $0x550;
	s22 =	simm.s32 $0x11D0;
	s23 =	simm.s32 $0x0;
	[tilespmem:$0x1FFF0] =	vst v0  }
.LBB2_1:
0x53: {  	s24 =	sshrl.u32 s6, $0x3  }
0x54: {  	[spmem:s24], [sflag:s7] =	dma.local [hbm:s9], $0x30E0  }
0x55: {  	_ =	swait.ge [sflag:s15], $0x30E0  }
0x56: {  	[sflag:s15] =	ssyncset.done $0x0  }
0x57: {  	[sflag:s15] =	ssyncadd.s32 $0xFFFFCF20  }
0x58: {  	[bflag:$0x0] =	sbarrier.arrive $0xFFFF  }
0x59: {  	v8 =	vld [tilespmem:$0x1FD20]  }
0x5a: {  	v9 =	vld [tilespmem:$0x1FD30]  }
0x5b: {  	v12 =	vld [tilespmem:$0x1FD40]  }
0x5c: {  	v13 =	vld [tilespmem:$0x1FD50]  }
0x5d: {  	v14 =	vld [tilespmem:$0x1FD60]  }
0x5e: {  	v15 =	vld [tilespmem:$0x1FD70]  }
0x5f: {  	v16 =	vld [tilespmem:$0x1FD80]  }
0x60: {  	v17 =	vld [tilespmem:$0x1FD90]  }
0x61: {  	v18 =	vld [tilespmem:$0x1FDA0]  }
0x62: {  	v20 =	vld [tilespmem:$0x1FDB0]  }
0x63: {  	v21 =	vld [tilespmem:$0x1FDC0]  }
0x64: {  	v22 =	vld [tilespmem:$0x1FDD0]  }
0x65: {  	v23 =	vld [tilespmem:$0x1FDE0]  }
0x66: {  	v24 =	vld [tilespmem:$0x1FDF0]  }
0x67: {  	v25 =	vld [tilespmem:$0x1FE00]  }
0x68: {  	v27 =	vld [tilespmem:$0x1FE10]  }
0x69: {  	v29 =	vld [tilespmem:$0x1FE20]  }
0x6a: {  	v36 =	vld [tilespmem:$0x1FE30]  }
0x6b: {  	v38 =	vld [tilespmem:$0x1FE40]  }
0x6c: {  	v39 =	vld [tilespmem:$0x1FE50]  }
0x6d: {  	v41 =	vld [tilespmem:$0x1FE60]  }
0x6e: {  	v42 =	vld [tilespmem:$0x1FE70]  }
0x6f: {  	v43 =	vld [tilespmem:$0x1FE80]  }
0x70: {  	v44 =	vld [tilespmem:$0x1FE90]  }
0x71: {  	v45 =	vld [tilespmem:$0x1FEA0]  }
0x72: {  	v47 =	vld [tilespmem:$0x1FEB0]  }
0x73: {  	v48 =	vld [tilespmem:$0x1FEC0]  }
0x74: {  	v49 =	vld [tilespmem:$0x1FED0]  }
0x75: {  	v50 =	vld [tilespmem:$0x1FEE0]  }
0x76: {  	v51 =	vld [tilespmem:$0x1FEF0]  }
0x77: {  	v52 =	vld [tilespmem:$0x1FF00]  }
0x78: {  	v53 =	vld [tilespmem:$0x1FF10]  }
0x79: {  	v54 =	vld [tilespmem:$0x1FF20]  }
0x7a: {  	v56 =	vld [tilespmem:$0x1FF30]  }
0x7b: {  	v57 =	vld [tilespmem:$0x1FF40]  }
0x7c: {  	v59 =	vld [tilespmem:$0x1FF50]  }
0x7d: {  	v60 =	vld [tilespmem:$0x1FF60]  }
0x7e: {  	v61 =	vld [tilespmem:$0x1FF70]  }
0x7f: {  	v62 =	vld [tilespmem:$0x1FF80]  }
0x80: {  	v63 =	vld [tilespmem:$0x1FF90]  }
0x81: {  	v0 =	vld [tilespmem:$0x1FFA0]  }
0x82: {  	v2 =	vld [tilespmem:$0x1FFB0]  }
0x83: {  	v3 =	vld [tilespmem:$0x1FFC0]  }
0x84: {  	v4 =	vld [tilespmem:$0x1FFD0]  }
0x85: {  	v5 =	vld [tilespmem:$0x1FFE0]  }
0x86: {  	s25 =	smov.u32 s14;
	s26 =	smov.u32 s10;
	s28 =	simm.s32 $0x0;
	v6 =	vld [tilespmem:$0x1FFF0]  }
.LBB2_2:
0x87: {  	[tilespmem:s4], [sflag:$0x2] =	stream.linear.gather [hbm4b:s25+s4], $0x50, $0x38;
	[tilespmem:$0x19DD0] =	vst v63  }
0x88: {  	_ =	swait.ge [sflag:s15], $0x50  }
0x89: {  	[sflag:s15] =	ssyncset.done $0x0  }
0x8a: {  	[sflag:s15] =	ssyncadd.s32 $0xFFFFFFB0  }
0x8b: {  	[tilespmem:s17], [sflag:$0x1] =	stream.indirect.gather [hbm4b:s0+s16], $0x4, s4, s16, $0xb8;
	[tilespmem:$0x19DD0] =	vst v63  }
0x8c: {  	_ = 	snop  }
0x8d: {  	[tilespmem:s18], [sflag:$0x1] =	stream.indirect.gather [hbm4b:s5+s16], $0x4, s4, s16, $0xb8;
	[tilespmem:$0x19DD0] =	vst v63  }
0x8e: {  	s29 =	sadd.s32 s28, s13  }
0x8f: {  	[tilespmem:s16], [sflag:$0x2] =	stream.linear.gather [hbm4b:s29+s4], $0x280, $0x38;
	[tilespmem:$0x19DD0] =	vst v63  }
0x90: {  	_ =	swait.ge [sflag:s15], $0x280  }
0x91: {  	[sflag:s15] =	ssyncset.done $0x0  }
0x92: {  	[sflag:s15] =	ssyncadd.s32 $0xFFFFFD80  }
0x93: {  	[tilespmem:s19], [sflag:$0x2] =	stream.linear.gather [hbm4b:s26+s4], $0x780, $0x38;
	[tilespmem:$0x19DD0] =	vst v63  }
0x94: {  	_ =	swait.ge [sflag:s15], $0x780  }
0x95: {  	[sflag:s15] =	ssyncset.done $0x0  }
0x96: {  	s31 =	sadd.s32 s28, s11;
	[sflag:s15] =	ssyncadd.s32 $0xFFFFF880  }
0x97: {  	[tilespmem:s20], [sflag:$0x2] =	stream.linear.gather [hbm4b:s31+s4], $0x280, $0x38;
	[tilespmem:$0x19DD0] =	vst v63  }
0x98: {  	_ =	swait.ge [sflag:s15], $0x280  }
0x99: {  	[sflag:s15] =	ssyncset.done $0x0  }
0x9a: {  	[sflag:s15] =	ssyncadd.s32 $0xFFFFFD80  }
0x9b: {  	_ =	swait.ge [sflag:s21], $0x140  }
0x9c: {  	[sflag:s21] =	ssyncset.done $0x0  }
0x9d: {  	[sflag:s21] =	ssyncadd.s32 $0xFFFFFEC0  }
0x9e: {  	_ =	swait.ge [sflag:s21], $0x140  }
0x9f: {  	[sflag:s21] =	ssyncset.done $0x0  }
0xa0: {  	[sflag:s21] =	ssyncadd.s32 $0xFFFFFEC0  }
0xa1: {  	v31 =	vld.idx.msk [tilespmem:v55+s17+$0x0], $0xffff  }
0xa2: {  	v32 =	vld.idx.msk [tilespmem:v55+s18+$0x0], $0xffff;
	_ =	sdelay $0x4  }
0xa3: {  	v31 =	vadd.f32 v32, v31;
	_ =	sdelay $0x1  }
0xa4: {  	(erf) = vrcp.f32 v31;
	_ =	sdelay $0x4  }
0xa5: {  	v32 =	vld.idx.msk [tilespmem:v55+s16+$0x0], $0xffff;
	_ =	sdelay $0x1  }
0xa6: {  	v33 =	vld.idx.msk [tilespmem:v40+s19+$0x0], $0xffff  }
0xa7: {  	v31 =	vmul.u32 $0x10, v34  }
0xa8: {  	v34 =	vpop (erf)  }
0xa9: {  	v32 =	vmul.f32 v34, v32;
	_ =	sdelay $0x1  }
0xaa: {  	v33 =	vmul.f32 v32, v33;
	_ =	sdelay $0x1  }
0xab: {  	[tilespmem:v31+s22+$0x0] =	vst.idx.msk $0xffff, v33  }
0xac: {  	v33 =	vld.idx.msk [tilespmem:v41+s19+$0x0], $0xffff;
	_ =	sdelay $0x1  }
0xad: {  	v34 =	vor.u32 $0x1, v31;
	_ =	sdelay $0x2  }
0xae: {  	v33 =	vmul.f32 v32, v33;
	_ =	sdelay $0x1  }
0xaf: {  	[tilespmem:v34+s22+$0x0] =	vst.idx.msk $0xffff, v33  }
0xb0: {  	v33 =	vld.idx.msk [tilespmem:v42+s19+$0x0], $0xffff;
	_ =	sdelay $0x1  }
0xb1: {  	v34 =	vor.u32 $0x2, v31;
	_ =	sdelay $0x2  }
0xb2: {  	v33 =	vmul.f32 v33, v32;
	_ =	sdelay $0x1  }
0xb3: {  	[tilespmem:v34+s22+$0x0] =	vst.idx.msk $0xffff, v33  }
0xb4: {  	v33 =	vld.idx.msk [tilespmem:v43+s19+$0x0], $0xffff;
	_ =	sdelay $0x1  }
0xb5: {  	v34 =	vor.u32 $0x3, v31;
	_ =	sdelay $0x2  }
0xb6: {  	v33 =	vmul.f32 v33, v32;
	_ =	sdelay $0x1  }
0xb7: {  	[tilespmem:v34+s22+$0x0] =	vst.idx.msk $0xffff, v33  }
0xb8: {  	v33 =	vld.idx.msk [tilespmem:v44+s19+$0x0], $0xffff;
	_ =	sdelay $0x1  }
0xb9: {  	v34 =	vor.u32 $0x4, v31;
	_ =	sdelay $0x2  }
0xba: {  	v33 =	vmul.f32 v33, v32;
	_ =	sdelay $0x1  }
0xbb: {  	[tilespmem:v34+s22+$0x0] =	vst.idx.msk $0xffff, v33  }
0xbc: {  	v33 =	vld.idx.msk [tilespmem:v45+s19+$0x0], $0xffff;
	_ =	sdelay $0x1  }
0xbd: {  	v34 =	vor.u32 $0x5, v31;
	_ =	sdelay $0x2  }
0xbe: {  	v33 =	vmul.f32 v33, v32;
	_ =	sdelay $0x1  }
0xbf: {  	[tilespmem:v34+s22+$0x0] =	vst.idx.msk $0xffff, v33  }
0xc0: {  	v33 =	vld.idx.msk [tilespmem:v35+s20+$0x0], $0xffff;
	_ =	sdelay $0x1  }
0xc1: {  	v34 =	vor.u32 $0xC, v31;
	_ =	sdelay $0x2  }
0xc2: {  	v33 =	vmul.f32 v33, v32;
	_ =	sdelay $0x1  }
0xc3: {  	[tilespmem:v34+s22+$0x0] =	vst.idx.msk $0xffff, v33  }
0xc4: {  	v33 =	vld.idx.msk [tilespmem:v36+s20+$0x0], $0xffff;
	_ =	sdelay $0x1  }
0xc5: {  	v34 =	vor.u32 $0xD, v31;
	_ =	sdelay $0x2  }
0xc6: {  	v32 =	vmul.f32 v33, v32;
	_ =	sdelay $0x1  }
0xc7: {  	[tilespmem:v34+s22+$0x0] =	vst.idx.msk $0xffff, v32  }
0xc8: {  	v32 =	vld.idx.msk [tilespmem:v58+s17+$0x0], $0xffff  }
0xc9: {  	v33 =	vld.idx.msk [tilespmem:v58+s18+$0x0], $0xffff;
	_ =	sdelay $0x4  }
0xca: {  	v32 =	vadd.f32 v33, v32;
	_ =	sdelay $0x1  }
0xcb: {  	(erf) = vrcp.f32 v32;
	_ =	sdelay $0x4  }
0xcc: {  	v32 =	vld.idx.msk [tilespmem:v58+s16+$0x0], $0xffff;
	_ =	sdelay $0x1  }
0xcd: {  	v33 =	vld.idx.msk [tilespmem:v47+s19+$0x0], $0xffff;
	_ =	sdelay $0x1  }
0xce: {  	v30 =	vmov v35;
	v35 =	vor.u32 $0x6, v31;
	v34 =	vpop (erf)  }
0xcf: {  	v32 =	vmul.f32 v34, v32;
	_ =	sdelay $0x1  }
0xd0: {  	v33 =	vmul.f32 v32, v33;
	_ =	sdelay $0x1  }
0xd1: {  	[tilespmem:v35+s22+$0x0] =	vst.idx.msk $0xffff, v33  }
0xd2: {  	v33 =	vld.idx.msk [tilespmem:v48+s19+$0x0], $0xffff;
	_ =	sdelay $0x1  }
0xd3: {  	v34 =	vor.u32 $0x7, v31;
	_ =	sdelay $0x2  }
0xd4: {  	v33 =	vmul.f32 v32, v33;
	_ =	sdelay $0x1  }
0xd5: {  	[tilespmem:v34+s22+$0x0] =	vst.idx.msk $0xffff, v33  }
0xd6: {  	v33 =	vld.idx.msk [tilespmem:v49+s19+$0x0], $0xffff;
	_ =	sdelay $0x1  }
0xd7: {  	v34 =	vor.u32 $0x8, v31;
	_ =	sdelay $0x2  }
0xd8: {  	v33 =	vmul.f32 v33, v32;
	_ =	sdelay $0x1  }
0xd9: {  	[tilespmem:v34+s22+$0x0] =	vst.idx.msk $0xffff, v33  }
0xda: {  	v33 =	vld.idx.msk [tilespmem:v50+s19+$0x0], $0xffff;
	_ =	sdelay $0x1  }
0xdb: {  	v34 =	vor.u32 $0x9, v31;
	_ =	sdelay $0x2  }
0xdc: {  	v33 =	vmul.f32 v33, v32;
	_ =	sdelay $0x1  }
0xdd: {  	[tilespmem:v34+s22+$0x0] =	vst.idx.msk $0xffff, v33  }
0xde: {  	v33 =	vld.idx.msk [tilespmem:v51+s19+$0x0], $0xffff;
	_ =	sdelay $0x1  }
0xdf: {  	v34 =	vor.u32 $0xA, v31;
	_ =	sdelay $0x2  }
0xe0: {  	v33 =	vmul.f32 v33, v32;
	_ =	sdelay $0x1  }
0xe1: {  	[tilespmem:v34+s22+$0x0] =	vst.idx.msk $0xffff, v33  }
0xe2: {  	v33 =	vld.idx.msk [tilespmem:v52+s19+$0x0], $0xffff;
	_ =	sdelay $0x1  }
0xe3: {  	v34 =	vor.u32 $0xB, v31;
	_ =	sdelay $0x2  }
0xe4: {  	v33 =	vmul.f32 v33, v32;
	_ =	sdelay $0x1  }
0xe5: {  	[tilespmem:v34+s22+$0x0] =	vst.idx.msk $0xffff, v33  }
0xe6: {  	v33 =	vld.idx.msk [tilespmem:v38+s20+$0x0], $0xffff;
	_ =	sdelay $0x1  }
0xe7: {  	v34 =	vor.u32 $0xE, v31;
	_ =	sdelay $0x2  }
0xe8: {  	v33 =	vmul.f32 v33, v32;
	_ =	sdelay $0x1  }
0xe9: {  	[tilespmem:v34+s22+$0x0] =	vst.idx.msk $0xffff, v33  }
0xea: {  	v33 =	vld.idx.msk [tilespmem:v39+s20+$0x0], $0xffff;
	_ =	sdelay $0x1  }
0xeb: {  	v34 =	vor.u32 $0xF, v31;
	_ =	sdelay $0x2  }
0xec: {  	v32 =	vmul.f32 v33, v32;
	_ =	sdelay $0x1  }
0xed: {  	[tilespmem:v34+s22+$0x0] =	vst.idx.msk $0xffff, v32  }
0xee: {  	v32 =	vld.idx.msk [tilespmem:v1+s17+$0x0], $0xffff  }
0xef: {  	v33 =	vld.idx.msk [tilespmem:v1+s18+$0x0], $0xffff;
	_ =	sdelay $0x4  }
0xf0: {  	v32 =	vadd.f32 v33, v32  }
0xf1: {  	v33 =	vld [tilespmem:$0x1FB30]  }
0xf2: {  	(erf) = vrcp.f32 v32;
	_ =	sdelay $0x4  }
0xf3: {  	v32 =	vld.idx.msk [tilespmem:v1+s16+$0x0], $0xffff;
	_ =	sdelay $0x1  }
0xf4: {  	v33 =	vld.idx.msk [tilespmem:v33+s19+$0x0], $0xffff;
	_ =	sdelay $0x1  }
0xf5: {  	v35 =	vor.u32 $0x100, v31;
	v34 =	vpop (erf)  }
0xf6: {  	v32 =	vmul.f32 v34, v32;
	_ =	sdelay $0x1  }
0xf7: {  	v33 =	vmul.f32 v32, v33;
	_ =	sdelay $0x1  }
0xf8: {  	[tilespmem:v35+s22+$0x0] =	vst.idx.msk $0xffff, v33;
	v33 =	vld [tilespmem:$0x1FB40];
	_ =	sdelay $0x7  }
0xf9: {  	v33 =	vld.idx.msk [tilespmem:v33+s19+$0x0], $0xffff;
	_ =	sdelay $0x1  }
0xfa: {  	v34 =	vor.u32 $0x101, v31;
	_ =	sdelay $0x2  }
0xfb: {  	v33 =	vmul.f32 v32, v33;
	_ =	sdelay $0x1  }
0xfc: {  	[tilespmem:v34+s22+$0x0] =	vst.idx.msk $0xffff, v33;
	v33 =	vld [tilespmem:$0x1FB50];
	_ =	sdelay $0x7  }
0xfd: {  	v33 =	vld.idx.msk [tilespmem:v33+s19+$0x0], $0xffff;
	_ =	sdelay $0x1  }
0xfe: {  	v34 =	vor.u32 $0x102, v31;
	_ =	sdelay $0x2  }
0xff: {  	v33 =	vmul.f32 v33, v32;
	_ =	sdelay $0x1  }
0x100: {  	[tilespmem:v34+s22+$0x0] =	vst.idx.msk $0xffff, v33;
	v33 =	vld [tilespmem:$0x1FB60];
	_ =	sdelay $0x7  }
0x101: {  	v33 =	vld.idx.msk [tilespmem:v33+s19+$0x0], $0xffff;
	_ =	sdelay $0x1  }
0x102: {  	v34 =	vor.u32 $0x103, v31;
	_ =	sdelay $0x2  }
0x103: {  	v33 =	vmul.f32 v33, v32;
	_ =	sdelay $0x1  }
0x104: {  	[tilespmem:v34+s22+$0x0] =	vst.idx.msk $0xffff, v33;
	v33 =	vld [tilespmem:$0x1FB70];
	_ =	sdelay $0x7  }
0x105: {  	v33 =	vld.idx.msk [tilespmem:v33+s19+$0x0], $0xffff;
	_ =	sdelay $0x1  }
0x106: {  	v34 =	vor.u32 $0x104, v31;
	_ =	sdelay $0x2  }
0x107: {  	v33 =	vmul.f32 v33, v32;
	_ =	sdelay $0x1  }
0x108: {  	[tilespmem:v34+s22+$0x0] =	vst.idx.msk $0xffff, v33;
	v33 =	vld [tilespmem:$0x1FB80];
	_ =	sdelay $0x7  }
0x109: {  	v33 =	vld.idx.msk [tilespmem:v33+s19+$0x0], $0xffff;
	_ =	sdelay $0x1  }
0x10a: {  	v34 =	vor.u32 $0x105, v31;
	_ =	sdelay $0x2  }
0x10b: {  	v33 =	vmul.f32 v33, v32;
	_ =	sdelay $0x1  }
0x10c: {  	[tilespmem:v34+s22+$0x0] =	vst.idx.msk $0xffff, v33;
	v33 =	vld [tilespmem:$0x1FB90];
	_ =	sdelay $0x7  }
0x10d: {  	v33 =	vld.idx.msk [tilespmem:v33+s20+$0x0], $0xffff;
	_ =	sdelay $0x1  }
0x10e: {  	v34 =	vor.u32 $0x10C, v31;
	_ =	sdelay $0x2  }
0x10f: {  	v33 =	vmul.f32 v33, v32;
	_ =	sdelay $0x1  }
0x110: {  	[tilespmem:v34+s22+$0x0] =	vst.idx.msk $0xffff, v33;
	v33 =	vld [tilespmem:$0x1FBA0];
	_ =	sdelay $0x7  }
0x111: {  	v33 =	vld.idx.msk [tilespmem:v33+s20+$0x0], $0xffff;
	_ =	sdelay $0x1  }
0x112: {  	v34 =	vor.u32 $0x10D, v31;
	_ =	sdelay $0x2  }
0x113: {  	v32 =	vmul.f32 v33, v32;
	_ =	sdelay $0x1  }
0x114: {  	[tilespmem:v34+s22+$0x0] =	vst.idx.msk $0xffff, v32  }
0x115: {  	v32 =	vld.idx.msk [tilespmem:v10+s17+$0x0], $0xffff  }
0x116: {  	v33 =	vld.idx.msk [tilespmem:v10+s18+$0x0], $0xffff;
	_ =	sdelay $0x4  }
0x117: {  	v32 =	vadd.f32 v33, v32  }
0x118: {  	v33 =	vld [tilespmem:$0x1FBB0]  }
0x119: {  	(erf) = vrcp.f32 v32;
	_ =	sdelay $0x4  }
0x11a: {  	v32 =	vld.idx.msk [tilespmem:v10+s16+$0x0], $0xffff;
	_ =	sdelay $0x1  }
0x11b: {  	v33 =	vld.idx.msk [tilespmem:v33+s19+$0x0], $0xffff;
	_ =	sdelay $0x1  }
0x11c: {  	v35 =	vor.u32 $0x106, v31;
	v34 =	vpop (erf)  }
0x11d: {  	v32 =	vmul.f32 v34, v32;
	_ =	sdelay $0x1  }
0x11e: {  	v33 =	vmul.f32 v32, v33;
	_ =	sdelay $0x1  }
0x11f: {  	[tilespmem:v35+s22+$0x0] =	vst.idx.msk $0xffff, v33;
	v33 =	vld [tilespmem:$0x1FBC0];
	_ =	sdelay $0x7  }
0x120: {  	v33 =	vld.idx.msk [tilespmem:v33+s19+$0x0], $0xffff;
	_ =	sdelay $0x1  }
0x121: {  	v34 =	vor.u32 $0x107, v31;
	_ =	sdelay $0x2  }
0x122: {  	v33 =	vmul.f32 v32, v33;
	_ =	sdelay $0x1  }
0x123: {  	[tilespmem:v34+s22+$0x0] =	vst.idx.msk $0xffff, v33;
	v33 =	vld [tilespmem:$0x1FBD0];
	_ =	sdelay $0x7  }
0x124: {  	v33 =	vld.idx.msk [tilespmem:v33+s19+$0x0], $0xffff;
	_ =	sdelay $0x1  }
0x125: {  	v34 =	vor.u32 $0x108, v31;
	_ =	sdelay $0x2  }
0x126: {  	v33 =	vmul.f32 v33, v32;
	_ =	sdelay $0x1  }
0x127: {  	[tilespmem:v34+s22+$0x0] =	vst.idx.msk $0xffff, v33;
	v33 =	vld [tilespmem:$0x1FBE0];
	_ =	sdelay $0x7  }
0x128: {  	v33 =	vld.idx.msk [tilespmem:v33+s19+$0x0], $0xffff;
	_ =	sdelay $0x1  }
0x129: {  	v34 =	vor.u32 $0x109, v31;
	_ =	sdelay $0x2  }
0x12a: {  	v33 =	vmul.f32 v33, v32;
	_ =	sdelay $0x1  }
0x12b: {  	[tilespmem:v34+s22+$0x0] =	vst.idx.msk $0xffff, v33;
	v33 =	vld [tilespmem:$0x1FBF0];
	_ =	sdelay $0x7  }
0x12c: {  	v33 =	vld.idx.msk [tilespmem:v33+s19+$0x0], $0xffff;
	_ =	sdelay $0x1  }
0x12d: {  	v34 =	vor.u32 $0x10A, v31;
	_ =	sdelay $0x2  }
0x12e: {  	v33 =	vmul.f32 v33, v32;
	_ =	sdelay $0x1  }
0x12f: {  	[tilespmem:v34+s22+$0x0] =	vst.idx.msk $0xffff, v33;
	v33 =	vld [tilespmem:$0x1FC00];
	_ =	sdelay $0x7  }
0x130: {  	v33 =	vld.idx.msk [tilespmem:v33+s19+$0x0], $0xffff;
	_ =	sdelay $0x1  }
0x131: {  	v34 =	vor.u32 $0x10B, v31;
	_ =	sdelay $0x2  }
0x132: {  	v33 =	vmul.f32 v33, v32;
	_ =	sdelay $0x1  }
0x133: {  	[tilespmem:v34+s22+$0x0] =	vst.idx.msk $0xffff, v33;
	v33 =	vld [tilespmem:$0x1FC10];
	_ =	sdelay $0x7  }
0x134: {  	v33 =	vld.idx.msk [tilespmem:v33+s20+$0x0], $0xffff;
	_ =	sdelay $0x1  }
0x135: {  	v34 =	vor.u32 $0x10E, v31;
	_ =	sdelay $0x2  }
0x136: {  	v33 =	vmul.f32 v33, v32;
	_ =	sdelay $0x1  }
0x137: {  	[tilespmem:v34+s22+$0x0] =	vst.idx.msk $0xffff, v33;
	v33 =	vld [tilespmem:$0x1FC20];
	_ =	sdelay $0x7  }
0x138: {  	v33 =	vld.idx.msk [tilespmem:v33+s20+$0x0], $0xffff;
	_ =	sdelay $0x1  }
0x139: {  	v34 =	vor.u32 $0x10F, v31;
	_ =	sdelay $0x2  }
0x13a: {  	v32 =	vmul.f32 v33, v32;
	_ =	sdelay $0x1  }
0x13b: {  	[tilespmem:v34+s22+$0x0] =	vst.idx.msk $0xffff, v32  }
0x13c: {  	v32 =	vld.idx.msk [tilespmem:v19+s17+$0x0], $0xffff  }
0x13d: {  	v33 =	vld.idx.msk [tilespmem:v19+s18+$0x0], $0xffff;
	_ =	sdelay $0x4  }
0x13e: {  	v32 =	vadd.f32 v33, v32  }
0x13f: {  	v33 =	vld [tilespmem:$0x1FC30]  }
0x140: {  	(erf) = vrcp.f32 v32;
	_ =	sdelay $0x4  }
0x141: {  	v32 =	vld.idx.msk [tilespmem:v19+s16+$0x0], $0xffff;
	_ =	sdelay $0x1  }
0x142: {  	v33 =	vld.idx.msk [tilespmem:v33+s19+$0x0], $0xffff;
	_ =	sdelay $0x1  }
0x143: {  	v35 =	vor.u32 $0x200, v31;
	v34 =	vpop (erf)  }
0x144: {  	v32 =	vmul.f32 v34, v32;
	_ =	sdelay $0x1  }
0x145: {  	v33 =	vmul.f32 v32, v33;
	_ =	sdelay $0x1  }
0x146: {  	[tilespmem:v35+s22+$0x0] =	vst.idx.msk $0xffff, v33;
	v33 =	vld [tilespmem:$0x1FC40];
	_ =	sdelay $0x7  }
0x147: {  	v33 =	vld.idx.msk [tilespmem:v33+s19+$0x0], $0xffff;
	_ =	sdelay $0x1  }
0x148: {  	v34 =	vor.u32 $0x201, v31;
	_ =	sdelay $0x2  }
0x149: {  	v33 =	vmul.f32 v32, v33;
	_ =	sdelay $0x1  }
0x14a: {  	[tilespmem:v34+s22+$0x0] =	vst.idx.msk $0xffff, v33;
	v33 =	vld [tilespmem:$0x1FC50];
	_ =	sdelay $0x7  }
0x14b: {  	v33 =	vld.idx.msk [tilespmem:v33+s19+$0x0], $0xffff;
	_ =	sdelay $0x1  }
0x14c: {  	v34 =	vor.u32 $0x202, v31;
	_ =	sdelay $0x2  }
0x14d: {  	v33 =	vmul.f32 v33, v32;
	_ =	sdelay $0x1  }
0x14e: {  	[tilespmem:v34+s22+$0x0] =	vst.idx.msk $0xffff, v33;
	v33 =	vld [tilespmem:$0x1FC60];
	_ =	sdelay $0x7  }
0x14f: {  	v33 =	vld.idx.msk [tilespmem:v33+s19+$0x0], $0xffff;
	_ =	sdelay $0x1  }
0x150: {  	v34 =	vor.u32 $0x203, v31;
	_ =	sdelay $0x2  }
0x151: {  	v33 =	vmul.f32 v33, v32;
	_ =	sdelay $0x1  }
0x152: {  	[tilespmem:v34+s22+$0x0] =	vst.idx.msk $0xffff, v33;
	v33 =	vld [tilespmem:$0x1FC70];
	_ =	sdelay $0x7  }
0x153: {  	v33 =	vld.idx.msk [tilespmem:v33+s19+$0x0], $0xffff;
	_ =	sdelay $0x1  }
0x154: {  	v34 =	vor.u32 $0x204, v31;
	_ =	sdelay $0x2  }
0x155: {  	v33 =	vmul.f32 v33, v32;
	_ =	sdelay $0x1  }
0x156: {  	[tilespmem:v34+s22+$0x0] =	vst.idx.msk $0xffff, v33;
	v33 =	vld [tilespmem:$0x1FC80];
	_ =	sdelay $0x7  }
0x157: {  	v33 =	vld.idx.msk [tilespmem:v33+s19+$0x0], $0xffff;
	_ =	sdelay $0x1  }
0x158: {  	v34 =	vor.u32 $0x205, v31;
	_ =	sdelay $0x2  }
0x159: {  	v33 =	vmul.f32 v33, v32;
	_ =	sdelay $0x1  }
0x15a: {  	[tilespmem:v34+s22+$0x0] =	vst.idx.msk $0xffff, v33;
	v33 =	vld [tilespmem:$0x1FC90];
	_ =	sdelay $0x7  }
0x15b: {  	v33 =	vld.idx.msk [tilespmem:v33+s20+$0x0], $0xffff;
	_ =	sdelay $0x1  }
0x15c: {  	v34 =	vor.u32 $0x20C, v31;
	_ =	sdelay $0x2  }
0x15d: {  	v33 =	vmul.f32 v33, v32;
	_ =	sdelay $0x1  }
0x15e: {  	[tilespmem:v34+s22+$0x0] =	vst.idx.msk $0xffff, v33;
	v33 =	vld [tilespmem:$0x1FCA0];
	_ =	sdelay $0x7  }
0x15f: {  	v33 =	vld.idx.msk [tilespmem:v33+s20+$0x0], $0xffff;
	_ =	sdelay $0x1  }
0x160: {  	v34 =	vor.u32 $0x20D, v31;
	_ =	sdelay $0x2  }
0x161: {  	v32 =	vmul.f32 v33, v32;
	_ =	sdelay $0x1  }
0x162: {  	[tilespmem:v34+s22+$0x0] =	vst.idx.msk $0xffff, v32  }
0x163: {  	v32 =	vld.idx.msk [tilespmem:v28+s17+$0x0], $0xffff  }
0x164: {  	v33 =	vld.idx.msk [tilespmem:v28+s18+$0x0], $0xffff;
	_ =	sdelay $0x4  }
0x165: {  	v32 =	vadd.f32 v33, v32  }
0x166: {  	v33 =	vld [tilespmem:$0x1FCB0]  }
0x167: {  	(erf) = vrcp.f32 v32;
	_ =	sdelay $0x4  }
0x168: {  	v32 =	vld.idx.msk [tilespmem:v28+s16+$0x0], $0xffff;
	_ =	sdelay $0x1  }
0x169: {  	v33 =	vld.idx.msk [tilespmem:v33+s19+$0x0], $0xffff;
	_ =	sdelay $0x1  }
0x16a: {  	v35 =	vor.u32 $0x206, v31;
	v34 =	vpop (erf)  }
0x16b: {  	v32 =	vmul.f32 v34, v32;
	_ =	sdelay $0x1  }
0x16c: {  	v33 =	vmul.f32 v32, v33;
	_ =	sdelay $0x1  }
0x16d: {  	[tilespmem:v35+s22+$0x0] =	vst.idx.msk $0xffff, v33;
	v33 =	vld [tilespmem:$0x1FCC0];
	_ =	sdelay $0x7  }
0x16e: {  	v33 =	vld.idx.msk [tilespmem:v33+s19+$0x0], $0xffff;
	_ =	sdelay $0x1  }
0x16f: {  	v34 =	vor.u32 $0x207, v31;
	_ =	sdelay $0x2  }
0x170: {  	v33 =	vmul.f32 v32, v33;
	_ =	sdelay $0x1  }
0x171: {  	[tilespmem:v34+s22+$0x0] =	vst.idx.msk $0xffff, v33;
	v33 =	vld [tilespmem:$0x1FCD0];
	_ =	sdelay $0x7  }
0x172: {  	v33 =	vld.idx.msk [tilespmem:v33+s19+$0x0], $0xffff;
	_ =	sdelay $0x1  }
0x173: {  	v34 =	vor.u32 $0x208, v31;
	_ =	sdelay $0x2  }
0x174: {  	v33 =	vmul.f32 v33, v32;
	_ =	sdelay $0x1  }
0x175: {  	[tilespmem:v34+s22+$0x0] =	vst.idx.msk $0xffff, v33;
	v33 =	vld [tilespmem:$0x1FCE0];
	_ =	sdelay $0x7  }
0x176: {  	v33 =	vld.idx.msk [tilespmem:v33+s19+$0x0], $0xffff;
	_ =	sdelay $0x1  }
0x177: {  	v34 =	vor.u32 $0x209, v31;
	_ =	sdelay $0x2  }
0x178: {  	v33 =	vmul.f32 v33, v32;
	_ =	sdelay $0x1  }
0x179: {  	[tilespmem:v34+s22+$0x0] =	vst.idx.msk $0xffff, v33;
	v33 =	vld [tilespmem:$0x1FCF0];
	_ =	sdelay $0x7  }
0x17a: {  	v33 =	vld.idx.msk [tilespmem:v33+s19+$0x0], $0xffff;
	_ =	sdelay $0x1  }
0x17b: {  	v34 =	vor.u32 $0x20A, v31;
	_ =	sdelay $0x2  }
0x17c: {  	v33 =	vmul.f32 v33, v32;
	_ =	sdelay $0x1  }
0x17d: {  	[tilespmem:v34+s22+$0x0] =	vst.idx.msk $0xffff, v33;
	v33 =	vld [tilespmem:$0x1FD00];
	_ =	sdelay $0x7  }
0x17e: {  	v33 =	vld.idx.msk [tilespmem:v33+s19+$0x0], $0xffff;
	_ =	sdelay $0x1  }
0x17f: {  	v34 =	vor.u32 $0x20B, v31;
	_ =	sdelay $0x2  }
0x180: {  	v33 =	vmul.f32 v33, v32;
	_ =	sdelay $0x1  }
0x181: {  	[tilespmem:v34+s22+$0x0] =	vst.idx.msk $0xffff, v33;
	v33 =	vld [tilespmem:$0x1FD10];
	_ =	sdelay $0x7  }
0x182: {  	v33 =	vld.idx.msk [tilespmem:v33+s20+$0x0], $0xffff;
	_ =	sdelay $0x1  }
0x183: {  	v34 =	vor.u32 $0x20E, v31;
	_ =	sdelay $0x2  }
0x184: {  	v33 =	vmul.f32 v33, v32;
	_ =	sdelay $0x1  }
0x185: {  	[tilespmem:v34+s22+$0x0] =	vst.idx.msk $0xffff, v33  }
0x186: {  	v33 =	vld.idx.msk [tilespmem:v8+s20+$0x0], $0xffff;
	_ =	sdelay $0x1  }
0x187: {  	v34 =	vor.u32 $0x20F, v31;
	_ =	sdelay $0x2  }
0x188: {  	v32 =	vmul.f32 v33, v32;
	_ =	sdelay $0x1  }
0x189: {  	[tilespmem:v34+s22+$0x0] =	vst.idx.msk $0xffff, v32  }
0x18a: {  	v32 =	vld.idx.msk [tilespmem:v37+s17+$0x0], $0xffff  }
0x18b: {  	v33 =	vld.idx.msk [tilespmem:v37+s18+$0x0], $0xffff;
	_ =	sdelay $0x4  }
0x18c: {  	v32 =	vadd.f32 v33, v32;
	_ =	sdelay $0x1  }
0x18d: {  	(erf) = vrcp.f32 v32;
	_ =	sdelay $0x4  }
0x18e: {  	v32 =	vld.idx.msk [tilespmem:v37+s16+$0x0], $0xffff;
	_ =	sdelay $0x1  }
0x18f: {  	v33 =	vld.idx.msk [tilespmem:v9+s19+$0x0], $0xffff;
	_ =	sdelay $0x1  }
0x190: {  	v35 =	vor.u32 $0x300, v31;
	v34 =	vpop (erf)  }
0x191: {  	v32 =	vmul.f32 v34, v32;
	_ =	sdelay $0x1  }
0x192: {  	v33 =	vmul.f32 v32, v33;
	_ =	sdelay $0x1  }
0x193: {  	[tilespmem:v35+s22+$0x0] =	vst.idx.msk $0xffff, v33  }
0x194: {  	v33 =	vld.idx.msk [tilespmem:v12+s19+$0x0], $0xffff;
	_ =	sdelay $0x1  }
0x195: {  	v34 =	vor.u32 $0x301, v31;
	_ =	sdelay $0x2  }
0x196: {  	v33 =	vmul.f32 v32, v33;
	_ =	sdelay $0x1  }
0x197: {  	[tilespmem:v34+s22+$0x0] =	vst.idx.msk $0xffff, v33  }
0x198: {  	v33 =	vld.idx.msk [tilespmem:v13+s19+$0x0], $0xffff;
	_ =	sdelay $0x1  }
0x199: {  	v34 =	vor.u32 $0x302, v31;
	_ =	sdelay $0x2  }
0x19a: {  	v33 =	vmul.f32 v33, v32;
	_ =	sdelay $0x1  }
0x19b: {  	[tilespmem:v34+s22+$0x0] =	vst.idx.msk $0xffff, v33  }
0x19c: {  	v33 =	vld.idx.msk [tilespmem:v14+s19+$0x0], $0xffff;
	_ =	sdelay $0x1  }
0x19d: {  	v34 =	vor.u32 $0x303, v31;
	_ =	sdelay $0x2  }
0x19e: {  	v33 =	vmul.f32 v33, v32;
	_ =	sdelay $0x1  }
0x19f: {  	[tilespmem:v34+s22+$0x0] =	vst.idx.msk $0xffff, v33  }
0x1a0: {  	v33 =	vld.idx.msk [tilespmem:v15+s19+$0x0], $0xffff;
	_ =	sdelay $0x1  }
0x1a1: {  	v34 =	vor.u32 $0x304, v31;
	_ =	sdelay $0x2  }
0x1a2: {  	v33 =	vmul.f32 v33, v32;
	_ =	sdelay $0x1  }
0x1a3: {  	[tilespmem:v34+s22+$0x0] =	vst.idx.msk $0xffff, v33  }
0x1a4: {  	v33 =	vld.idx.msk [tilespmem:v16+s19+$0x0], $0xffff;
	_ =	sdelay $0x1  }
0x1a5: {  	v34 =	vor.u32 $0x305, v31;
	_ =	sdelay $0x2  }
0x1a6: {  	v33 =	vmul.f32 v33, v32;
	_ =	sdelay $0x1  }
0x1a7: {  	[tilespmem:v34+s22+$0x0] =	vst.idx.msk $0xffff, v33  }
0x1a8: {  	v33 =	vld.idx.msk [tilespmem:v17+s20+$0x0], $0xffff;
	_ =	sdelay $0x1  }
0x1a9: {  	v34 =	vor.u32 $0x30C, v31;
	_ =	sdelay $0x2  }
0x1aa: {  	v33 =	vmul.f32 v33, v32;
	_ =	sdelay $0x1  }
0x1ab: {  	[tilespmem:v34+s22+$0x0] =	vst.idx.msk $0xffff, v33  }
0x1ac: {  	v33 =	vld.idx.msk [tilespmem:v18+s20+$0x0], $0xffff;
	_ =	sdelay $0x1  }
0x1ad: {  	v34 =	vor.u32 $0x30D, v31;
	_ =	sdelay $0x2  }
0x1ae: {  	v32 =	vmul.f32 v33, v32;
	_ =	sdelay $0x1  }
0x1af: {  	[tilespmem:v34+s22+$0x0] =	vst.idx.msk $0xffff, v32  }
0x1b0: {  	v32 =	vld.idx.msk [tilespmem:v46+s17+$0x0], $0xffff  }
0x1b1: {  	v33 =	vld.idx.msk [tilespmem:v46+s18+$0x0], $0xffff;
	_ =	sdelay $0x4  }
0x1b2: {  	v32 =	vadd.f32 v33, v32;
	_ =	sdelay $0x1  }
0x1b3: {  	(erf) = vrcp.f32 v32;
	_ =	sdelay $0x4  }
0x1b4: {  	v32 =	vld.idx.msk [tilespmem:v46+s16+$0x0], $0xffff;
	_ =	sdelay $0x1  }
0x1b5: {  	v33 =	vld.idx.msk [tilespmem:v20+s19+$0x0], $0xffff;
	_ =	sdelay $0x1  }
0x1b6: {  	v35 =	vor.u32 $0x306, v31;
	v34 =	vpop (erf)  }
0x1b7: {  	v32 =	vmul.f32 v34, v32;
	_ =	sdelay $0x1  }
0x1b8: {  	v33 =	vmul.f32 v32, v33;
	_ =	sdelay $0x1  }
0x1b9: {  	[tilespmem:v35+s22+$0x0] =	vst.idx.msk $0xffff, v33  }
0x1ba: {  	v33 =	vld.idx.msk [tilespmem:v21+s19+$0x0], $0xffff;
	_ =	sdelay $0x1  }
0x1bb: {  	v34 =	vor.u32 $0x307, v31;
	_ =	sdelay $0x2  }
0x1bc: {  	v33 =	vmul.f32 v32, v33;
	_ =	sdelay $0x1  }
0x1bd: {  	[tilespmem:v34+s22+$0x0] =	vst.idx.msk $0xffff, v33  }
0x1be: {  	v33 =	vld.idx.msk [tilespmem:v22+s19+$0x0], $0xffff;
	_ =	sdelay $0x1  }
0x1bf: {  	v34 =	vor.u32 $0x308, v31;
	_ =	sdelay $0x2  }
0x1c0: {  	v33 =	vmul.f32 v33, v32;
	_ =	sdelay $0x1  }
0x1c1: {  	[tilespmem:v34+s22+$0x0] =	vst.idx.msk $0xffff, v33  }
0x1c2: {  	v33 =	vld.idx.msk [tilespmem:v23+s19+$0x0], $0xffff;
	_ =	sdelay $0x1  }
0x1c3: {  	v34 =	vor.u32 $0x309, v31;
	_ =	sdelay $0x2  }
0x1c4: {  	v33 =	vmul.f32 v33, v32;
	_ =	sdelay $0x1  }
0x1c5: {  	[tilespmem:v34+s22+$0x0] =	vst.idx.msk $0xffff, v33  }
0x1c6: {  	v33 =	vld.idx.msk [tilespmem:v24+s19+$0x0], $0xffff;
	_ =	sdelay $0x1  }
0x1c7: {  	v34 =	vor.u32 $0x30A, v31;
	_ =	sdelay $0x2  }
0x1c8: {  	v33 =	vmul.f32 v33, v32;
	_ =	sdelay $0x1  }
0x1c9: {  	[tilespmem:v34+s22+$0x0] =	vst.idx.msk $0xffff, v33  }
0x1ca: {  	v33 =	vld.idx.msk [tilespmem:v25+s19+$0x0], $0xffff;
	_ =	sdelay $0x1  }
0x1cb: {  	v34 =	vor.u32 $0x30B, v31;
	_ =	sdelay $0x2  }
0x1cc: {  	v33 =	vmul.f32 v33, v32;
	_ =	sdelay $0x1  }
0x1cd: {  	[tilespmem:v34+s22+$0x0] =	vst.idx.msk $0xffff, v33  }
0x1ce: {  	v33 =	vld.idx.msk [tilespmem:v27+s20+$0x0], $0xffff;
	_ =	sdelay $0x1  }
0x1cf: {  	v34 =	vor.u32 $0x30E, v31;
	_ =	sdelay $0x2  }
0x1d0: {  	v33 =	vmul.f32 v33, v32;
	_ =	sdelay $0x1  }
0x1d1: {  	[tilespmem:v34+s22+$0x0] =	vst.idx.msk $0xffff, v33  }
0x1d2: {  	v33 =	vld.idx.msk [tilespmem:v29+s20+$0x0], $0xffff;
	_ =	sdelay $0x1  }
0x1d3: {  	v34 =	vor.u32 $0x30F, v31;
	_ =	sdelay $0x2  }
0x1d4: {  	v32 =	vmul.f32 v33, v32;
	_ =	sdelay $0x1  }
0x1d5: {  	[tilespmem:v34+s22+$0x0] =	vst.idx.msk $0xffff, v32  }
0x1d6: {  	v32 =	vld.idx.msk [tilespmem:v26+s17+$0x0], $0xffff  }
0x1d7: {  	v33 =	vld.idx.msk [tilespmem:v26+s18+$0x0], $0xffff;
	_ =	sdelay $0x4  }
0x1d8: {  	v32 =	vadd.f32 v33, v32;
	_ =	sdelay $0x1  }
0x1d9: {  	(erf) = vrcp.f32 v32;
	_ =	sdelay $0x4  }
0x1da: {  	v32 =	vld.idx.msk [tilespmem:v26+s16+$0x0], $0xffff;
	_ =	sdelay $0x1  }
0x1db: {  	v33 =	vld.idx.msk [tilespmem:v60+s19+$0x0], $0xffff;
	_ =	sdelay $0x1  }
0x1dc: {  	v35 =	vor.u32 $0x400, v31;
	v34 =	vpop (erf)  }
0x1dd: {  	v32 =	vmul.f32 v34, v32;
	_ =	sdelay $0x1  }
0x1de: {  	v33 =	vmul.f32 v32, v33;
	_ =	sdelay $0x1  }
0x1df: {  	[tilespmem:v35+s22+$0x0] =	vst.idx.msk $0xffff, v33  }
0x1e0: {  	v33 =	vld.idx.msk [tilespmem:v61+s19+$0x0], $0xffff;
	_ =	sdelay $0x1  }
0x1e1: {  	v34 =	vor.u32 $0x401, v31;
	_ =	sdelay $0x2  }
0x1e2: {  	v33 =	vmul.f32 v32, v33;
	_ =	sdelay $0x1  }
0x1e3: {  	[tilespmem:v34+s22+$0x0] =	vst.idx.msk $0xffff, v33  }
0x1e4: {  	v33 =	vld.idx.msk [tilespmem:v62+s19+$0x0], $0xffff;
	_ =	sdelay $0x1  }
0x1e5: {  	v34 =	vor.u32 $0x402, v31;
	_ =	sdelay $0x2  }
0x1e6: {  	v33 =	vmul.f32 v33, v32;
	_ =	sdelay $0x1  }
0x1e7: {  	[tilespmem:v34+s22+$0x0] =	vst.idx.msk $0xffff, v33  }
0x1e8: {  	v33 =	vld.idx.msk [tilespmem:v63+s19+$0x0], $0xffff;
	_ =	sdelay $0x1  }
0x1e9: {  	v34 =	vor.u32 $0x403, v31;
	_ =	sdelay $0x2  }
0x1ea: {  	v33 =	vmul.f32 v33, v32;
	_ =	sdelay $0x1  }
0x1eb: {  	[tilespmem:v34+s22+$0x0] =	vst.idx.msk $0xffff, v33  }
0x1ec: {  	v33 =	vld.idx.msk [tilespmem:v0+s19+$0x0], $0xffff;
	_ =	sdelay $0x1  }
0x1ed: {  	v34 =	vor.u32 $0x404, v31;
	_ =	sdelay $0x2  }
0x1ee: {  	v33 =	vmul.f32 v33, v32;
	_ =	sdelay $0x1  }
0x1ef: {  	[tilespmem:v34+s22+$0x0] =	vst.idx.msk $0xffff, v33  }
0x1f0: {  	v33 =	vld.idx.msk [tilespmem:v2+s19+$0x0], $0xffff;
	_ =	sdelay $0x1  }
0x1f1: {  	v34 =	vor.u32 $0x405, v31;
	_ =	sdelay $0x2  }
0x1f2: {  	v33 =	vmul.f32 v33, v32;
	_ =	sdelay $0x1  }
0x1f3: {  	[tilespmem:v34+s22+$0x0] =	vst.idx.msk $0xffff, v33  }
0x1f4: {  	v33 =	vld.idx.msk [tilespmem:v5+s20+$0x0], $0xffff;
	_ =	sdelay $0x1  }
0x1f5: {  	v34 =	vor.u32 $0x40C, v31;
	_ =	sdelay $0x2  }
0x1f6: {  	v33 =	vmul.f32 v33, v32;
	_ =	sdelay $0x1  }
0x1f7: {  	[tilespmem:v34+s22+$0x0] =	vst.idx.msk $0xffff, v33  }
0x1f8: {  	v33 =	vld.idx.msk [tilespmem:v6+s20+$0x0], $0xffff;
	_ =	sdelay $0x1  }
0x1f9: {  	v34 =	vor.u32 $0x40D, v31;
	_ =	sdelay $0x2  }
0x1fa: {  	v32 =	vmul.f32 v33, v32;
	_ =	sdelay $0x1  }
0x1fb: {  	[tilespmem:v34+s22+$0x0] =	vst.idx.msk $0xffff, v32  }
0x1fc: {  	v32 =	vld.idx.msk [tilespmem:v11+s17+$0x0], $0xffff  }
0x1fd: {  	v33 =	vld.idx.msk [tilespmem:v11+s18+$0x0], $0xffff;
	_ =	sdelay $0x4  }
0x1fe: {  	v32 =	vadd.f32 v33, v32;
	_ =	sdelay $0x1  }
0x1ff: {  	(erf) = vrcp.f32 v32;
	_ =	sdelay $0x4  }
0x200: {  	v32 =	vld.idx.msk [tilespmem:v11+s16+$0x0], $0xffff;
	_ =	sdelay $0x1  }
0x201: {  	v33 =	vld.idx.msk [tilespmem:v3+s19+$0x0], $0xffff;
	_ =	sdelay $0x1  }
0x202: {  	v35 =	vor.u32 $0x406, v31;
	v34 =	vpop (erf)  }
0x203: {  	v32 =	vmul.f32 v34, v32;
	_ =	sdelay $0x1  }
0x204: {  	v33 =	vmul.f32 v32, v33;
	_ =	sdelay $0x1  }
0x205: {  	[tilespmem:v35+s22+$0x0] =	vst.idx.msk $0xffff, v33  }
0x206: {  	v33 =	vld.idx.msk [tilespmem:v53+s19+$0x0], $0xffff;
	_ =	sdelay $0x1  }
0x207: {  	v34 =	vor.u32 $0x407, v31;
	_ =	sdelay $0x2  }
0x208: {  	v33 =	vmul.f32 v32, v33;
	_ =	sdelay $0x1  }
0x209: {  	[tilespmem:v34+s22+$0x0] =	vst.idx.msk $0xffff, v33  }
0x20a: {  	v33 =	vld.idx.msk [tilespmem:v54+s19+$0x0], $0xffff;
	_ =	sdelay $0x1  }
0x20b: {  	v34 =	vor.u32 $0x408, v31;
	_ =	sdelay $0x2  }
0x20c: {  	v33 =	vmul.f32 v33, v32;
	_ =	sdelay $0x1  }
0x20d: {  	[tilespmem:v34+s22+$0x0] =	vst.idx.msk $0xffff, v33  }
0x20e: {  	v33 =	vld.idx.msk [tilespmem:v56+s19+$0x0], $0xffff;
	_ =	sdelay $0x1  }
0x20f: {  	v34 =	vor.u32 $0x409, v31;
	_ =	sdelay $0x2  }
0x210: {  	v33 =	vmul.f32 v33, v32;
	_ =	sdelay $0x1  }
0x211: {  	[tilespmem:v34+s22+$0x0] =	vst.idx.msk $0xffff, v33  }
0x212: {  	v33 =	vld.idx.msk [tilespmem:v57+s19+$0x0], $0xffff;
	_ =	sdelay $0x1  }
0x213: {  	v34 =	vor.u32 $0x40A, v31;
	_ =	sdelay $0x2  }
0x214: {  	v33 =	vmul.f32 v33, v32;
	_ =	sdelay $0x1  }
0x215: {  	[tilespmem:v34+s22+$0x0] =	vst.idx.msk $0xffff, v33  }
0x216: {  	v33 =	vld.idx.msk [tilespmem:v59+s19+$0x0], $0xffff;
	_ =	sdelay $0x1  }
0x217: {  	v34 =	vor.u32 $0x40B, v31;
	_ =	sdelay $0x2  }
0x218: {  	v33 =	vmul.f32 v33, v32;
	_ =	sdelay $0x1  }
0x219: {  	[tilespmem:v34+s22+$0x0] =	vst.idx.msk $0xffff, v33  }
0x21a: {  	v33 =	vld.idx.msk [tilespmem:v4+s20+$0x0], $0xffff;
	_ =	sdelay $0x1  }
0x21b: {  	v34 =	vor.u32 $0x40E, v31;
	_ =	sdelay $0x2  }
0x21c: {  	v33 =	vmul.f32 v33, v32;
	_ =	sdelay $0x1  }
0x21d: {  	[tilespmem:v34+s22+$0x0] =	vst.idx.msk $0xffff, v33  }
0x21e: {  	v33 =	vld.idx.msk [tilespmem:v7+s20+$0x0], $0xffff;
	_ =	sdelay $0x1  }
0x21f: {  	v31 =	vor.u32 $0x40F, v31;
	_ =	sdelay $0x2  }
0x220: {  	v32 =	vmul.f32 v33, v32  }
0x221: {  	p0 =	sne.s32 s28, $0x18650  }
.Ltmp0:
0x222: {  	[tilespmem:v31+s22+$0x0] =	vst.idx.msk $0xffff, v32;
	(pc) =	sbr.rel @p0 .LBB2_2-.Ltmp0, $4  }
0x223: {  	[spmem:s3] =	stream.indirect.scatter.add.f32 [tilespmem:s22], [sflag:$0x2], $0x10, s4, s16, $0xb8;
	[tilespmem:$0x19DD0] =	vst v63  }
0x224: {  	_ =	swait.ge [sflag:s15], $0x500  }
0x225: {  	s25 =	sadd.s32 $0xA, s25;
	[sflag:s15] =	ssyncset.done $0x0  }
0x226: {  	s28 =	sadd.s32 $0x50, s28;
	s26 =	sadd.s32 $0xF0, s26;
	v35 =	vmov v30;
	v34 =	vlaneseq.u32;
	[sflag:s15] =	ssyncadd.s32 $0xFFFFFB00  }
0x227: {  	s23 =	sadd.s32 $0x1, s23  }
0x228: {  	p0 =	sne.s32 s23, s12  }
.Ltmp1:
0x229: {  	[bflag:$0x0] =	sbarrier.arrive $0xFFFF;
	(pc) =	sbr.rel @p0 .LBB2_1-.Ltmp1, $4  }
0x22a: {  	[hbm:s8], [sflag:s7] =	dma.local [spmem:s24], $0x30E0  }
0x22b: {  	_ =	swait.ge [sflag:s15], $0x30E0  }
0x22c: {  	[sflag:s15] =	ssyncset.done $0x0  }
0x22d: {  	[sflag:s15] =	ssyncadd.s32 $0xFFFFCF20  }
0x22e: {  	_ =	sfence.sel $0x180000  }
0x22f: {  	[bflag:$0x0] =	sbarrier.arrive $0xFFFF  }
0x230: {  	p0 =	sne.s32 s1, $0x0;
	_ =	strace $0x90000050  }
0x231: {  	s0 =	sadd.s32 @!p0 $0x100000, s2;
	[bflag:$0x2] =	sbarrier.arrive $0xFFFF  }
0x232: {  	[sflag:s0] =	ssyncadd.tile.s32 @!p0 $0x1;
	_ =	shalt  }
.Lfunc_end2:
_tile_overlayer_lowered:
.L_overlay_start_2:
0x233: {  	(tag) =	ssettag $0x2  }
0x234: {  	s0 =	rddreg [dreg:$0x0];
	s2 =	stileid.u32  }
0x235: {  	s1 =	rddreg [dreg:$0x1];
	p0 =	sne.s32 s2, $0x0  }
0x236: {  	s3 =	rddreg [dreg:$0x2];
	[bflag:$0x3] =	sbarrier.arrive $0xFFFF;
	s2 =	simm.s32 @!p0 $0x1C02  }
0x237: {  	[timem:s3], [sflag:s2] =	dma.local @!p0 [hbm:s0], s1  }
0x238: {  	s0 =	simm.s32 @!p0 $0x2  }
0x239: {  	_ =	swait.ge @!p0 [sflag:s0], s1  }
0x23a: {  	s1 =	ssub.s32 @!p0 $0x0, s1;
	[sflag:s0] =	ssyncset.done @!p0 $0x0  }
0x23b: {  	[sflag:s0] =	ssyncadd.s32 @!p0 s1  }
0x23c: {  	[bflag:$0x3] =	sbarrier.arrive $0xFFFF  }
0x23d: {  	_ =	shalt  }

// kernel: sparse-core-data-format-call.1.cloned.1.call-start
scs
called_computation.1_lowered:
.L_overlay_start_0:
0x0: {  	s1 =	sld [smem:$0x3FD9]  }
0x1: {  	s2 =	sld [smem:$0x3FFE];
	_ =	sdelay $0x1  }
0x2: {  	s3 =	srdreg.scid  }
0x3: {  	s0 =	sand.u32 $0x1, s3  }
0x4: {  	s17 =	sshll.u32 s0, $0xA;
	s1 =	sadd.s32 s2, s1  }
0x5: {  	s1 =	sadd.s32 s1, s17  }
0x6: {  	[smem:$0x3FC1] =	sst s1  }
0x7: {  	_ = 	snop  }
0x8: {  	(tm) =	ssettm $0x1  }
0x9: {  	s18 =	sld [smem:$0x3FFB];
	_ =	sdelay $0x3  }
0xa: {  	_ =	strace s18  }
0xb: {  	s1 =	sld [smem:$0x3FFC];
	_ =	sdelay $0x3  }
0xc: {  	_ =	strace s1  }
0xd: {  	s1 =	sld [smem:$0x3FFD];
	_ =	sdelay $0x3  }
0xe: {  	_ =	strace s1  }
0xf: {  	_ =	strace $0x8FFFFFFF  }
0x10: {  	s19 =	sld [smem:$0x3FDB];
	_ =	sdelay $0x1  }
0x11: {  	s20 =	simm.s32 $_scs_section_size  }
0x12: {  	s4 =	simm.s32 $_size__tile_overlayer_lowered;
	s5 =	simm.s32 $_tile_overlayer_lowered  }
0x13: {  	s23 =	simm.s32 $0x1BFF;
	s22 =	sshll.u32 s5, $0x1;
	s1 =	sadd.s32 s20, s19  }
0x14: {  	s6 =	simm.s32 $0x0;
	s21 =	sshll.u32 s4, $0x1;
	s4 =	sadd.s32 s22, s1  }
0x15: {  	[timem:s6], [sflag:s23] =	dma.local [hbm:s4], s21  }
0x16: {  	_ =	swait.ge [sflag:s23], s21  }
0x17: {  	s2 =	ssub.s32 $0x0, s21;
	[sflag:s23] =	ssyncset.done $0x0  }
0x18: {  	[sflag:s23] =	ssyncadd.s32 s2;
	_ =	sdelay $0x1  }
0x19: {  	s24 =	simm.s32 $0x1B8B  }
0x1a: {  	_ =	swait.ge [sflag:s24], $0x1  }
0x1b: {  	[sflag:s24] =	ssyncset.done $0x0  }
0x1c: {  	s26 =	simm.s32 $0x1B8E;
	s25 =	sld [smem:$0x3FFE];
	[sflag:s24] =	ssyncadd.s32 $0xFFFFFFFF  }
0x1d: {  	s27 =	simm.s32 $execute0_lowered;
	[smem:$0x3FD2] =	sst s26  }
0x1e: {  	s4 =	sshll.u32 s27, $0x1;
	_ =	strace $0x80000046;
	[dreg:$0x1] =	wrdreg $0xFFFFFFFF  }
0x1f: {  	s28 =	simm.s32 $_size_execute0_lowered;
	s1 =	sadd.s32 s1, s4;
	[dreg:$0x0] =	wrdreg $0x0  }
0x20: {  	s4 =	sshll.u32 s28, $0x1;
	[dreg:$0x2] =	wrdreg s1  }
0x21: {  	[dreg:$0x3] =	wrdreg s4  }
0x22: {  	[dreg:$0x4] =	wrdreg $0xC0  }
0x23: {  	_ =	task [dreg:s6], $0x5FFFF  }
0x24: {  	[dreg:$0x1] =	wrdreg $0xFFFFFFFF  }
0x25: {  	[dreg:$0x0] =	wrdreg $0x60  }
0x26: {  	[dreg:$0x2] =	wrdreg s25  }
0x27: {  	[dreg:$0x3] =	wrdreg $0xA  }
0x28: {  	_ =	task.clear_ibuf [dreg:s6], $0x4FFFF;
	_ =	strace $0x90000046  }
0x29: {  	s29 =	simm.s32 $0xA;
	_ =	strace $0x80000048  }
0x2a: {  	_ =	swait.ge [sflag:s29], $0x1  }
0x2b: {  	[sflag:s29] =	ssyncadd.s32 $0xFFFFFFFF  }
0x2c: {  	_ =	strace $0x90000048  }
0x2d: {  	_ =	sfence  }
0x2e: {  	s30 =	sld [smem:$0x0];
	_ =	sdelay $0x2  }
0x2f: {  	s31 =	sshll.u32 s3, $0xD;
	s3 =	sshrl.u32 s3, $0x2  }
0x30: {  	s2 =	sand.u32 $0x4000, s31;
	s1 =	sadd.s32 s3, s30  }
0x31: {  	s0 =	sor.u32 s2, s0;
	s1 =	sshll.u32 s1, $0x11  }
0x32: {  	s0 =	sor.u32 s1, s0  }
0x33: {  	s0 =	sadd.s32 $0x8F2B, s0  }
0x34: {  	[sflag:s0] =	ssyncadd.remote.s32 $0x1  }
0x35: {  	_ =	sfence.sel $0xFFFF  }
0x36: {  	[dreg:$0x0] =	wrdreg $0xFFFFFFFF;
	(pc) =	sbr.abs _section_cstart, $3  }
0x37: {  	[dreg:$0x1] =	wrdreg $0xFFFFFFFF  }
0x38: {  	_ =	task.clear_ibuf [dreg:s6], $0x2FFFF;
	_ =	strace $0x9FFFFFFF  }
0x39: {  	(tm) =	ssettm $0x7FFFFFFF  }
tec
execute0_lowered:
.L_overlay_start_1:
0x0: {  	(tag) =	ssettag $0x1  }
0x1: {  	s0 =	srdreg.scid  }
0x2: {  	s6 =	rddreg [dreg:$0x0];
	s7 =	simm.s32 $0x1;
	s1 =	sshll.u32 s0, $0x4  }
0x3: {  	s8 =	simm.s32 $0x2;
	s0 =	stileid.u32;
	s1 =	sand.u32 $0x10, s1  }
0x4: {  	s13 =	simm.s32 $0x0;
	s12 =	simm.s32 $0x0;
	s1 =	sor.u32 s0, s1  }
0x5: {  	s10 =	simm.s32 $0x0;
	s3 =	sadd.s32 $0x61CC00, s6;
	s2 =	sshll.u32 s1, $0x9  }
0x6: {  	s11 =	simm.s32 $0x0;
	s6 =	sadd.s32 $0xAB0A00, s6;
	s5 =	ssub.s32 $0x186A00, s2  }
.Ltmp0:
0x7: {  	s1 =	rddreg [dreg:$0x1];
	s4 =	sand.u32 $0x3E00, s5;
	(pc) =	sbr.rel .LBB1_1-.Ltmp0, $4  }
0x8: {  	_ =	strace $0x80000047;
	s9 =	smov.u32 s2;
	p0 =	sne.s32 s4, $0x0  }
0x9: {  	s5 =	sshrl.u32 s5, $0xE;
	s4 =	simm.s32 $0x1;
	s7 =	simm.s32 @!p0 $0x0  }
0xa: {  	[sflag:s4] =	ssyncpa.u1 $0x0;
	p0 =	por $0x0, $0x0;
	s5 =	sadd.s32 s7, s5  }
0xb: {  	[sflag:s8] =	ssyncpa.u1 $0x0;
	s8 =	simm.s32 $0x80;
	s7 =	sadd.s32 $0x1, s5  }
.LBB1_4:
0xc: {  	_ = 	snop  }
0xd: {  	[tilespmem:s18+$0x2D60 ss:$0x21] =	vst.msk $0xffff, v7  }
0xe: {  	[tilespmem:s18+$0x2F70 ss:$0x21] =	vst.msk $0xffff, v6  }
0xf: {  	[tilespmem:s18+$0x3390 ss:$0x21] =	vst.msk $0xffff, v3  }
0x10: {  	s21 =	sor.u32 s24, s23;
	v31 =	vld.idx.msk [tilespmem:v0+s16+$0xC70 ss:$0x1], $0xffff;
	[tilespmem:s18+$0x35A0 ss:$0x21] =	vst.msk $0xffff, v1  }
0x11: {  	[tilespmem:s18+$0x37B0 ss:$0x21] =	vst.msk $0xffff, v2;
	v43 =	vld.idx.msk [tilespmem:v0+s21+$0x410 ss:$0x1], $0xffff  }
0x12: {  	[tilespmem:s18+$0x39C0 ss:$0x21] =	vst.msk $0xffff, v4;
	v44 =	vld.idx.msk [tilespmem:v0+s21+$0x420 ss:$0x1], $0xffff  }
0x13: {  	[tilespmem:s18+$0x3BD0 ss:$0x21] =	vst.msk $0xffff, v5;
	s22 =	sand.u32 $0x3200, s21;
	v45 =	vld.idx.msk [tilespmem:v0+s21+$0x430 ss:$0x1], $0xffff  }
0x14: {  	s20 =	sand.u32 $0x180, s20;
	s25 =	sshra.s32 s19, $0x2;
	[tilespmem:s18+$0x3DE0 ss:$0x21] =	vst.msk $0xffff, v8;
	v46 =	vld.idx.msk [tilespmem:v0+s21+$0x440 ss:$0x1], $0xffff;
	s15 =	sadd.s32 s22, s15  }
0x15: {  	v47 =	vld.idx.msk [tilespmem:v0+s21+$0x450 ss:$0x1], $0xffff;
	s24 =	sadd.s32 s20, s15;
	s15 =	sadd.s32 s25, s17;
	[tilespmem:s18+$0x3FF0 ss:$0x21] =	vst.msk $0xffff, v31  }
0x16: {  	v48 =	vld.idx.msk [tilespmem:v0+s21+$0x460 ss:$0x1], $0xffff;
	[tilespmem:s15+$0x1290 ss:$0x21] =	vst.msk $0xffff, v43  }
0x17: {  	v49 =	vld.idx.msk [tilespmem:v0+s21+$0x470 ss:$0x1], $0xffff;
	[tilespmem:s15+$0x14A0 ss:$0x21] =	vst.msk $0xffff, v44  }
0x18: {  	v50 =	vld.idx.msk [tilespmem:v0+s21+$0x810 ss:$0x1], $0xffff;
	[tilespmem:s15+$0x16B0 ss:$0x21] =	vst.msk $0xffff, v45  }
0x19: {  	v51 =	vld.idx.msk [tilespmem:v0+s21+$0x820 ss:$0x1], $0xffff;
	[tilespmem:s15+$0x18C0 ss:$0x21] =	vst.msk $0xffff, v46  }
0x1a: {  	v52 =	vld.idx.msk [tilespmem:v0+s21+$0x830 ss:$0x1], $0xffff;
	[tilespmem:s15+$0x1AD0 ss:$0x21] =	vst.msk $0xffff, v47  }
0x1b: {  	v53 =	vld.idx.msk [tilespmem:v0+s21+$0x840 ss:$0x1], $0xffff;
	[tilespmem:s15+$0x1CE0 ss:$0x21] =	vst.msk $0xffff, v48  }
0x1c: {  	v54 =	vld.idx.msk [tilespmem:v0+s21+$0x850 ss:$0x1], $0xffff;
	[tilespmem:s15+$0x1EF0 ss:$0x21] =	vst.msk $0xffff, v49  }
0x1d: {  	v55 =	vld.idx.msk [tilespmem:v0+s21+$0x860 ss:$0x1], $0xffff;
	[tilespmem:s15+$0x2310 ss:$0x21] =	vst.msk $0xffff, v50  }
0x1e: {  	v56 =	vld.idx.msk [tilespmem:v0+s21+$0x870 ss:$0x1], $0xffff;
	[tilespmem:s15+$0x2520 ss:$0x21] =	vst.msk $0xffff, v51  }
0x1f: {  	v57 =	vld.idx.msk [tilespmem:v0+s21+$0xC10 ss:$0x1], $0xffff;
	[tilespmem:s15+$0x2730 ss:$0x21] =	vst.msk $0xffff, v52  }
0x20: {  	v58 =	vld.idx.msk [tilespmem:v0+s21+$0xC20 ss:$0x1], $0xffff;
	[tilespmem:s15+$0x2940 ss:$0x21] =	vst.msk $0xffff, v53  }
0x21: {  	v59 =	vld.idx.msk [tilespmem:v0+s21+$0xC30 ss:$0x1], $0xffff;
	[tilespmem:s15+$0x2B50 ss:$0x21] =	vst.msk $0xffff, v54  }
0x22: {  	v60 =	vld.idx.msk [tilespmem:v0+s21+$0xC40 ss:$0x1], $0xffff;
	[tilespmem:s15+$0x2D60 ss:$0x21] =	vst.msk $0xffff, v55  }
0x23: {  	v61 =	vld.idx.msk [tilespmem:v0+s21+$0xC50 ss:$0x1], $0xffff;
	[tilespmem:s15+$0x2F70 ss:$0x21] =	vst.msk $0xffff, v56  }
0x24: {  	v62 =	vld.idx.msk [tilespmem:v0+s21+$0xC60 ss:$0x1], $0xffff;
	[tilespmem:s15+$0x3390 ss:$0x21] =	vst.msk $0xffff, v57  }
0x25: {  	v63 =	vld.idx.msk [tilespmem:v0+s21+$0xC70 ss:$0x1], $0xffff;
	[tilespmem:s15+$0x35A0 ss:$0x21] =	vst.msk $0xffff, v58  }
0x26: {  	v32 =	vld [tilespmem:s24+$0xC00];
	[tilespmem:s15+$0x37B0 ss:$0x21] =	vst.msk $0xffff, v59  }
0x27: {  	v33 =	vld [tilespmem:s24+$0x0];
	[tilespmem:s15+$0x39C0 ss:$0x21] =	vst.msk $0xffff, v60  }
0x28: {  	v34 =	vld [tilespmem:s24+$0x10];
	[tilespmem:s15+$0x3BD0 ss:$0x21] =	vst.msk $0xffff, v61  }
0x29: {  	s13 =	sshll.u32 s13, $0x7;
	s26 =	sshll.u32 s12, $0x3;
	v35 =	vld [tilespmem:s24+$0x20];
	[tilespmem:s15+$0x3DE0 ss:$0x21] =	vst.msk $0xffff, v62  }
0x2a: {  	s27 =	sand.u32 $0xFFFFFC00, s13;
	s16 =	sand.u32 $0xFFFFFC00, s26;
	v36 =	vld [tilespmem:s24+$0x30];
	[tilespmem:s15+$0x3FF0 ss:$0x21] =	vst.msk $0xffff, v63  }
0x2b: {  	s13 =	sand.u32 $0x380, s13;
	s16 =	sadd.s32 s16, s27;
	v37 =	vld [tilespmem:s24+$0x40];
	[tilespmem:s15+$0x3180 ss:$0x21] =	vst.msk $0xffff, v32  }
0x2c: {  	s13 =	sor.u32 s13, s16;
	v38 =	vld [tilespmem:s24+$0x50];
	[tilespmem:s15+$0x0 ss:$0x21] =	vst.msk $0xffff, v33  }
0x2d: {  	v39 =	vld [tilespmem:s24+$0x60];
	s13 =	sshrl.u32 s13, $0x7;
	[tilespmem:s15+$0x210 ss:$0x21] =	vst.msk $0xffff, v34  }
0x2e: {  	v40 =	vld [tilespmem:s24+$0x70];
	s28 =	smulhi.u32 $0x14F8B59, s13;
	[tilespmem:s15+$0x420 ss:$0x21] =	vst.msk $0xffff, v35  }
0x2f: {  	v41 =	vld [tilespmem:s24+$0x400];
	[tilespmem:s15+$0x630 ss:$0x21] =	vst.msk $0xffff, v36  }
0x30: {  	v42 =	vld [tilespmem:s24+$0x800];
	s16 =	sshrl.u32 s28, $0xD;
	[tilespmem:s15+$0x840 ss:$0x21] =	vst.msk $0xffff, v37  }
0x31: {  	s16 =	smul.u32 $0x186A00, s16;
	[tilespmem:s15+$0xA50 ss:$0x21] =	vst.msk $0xffff, v38  }
0x32: {  	s29 =	sshrl.u32 s12, $0x3;
	[tilespmem:s15+$0xC60 ss:$0x21] =	vst.msk $0xffff, v39  }
0x33: {  	s31 =	sand.u32 $0x7, s12;
	s30 =	sand.u32 $0xF, s29;
	[tilespmem:s15+$0xE70 ss:$0x21] =	vst.msk $0xffff, v40;
	s13 =	ssub.s32 s13, s16  }
0x34: {  	s12 =	sshll.u32 s31, $0x12;
	[tilespmem:s15+$0x1080 ss:$0x21] =	vst.msk $0xffff, v41;
	s16 =	sadd.s32 s6, s30;
	s13 =	sshll.u32 s13, $0x4  }
0x35: {  	s12 =	sor.u32 $0x20, s12;
	[tilespmem:s15+$0x2100 ss:$0x21] =	vst.msk $0xffff, v42;
	s13 =	sadd.s32 s13, s16  }
0x36: {  	[hbm4b:s13+s12] =	stream.strided.scatter [tilespmem:s14], [sflag:$0x2], $0x4000, s8, s12, $0x10;
	[tilespmem:$0x10400] =	vst v63  }
.LBB1_5:
0x37: {  	s14 =	sadd.s32 $0x4000, s9  }
0x38: {  	s12 =	sadd.s32 $0x20, s10;
	s16 =	smov.u32 s10;
	p2 =	sgt.s32 s14, $0x1869FF  }
0x39: {  	s16 =	smov.u32 @p2 s12  }
0x3a: {  	s14 =	smov.u32 @p2 s2;
	p2 =	sgt.s32 s16, $0x17  }
0x3b: {  	s16 =	simm.s32 @p2 $0x0;
	p2 =	sne.s32 s11, s7  }
.Ltmp1:
0x3c: {  	p1 =	slt.u32 s11, $0x2;
	(pc) =	sbr.rel @!p2 .LBB1_6-.Ltmp1, $4  }
0x3d: {  	s15 =	simm.s32 @!p1 $0x2  }
0x3e: {  	s13 =	smov.u32 s9;
	p0 =	por !p0, !p0;
	_ =	swait.ge @!p1 [sflag:s15], $0x4000  }
0x3f: {  	s12 =	smov.u32 s10;
	[sflag:s15] =	ssyncset.done @!p1 $0x0;
	s9 =	smov.u32 s14  }
0x40: {  	s11 =	sadd.s32 $0x1, s11;
	[sflag:s15] =	ssyncadd.s32 @!p1 $0xFFFFC000;
	s10 =	smov.u32 s16  }
.LBB1_1:
0x41: {  	p1 =	sge.u32 s11, s5  }
0x42: {  	s14 =	sshrl.u32 @!p1 s10, $0x3  }
0x43: {  	s20 =	smov.u32 s9;
	s15 =	sshll.u32 @!p1 s9, $0x3;
	s14 =	smul.u32 @!p1 $0xC35000, s14  }
0x44: {  	s31 =	sadd.s32 $0xFFFFFFFF, s11;
	s16 =	sshll.u32 @!p1 s10, $0x7;
	s15 =	sand.u32 @!p1 $0xFFFFFC00, s15  }
0x45: {  	s17 =	sand.u32 @!p1 $0x7F, s9;
	s14 =	sadd.s32 @!p1 s14, s15;
	s15 =	sand.u32 @!p1 $0x380, s16  }
0x46: {  	p2 =	sgt.s32 @!p1 s10, $0xFFFFFFF8;
	s19 =	sshra.s32 @!p1 s10, $0x1F;
	s14 =	sor.u32 @!p1 s15, s14  }
0x47: {  	s21 =	sshra.s32 @!p1 s9, $0x1F;
	p2 =	por !p2, p1;
	s15 =	sshrl.u32 @!p1 s14, $0x9  }
0x48: {  	s14 =	sor.u32 @!p1 s17, s14;
	s17 =	smov.u32 s10;
	s15 =	smulhi.u32 @!p1 $0xA7C5AD, s15  }
0x49: {  	s19 =	sand.u32 @!p1 s19, s10;
	s17 =	simm.s32 @p2 $0xFFFFFFF8;
	p2 =	sgt.s32 @!p1 s9, $0x186800  }
0x4a: {  	s21 =	sand.u32 @!p1 s21, s9;
	p2 =	por !p2, p1;
	s15 =	sshrl.u32 @!p1 s15, $0x3  }
0x4b: {  	s16 =	sxor.u32 @!p1 $0xFFFFFFFF, s11;
	s20 =	simm.s32 @p2 $0x186800;
	s18 =	smul.u32 @!p1 $0xAAB, s15  }
0x4c: {  	s16 =	sshll.u32 @!p1 s16, $0xE;
	s17 =	ssub.s32 @!p1 s17, s19;
	s19 =	ssub.s32 @!p1 s20, s21  }
0x4d: {  	s20 =	sadd.s32 @!p1 $0x8, s17;
	s17 =	ssub.s32 @!p1 $0x18, s17;
	s18 =	sshrl.u32 @!p1 s18, $0x10  }
0x4e: {  	s21 =	sadd.s32 @!p1 $0xFFE79800, s19;
	p2 =	sgt.s32 @!p1 s20, $0x1F;
	s18 =	smul.u32 @!p1 $0x18, s18  }
0x4f: {  	s19 =	ssub.s32 @!p1 $0x186A00, s19;
	p3 =	sgt.s32 @!p1 s21, $0x1FF;
	p2 =	por !p2, p1  }
0x50: {  	p3 =	por !p3, p1;
	s18 =	ssub.s32 @!p1 s15, s18;
	s15 =	smul.u32 @!p1 $0x186A00, s15  }
0x51: {  	s16 =	sand.u32 @!p1 $0x4000, s16;
	s17 =	simm.s32 @!p2 $0x0;
	s19 =	simm.s32 @!p3 $0x0  }
0x52: {  	s17 =	smul.u32 @!p1 s17, s19;
	s14 =	ssub.s32 @!p1 s14, s15;
	s15 =	sand.u32 @!p1 $0xFFFF, s18  }
0x53: {  	s15 =	smul.u32 @!p1 $0x30D40, s15;
	s18 =	sshrl.u32 @!p1 s14, $0x3;
	s14 =	sand.u32 @!p1 $0x7, s14  }
0x54: {  	s17 =	sand.u32 @!p1 $0x3FFFFFFF, s17;
	s18 =	sadd.s32 @!p1 s3, s18;
	s14 =	sshll.u32 @!p1 s14, $0x12  }
0x55: {  	s15 =	sadd.s32 @!p1 s15, s18;
	s14 =	sor.u32 @!p1 $0x1000, s14;
	s18 =	simm.s32 @!p1 $0xC35000  }
0x56: {  	[tilespmem:s16], [sflag:$0x1] =	stream.strided.gather @!p1 [hbm4b:s15+s14], s17, s18, s14, $0x38;
	[tilespmem:$0x10400] =	vst v63  }
0x57: {  	p1 =	sge.u32 s31, s5  }
.Ltmp2:
0x58: {  	_ = 	snop;
	(pc) =	sbr.rel @p1 .LBB1_5-.Ltmp2, $1  }
0x59: {  	_ =	sdelay $0x3  }
0x5a: {  	p1 =	sgt.s32 s12, $0xFFFFFFF8  }
0x5b: {  	s14 =	smov.u32 s12;
	s15 =	sshra.s32 s12, $0x1F;
	s16 =	smov.u32 s13  }
0x5c: {  	s17 =	sshra.s32 s13, $0x1F;
	s14 =	simm.s32 @!p1 $0xFFFFFFF8;
	p1 =	sgt.s32 s13, $0x186800  }
0x5d: {  	s15 =	sand.u32 s15, s12;
	s24 =	sand.u32 s17, s13;
	s16 =	simm.s32 @!p1 $0x186800  }
0x5e: {  	s14 =	ssub.s32 s14, s15;
	s15 =	ssub.s32 s16, s24  }
0x5f: {  	s25 =	sadd.s32 $0x8, s14;
	s17 =	ssub.s32 $0x18, s14;
	s16 =	sadd.s32 $0xFFE79800, s15  }
0x60: {  	p1 =	sgt.s32 s25, $0x1F;
	s15 =	ssub.s32 $0x186A00, s15;
	p2 =	sgt.s32 s16, $0x1FF  }
0x61: {  	s26 =	sand.u32 $0x1, s11;
	s17 =	simm.s32 @p1 $0x0;
	s15 =	simm.s32 @p2 $0x0  }
0x62: {  	s27 =	smul.u32 s17, s15;
	s15 =	sshll.u32 s26, $0xE  }
0x63: {  	v0 =	vmov s15  }
0x64: {  	s18 =	simm.s32 $0x0;
	s16 =	sand.u32 $0x3FFFFFFF, s27  }
0x65: {  	s29 =	sand.u32 $0x3000, s18;
	_ =	swait.ge [sflag:s4], s16  }
0x66: {  	s19 =	sand.u32 $0x380, s18;
	s28 =	ssub.s32 $0x0, s16;
	[sflag:s4] =	ssyncset.done $0x0  }
0x67: {  	s16 =	sor.u32 s19, s29;
	[sflag:s4] =	ssyncadd.s32 s28  }
0x68: {  	v1 =	vld.idx.msk [tilespmem:v0+s16+$0x410 ss:$0x1], $0xffff  }
0x69: {  	s19 =	simm.s32 $0x1;
	v2 =	vld.idx.msk [tilespmem:v0+s16+$0x420 ss:$0x1], $0xffff  }
0x6a: {  	s19 =	simm.s32 @!p0 $0x0;
	v3 =	vld.idx.msk [tilespmem:v0+s16+$0x430 ss:$0x1], $0xffff  }
0x6b: {  	s30 =	sand.u32 $0x3200, s16;
	s31 =	smul.u32 $0x10800, s19;
	v10 =	vld.idx.msk [tilespmem:v0+s16+$0x820 ss:$0x1], $0xffff  }
0x6c: {  	s18 =	sand.u32 $0x180, s18;
	s17 =	sadd.s32 s30, s15;
	v11 =	vld.idx.msk [tilespmem:v0+s16+$0x830 ss:$0x1], $0xffff  }
0x6d: {  	s20 =	sadd.s32 s18, s17;
	v12 =	vld.idx.msk [tilespmem:v0+s16+$0x840 ss:$0x1], $0xffff;
	s17 =	sshrl.u32 s31, $0x2  }
0x6e: {  	v13 =	vld.idx.msk [tilespmem:v0+s16+$0x850 ss:$0x1], $0xffff;
	s17 =	sor.u32 $0x8000, s17  }
0x6f: {  	v4 =	vld [tilespmem:s20+$0xC00];
	s18 =	sadd.s32 $0x0, s17  }
0x70: {  	v5 =	vld [tilespmem:s20+$0x0];
	[tilespmem:s18+$0x1290 ss:$0x21] =	vst.msk $0xffff, v1  }
0x71: {  	v6 =	vld [tilespmem:s20+$0x10];
	[tilespmem:s18+$0x14A0 ss:$0x21] =	vst.msk $0xffff, v2  }
0x72: {  	v7 =	vld [tilespmem:s20+$0x20];
	[tilespmem:s18+$0x16B0 ss:$0x21] =	vst.msk $0xffff, v3  }
0x73: {  	v8 =	vld [tilespmem:s20+$0x30];
	[tilespmem:s18+$0x2520 ss:$0x21] =	vst.msk $0xffff, v10  }
0x74: {  	v9 =	vld [tilespmem:s20+$0x40];
	[tilespmem:s18+$0x2730 ss:$0x21] =	vst.msk $0xffff, v11  }
0x75: {  	v3 =	vld.idx.msk [tilespmem:v0+s16+$0xC10 ss:$0x1], $0xffff;
	[tilespmem:s18+$0x2940 ss:$0x21] =	vst.msk $0xffff, v12  }
0x76: {  	v1 =	vld.idx.msk [tilespmem:v0+s16+$0xC20 ss:$0x1], $0xffff;
	[tilespmem:s18+$0x2B50 ss:$0x21] =	vst.msk $0xffff, v13  }
0x77: {  	v2 =	vld.idx.msk [tilespmem:v0+s16+$0xC30 ss:$0x1], $0xffff;
	[tilespmem:s18+$0x3180 ss:$0x21] =	vst.msk $0xffff, v4  }
0x78: {  	[tilespmem:s18+$0x0 ss:$0x21] =	vst.msk $0xffff, v5;
	v4 =	vld [tilespmem:s20+$0x50]  }
0x79: {  	[tilespmem:s18+$0x210 ss:$0x21] =	vst.msk $0xffff, v6;
	v6 =	vld [tilespmem:s20+$0x70]  }
0x7a: {  	v5 =	vld [tilespmem:s20+$0x60];
	[tilespmem:s18+$0x420 ss:$0x21] =	vst.msk $0xffff, v7  }
0x7b: {  	[tilespmem:s18+$0x630 ss:$0x21] =	vst.msk $0xffff, v8;
	v7 =	vld [tilespmem:s20+$0x400]  }
0x7c: {  	[tilespmem:s18+$0x840 ss:$0x21] =	vst.msk $0xffff, v9;
	v8 =	vld [tilespmem:s20+$0x800]  }
0x7d: {  	v9 =	vld.idx.msk [tilespmem:v0+s16+$0x470 ss:$0x1], $0xffff;
	[tilespmem:s18+$0xA50 ss:$0x21] =	vst.msk $0xffff, v4  }
0x7e: {  	[tilespmem:s18+$0xE70 ss:$0x21] =	vst.msk $0xffff, v6;
	v6 =	vld.idx.msk [tilespmem:v0+s16+$0x460 ss:$0x1], $0xffff  }
0x7f: {  	v4 =	vld.idx.msk [tilespmem:v0+s16+$0x440 ss:$0x1], $0xffff;
	[tilespmem:s18+$0xC60 ss:$0x21] =	vst.msk $0xffff, v5  }
0x80: {  	v5 =	vld.idx.msk [tilespmem:v0+s16+$0x450 ss:$0x1], $0xffff;
	[tilespmem:s18+$0x1080 ss:$0x21] =	vst.msk $0xffff, v7  }
0x81: {  	[tilespmem:s18+$0x2100 ss:$0x21] =	vst.msk $0xffff, v8;
	v8 =	vld.idx.msk [tilespmem:v0+s16+$0x810 ss:$0x1], $0xffff  }
0x82: {  	v7 =	vld.idx.msk [tilespmem:v0+s16+$0x860 ss:$0x1], $0xffff;
	[tilespmem:s18+$0x1EF0 ss:$0x21] =	vst.msk $0xffff, v9  }
0x83: {  	s14 =	smul.u32 $0x10800, s26;
	[tilespmem:s18+$0x1CE0 ss:$0x21] =	vst.msk $0xffff, v6;
	v6 =	vld.idx.msk [tilespmem:v0+s16+$0x870 ss:$0x1], $0xffff  }
0x84: {  	s21 =	simm.s32 $0x200;
	s22 =	simm.s32 $0x8;
	[tilespmem:s18+$0x18C0 ss:$0x21] =	vst.msk $0xffff, v4;
	v4 =	vld.idx.msk [tilespmem:v0+s16+$0xC40 ss:$0x1], $0xffff  }
0x85: {  	s23 =	sand.u32 $0x3000, s21;
	s14 =	sshrl.u32 s14, $0x2;
	s20 =	simm.s32 $0x80;
	[tilespmem:s18+$0x1AD0 ss:$0x21] =	vst.msk $0xffff, v5;
	v5 =	vld.idx.msk [tilespmem:v0+s16+$0xC50 ss:$0x1], $0xffff  }
0x86: {  	s14 =	sor.u32 $0x8000, s14;
	s19 =	simm.s32 $0x4;
	s24 =	sand.u32 $0x380, s20;
	[tilespmem:s18+$0x2310 ss:$0x21] =	vst.msk $0xffff, v8;
	v8 =	vld.idx.msk [tilespmem:v0+s16+$0xC60 ss:$0x1], $0xffff  }
.LBB1_3:
0x87: {  	p1 =	sne.s32 s22, $0x7C;
	[tilespmem:s18+$0x2D60 ss:$0x21] =	vst.msk $0xffff, v7;
	v7 =	vld.idx.msk [tilespmem:v0+s16+$0xC70 ss:$0x1], $0xffff;
	s16 =	sor.u32 s24, s23  }
0x88: {  	s23 =	sand.u32 $0x3200, s16;
	v9 =	vld.idx.msk [tilespmem:v0+s16+$0x410 ss:$0x1], $0xffff;
	[tilespmem:s18+$0x2F70 ss:$0x21] =	vst.msk $0xffff, v6  }
0x89: {  	s24 =	sand.u32 $0x180, s20;
	s23 =	sadd.s32 s23, s15;
	v6 =	vld.idx.msk [tilespmem:v0+s16+$0x420 ss:$0x1], $0xffff;
	[tilespmem:s18+$0x3390 ss:$0x21] =	vst.msk $0xffff, v3  }
0x8a: {  	s23 =	sadd.s32 s24, s23;
	v3 =	vld.idx.msk [tilespmem:v0+s16+$0x430 ss:$0x1], $0xffff;
	[tilespmem:s18+$0x35A0 ss:$0x21] =	vst.msk $0xffff, v1  }
0x8b: {  	v1 =	vld [tilespmem:s23+$0xC00];
	[tilespmem:s18+$0x37B0 ss:$0x21] =	vst.msk $0xffff, v2  }
0x8c: {  	v2 =	vld [tilespmem:s23+$0x0];
	[tilespmem:s18+$0x39C0 ss:$0x21] =	vst.msk $0xffff, v4  }
0x8d: {  	v4 =	vld [tilespmem:s23+$0x10];
	[tilespmem:s18+$0x3BD0 ss:$0x21] =	vst.msk $0xffff, v5  }
0x8e: {  	s24 =	sshra.s32 s19, $0x2;
	s19 =	smov.u32 s22;
	v5 =	vld [tilespmem:s23+$0x20];
	[tilespmem:s18+$0x3DE0 ss:$0x21] =	vst.msk $0xffff, v8  }
0x8f: {  	v8 =	vld [tilespmem:s23+$0x30];
	[tilespmem:s18+$0x3FF0 ss:$0x21] =	vst.msk $0xffff, v7;
	s18 =	sadd.s32 s24, s17  }
0x90: {  	v7 =	vld [tilespmem:s23+$0x40];
	[tilespmem:s18+$0x3180 ss:$0x21] =	vst.msk $0xffff, v1  }
0x91: {  	[tilespmem:s18+$0x0 ss:$0x21] =	vst.msk $0xffff, v2;
	v1 =	vld [tilespmem:s23+$0x50]  }
0x92: {  	[tilespmem:s18+$0x210 ss:$0x21] =	vst.msk $0xffff, v4;
	v2 =	vld [tilespmem:s23+$0x60]  }
0x93: {  	[tilespmem:s18+$0x420 ss:$0x21] =	vst.msk $0xffff, v5;
	v4 =	vld [tilespmem:s23+$0x70]  }
0x94: {  	[tilespmem:s18+$0x630 ss:$0x21] =	vst.msk $0xffff, v8;
	v5 =	vld [tilespmem:s23+$0x400]  }
0x95: {  	[tilespmem:s18+$0x840 ss:$0x21] =	vst.msk $0xffff, v7;
	v7 =	vld [tilespmem:s23+$0x800]  }
0x96: {  	[tilespmem:s18+$0xA50 ss:$0x21] =	vst.msk $0xffff, v1;
	v1 =	vld.idx.msk [tilespmem:v0+s16+$0x440 ss:$0x1], $0xffff  }
0x97: {  	[tilespmem:s18+$0xC60 ss:$0x21] =	vst.msk $0xffff, v2;
	v2 =	vld.idx.msk [tilespmem:v0+s16+$0x450 ss:$0x1], $0xffff  }
0x98: {  	[tilespmem:s18+$0xE70 ss:$0x21] =	vst.msk $0xffff, v4;
	v4 =	vld.idx.msk [tilespmem:v0+s16+$0x460 ss:$0x1], $0xffff  }
0x99: {  	[tilespmem:s18+$0x1080 ss:$0x21] =	vst.msk $0xffff, v5;
	v5 =	vld.idx.msk [tilespmem:v0+s16+$0x470 ss:$0x1], $0xffff  }
0x9a: {  	[tilespmem:s18+$0x2100 ss:$0x21] =	vst.msk $0xffff, v7;
	v8 =	vld.idx.msk [tilespmem:v0+s16+$0x810 ss:$0x1], $0xffff  }
0x9b: {  	[tilespmem:s18+$0x1290 ss:$0x21] =	vst.msk $0xffff, v9;
	v9 =	vld.idx.msk [tilespmem:v0+s16+$0x820 ss:$0x1], $0xffff  }
0x9c: {  	[tilespmem:s18+$0x14A0 ss:$0x21] =	vst.msk $0xffff, v6;
	v10 =	vld.idx.msk [tilespmem:v0+s16+$0x830 ss:$0x1], $0xffff  }
0x9d: {  	[tilespmem:s18+$0x16B0 ss:$0x21] =	vst.msk $0xffff, v3;
	v11 =	vld.idx.msk [tilespmem:v0+s16+$0x840 ss:$0x1], $0xffff  }
0x9e: {  	[tilespmem:s18+$0x18C0 ss:$0x21] =	vst.msk $0xffff, v1;
	v12 =	vld.idx.msk [tilespmem:v0+s16+$0x850 ss:$0x1], $0xffff  }
0x9f: {  	[tilespmem:s18+$0x1AD0 ss:$0x21] =	vst.msk $0xffff, v2;
	v7 =	vld.idx.msk [tilespmem:v0+s16+$0x860 ss:$0x1], $0xffff  }
0xa0: {  	[tilespmem:s18+$0x1CE0 ss:$0x21] =	vst.msk $0xffff, v4;
	v6 =	vld.idx.msk [tilespmem:v0+s16+$0x870 ss:$0x1], $0xffff  }
0xa1: {  	[tilespmem:s18+$0x1EF0 ss:$0x21] =	vst.msk $0xffff, v5;
	v3 =	vld.idx.msk [tilespmem:v0+s16+$0xC10 ss:$0x1], $0xffff  }
.Ltmp3:
0xa2: {  	[tilespmem:s18+$0x2310 ss:$0x21] =	vst.msk $0xffff, v8;
	v1 =	vld.idx.msk [tilespmem:v0+s16+$0xC20 ss:$0x1], $0xffff;
	(pc) =	sbr.rel @p1 .LBB1_3-.Ltmp3, $4  }
0xa3: {  	[tilespmem:s18+$0x2520 ss:$0x21] =	vst.msk $0xffff, v9;
	v2 =	vld.idx.msk [tilespmem:v0+s16+$0xC30 ss:$0x1], $0xffff  }
0xa4: {  	[tilespmem:s18+$0x2730 ss:$0x21] =	vst.msk $0xffff, v10;
	v4 =	vld.idx.msk [tilespmem:v0+s16+$0xC40 ss:$0x1], $0xffff  }
0xa5: {  	s20 =	sadd.s32 $0x80, s20;
	s21 =	sadd.s32 $0x200, s21;
	[tilespmem:s18+$0x2940 ss:$0x21] =	vst.msk $0xffff, v11;
	v5 =	vld.idx.msk [tilespmem:v0+s16+$0xC50 ss:$0x1], $0xffff  }
0xa6: {  	s22 =	sadd.s32 $0x4, s22;
	s24 =	sand.u32 $0x380, s20;
	s23 =	sand.u32 $0x3000, s21;
	[tilespmem:s18+$0x2B50 ss:$0x21] =	vst.msk $0xffff, v12;
	v8 =	vld.idx.msk [tilespmem:v0+s16+$0xC60 ss:$0x1], $0xffff  }
.Ltmp4:
0xa7: {  	_ = 	snop;
	(pc) =	sbr.rel .LBB1_4-.Ltmp4, $1  }
0xa8: {  	_ =	sdelay $0x3  }
.LBB1_6:
0xa9: {  	_ =	sfence.sel $0x180000  }
0xaa: {  	s2 =	simm.s32 $0x1;
	[bflag:$0x0] =	sbarrier.arrive $0xFFFF  }
0xab: {  	s31 =	simm.s32 $0x2;
	[sflag:s2] =	ssyncpa.u1 $0x1  }
0xac: {  	[sflag:s31] =	ssyncpa.u1 $0x1  }
0xad: {  	p0 =	sne.s32 s0, $0x0;
	_ =	strace $0x90000047  }
0xae: {  	s0 =	sadd.s32 @!p0 $0x100000, s1;
	[bflag:$0x2] =	sbarrier.arrive $0xFFFF  }
0xaf: {  	[sflag:s0] =	ssyncadd.tile.s32 @!p0 $0x1;
	_ =	shalt  }
.Lfunc_end1:
_tile_overlayer_lowered:
.L_overlay_start_2:
0xb0: {  	(tag) =	ssettag $0x2  }
0xb1: {  	s0 =	rddreg [dreg:$0x0];
	s2 =	stileid.u32  }
0xb2: {  	s1 =	rddreg [dreg:$0x1];
	p0 =	sne.s32 s2, $0x0  }
0xb3: {  	s3 =	rddreg [dreg:$0x2];
	[bflag:$0x3] =	sbarrier.arrive $0xFFFF;
	s2 =	simm.s32 @!p0 $0x1C01  }
0xb4: {  	[timem:s3], [sflag:s2] =	dma.local @!p0 [hbm:s0], s1  }
0xb5: {  	s0 =	simm.s32 @!p0 $0x1  }
0xb6: {  	_ =	swait.ge @!p0 [sflag:s0], s1  }
0xb7: {  	s1 =	ssub.s32 @!p0 $0x0, s1;
	[sflag:s0] =	ssyncset.done @!p0 $0x0  }
0xb8: {  	[sflag:s0] =	ssyncadd.s32 @!p0 s1  }
0xb9: {  	[bflag:$0x3] =	sbarrier.arrive $0xFFFF  }
0xba: {  	_ =	shalt  }

// kernel: sparse-core-data-format-call.cloned.1.call-start
scs
called_computation_lowered:
.L_overlay_start_0:
0x0: {  	s2 =	sld [smem:$0x3FD9]  }
0x1: {  	s3 =	sld [smem:$0x3FFE];
	_ =	sdelay $0x1  }
0x2: {  	s1 =	srdreg.scid  }
0x3: {  	s0 =	sand.u32 $0x1, s1  }
0x4: {  	s18 =	sshll.u32 s0, $0xA;
	s2 =	sadd.s32 s3, s2  }
0x5: {  	s2 =	sadd.s32 s2, s18  }
0x6: {  	[smem:$0x3FC1] =	sst s2  }
0x7: {  	_ = 	snop  }
0x8: {  	(tm) =	ssettm $0x1  }
0x9: {  	s19 =	sld [smem:$0x3FFB];
	_ =	sdelay $0x3  }
0xa: {  	_ =	strace s19  }
0xb: {  	s2 =	sld [smem:$0x3FFC];
	_ =	sdelay $0x3  }
0xc: {  	_ =	strace s2  }
0xd: {  	s2 =	sld [smem:$0x3FFD];
	_ =	sdelay $0x3  }
0xe: {  	_ =	strace s2  }
0xf: {  	_ =	strace $0x8FFFFFFF  }
0x10: {  	s20 =	sld [smem:$0x3FDB];
	_ =	sdelay $0x1  }
0x11: {  	s21 =	simm.s32 $_scs_section_size  }
0x12: {  	s4 =	simm.s32 $_size__tile_overlayer_lowered;
	s5 =	simm.s32 $_tile_overlayer_lowered  }
0x13: {  	s6 =	simm.s32 $0x1BFF;
	s22 =	sshll.u32 s5, $0x1;
	s3 =	sadd.s32 s21, s20  }
0x14: {  	s23 =	simm.s32 $0x0;
	s4 =	sshll.u32 s4, $0x1;
	s5 =	sadd.s32 s22, s3  }
0x15: {  	[timem:s23], [sflag:s6] =	dma.local [hbm:s5], s4  }
0x16: {  	_ =	swait.ge [sflag:s6], s4  }
0x17: {  	s4 =	ssub.s32 $0x0, s4;
	[sflag:s6] =	ssyncset.done $0x0  }
0x18: {  	[sflag:s6] =	ssyncadd.s32 s4;
	_ =	sdelay $0x1  }
0x19: {  	s24 =	simm.s32 $0x1B8B  }
0x1a: {  	_ =	swait.ge [sflag:s24], $0x1  }
0x1b: {  	[sflag:s24] =	ssyncset.done $0x0  }
0x1c: {  	[sflag:s24] =	ssyncadd.s32 $0xFFFFFFFF  }
0x1d: {  	s4 =	sld [smem:$0x0]  }
0x1e: {  	s5 =	sand.u32 $0xFFFFFFFE, s1  }
0x1f: {  	p0 =	sne.s32 s1, s5  }
0x20: {  	s5 =	sshll.u32 @p0 s5, $0xE  }
0x21: {  	s5 =	sadd.s32 @p0 $0x11B8D, s5;
	s6 =	sshll.u32 @p0 s4, $0x11  }
0x22: {  	s5 =	sor.u32 @p0 s6, s5  }
0x23: {  	[sflag:s5] =	ssyncadd.remote.s32 @p0 $0x1;
	_ =	sdelay $0x1  }
0x24: {  	s5 =	simm.s32 @p0 $0x1B8D  }
0x25: {  	_ =	swait.eq @p0 [sflag:s5], $0x1  }
0x26: {  	[sflag:s5] =	ssyncadd.s32 @p0 $0xFFFFFFFF  }
0x27: {  	s6 =	sshll.u32 @!p0 s1, $0xE  }
0x28: {  	s6 =	sor.u32 @!p0 $0x4000, s6;
	s5 =	simm.s32 @!p0 $0x1B8D  }
0x29: {  	s4 =	sshll.u32 @!p0 s4, $0x11;
	s6 =	sadd.s32 @!p0 $0x11B8D, s6;
	_ =	swait.eq @!p0 [sflag:s5], $0x1  }
0x2a: {  	s4 =	sor.u32 @!p0 s4, s6;
	[sflag:s5] =	ssyncadd.s32 @!p0 $0xFFFFFFFF  }
0x2b: {  	s26 =	simm.s32 $0x1B8E;
	s25 =	sld [smem:$0x3FFE];
	[sflag:s4] =	ssyncadd.remote.s32 @!p0 $0x1  }
0x2c: {  	s27 =	simm.s32 $execute0_lowered;
	[smem:$0x3FD2] =	sst s26  }
0x2d: {  	s5 =	sshll.u32 s27, $0x1;
	_ =	strace $0x80000049;
	[dreg:$0x1] =	wrdreg $0xFFFFFFFF  }
0x2e: {  	s28 =	simm.s32 $_size_execute0_lowered;
	s3 =	sadd.s32 s3, s5;
	[dreg:$0x0] =	wrdreg $0x0  }
0x2f: {  	s5 =	sshll.u32 s28, $0x1;
	[dreg:$0x2] =	wrdreg s3  }
0x30: {  	[dreg:$0x3] =	wrdreg s5  }
0x31: {  	[dreg:$0x4] =	wrdreg $0xC0  }
0x32: {  	_ =	task [dreg:s23], $0x5FFFF  }
0x33: {  	[dreg:$0x1] =	wrdreg $0xFFFFFFFF  }
0x34: {  	[dreg:$0x0] =	wrdreg $0x60  }
0x35: {  	[dreg:$0x2] =	wrdreg s25  }
0x36: {  	[dreg:$0x3] =	wrdreg $0x9  }
0x37: {  	_ =	task.clear_ibuf [dreg:s23], $0x4FFFF;
	_ =	strace $0x90000049  }
0x38: {  	s29 =	simm.s32 $0x9;
	_ =	strace $0x8000004B  }
0x39: {  	_ =	swait.ge [sflag:s29], $0x1  }
0x3a: {  	[sflag:s29] =	ssyncadd.s32 $0xFFFFFFFF  }
0x3b: {  	_ =	strace $0x9000004B  }
0x3c: {  	_ =	sfence  }
0x3d: {  	s30 =	sld [smem:$0x0];
	_ =	sdelay $0x2  }
0x3e: {  	s31 =	sshll.u32 s1, $0xD;
	s1 =	sshrl.u32 s1, $0x2  }
0x3f: {  	s4 =	sand.u32 $0x4000, s31;
	s1 =	sadd.s32 s1, s30  }
0x40: {  	s0 =	sor.u32 s4, s0;
	s1 =	sshll.u32 s1, $0x11  }
0x41: {  	s0 =	sor.u32 s1, s0  }
0x42: {  	s0 =	sadd.s32 $0x8F2B, s0  }
0x43: {  	[sflag:s0] =	ssyncadd.remote.s32 $0x1  }
0x44: {  	_ =	sfence.sel $0xFFFF  }
0x45: {  	[dreg:$0x0] =	wrdreg $0xFFFFFFFF;
	(pc) =	sbr.abs _section_cstart, $3  }
0x46: {  	[dreg:$0x1] =	wrdreg $0xFFFFFFFF  }
0x47: {  	_ =	task.clear_ibuf [dreg:s23], $0x2FFFF;
	_ =	strace $0x9FFFFFFF  }
0x48: {  	(tm) =	ssettm $0x7FFFFFFF  }
0x49: {  	_ =	shalt  }
tec
execute0_lowered:
.L_overlay_start_1:
0x0: {  	(tag) =	ssettag $0x1  }
0x1: {  	s0 =	srdreg.scid  }
0x2: {  	s6 =	rddreg [dreg:$0x0];
	s7 =	simm.s32 $0x1;
	s1 =	sshll.u32 s0, $0x4  }
0x3: {  	s8 =	simm.s32 $0x2;
	s0 =	stileid.u32;
	s1 =	sand.u32 $0x10, s1  }
0x4: {  	s13 =	simm.s32 $0x0;
	s12 =	simm.s32 $0x0;
	s1 =	sor.u32 s0, s1  }
0x5: {  	s10 =	simm.s32 $0x0;
	s3 =	sadd.s32 $0x231AA00, s6;
	s2 =	sshll.u32 s1, $0x9  }
0x6: {  	s11 =	simm.s32 $0x0;
	s6 =	sadd.s32 $0x27AE800, s6;
	s5 =	ssub.s32 $0x186A00, s2  }
.Ltmp0:
0x7: {  	s1 =	rddreg [dreg:$0x1];
	s4 =	sand.u32 $0x3E00, s5;
	(pc) =	sbr.rel .LBB1_1-.Ltmp0, $4  }
0x8: {  	_ =	strace $0x8000004A;
	s9 =	smov.u32 s2;
	p0 =	sne.s32 s4, $0x0  }
0x9: {  	s5 =	sshrl.u32 s5, $0xE;
	s4 =	simm.s32 $0x1;
	s7 =	simm.s32 @!p0 $0x0  }
0xa: {  	[sflag:s4] =	ssyncpa.u1 $0x0;
	p0 =	por $0x0, $0x0;
	s5 =	sadd.s32 s7, s5  }
0xb: {  	[sflag:s8] =	ssyncpa.u1 $0x0;
	s8 =	simm.s32 $0x80;
	s7 =	sadd.s32 $0x1, s5  }
.LBB1_4:
0xc: {  	_ = 	snop  }
0xd: {  	[tilespmem:s18+$0x2D60 ss:$0x21] =	vst.msk $0xffff, v7  }
0xe: {  	[tilespmem:s18+$0x2F70 ss:$0x21] =	vst.msk $0xffff, v6  }
0xf: {  	[tilespmem:s18+$0x3390 ss:$0x21] =	vst.msk $0xffff, v3  }
0x10: {  	s21 =	sor.u32 s24, s23;
	v31 =	vld.idx.msk [tilespmem:v0+s16+$0xC70 ss:$0x1], $0xffff;
	[tilespmem:s18+$0x35A0 ss:$0x21] =	vst.msk $0xffff, v1  }
0x11: {  	[tilespmem:s18+$0x37B0 ss:$0x21] =	vst.msk $0xffff, v2;
	v43 =	vld.idx.msk [tilespmem:v0+s21+$0x410 ss:$0x1], $0xffff  }
0x12: {  	[tilespmem:s18+$0x39C0 ss:$0x21] =	vst.msk $0xffff, v4;
	v44 =	vld.idx.msk [tilespmem:v0+s21+$0x420 ss:$0x1], $0xffff  }
0x13: {  	[tilespmem:s18+$0x3BD0 ss:$0x21] =	vst.msk $0xffff, v5;
	s22 =	sand.u32 $0x3200, s21;
	v45 =	vld.idx.msk [tilespmem:v0+s21+$0x430 ss:$0x1], $0xffff  }
0x14: {  	s20 =	sand.u32 $0x180, s20;
	s25 =	sshra.s32 s19, $0x2;
	[tilespmem:s18+$0x3DE0 ss:$0x21] =	vst.msk $0xffff, v8;
	v46 =	vld.idx.msk [tilespmem:v0+s21+$0x440 ss:$0x1], $0xffff;
	s15 =	sadd.s32 s22, s15  }
0x15: {  	v47 =	vld.idx.msk [tilespmem:v0+s21+$0x450 ss:$0x1], $0xffff;
	s24 =	sadd.s32 s20, s15;
	s15 =	sadd.s32 s25, s17;
	[tilespmem:s18+$0x3FF0 ss:$0x21] =	vst.msk $0xffff, v31  }
0x16: {  	v48 =	vld.idx.msk [tilespmem:v0+s21+$0x460 ss:$0x1], $0xffff;
	[tilespmem:s15+$0x1290 ss:$0x21] =	vst.msk $0xffff, v43  }
0x17: {  	v49 =	vld.idx.msk [tilespmem:v0+s21+$0x470 ss:$0x1], $0xffff;
	[tilespmem:s15+$0x14A0 ss:$0x21] =	vst.msk $0xffff, v44  }
0x18: {  	v50 =	vld.idx.msk [tilespmem:v0+s21+$0x810 ss:$0x1], $0xffff;
	[tilespmem:s15+$0x16B0 ss:$0x21] =	vst.msk $0xffff, v45  }
0x19: {  	v51 =	vld.idx.msk [tilespmem:v0+s21+$0x820 ss:$0x1], $0xffff;
	[tilespmem:s15+$0x18C0 ss:$0x21] =	vst.msk $0xffff, v46  }
0x1a: {  	v52 =	vld.idx.msk [tilespmem:v0+s21+$0x830 ss:$0x1], $0xffff;
	[tilespmem:s15+$0x1AD0 ss:$0x21] =	vst.msk $0xffff, v47  }
0x1b: {  	v53 =	vld.idx.msk [tilespmem:v0+s21+$0x840 ss:$0x1], $0xffff;
	[tilespmem:s15+$0x1CE0 ss:$0x21] =	vst.msk $0xffff, v48  }
0x1c: {  	v54 =	vld.idx.msk [tilespmem:v0+s21+$0x850 ss:$0x1], $0xffff;
	[tilespmem:s15+$0x1EF0 ss:$0x21] =	vst.msk $0xffff, v49  }
0x1d: {  	v55 =	vld.idx.msk [tilespmem:v0+s21+$0x860 ss:$0x1], $0xffff;
	[tilespmem:s15+$0x2310 ss:$0x21] =	vst.msk $0xffff, v50  }
0x1e: {  	v56 =	vld.idx.msk [tilespmem:v0+s21+$0x870 ss:$0x1], $0xffff;
	[tilespmem:s15+$0x2520 ss:$0x21] =	vst.msk $0xffff, v51  }
0x1f: {  	v57 =	vld.idx.msk [tilespmem:v0+s21+$0xC10 ss:$0x1], $0xffff;
	[tilespmem:s15+$0x2730 ss:$0x21] =	vst.msk $0xffff, v52  }
0x20: {  	v58 =	vld.idx.msk [tilespmem:v0+s21+$0xC20 ss:$0x1], $0xffff;
	[tilespmem:s15+$0x2940 ss:$0x21] =	vst.msk $0xffff, v53  }
0x21: {  	v59 =	vld.idx.msk [tilespmem:v0+s21+$0xC30 ss:$0x1], $0xffff;
	[tilespmem:s15+$0x2B50 ss:$0x21] =	vst.msk $0xffff, v54  }
0x22: {  	v60 =	vld.idx.msk [tilespmem:v0+s21+$0xC40 ss:$0x1], $0xffff;
	[tilespmem:s15+$0x2D60 ss:$0x21] =	vst.msk $0xffff, v55  }
0x23: {  	v61 =	vld.idx.msk [tilespmem:v0+s21+$0xC50 ss:$0x1], $0xffff;
	[tilespmem:s15+$0x2F70 ss:$0x21] =	vst.msk $0xffff, v56  }
0x24: {  	v62 =	vld.idx.msk [tilespmem:v0+s21+$0xC60 ss:$0x1], $0xffff;
	[tilespmem:s15+$0x3390 ss:$0x21] =	vst.msk $0xffff, v57  }
0x25: {  	v63 =	vld.idx.msk [tilespmem:v0+s21+$0xC70 ss:$0x1], $0xffff;
	[tilespmem:s15+$0x35A0 ss:$0x21] =	vst.msk $0xffff, v58  }
0x26: {  	v32 =	vld [tilespmem:s24+$0xC00];
	[tilespmem:s15+$0x37B0 ss:$0x21] =	vst.msk $0xffff, v59  }
0x27: {  	v33 =	vld [tilespmem:s24+$0x0];
	[tilespmem:s15+$0x39C0 ss:$0x21] =	vst.msk $0xffff, v60  }
0x28: {  	v34 =	vld [tilespmem:s24+$0x10];
	[tilespmem:s15+$0x3BD0 ss:$0x21] =	vst.msk $0xffff, v61  }
0x29: {  	s13 =	sshll.u32 s13, $0x7;
	s26 =	sshll.u32 s12, $0x3;
	v35 =	vld [tilespmem:s24+$0x20];
	[tilespmem:s15+$0x3DE0 ss:$0x21] =	vst.msk $0xffff, v62  }
0x2a: {  	s27 =	sand.u32 $0xFFFFFC00, s13;
	s16 =	sand.u32 $0xFFFFFC00, s26;
	v36 =	vld [tilespmem:s24+$0x30];
	[tilespmem:s15+$0x3FF0 ss:$0x21] =	vst.msk $0xffff, v63  }
0x2b: {  	s13 =	sand.u32 $0x380, s13;
	s16 =	sadd.s32 s16, s27;
	v37 =	vld [tilespmem:s24+$0x40];
	[tilespmem:s15+$0x3180 ss:$0x21] =	vst.msk $0xffff, v32  }
0x2c: {  	s13 =	sor.u32 s13, s16;
	v38 =	vld [tilespmem:s24+$0x50];
	[tilespmem:s15+$0x0 ss:$0x21] =	vst.msk $0xffff, v33  }
0x2d: {  	v39 =	vld [tilespmem:s24+$0x60];
	s13 =	sshrl.u32 s13, $0x7;
	[tilespmem:s15+$0x210 ss:$0x21] =	vst.msk $0xffff, v34  }
0x2e: {  	v40 =	vld [tilespmem:s24+$0x70];
	s28 =	smulhi.u32 $0x14F8B59, s13;
	[tilespmem:s15+$0x420 ss:$0x21] =	vst.msk $0xffff, v35  }
0x2f: {  	v41 =	vld [tilespmem:s24+$0x400];
	[tilespmem:s15+$0x630 ss:$0x21] =	vst.msk $0xffff, v36  }
0x30: {  	v42 =	vld [tilespmem:s24+$0x800];
	s16 =	sshrl.u32 s28, $0xD;
	[tilespmem:s15+$0x840 ss:$0x21] =	vst.msk $0xffff, v37  }
0x31: {  	s16 =	smul.u32 $0x186A00, s16;
	[tilespmem:s15+$0xA50 ss:$0x21] =	vst.msk $0xffff, v38  }
0x32: {  	s29 =	sshrl.u32 s12, $0x3;
	[tilespmem:s15+$0xC60 ss:$0x21] =	vst.msk $0xffff, v39  }
0x33: {  	s31 =	sand.u32 $0x7, s12;
	s30 =	sand.u32 $0xF, s29;
	[tilespmem:s15+$0xE70 ss:$0x21] =	vst.msk $0xffff, v40;
	s13 =	ssub.s32 s13, s16  }
0x34: {  	s12 =	sshll.u32 s31, $0x12;
	[tilespmem:s15+$0x1080 ss:$0x21] =	vst.msk $0xffff, v41;
	s16 =	sadd.s32 s6, s30;
	s13 =	sshll.u32 s13, $0x4  }
0x35: {  	s12 =	sor.u32 $0x20, s12;
	[tilespmem:s15+$0x2100 ss:$0x21] =	vst.msk $0xffff, v42;
	s13 =	sadd.s32 s13, s16  }
0x36: {  	[hbm4b:s13+s12] =	stream.strided.scatter [tilespmem:s14], [sflag:$0x2], $0x4000, s8, s12, $0x10;
	[tilespmem:$0x10400] =	vst v63  }
.LBB1_5:
0x37: {  	s14 =	sadd.s32 $0x4000, s9  }
0x38: {  	s12 =	sadd.s32 $0x20, s10;
	s16 =	smov.u32 s10;
	p2 =	sgt.s32 s14, $0x1869FF  }
0x39: {  	s16 =	smov.u32 @p2 s12  }
0x3a: {  	s14 =	smov.u32 @p2 s2;
	p2 =	sgt.s32 s16, $0x17  }
0x3b: {  	s16 =	simm.s32 @p2 $0x0;
	p2 =	sne.s32 s11, s7  }
.Ltmp1:
0x3c: {  	p1 =	slt.u32 s11, $0x2;
	(pc) =	sbr.rel @!p2 .LBB1_6-.Ltmp1, $4  }
0x3d: {  	s15 =	simm.s32 @!p1 $0x2  }
0x3e: {  	s13 =	smov.u32 s9;
	p0 =	por !p0, !p0;
	_ =	swait.ge @!p1 [sflag:s15], $0x4000  }
0x3f: {  	s12 =	smov.u32 s10;
	[sflag:s15] =	ssyncset.done @!p1 $0x0;
	s9 =	smov.u32 s14  }
0x40: {  	s11 =	sadd.s32 $0x1, s11;
	[sflag:s15] =	ssyncadd.s32 @!p1 $0xFFFFC000;
	s10 =	smov.u32 s16  }
.LBB1_1:
0x41: {  	p1 =	sge.u32 s11, s5  }
0x42: {  	s14 =	sshrl.u32 @!p1 s10, $0x3  }
0x43: {  	s20 =	smov.u32 s9;
	s15 =	sshll.u32 @!p1 s9, $0x3;
	s14 =	smul.u32 @!p1 $0xC35000, s14  }
0x44: {  	s31 =	sadd.s32 $0xFFFFFFFF, s11;
	s16 =	sshll.u32 @!p1 s10, $0x7;
	s15 =	sand.u32 @!p1 $0xFFFFFC00, s15  }
0x45: {  	s17 =	sand.u32 @!p1 $0x7F, s9;
	s14 =	sadd.s32 @!p1 s14, s15;
	s15 =	sand.u32 @!p1 $0x380, s16  }
0x46: {  	p2 =	sgt.s32 @!p1 s10, $0xFFFFFFF8;
	s19 =	sshra.s32 @!p1 s10, $0x1F;
	s14 =	sor.u32 @!p1 s15, s14  }
0x47: {  	s21 =	sshra.s32 @!p1 s9, $0x1F;
	p2 =	por !p2, p1;
	s15 =	sshrl.u32 @!p1 s14, $0x9  }
0x48: {  	s14 =	sor.u32 @!p1 s17, s14;
	s17 =	smov.u32 s10;
	s15 =	smulhi.u32 @!p1 $0xA7C5AD, s15  }
0x49: {  	s19 =	sand.u32 @!p1 s19, s10;
	s17 =	simm.s32 @p2 $0xFFFFFFF8;
	p2 =	sgt.s32 @!p1 s9, $0x186800  }
0x4a: {  	s21 =	sand.u32 @!p1 s21, s9;
	p2 =	por !p2, p1;
	s15 =	sshrl.u32 @!p1 s15, $0x3  }
0x4b: {  	s16 =	sxor.u32 @!p1 $0xFFFFFFFF, s11;
	s20 =	simm.s32 @p2 $0x186800;
	s18 =	smul.u32 @!p1 $0xAAB, s15  }
0x4c: {  	s16 =	sshll.u32 @!p1 s16, $0xE;
	s17 =	ssub.s32 @!p1 s17, s19;
	s19 =	ssub.s32 @!p1 s20, s21  }
0x4d: {  	s20 =	sadd.s32 @!p1 $0x8, s17;
	s17 =	ssub.s32 @!p1 $0x18, s17;
	s18 =	sshrl.u32 @!p1 s18, $0x10  }
0x4e: {  	s21 =	sadd.s32 @!p1 $0xFFE79800, s19;
	p2 =	sgt.s32 @!p1 s20, $0x1F;
	s18 =	smul.u32 @!p1 $0x18, s18  }
0x4f: {  	s19 =	ssub.s32 @!p1 $0x186A00, s19;
	p3 =	sgt.s32 @!p1 s21, $0x1FF;
	p2 =	por !p2, p1  }
0x50: {  	p3 =	por !p3, p1;
	s18 =	ssub.s32 @!p1 s15, s18;
	s15 =	smul.u32 @!p1 $0x186A00, s15  }
0x51: {  	s16 =	sand.u32 @!p1 $0x4000, s16;
	s17 =	simm.s32 @!p2 $0x0;
	s19 =	simm.s32 @!p3 $0x0  }
0x52: {  	s17 =	smul.u32 @!p1 s17, s19;
	s14 =	ssub.s32 @!p1 s14, s15;
	s15 =	sand.u32 @!p1 $0xFFFF, s18  }
0x53: {  	s15 =	smul.u32 @!p1 $0x30D40, s15;
	s18 =	sshrl.u32 @!p1 s14, $0x3;
	s14 =	sand.u32 @!p1 $0x7, s14  }
0x54: {  	s17 =	sand.u32 @!p1 $0x3FFFFFFF, s17;
	s18 =	sadd.s32 @!p1 s3, s18;
	s14 =	sshll.u32 @!p1 s14, $0x12  }
0x55: {  	s15 =	sadd.s32 @!p1 s15, s18;
	s14 =	sor.u32 @!p1 $0x1000, s14;
	s18 =	simm.s32 @!p1 $0xC35000  }
0x56: {  	[tilespmem:s16], [sflag:$0x1] =	stream.strided.gather @!p1 [hbm4b:s15+s14], s17, s18, s14, $0x38;
	[tilespmem:$0x10400] =	vst v63  }
0x57: {  	p1 =	sge.u32 s31, s5  }
.Ltmp2:
0x58: {  	_ = 	snop;
	(pc) =	sbr.rel @p1 .LBB1_5-.Ltmp2, $1  }
0x59: {  	_ =	sdelay $0x3  }
0x5a: {  	p1 =	sgt.s32 s12, $0xFFFFFFF8  }
0x5b: {  	s14 =	smov.u32 s12;
	s15 =	sshra.s32 s12, $0x1F;
	s16 =	smov.u32 s13  }
0x5c: {  	s17 =	sshra.s32 s13, $0x1F;
	s14 =	simm.s32 @!p1 $0xFFFFFFF8;
	p1 =	sgt.s32 s13, $0x186800  }
0x5d: {  	s15 =	sand.u32 s15, s12;
	s24 =	sand.u32 s17, s13;
	s16 =	simm.s32 @!p1 $0x186800  }
0x5e: {  	s14 =	ssub.s32 s14, s15;
	s15 =	ssub.s32 s16, s24  }
0x5f: {  	s25 =	sadd.s32 $0x8, s14;
	s17 =	ssub.s32 $0x18, s14;
	s16 =	sadd.s32 $0xFFE79800, s15  }
0x60: {  	p1 =	sgt.s32 s25, $0x1F;
	s15 =	ssub.s32 $0x186A00, s15;
	p2 =	sgt.s32 s16, $0x1FF  }
0x61: {  	s26 =	sand.u32 $0x1, s11;
	s17 =	simm.s32 @p1 $0x0;
	s15 =	simm.s32 @p2 $0x0  }
0x62: {  	s27 =	smul.u32 s17, s15;
	s15 =	sshll.u32 s26, $0xE  }
0x63: {  	v0 =	vmov s15  }
0x64: {  	s18 =	simm.s32 $0x0;
	s16 =	sand.u32 $0x3FFFFFFF, s27  }
0x65: {  	s29 =	sand.u32 $0x3000, s18;
	_ =	swait.ge [sflag:s4], s16  }
0x66: {  	s19 =	sand.u32 $0x380, s18;
	s28 =	ssub.s32 $0x0, s16;
	[sflag:s4] =	ssyncset.done $0x0  }
0x67: {  	s16 =	sor.u32 s19, s29;
	[sflag:s4] =	ssyncadd.s32 s28  }
0x68: {  	v1 =	vld.idx.msk [tilespmem:v0+s16+$0x410 ss:$0x1], $0xffff  }
0x69: {  	s19 =	simm.s32 $0x1;
	v2 =	vld.idx.msk [tilespmem:v0+s16+$0x420 ss:$0x1], $0xffff  }
0x6a: {  	s19 =	simm.s32 @!p0 $0x0;
	v3 =	vld.idx.msk [tilespmem:v0+s16+$0x430 ss:$0x1], $0xffff  }
0x6b: {  	s30 =	sand.u32 $0x3200, s16;
	s31 =	smul.u32 $0x10800, s19;
	v10 =	vld.idx.msk [tilespmem:v0+s16+$0x820 ss:$0x1], $0xffff  }
0x6c: {  	s18 =	sand.u32 $0x180, s18;
	s17 =	sadd.s32 s30, s15;
	v11 =	vld.idx.msk [tilespmem:v0+s16+$0x830 ss:$0x1], $0xffff  }
0x6d: {  	s20 =	sadd.s32 s18, s17;
	v12 =	vld.idx.msk [tilespmem:v0+s16+$0x840 ss:$0x1], $0xffff;
	s17 =	sshrl.u32 s31, $0x2  }
0x6e: {  	v13 =	vld.idx.msk [tilespmem:v0+s16+$0x850 ss:$0x1], $0xffff;
	s17 =	sor.u32 $0x8000, s17  }
0x6f: {  	v4 =	vld [tilespmem:s20+$0xC00];
	s18 =	sadd.s32 $0x0, s17  }
0x70: {  	v5 =	vld [tilespmem:s20+$0x0];
	[tilespmem:s18+$0x1290 ss:$0x21] =	vst.msk $0xffff, v1  }
0x71: {  	v6 =	vld [tilespmem:s20+$0x10];
	[tilespmem:s18+$0x14A0 ss:$0x21] =	vst.msk $0xffff, v2  }
0x72: {  	v7 =	vld [tilespmem:s20+$0x20];
	[tilespmem:s18+$0x16B0 ss:$0x21] =	vst.msk $0xffff, v3  }
0x73: {  	v8 =	vld [tilespmem:s20+$0x30];
	[tilespmem:s18+$0x2520 ss:$0x21] =	vst.msk $0xffff, v10  }
0x74: {  	v9 =	vld [tilespmem:s20+$0x40];
	[tilespmem:s18+$0x2730 ss:$0x21] =	vst.msk $0xffff, v11  }
0x75: {  	v3 =	vld.idx.msk [tilespmem:v0+s16+$0xC10 ss:$0x1], $0xffff;
	[tilespmem:s18+$0x2940 ss:$0x21] =	vst.msk $0xffff, v12  }
0x76: {  	v1 =	vld.idx.msk [tilespmem:v0+s16+$0xC20 ss:$0x1], $0xffff;
	[tilespmem:s18+$0x2B50 ss:$0x21] =	vst.msk $0xffff, v13  }
0x77: {  	v2 =	vld.idx.msk [tilespmem:v0+s16+$0xC30 ss:$0x1], $0xffff;
	[tilespmem:s18+$0x3180 ss:$0x21] =	vst.msk $0xffff, v4  }
0x78: {  	[tilespmem:s18+$0x0 ss:$0x21] =	vst.msk $0xffff, v5;
	v4 =	vld [tilespmem:s20+$0x50]  }
0x79: {  	[tilespmem:s18+$0x210 ss:$0x21] =	vst.msk $0xffff, v6;
	v6 =	vld [tilespmem:s20+$0x70]  }
0x7a: {  	v5 =	vld [tilespmem:s20+$0x60];
	[tilespmem:s18+$0x420 ss:$0x21] =	vst.msk $0xffff, v7  }
0x7b: {  	[tilespmem:s18+$0x630 ss:$0x21] =	vst.msk $0xffff, v8;
	v7 =	vld [tilespmem:s20+$0x400]  }
0x7c: {  	[tilespmem:s18+$0x840 ss:$0x21] =	vst.msk $0xffff, v9;
	v8 =	vld [tilespmem:s20+$0x800]  }
0x7d: {  	v9 =	vld.idx.msk [tilespmem:v0+s16+$0x470 ss:$0x1], $0xffff;
	[tilespmem:s18+$0xA50 ss:$0x21] =	vst.msk $0xffff, v4  }
0x7e: {  	[tilespmem:s18+$0xE70 ss:$0x21] =	vst.msk $0xffff, v6;
	v6 =	vld.idx.msk [tilespmem:v0+s16+$0x460 ss:$0x1], $0xffff  }
0x7f: {  	v4 =	vld.idx.msk [tilespmem:v0+s16+$0x440 ss:$0x1], $0xffff;
	[tilespmem:s18+$0xC60 ss:$0x21] =	vst.msk $0xffff, v5  }
0x80: {  	v5 =	vld.idx.msk [tilespmem:v0+s16+$0x450 ss:$0x1], $0xffff;
	[tilespmem:s18+$0x1080 ss:$0x21] =	vst.msk $0xffff, v7  }
0x81: {  	[tilespmem:s18+$0x2100 ss:$0x21] =	vst.msk $0xffff, v8;
	v8 =	vld.idx.msk [tilespmem:v0+s16+$0x810 ss:$0x1], $0xffff  }
0x82: {  	v7 =	vld.idx.msk [tilespmem:v0+s16+$0x860 ss:$0x1], $0xffff;
	[tilespmem:s18+$0x1EF0 ss:$0x21] =	vst.msk $0xffff, v9  }
0x83: {  	s14 =	smul.u32 $0x10800, s26;
	[tilespmem:s18+$0x1CE0 ss:$0x21] =	vst.msk $0xffff, v6;
	v6 =	vld.idx.msk [tilespmem:v0+s16+$0x870 ss:$0x1], $0xffff  }
0x84: {  	s21 =	simm.s32 $0x200;
	s22 =	simm.s32 $0x8;
	[tilespmem:s18+$0x18C0 ss:$0x21] =	vst.msk $0xffff, v4;
	v4 =	vld.idx.msk [tilespmem:v0+s16+$0xC40 ss:$0x1], $0xffff  }
0x85: {  	s23 =	sand.u32 $0x3000, s21;
	s14 =	sshrl.u32 s14, $0x2;
	s20 =	simm.s32 $0x80;
	[tilespmem:s18+$0x1AD0 ss:$0x21] =	vst.msk $0xffff, v5;
	v5 =	vld.idx.msk [tilespmem:v0+s16+$0xC50 ss:$0x1], $0xffff  }
0x86: {  	s14 =	sor.u32 $0x8000, s14;
	s19 =	simm.s32 $0x4;
	s24 =	sand.u32 $0x380, s20;
	[tilespmem:s18+$0x2310 ss:$0x21] =	vst.msk $0xffff, v8;
	v8 =	vld.idx.msk [tilespmem:v0+s16+$0xC60 ss:$0x1], $0xffff  }
.LBB1_3:
0x87: {  	p1 =	sne.s32 s22, $0x7C;
	[tilespmem:s18+$0x2D60 ss:$0x21] =	vst.msk $0xffff, v7;
	v7 =	vld.idx.msk [tilespmem:v0+s16+$0xC70 ss:$0x1], $0xffff;
	s16 =	sor.u32 s24, s23  }
0x88: {  	s23 =	sand.u32 $0x3200, s16;
	v9 =	vld.idx.msk [tilespmem:v0+s16+$0x410 ss:$0x1], $0xffff;
	[tilespmem:s18+$0x2F70 ss:$0x21] =	vst.msk $0xffff, v6  }
0x89: {  	s24 =	sand.u32 $0x180, s20;
	s23 =	sadd.s32 s23, s15;
	v6 =	vld.idx.msk [tilespmem:v0+s16+$0x420 ss:$0x1], $0xffff;
	[tilespmem:s18+$0x3390 ss:$0x21] =	vst.msk $0xffff, v3  }
0x8a: {  	s23 =	sadd.s32 s24, s23;
	v3 =	vld.idx.msk [tilespmem:v0+s16+$0x430 ss:$0x1], $0xffff;
	[tilespmem:s18+$0x35A0 ss:$0x21] =	vst.msk $0xffff, v1  }
0x8b: {  	v1 =	vld [tilespmem:s23+$0xC00];
	[tilespmem:s18+$0x37B0 ss:$0x21] =	vst.msk $0xffff, v2  }
0x8c: {  	v2 =	vld [tilespmem:s23+$0x0];
	[tilespmem:s18+$0x39C0 ss:$0x21] =	vst.msk $0xffff, v4  }
0x8d: {  	v4 =	vld [tilespmem:s23+$0x10];
	[tilespmem:s18+$0x3BD0 ss:$0x21] =	vst.msk $0xffff, v5  }
0x8e: {  	s24 =	sshra.s32 s19, $0x2;
	s19 =	smov.u32 s22;
	v5 =	vld [tilespmem:s23+$0x20];
	[tilespmem:s18+$0x3DE0 ss:$0x21] =	vst.msk $0xffff, v8  }
0x8f: {  	v8 =	vld [tilespmem:s23+$0x30];
	[tilespmem:s18+$0x3FF0 ss:$0x21] =	vst.msk $0xffff, v7;
	s18 =	sadd.s32 s24, s17  }
0x90: {  	v7 =	vld [tilespmem:s23+$0x40];
	[tilespmem:s18+$0x3180 ss:$0x21] =	vst.msk $0xffff, v1  }
0x91: {  	[tilespmem:s18+$0x0 ss:$0x21] =	vst.msk $0xffff, v2;
	v1 =	vld [tilespmem:s23+$0x50]  }
0x92: {  	[tilespmem:s18+$0x210 ss:$0x21] =	vst.msk $0xffff, v4;
	v2 =	vld [tilespmem:s23+$0x60]  }
0x93: {  	[tilespmem:s18+$0x420 ss:$0x21] =	vst.msk $0xffff, v5;
	v4 =	vld [tilespmem:s23+$0x70]  }
0x94: {  	[tilespmem:s18+$0x630 ss:$0x21] =	vst.msk $0xffff, v8;
	v5 =	vld [tilespmem:s23+$0x400]  }
0x95: {  	[tilespmem:s18+$0x840 ss:$0x21] =	vst.msk $0xffff, v7;
	v7 =	vld [tilespmem:s23+$0x800]  }
0x96: {  	[tilespmem:s18+$0xA50 ss:$0x21] =	vst.msk $0xffff, v1;
	v1 =	vld.idx.msk [tilespmem:v0+s16+$0x440 ss:$0x1], $0xffff  }
0x97: {  	[tilespmem:s18+$0xC60 ss:$0x21] =	vst.msk $0xffff, v2;
	v2 =	vld.idx.msk [tilespmem:v0+s16+$0x450 ss:$0x1], $0xffff  }
0x98: {  	[tilespmem:s18+$0xE70 ss:$0x21] =	vst.msk $0xffff, v4;
	v4 =	vld.idx.msk [tilespmem:v0+s16+$0x460 ss:$0x1], $0xffff  }
0x99: {  	[tilespmem:s18+$0x1080 ss:$0x21] =	vst.msk $0xffff, v5;
	v5 =	vld.idx.msk [tilespmem:v0+s16+$0x470 ss:$0x1], $0xffff  }
0x9a: {  	[tilespmem:s18+$0x2100 ss:$0x21] =	vst.msk $0xffff, v7;
	v8 =	vld.idx.msk [tilespmem:v0+s16+$0x810 ss:$0x1], $0xffff  }
0x9b: {  	[tilespmem:s18+$0x1290 ss:$0x21] =	vst.msk $0xffff, v9;
	v9 =	vld.idx.msk [tilespmem:v0+s16+$0x820 ss:$0x1], $0xffff  }
0x9c: {  	[tilespmem:s18+$0x14A0 ss:$0x21] =	vst.msk $0xffff, v6;
	v10 =	vld.idx.msk [tilespmem:v0+s16+$0x830 ss:$0x1], $0xffff  }
0x9d: {  	[tilespmem:s18+$0x16B0 ss:$0x21] =	vst.msk $0xffff, v3;
	v11 =	vld.idx.msk [tilespmem:v0+s16+$0x840 ss:$0x1], $0xffff  }
0x9e: {  	[tilespmem:s18+$0x18C0 ss:$0x21] =	vst.msk $0xffff, v1;
	v12 =	vld.idx.msk [tilespmem:v0+s16+$0x850 ss:$0x1], $0xffff  }
0x9f: {  	[tilespmem:s18+$0x1AD0 ss:$0x21] =	vst.msk $0xffff, v2;
	v7 =	vld.idx.msk [tilespmem:v0+s16+$0x860 ss:$0x1], $0xffff  }
0xa0: {  	[tilespmem:s18+$0x1CE0 ss:$0x21] =	vst.msk $0xffff, v4;
	v6 =	vld.idx.msk [tilespmem:v0+s16+$0x870 ss:$0x1], $0xffff  }
0xa1: {  	[tilespmem:s18+$0x1EF0 ss:$0x21] =	vst.msk $0xffff, v5;
	v3 =	vld.idx.msk [tilespmem:v0+s16+$0xC10 ss:$0x1], $0xffff  }
.Ltmp3:
0xa2: {  	[tilespmem:s18+$0x2310 ss:$0x21] =	vst.msk $0xffff, v8;
	v1 =	vld.idx.msk [tilespmem:v0+s16+$0xC20 ss:$0x1], $0xffff;
	(pc) =	sbr.rel @p1 .LBB1_3-.Ltmp3, $4  }
0xa3: {  	[tilespmem:s18+$0x2520 ss:$0x21] =	vst.msk $0xffff, v9;
	v2 =	vld.idx.msk [tilespmem:v0+s16+$0xC30 ss:$0x1], $0xffff  }
0xa4: {  	[tilespmem:s18+$0x2730 ss:$0x21] =	vst.msk $0xffff, v10;
	v4 =	vld.idx.msk [tilespmem:v0+s16+$0xC40 ss:$0x1], $0xffff  }
0xa5: {  	s20 =	sadd.s32 $0x80, s20;
	s21 =	sadd.s32 $0x200, s21;
	[tilespmem:s18+$0x2940 ss:$0x21] =	vst.msk $0xffff, v11;
	v5 =	vld.idx.msk [tilespmem:v0+s16+$0xC50 ss:$0x1], $0xffff  }
0xa6: {  	s22 =	sadd.s32 $0x4, s22;
	s24 =	sand.u32 $0x380, s20;
	s23 =	sand.u32 $0x3000, s21;
	[tilespmem:s18+$0x2B50 ss:$0x21] =	vst.msk $0xffff, v12;
	v8 =	vld.idx.msk [tilespmem:v0+s16+$0xC60 ss:$0x1], $0xffff  }
.Ltmp4:
0xa7: {  	_ = 	snop;
	(pc) =	sbr.rel .LBB1_4-.Ltmp4, $1  }
0xa8: {  	_ =	sdelay $0x3  }
.LBB1_6:
0xa9: {  	_ =	sfence.sel $0x180000  }
0xaa: {  	s2 =	simm.s32 $0x1;
	[bflag:$0x0] =	sbarrier.arrive $0xFFFF  }
0xab: {  	s31 =	simm.s32 $0x2;
	[sflag:s2] =	ssyncpa.u1 $0x1  }
0xac: {  	[sflag:s31] =	ssyncpa.u1 $0x1  }
0xad: {  	p0 =	sne.s32 s0, $0x0;
	_ =	strace $0x9000004A  }
0xae: {  	s0 =	sadd.s32 @!p0 $0x100000, s1;
	[bflag:$0x2] =	sbarrier.arrive $0xFFFF  }
0xaf: {  	[sflag:s0] =	ssyncadd.tile.s32 @!p0 $0x1;
	_ =	shalt  }
.Lfunc_end1:
_tile_overlayer_lowered:
.L_overlay_start_2:
0xb0: {  	(tag) =	ssettag $0x2  }
0xb1: {  	s0 =	rddreg [dreg:$0x0];
	s2 =	stileid.u32  }
0xb2: {  	s1 =	rddreg [dreg:$0x1];
	p0 =	sne.s32 s2, $0x0  }
0xb3: {  	s3 =	rddreg [dreg:$0x2];
	[bflag:$0x3] =	sbarrier.arrive $0xFFFF;
	s2 =	simm.s32 @!p0 $0x1C01  }
0xb4: {  	[timem:s3], [sflag:s2] =	dma.local @!p0 [hbm:s0], s1  }
0xb5: {  	s0 =	simm.s32 @!p0 $0x1  }
0xb6: {  	_ =	swait.ge @!p0 [sflag:s0], s1  }
0xb7: {  	s1 =	ssub.s32 @!p0 $0x0, s1;
	[sflag:s0] =	ssyncset.done @!p0 $0x0  }
0xb8: {  	[sflag:s0] =	ssyncadd.s32 @!p0 s1  }
0xb9: {  	[bflag:$0x3] =	sbarrier.arrive $0xFFFF  }
0xba: {  	_ =	shalt  }

</sc_bundles>
